<compile_context>
chip_gen: v7x
topology: tpu7x:2x2x1
jax: 0.10.2.dev20260603
libtpu: 0.0.44.dev20260713+nightly
codegen_flags: <defaults>
</compile_context>

<pallas_src>
import functools

import jax
import jax.numpy as jnp
from jax import lax
from jax.experimental import pallas as pl
from jax.experimental.pallas import tpu as pltpu
from jax.experimental.pallas import tpu_sc as plsc

_N = 10000
_E = 320000
_D_IN = 128
_H = 256
_D_OUT = 128
_DEPTH = 3

_NC = 2
_NS = 16
_B = 128

_EPAD = 327680
_EROWS = _EPAD // _B
_RPW_FEAT = _EROWS // _NS
_RPW_HIST = _EROWS // (_NC * _NS)
_NTAB = 10240
_TPW = _NTAB // _NS
_CHUNK = 16

_f32 = jnp.float32
_i32 = jnp.int32

@functools.cache
def _mesh():
    return plsc.VectorSubcoreMesh(core_axis_name="c", subcore_axis_name="s",
                                  num_cores=_NC, num_subcores=_NS)


def _fill(buf, nrows, ncols, value):
    @pl.loop(0, nrows)
    def _(r):
        @pl.loop(0, ncols // 16)
        def _(j):
            buf[r, pl.ds(j * 16, 16)] = jnp.full((16,), value, _f32)


def _init_table_slice(zero_src, table, base, nrows):
    full, rem = nrows // _B, nrows % _B
    for k in range(full):
        pltpu.sync_copy(zero_src, table.at[pl.ds(base + k * _B, _B)])
    if rem:
        pltpu.sync_copy(zero_src.at[pl.ds(0, rem)],
                        table.at[pl.ds(base + full * _B, rem)])


@functools.cache
def _sc_degree_kernel():
    return pl.kernel(
        _sc_degree_body,
        out_type=(jax.ShapeDtypeStruct((_NTAB, 16), _f32),
                  jax.ShapeDtypeStruct((_NTAB, 16), _f32)),
        mesh=_mesh(),
        scratch_types=[
            pltpu.VMEM((_RPW_HIST, _B), _i32),
            pltpu.VMEM((_B, 16), _f32),
            pltpu.VMEM_SHARED((_NTAB, 16), _f32),
        ],
    )


def _sc_degree_body(dst_hbm, out0, out1, dstv, buf, table):
    c = lax.axis_index("c")
    s = lax.axis_index("s")
    w = c * _NS + s

    _fill(buf, _B, 16, 0.0)
    _init_table_slice(buf, table, s * _TPW, _TPW)
    _fill(buf, _B, 16, 1.0)
    plsc.subcore_barrier()

    pltpu.sync_copy(dst_hbm.at[pl.ds(w * _RPW_HIST, _RPW_HIST)], dstv)

    @pl.loop(0, _RPW_HIST)
    def _(b):
        pltpu.sync_copy(buf, table.at[dstv.at[b]], add=True)

    plsc.subcore_barrier()

    @pl.when(c == 0)
    def _():
        pltpu.sync_copy(table.at[pl.ds(s * _TPW, _TPW)],
                        out0.at[pl.ds(s * _TPW, _TPW)])

    @pl.when(c == 1)
    def _():
        pltpu.sync_copy(table.at[pl.ds(s * _TPW, _TPW)],
                        out1.at[pl.ds(s * _TPW, _TPW)])


@functools.cache
def _sc_aggregate_kernel():
    return pl.kernel(
        _sc_aggregate_body,
        out_type=(jax.ShapeDtypeStruct((_NTAB, 128), _f32),
                  jax.ShapeDtypeStruct((_NTAB, 128), _f32)),
        mesh=_mesh(),
        scratch_types=[
            pltpu.VMEM((_CHUNK, _B), _i32),
            pltpu.VMEM((_CHUNK, _B), _i32),
            pltpu.VMEM((_B, 128), _f32),
            pltpu.VMEM((_B, 128), _f32),
            pltpu.VMEM_SHARED((_NTAB, 128), _f32),
            pltpu.SemaphoreType.DMA,
            pltpu.SemaphoreType.DMA,
        ],
    )


def _sc_aggregate_body(hlo_hbm, hhi_hbm, src_hbm, dst_hbm, alo, ahi,
                       srcv, dstv, rows0, rows1, table, sem0, sem1):
    c = lax.axis_index("c")
    s = lax.axis_index("s")

    _fill(rows0, _B, 128, 0.0)
    _init_table_slice(rows0, table, s * _TPW, _TPW)
    plsc.subcore_barrier()

    ring = (rows0, sem0), (rows1, sem1)

    def _gather(b, buf, sem):
        @pl.when(c == 0)
        def _():
            pltpu.async_copy(hlo_hbm.at[srcv.at[b]], buf, sem)

        @pl.when(c == 1)
        def _():
            pltpu.async_copy(hhi_hbm.at[srcv.at[b]], buf, sem)

    def _drain(buf, sem):
        pltpu.make_async_copy(hlo_hbm.at[srcv.at[0]], buf, sem).wait()

    @pl.loop(0, _RPW_FEAT // _CHUNK)
    def _(ck):
        base = s * _RPW_FEAT + ck * _CHUNK
        pltpu.sync_copy(src_hbm.at[pl.ds(base, _CHUNK)], srcv)
        pltpu.sync_copy(dst_hbm.at[pl.ds(base, _CHUNK)], dstv)

        for b in range(_CHUNK):
            _gather(b, *ring[0])
            _drain(*ring[0])
            pltpu.sync_copy(rows0, table.at[dstv.at[b]], add=True)

    plsc.subcore_barrier()

    @pl.when(c == 0)
    def _():
        pltpu.sync_copy(table.at[pl.ds(s * _TPW, _TPW)],
                        alo.at[pl.ds(s * _TPW, _TPW)])

    @pl.when(c == 1)
    def _():
        pltpu.sync_copy(table.at[pl.ds(s * _TPW, _TPW)],
                        ahi.at[pl.ds(s * _TPW, _TPW)])



_BLK = 1000


def _dot(a, b):
    return lax.dot_general(a, b, (((1,), (0,)), ((), ())),
                           precision=lax.Precision.HIGHEST,
                           preferred_element_type=_f32)


def _dinv_block(h0_ref, h1_ref):
    deg = 1.0 + h0_ref[...][:, 0:1] + h1_ref[...][:, 0:1]
    return lax.rsqrt(deg)


def _encoder_body(x_ref, w1_ref, b1_ref, w2_ref, b2_ref, o_ref):
    h = jnp.maximum(_dot(x_ref[...], w1_ref[...]) + b1_ref[...], 0.0)
    o_ref[...] = _dot(h, w2_ref[...]) + b2_ref[...]


def _prescale_body(h_ref, h0_ref, h1_ref, lo_ref, hi_ref):
    dinv = _dinv_block(h0_ref, h1_ref)
    hs = dinv * h_ref[...]
    lo_ref[...] = hs[:, :128]
    hi_ref[...] = hs[:, 128:]


def _conv_mid_body(alo_ref, ahi_ref, h_ref, h0_ref, h1_ref, w_ref, b_ref,
                   oh_ref, lo_ref, hi_ref):
    dinv = _dinv_block(h0_ref, h1_ref)
    agg = jnp.concatenate([alo_ref[...], ahi_ref[...]], axis=1)
    a = dinv * agg + (dinv * dinv) * h_ref[...]
    y = _dot(a, w_ref[...]) + b_ref[...]
    hn = h_ref[...] + jnp.maximum(y, 0.0)
    oh_ref[...] = hn
    hs = dinv * hn
    lo_ref[...] = hs[:, :128]
    hi_ref[...] = hs[:, 128:]


def _conv_last_body(alo_ref, ahi_ref, h_ref, h0_ref, h1_ref, w_ref, b_ref,
                    dw1_ref, db1_ref, dw2_ref, db2_ref, y_ref):
    dinv = _dinv_block(h0_ref, h1_ref)
    agg = jnp.concatenate([alo_ref[...], ahi_ref[...]], axis=1)
    a = dinv * agg + (dinv * dinv) * h_ref[...]
    y = _dot(a, w_ref[...]) + b_ref[...]
    hn = h_ref[...] + jnp.maximum(y, 0.0)
    y1 = jnp.maximum(_dot(hn, dw1_ref[...]) + db1_ref[...], 0.0)
    y_ref[...] = _dot(y1, dw2_ref[...]) + db2_ref[...]


def _row_spec(cols):
    return pl.BlockSpec((_BLK, cols), lambda i: (i, 0))


def _full_spec(shape):
    nd = len(shape)
    return pl.BlockSpec(shape, lambda i: (0,) * nd)


def _tc_call(body, in_arrays, row_cols_in, row_cols_out):
    in_specs = [_row_spec(cc) for cc in row_cols_in]
    in_specs += [_full_spec(a.shape) for a in in_arrays[len(row_cols_in):]]
    out_specs = tuple(_row_spec(cc) for cc in row_cols_out)
    out_shape = tuple(jax.ShapeDtypeStruct((_N, cc), _f32)
                      for cc in row_cols_out)
    if len(out_shape) == 1:
        out_shape, out_specs = out_shape[0], out_specs[0]
    return pl.pallas_call(
        body,
        grid=(_N // _BLK,),
        in_specs=in_specs,
        out_specs=out_specs,
        out_shape=out_shape,
    )(*in_arrays)


def kernel(x, edge_index, enc_W1, enc_b1, enc_W2, enc_b2, conv_W, conv_b,
           dec_W1, dec_b1, dec_W2, dec_b2):
    pad = _EPAD - _E
    src = jnp.concatenate([edge_index[0], jnp.zeros((pad,), _i32)])
    dst = jnp.concatenate([edge_index[1], jnp.full((pad,), _N, _i32)])
    src2d = src.reshape(_EROWS, _B)
    dst2d = dst.reshape(_EROWS, _B)

    hist0, hist1 = _sc_degree_kernel()(dst2d)
    h0 = hist0[:_N]
    h1 = hist1[:_N]

    h = _tc_call(_encoder_body,
                 [x, enc_W1, enc_b1.reshape(1, _H), enc_W2,
                  enc_b2.reshape(1, _H)],
                 [_D_IN], [_H])

    hlo, hhi = _tc_call(_prescale_body, [h, h0, h1],
                        [_H, 16, 16], [128, 128])

    for l in range(_DEPTH):
        alo, ahi = _sc_aggregate_kernel()(hlo, hhi, src2d, dst2d)
        alo = alo[:_N]
        ahi = ahi[:_N]
        if l < _DEPTH - 1:
            h, hlo, hhi = _tc_call(
                _conv_mid_body,
                [alo, ahi, h, h0, h1, conv_W[l], conv_b[l].reshape(1, _H)],
                [128, 128, _H, 16, 16], [_H, 128, 128])
        else:
            y = _tc_call(
                _conv_last_body,
                [alo, ahi, h, h0, h1, conv_W[l], conv_b[l].reshape(1, _H),
                 dec_W1, dec_b1.reshape(1, _H), dec_W2,
                 dec_b2.reshape(1, _D_OUT)],
                [128, 128, _H, 16, 16], [_D_OUT])
    return y

# --- scband reference (transcript-rebuilt; emitter-appended) ---
"""Pipeline reference for scband-gcn-88931592831547 (READ-ONLY COPY).

The authoritative reference and input builder live on the scoring server;
editing this copy changes nothing except your own understanding.
"""

import jax, jax.numpy as jnp
import numpy as np

N = 10000
E = 320000
D_IN = 128
H = 256
D_OUT = 128
DEPTH = 3


def setup_inputs(seed: int = 0) -> dict:
    key = jax.random.key(seed)
    ks = jax.random.split(key, 16)
    x = jax.random.normal(ks[0], (N, D_IN), dtype=jnp.float32)
    edge_index = jax.random.randint(ks[1], (2, E), 0, N, dtype=jnp.int32)
    s = 0.02
    enc_W1 = jax.random.normal(ks[2], (D_IN, H), dtype=jnp.float32) * s
    enc_b1 = jnp.zeros((H,), dtype=jnp.float32)
    enc_W2 = jax.random.normal(ks[3], (H, H), dtype=jnp.float32) * s
    enc_b2 = jnp.zeros((H,), dtype=jnp.float32)
    conv_W = jax.random.normal(ks[4], (DEPTH, H, H), dtype=jnp.float32) * s
    conv_b = jnp.zeros((DEPTH, H), dtype=jnp.float32)
    dec_W1 = jax.random.normal(ks[5], (H, H), dtype=jnp.float32) * s
    dec_b1 = jnp.zeros((H,), dtype=jnp.float32)
    dec_W2 = jax.random.normal(ks[6], (H, D_OUT), dtype=jnp.float32) * s
    dec_b2 = jnp.zeros((D_OUT,), dtype=jnp.float32)
    return {"x": x, "edge_index": edge_index, "enc_W1": enc_W1, "enc_b1": enc_b1,
            "enc_W2": enc_W2, "enc_b2": enc_b2, "conv_W": conv_W, "conv_b": conv_b,
            "dec_W1": dec_W1, "dec_b1": dec_b1, "dec_W2": dec_W2, "dec_b2": dec_b2}


def reference(x, edge_index, enc_W1, enc_b1, enc_W2, enc_b2, conv_W, conv_b,
              dec_W1, dec_b1, dec_W2, dec_b2):
    # Encoder MLP: Linear -> ReLU -> (dropout=0) -> Linear
    h = jnp.maximum(x @ enc_W1 + enc_b1, 0.0)
    h = h @ enc_W2 + enc_b2

    # GCN normalization with self-loops: D^-1/2 (A+I) D^-1/2
    loop = jnp.arange(N, dtype=edge_index.dtype)
    src = jnp.concatenate([edge_index[0], loop])
    dst = jnp.concatenate([edge_index[1], loop])
    deg = jax.ops.segment_sum(jnp.ones_like(dst, dtype=jnp.float32), dst, num_segments=N)
    dinv = jax.lax.rsqrt(jnp.maximum(deg, 1.0))
    coef = dinv[src] * dinv[dst]

    for l in range(DEPTH):
        msg = h[src] * coef[:, None]            # gather + scale
        agg = jax.ops.segment_sum(msg, dst, num_segments=N)  # scatter-add
        out = agg @ conv_W[l] + conv_b[l]
        h = h + jnp.maximum(out, 0.0)           # residual + nonlinearity (linear=False)

    # Decoder MLP (node classifier: no pooling)
    y = jnp.maximum(h @ dec_W1 + dec_b1, 0.0)
    y = y @ dec_W2 + dec_b2
    return y

if __name__ == "__main__":
    import jax
    _d = setup_inputs()
    print(jax.jit(kernel)(*tuple(_d.values())))

</pallas_src>

<mosaic_0001>
#map = affine_map<(d0, d1) -> (0, 0)>
module attributes {stable_mosaic.version = 14 : i64} {
  func.func @_sc_degree_body(%arg0: i32, %arg1: i32, %arg2: memref<2560x128xi32, #tpu.memory_space<hbm>>, %arg3: memref<10240x16xf32, #tpu.memory_space<hbm>>, %arg4: memref<10240x16xf32, #tpu.memory_space<hbm>>, %arg5: memref<80x128xi32, #tpu.memory_space<vmem>>, %arg6: memref<128x16xf32, #tpu.memory_space<vmem>>, %arg7: memref<10240x16xf32, #tpu.memory_space<vmem_shared>>) attributes {dimension_semantics = [#tpu.dimension_semantics<core_parallel>, #tpu.dimension_semantics<subcore_parallel>], iteration_bounds = array<i64: 2, 16>, scalar_prefetch = 0 : i64, scratch_operands = 3 : i64, tpu.core_type = #tpu.core_type<sc_vector_subcore>, window_params = [{transform_indices = #map}, {transform_indices = #map}, {transform_indices = #map}]} {
    %mul3A = arith.constant 16 : i32
    %mul3A_0 = arith.muli %arg0, %mul3A : i32
    %add3A = arith.addi %mul3A_0, %arg1 : i32
    %scan3A = arith.constant 0 : i32
    %scan3A_1 = arith.constant 128 : i32
    %scan3A_2 = arith.addi %scan3A, %scan3A_1 : i32
    %scan3A_3 = arith.constant 1 : i32
    scf.for %scan3A_37 = %scan3A to %scan3A_2 step %scan3A_3  : i32 {
      %mul3A_38 = arith.constant 1 : i32
      %mul3A_39 = arith.muli %scan3A_37, %mul3A_38 : i32
      %add3A_40 = arith.constant 0 : i32
      %add3A_41 = arith.addi %add3A_40, %mul3A_39 : i32
      %scan3A_42 = arith.constant 0 : i32
      %mul3A_43 = arith.constant 1 : i32
      %mul3A_44 = arith.muli %scan3A_42, %mul3A_43 : i32
      %add3A_45 = arith.constant 0 : i32
      %add3A_46 = arith.addi %add3A_45, %mul3A_44 : i32
      %broadcast_in_dim3A = arith.constant 0.000000e+00 : f32
      %broadcast_in_dim3A_47 = vector.broadcast %broadcast_in_dim3A : f32 to vector<16xf32>
      %mul3A_48 = arith.constant 16 : i32
      %mul3A_49 = arith.muli %add3A_46, %mul3A_48 : i32
      %swap3A = arith.index_cast %add3A_41 : i32 to index
      %swap3A_50 = arith.index_cast %mul3A_49 : i32 to index
      %swap3A_51 = tpu.vector_load %arg6[%swap3A, %swap3A_50] {strides = array<i32>} : memref<128x16xf32, #tpu.memory_space<vmem>>, vector<1x16xf32>,
      %swap3A_52 = vector.shape_cast %swap3A_51 : vector<1x16xf32> to vector<16xf32>
      %swap3A_53 = vector.shape_cast %broadcast_in_dim3A_47 : vector<16xf32> to vector<1x16xf32>
      tpu.vector_store %arg6[%swap3A, %swap3A_50], %swap3A_53 {strides = array<i32>} : memref<128x16xf32, #tpu.memory_space<vmem>>, vector<1x16xf32>,
      %scan3A_54 = arith.constant 1 : i32
    }
    %scan3A_4 = arith.constant 128 : i32
    %mul3A_5 = arith.constant 640 : i32
    %mul3A_6 = arith.muli %arg1, %mul3A_5 : i32
    %add3A_7 = arith.constant 0 : i32
    %add3A_8 = arith.addi %mul3A_6, %add3A_7 : i32
    "tpu.region"() ({
      %run_scoped3A = tpu.sem_alloc : memref<!tpu.dma_semaphore, #tpu.memory_space<semaphore_mem>>
      %dma_start3A = arith.constant 0 : i32
      %dma_start3A_37 = tpu.memref_slice %arg7[%add3A_8, %dma_start3A] : memref<10240x16xf32, #tpu.memory_space<vmem_shared>> -> memref<128x16xf32, #tpu.memory_space<vmem_shared>>
      %dma_start3A_38 = arith.constant 0 : i32
      %dma_start3A_39 = tpu.memref_slice %arg7[%add3A_8, %dma_start3A_38] : memref<10240x16xf32, #tpu.memory_space<vmem_shared>> -> memref<128x16xf32, #tpu.memory_space<vmem_shared>>
      tpu.enqueue_dma source(%arg6 : memref<128x16xf32, #tpu.memory_space<vmem>>) target(%dma_start3A_39 : memref<128x16xf32, #tpu.memory_space<vmem_shared>>) target_semaphore(%run_scoped3A : memref<!tpu.dma_semaphore, #tpu.memory_space<semaphore_mem>>)
      %dma_wait3A = arith.constant 0 : i32
      %dma_wait3A_40 = tpu.memref_slice %arg7[%add3A_8, %dma_wait3A] : memref<10240x16xf32, #tpu.memory_space<vmem_shared>> -> memref<128x16xf32, #tpu.memory_space<vmem_shared>>
      %dma_wait3A_41 = arith.constant 0 : i32
      %dma_wait3A_42 = tpu.memref_slice %arg7[%add3A_8, %dma_wait3A_41] : memref<10240x16xf32, #tpu.memory_space<vmem_shared>> -> memref<128x16xf32, #tpu.memory_space<vmem_shared>>
      tpu.wait_dma2 semaphore(%run_scoped3A : memref<!tpu.dma_semaphore, #tpu.memory_space<semaphore_mem>>) src(%arg6 : memref<128x16xf32, #tpu.memory_space<vmem>>) dst(%dma_wait3A_42 : memref<128x16xf32, #tpu.memory_space<vmem_shared>>)
      tpu.yield
    }) : () -> ()
    %add3A_9 = arith.constant 128 : i32
    %add3A_10 = arith.addi %mul3A_6, %add3A_9 : i32
    "tpu.region"() ({
      %run_scoped3A = tpu.sem_alloc : memref<!tpu.dma_semaphore, #tpu.memory_space<semaphore_mem>>
      %dma_start3A = arith.constant 0 : i32
      %dma_start3A_37 = tpu.memref_slice %arg7[%add3A_10, %dma_start3A] : memref<10240x16xf32, #tpu.memory_space<vmem_shared>> -> memref<128x16xf32, #tpu.memory_space<vmem_shared>>
      %dma_start3A_38 = arith.constant 0 : i32
      %dma_start3A_39 = tpu.memref_slice %arg7[%add3A_10, %dma_start3A_38] : memref<10240x16xf32, #tpu.memory_space<vmem_shared>> -> memref<128x16xf32, #tpu.memory_space<vmem_shared>>
      tpu.enqueue_dma source(%arg6 : memref<128x16xf32, #tpu.memory_space<vmem>>) target(%dma_start3A_39 : memref<128x16xf32, #tpu.memory_space<vmem_shared>>) target_semaphore(%run_scoped3A : memref<!tpu.dma_semaphore, #tpu.memory_space<semaphore_mem>>)
      %dma_wait3A = arith.constant 0 : i32
      %dma_wait3A_40 = tpu.memref_slice %arg7[%add3A_10, %dma_wait3A] : memref<10240x16xf32, #tpu.memory_space<vmem_shared>> -> memref<128x16xf32, #tpu.memory_space<vmem_shared>>
      %dma_wait3A_41 = arith.constant 0 : i32
      %dma_wait3A_42 = tpu.memref_slice %arg7[%add3A_10, %dma_wait3A_41] : memref<10240x16xf32, #tpu.memory_space<vmem_shared>> -> memref<128x16xf32, #tpu.memory_space<vmem_shared>>
      tpu.wait_dma2 semaphore(%run_scoped3A : memref<!tpu.dma_semaphore, #tpu.memory_space<semaphore_mem>>) src(%arg6 : memref<128x16xf32, #tpu.memory_space<vmem>>) dst(%dma_wait3A_42 : memref<128x16xf32, #tpu.memory_space<vmem_shared>>)
      tpu.yield
    }) : () -> ()
    %add3A_11 = arith.constant 256 : i32
    %add3A_12 = arith.addi %mul3A_6, %add3A_11 : i32
    "tpu.region"() ({
      %run_scoped3A = tpu.sem_alloc : memref<!tpu.dma_semaphore, #tpu.memory_space<semaphore_mem>>
      %dma_start3A = arith.constant 0 : i32
      %dma_start3A_37 = tpu.memref_slice %arg7[%add3A_12, %dma_start3A] : memref<10240x16xf32, #tpu.memory_space<vmem_shared>> -> memref<128x16xf32, #tpu.memory_space<vmem_shared>>
      %dma_start3A_38 = arith.constant 0 : i32
      %dma_start3A_39 = tpu.memref_slice %arg7[%add3A_12, %dma_start3A_38] : memref<10240x16xf32, #tpu.memory_space<vmem_shared>> -> memref<128x16xf32, #tpu.memory_space<vmem_shared>>
      tpu.enqueue_dma source(%arg6 : memref<128x16xf32, #tpu.memory_space<vmem>>) target(%dma_start3A_39 : memref<128x16xf32, #tpu.memory_space<vmem_shared>>) target_semaphore(%run_scoped3A : memref<!tpu.dma_semaphore, #tpu.memory_space<semaphore_mem>>)
      %dma_wait3A = arith.constant 0 : i32
      %dma_wait3A_40 = tpu.memref_slice %arg7[%add3A_12, %dma_wait3A] : memref<10240x16xf32, #tpu.memory_space<vmem_shared>> -> memref<128x16xf32, #tpu.memory_space<vmem_shared>>
      %dma_wait3A_41 = arith.constant 0 : i32
      %dma_wait3A_42 = tpu.memref_slice %arg7[%add3A_12, %dma_wait3A_41] : memref<10240x16xf32, #tpu.memory_space<vmem_shared>> -> memref<128x16xf32, #tpu.memory_space<vmem_shared>>
      tpu.wait_dma2 semaphore(%run_scoped3A : memref<!tpu.dma_semaphore, #tpu.memory_space<semaphore_mem>>) src(%arg6 : memref<128x16xf32, #tpu.memory_space<vmem>>) dst(%dma_wait3A_42 : memref<128x16xf32, #tpu.memory_space<vmem_shared>>)
      tpu.yield
    }) : () -> ()
    %add3A_13 = arith.constant 384 : i32
    %add3A_14 = arith.addi %mul3A_6, %add3A_13 : i32
    "tpu.region"() ({
      %run_scoped3A = tpu.sem_alloc : memref<!tpu.dma_semaphore, #tpu.memory_space<semaphore_mem>>
      %dma_start3A = arith.constant 0 : i32
      %dma_start3A_37 = tpu.memref_slice %arg7[%add3A_14, %dma_start3A] : memref<10240x16xf32, #tpu.memory_space<vmem_shared>> -> memref<128x16xf32, #tpu.memory_space<vmem_shared>>
      %dma_start3A_38 = arith.constant 0 : i32
      %dma_start3A_39 = tpu.memref_slice %arg7[%add3A_14, %dma_start3A_38] : memref<10240x16xf32, #tpu.memory_space<vmem_shared>> -> memref<128x16xf32, #tpu.memory_space<vmem_shared>>
      tpu.enqueue_dma source(%arg6 : memref<128x16xf32, #tpu.memory_space<vmem>>) target(%dma_start3A_39 : memref<128x16xf32, #tpu.memory_space<vmem_shared>>) target_semaphore(%run_scoped3A : memref<!tpu.dma_semaphore, #tpu.memory_space<semaphore_mem>>)
      %dma_wait3A = arith.constant 0 : i32
      %dma_wait3A_40 = tpu.memref_slice %arg7[%add3A_14, %dma_wait3A] : memref<10240x16xf32, #tpu.memory_space<vmem_shared>> -> memref<128x16xf32, #tpu.memory_space<vmem_shared>>
      %dma_wait3A_41 = arith.constant 0 : i32
      %dma_wait3A_42 = tpu.memref_slice %arg7[%add3A_14, %dma_wait3A_41] : memref<10240x16xf32, #tpu.memory_space<vmem_shared>> -> memref<128x16xf32, #tpu.memory_space<vmem_shared>>
      tpu.wait_dma2 semaphore(%run_scoped3A : memref<!tpu.dma_semaphore, #tpu.memory_space<semaphore_mem>>) src(%arg6 : memref<128x16xf32, #tpu.memory_space<vmem>>) dst(%dma_wait3A_42 : memref<128x16xf32, #tpu.memory_space<vmem_shared>>)
      tpu.yield
    }) : () -> ()
    %add3A_15 = arith.constant 512 : i32
    %add3A_16 = arith.addi %mul3A_6, %add3A_15 : i32
    "tpu.region"() ({
      %run_scoped3A = tpu.sem_alloc : memref<!tpu.dma_semaphore, #tpu.memory_space<semaphore_mem>>
      %dma_start3A = arith.constant 0 : i32
      %dma_start3A_37 = tpu.memref_slice %arg7[%add3A_16, %dma_start3A] : memref<10240x16xf32, #tpu.memory_space<vmem_shared>> -> memref<128x16xf32, #tpu.memory_space<vmem_shared>>
      %dma_start3A_38 = arith.constant 0 : i32
      %dma_start3A_39 = tpu.memref_slice %arg7[%add3A_16, %dma_start3A_38] : memref<10240x16xf32, #tpu.memory_space<vmem_shared>> -> memref<128x16xf32, #tpu.memory_space<vmem_shared>>
      tpu.enqueue_dma source(%arg6 : memref<128x16xf32, #tpu.memory_space<vmem>>) target(%dma_start3A_39 : memref<128x16xf32, #tpu.memory_space<vmem_shared>>) target_semaphore(%run_scoped3A : memref<!tpu.dma_semaphore, #tpu.memory_space<semaphore_mem>>)
      %dma_wait3A = arith.constant 0 : i32
      %dma_wait3A_40 = tpu.memref_slice %arg7[%add3A_16, %dma_wait3A] : memref<10240x16xf32, #tpu.memory_space<vmem_shared>> -> memref<128x16xf32, #tpu.memory_space<vmem_shared>>
      %dma_wait3A_41 = arith.constant 0 : i32
      %dma_wait3A_42 = tpu.memref_slice %arg7[%add3A_16, %dma_wait3A_41] : memref<10240x16xf32, #tpu.memory_space<vmem_shared>> -> memref<128x16xf32, #tpu.memory_space<vmem_shared>>
      tpu.wait_dma2 semaphore(%run_scoped3A : memref<!tpu.dma_semaphore, #tpu.memory_space<semaphore_mem>>) src(%arg6 : memref<128x16xf32, #tpu.memory_space<vmem>>) dst(%dma_wait3A_42 : memref<128x16xf32, #tpu.memory_space<vmem_shared>>)
      tpu.yield
    }) : () -> ()
    %scan3A_17 = arith.constant 0 : i32
    %scan3A_18 = arith.constant 128 : i32
    %scan3A_19 = arith.addi %scan3A_17, %scan3A_18 : i32
    %scan3A_20 = arith.constant 1 : i32
    scf.for %scan3A_37 = %scan3A_17 to %scan3A_19 step %scan3A_20  : i32 {
      %mul3A_38 = arith.constant 1 : i32
      %mul3A_39 = arith.muli %scan3A_37, %mul3A_38 : i32
      %add3A_40 = arith.constant 0 : i32
      %add3A_41 = arith.addi %add3A_40, %mul3A_39 : i32
      %scan3A_42 = arith.constant 0 : i32
      %mul3A_43 = arith.constant 1 : i32
      %mul3A_44 = arith.muli %scan3A_42, %mul3A_43 : i32
      %add3A_45 = arith.constant 0 : i32
      %add3A_46 = arith.addi %add3A_45, %mul3A_44 : i32
      %broadcast_in_dim3A = arith.constant 1.000000e+00 : f32
      %broadcast_in_dim3A_47 = vector.broadcast %broadcast_in_dim3A : f32 to vector<16xf32>
      %mul3A_48 = arith.constant 16 : i32
      %mul3A_49 = arith.muli %add3A_46, %mul3A_48 : i32
      %swap3A = arith.index_cast %add3A_41 : i32 to index
      %swap3A_50 = arith.index_cast %mul3A_49 : i32 to index
      %swap3A_51 = tpu.vector_load %arg6[%swap3A, %swap3A_50] {strides = array<i32>} : memref<128x16xf32, #tpu.memory_space<vmem>>, vector<1x16xf32>,
      %swap3A_52 = vector.shape_cast %swap3A_51 : vector<1x16xf32> to vector<16xf32>
      %swap3A_53 = vector.shape_cast %broadcast_in_dim3A_47 : vector<16xf32> to vector<1x16xf32>
      tpu.vector_store %arg6[%swap3A, %swap3A_50], %swap3A_53 {strides = array<i32>} : memref<128x16xf32, #tpu.memory_space<vmem>>, vector<1x16xf32>,
      %scan3A_54 = arith.constant 1 : i32
    }
    %scan3A_21 = arith.constant 128 : i32
    %barrier3A = arith.constant 0 : index
    tpu.barrier barrier_id(%barrier3A)
    %mul3A_22 = arith.constant 80 : i32
    %mul3A_23 = arith.muli %add3A, %mul3A_22 : i32
    "tpu.region"() ({
      %run_scoped3A = tpu.sem_alloc : memref<!tpu.dma_semaphore, #tpu.memory_space<semaphore_mem>>
      %dma_start3A = arith.constant 0 : i32
      %dma_start3A_37 = tpu.memref_slice %arg2[%mul3A_23, %dma_start3A] : memref<2560x128xi32, #tpu.memory_space<hbm>> -> memref<80x128xi32, #tpu.memory_space<hbm>>
      %dma_start3A_38 = arith.constant 0 : i32
      %dma_start3A_39 = tpu.memref_slice %arg2[%mul3A_23, %dma_start3A_38] : memref<2560x128xi32, #tpu.memory_space<hbm>> -> memref<80x128xi32, #tpu.memory_space<hbm>>
      tpu.enqueue_dma source(%dma_start3A_39 : memref<80x128xi32, #tpu.memory_space<hbm>>) target(%arg5 : memref<80x128xi32, #tpu.memory_space<vmem>>) target_semaphore(%run_scoped3A : memref<!tpu.dma_semaphore, #tpu.memory_space<semaphore_mem>>)
      %dma_wait3A = arith.constant 0 : i32
      %dma_wait3A_40 = tpu.memref_slice %arg2[%mul3A_23, %dma_wait3A] : memref<2560x128xi32, #tpu.memory_space<hbm>> -> memref<80x128xi32, #tpu.memory_space<hbm>>
      %dma_wait3A_41 = arith.constant 0 : i32
      %dma_wait3A_42 = tpu.memref_slice %arg2[%mul3A_23, %dma_wait3A_41] : memref<2560x128xi32, #tpu.memory_space<hbm>> -> memref<80x128xi32, #tpu.memory_space<hbm>>
      tpu.wait_dma2 semaphore(%run_scoped3A : memref<!tpu.dma_semaphore, #tpu.memory_space<semaphore_mem>>) src(%dma_wait3A_42 : memref<80x128xi32, #tpu.memory_space<hbm>>) dst(%arg5 : memref<80x128xi32, #tpu.memory_space<vmem>>)
      tpu.yield
    }) : () -> ()
    %scan3A_24 = arith.constant 0 : i32
    %scan3A_25 = arith.constant 80 : i32
    %scan3A_26 = arith.addi %scan3A_24, %scan3A_25 : i32
    %scan3A_27 = arith.constant 1 : i32
    scf.for %scan3A_37 = %scan3A_24 to %scan3A_26 step %scan3A_27  : i32 {
      %mul3A_38 = arith.constant 1 : i32
      %mul3A_39 = arith.muli %scan3A_37, %mul3A_38 : i32
      %add3A_40 = arith.constant 0 : i32
      %add3A_41 = arith.addi %add3A_40, %mul3A_39 : i32
      "tpu.region"() ({
        %run_scoped3A = tpu.sem_alloc : memref<!tpu.dma_semaphore, #tpu.memory_space<semaphore_mem>>
        %dma_start3A = arith.constant 0 : i32
        %dma_start3A_42 = tpu.memref_slice %arg5[%add3A_41, %dma_start3A] : memref<80x128xi32, #tpu.memory_space<vmem>> -> memref<1x128xi32, #tpu.memory_space<vmem>>
        %dma_start3A_43 = tpu.memref_squeeze %dma_start3A_42 : memref<1x128xi32, #tpu.memory_space<vmem>> -> memref<128xi32, #tpu.memory_space<vmem>>
        %dma_start3A_44 = arith.constant 0 : i32
        %dma_start3A_45 = arith.constant 0 : i32
        %dma_start3A_46 = tpu.memref_slice %arg7[%dma_start3A_44, %dma_start3A_45] : memref<10240x16xf32, #tpu.memory_space<vmem_shared>> -> memref<10240x16xf32, #tpu.memory_space<vmem_shared>>
        tpu.enqueue_indirect_dma source(%arg6 : memref<128x16xf32, #tpu.memory_space<vmem>>) target(%dma_start3A_46 : memref<10240x16xf32, #tpu.memory_space<vmem_shared>>) offsets(%dma_start3A_43 : memref<128xi32, #tpu.memory_space<vmem>>) semaphore(%run_scoped3A : memref<!tpu.dma_semaphore, #tpu.memory_space<semaphore_mem>>) {add = true}
        %dma_wait3A = arith.constant 0 : i32
        %dma_wait3A_47 = tpu.memref_slice %arg5[%add3A_41, %dma_wait3A] : memref<80x128xi32, #tpu.memory_space<vmem>> -> memref<1x128xi32, #tpu.memory_space<vmem>>
        %dma_wait3A_48 = tpu.memref_squeeze %dma_wait3A_47 : memref<1x128xi32, #tpu.memory_space<vmem>> -> memref<128xi32, #tpu.memory_space<vmem>>
        %dma_wait3A_49 = arith.constant 0 : i32
        %dma_wait3A_50 = arith.constant 0 : i32
        %dma_wait3A_51 = tpu.memref_slice %arg7[%dma_wait3A_49, %dma_wait3A_50] : memref<10240x16xf32, #tpu.memory_space<vmem_shared>> -> memref<10240x16xf32, #tpu.memory_space<vmem_shared>>
        tpu.wait_indirect_dma semaphore(%run_scoped3A : memref<!tpu.dma_semaphore, #tpu.memory_space<semaphore_mem>>) src(%arg6 : memref<128x16xf32, #tpu.memory_space<vmem>>) dst(%dma_wait3A_51 : memref<10240x16xf32, #tpu.memory_space<vmem_shared>>)
        tpu.yield
      }) : () -> ()
    }
    %scan3A_28 = arith.constant 80 : i32
    %barrier3A_29 = arith.constant 0 : index
    tpu.barrier barrier_id(%barrier3A_29)
    %eq3A = arith.constant 0 : i32
    %eq3A_30 = arith.cmpi eq, %arg0, %eq3A : i32
    %convert_element_type3A = arith.extui %eq3A_30 : i1 to i32
    %cond3A = arith.constant 0 : i32
    %cond3A_31 = arith.cmpi ne, %convert_element_type3A, %cond3A : i32
    scf.if %cond3A_31 {
      %mul3A_37 = arith.constant 640 : i32
      %mul3A_38 = arith.muli %arg1, %mul3A_37 : i32
      %mul3A_39 = arith.constant 640 : i32
      %mul3A_40 = arith.muli %arg1, %mul3A_39 : i32
      "tpu.region"() ({
        %run_scoped3A = tpu.sem_alloc : memref<!tpu.dma_semaphore, #tpu.memory_space<semaphore_mem>>
        %dma_start3A = arith.constant 0 : i32
        %dma_start3A_41 = tpu.memref_slice %arg3[%mul3A_40, %dma_start3A] : memref<10240x16xf32, #tpu.memory_space<hbm>> -> memref<640x16xf32, #tpu.memory_space<hbm>>
        %dma_start3A_42 = arith.constant 0 : i32
        %dma_start3A_43 = tpu.memref_slice %arg7[%mul3A_38, %dma_start3A_42] : memref<10240x16xf32, #tpu.memory_space<vmem_shared>> -> memref<640x16xf32, #tpu.memory_space<vmem_shared>>
        tpu.enqueue_dma source(%dma_start3A_43 : memref<640x16xf32, #tpu.memory_space<vmem_shared>>) target(%dma_start3A_41 : memref<640x16xf32, #tpu.memory_space<hbm>>) target_semaphore(%run_scoped3A : memref<!tpu.dma_semaphore, #tpu.memory_space<semaphore_mem>>)
        %dma_wait3A = arith.constant 0 : i32
        %dma_wait3A_44 = tpu.memref_slice %arg3[%mul3A_40, %dma_wait3A] : memref<10240x16xf32, #tpu.memory_space<hbm>> -> memref<640x16xf32, #tpu.memory_space<hbm>>
        %dma_wait3A_45 = arith.constant 0 : i32
        %dma_wait3A_46 = tpu.memref_slice %arg7[%mul3A_38, %dma_wait3A_45] : memref<10240x16xf32, #tpu.memory_space<vmem_shared>> -> memref<640x16xf32, #tpu.memory_space<vmem_shared>>
        tpu.wait_dma2 semaphore(%run_scoped3A : memref<!tpu.dma_semaphore, #tpu.memory_space<semaphore_mem>>) src(%dma_wait3A_46 : memref<640x16xf32, #tpu.memory_space<vmem_shared>>) dst(%dma_wait3A_44 : memref<640x16xf32, #tpu.memory_space<hbm>>)
        tpu.yield
      }) : () -> ()
    } else {
    }
    %eq3A_32 = arith.constant 1 : i32
    %eq3A_33 = arith.cmpi eq, %arg0, %eq3A_32 : i32
    %convert_element_type3A_34 = arith.extui %eq3A_33 : i1 to i32
    %cond3A_35 = arith.constant 0 : i32
    %cond3A_36 = arith.cmpi ne, %convert_element_type3A_34, %cond3A_35 : i32
    scf.if %cond3A_36 {
      %mul3A_37 = arith.constant 640 : i32
      %mul3A_38 = arith.muli %arg1, %mul3A_37 : i32
      %mul3A_39 = arith.constant 640 : i32
      %mul3A_40 = arith.muli %arg1, %mul3A_39 : i32
      "tpu.region"() ({
        %run_scoped3A = tpu.sem_alloc : memref<!tpu.dma_semaphore, #tpu.memory_space<semaphore_mem>>
        %dma_start3A = arith.constant 0 : i32
        %dma_start3A_41 = tpu.memref_slice %arg4[%mul3A_40, %dma_start3A] : memref<10240x16xf32, #tpu.memory_space<hbm>> -> memref<640x16xf32, #tpu.memory_space<hbm>>
        %dma_start3A_42 = arith.constant 0 : i32
        %dma_start3A_43 = tpu.memref_slice %arg7[%mul3A_38, %dma_start3A_42] : memref<10240x16xf32, #tpu.memory_space<vmem_shared>> -> memref<640x16xf32, #tpu.memory_space<vmem_shared>>
        tpu.enqueue_dma source(%dma_start3A_43 : memref<640x16xf32, #tpu.memory_space<vmem_shared>>) target(%dma_start3A_41 : memref<640x16xf32, #tpu.memory_space<hbm>>) target_semaphore(%run_scoped3A : memref<!tpu.dma_semaphore, #tpu.memory_space<semaphore_mem>>)
        %dma_wait3A = arith.constant 0 : i32
        %dma_wait3A_44 = tpu.memref_slice %arg4[%mul3A_40, %dma_wait3A] : memref<10240x16xf32, #tpu.memory_space<hbm>> -> memref<640x16xf32, #tpu.memory_space<hbm>>
        %dma_wait3A_45 = arith.constant 0 : i32
        %dma_wait3A_46 = tpu.memref_slice %arg7[%mul3A_38, %dma_wait3A_45] : memref<10240x16xf32, #tpu.memory_space<vmem_shared>> -> memref<640x16xf32, #tpu.memory_space<vmem_shared>>
        tpu.wait_dma2 semaphore(%run_scoped3A : memref<!tpu.dma_semaphore, #tpu.memory_space<semaphore_mem>>) src(%dma_wait3A_46 : memref<640x16xf32, #tpu.memory_space<vmem_shared>>) dst(%dma_wait3A_44 : memref<640x16xf32, #tpu.memory_space<hbm>>)
        tpu.yield
      }) : () -> ()
    } else {
    }
    return
  }
}

#map = affine_map<(d0, d1) -> (0, 0)>
module attributes {stable_mosaic.version = 14 : i64} {
  func.func @_sc_aggregate_body(%arg0: i32, %arg1: i32, %arg2: memref<10000x128xf32, #tpu.memory_space<hbm>>, %arg3: memref<10000x128xf32, #tpu.memory_space<hbm>>, %arg4: memref<2560x128xi32, #tpu.memory_space<hbm>>, %arg5: memref<2560x128xi32, #tpu.memory_space<hbm>>, %arg6: memref<10240x128xf32, #tpu.memory_space<hbm>>, %arg7: memref<10240x128xf32, #tpu.memory_space<hbm>>, %arg8: memref<16x128xi32, #tpu.memory_space<vmem>>, %arg9: memref<16x128xi32, #tpu.memory_space<vmem>>, %arg10: memref<128x128xf32, #tpu.memory_space<vmem>>, %arg11: memref<128x128xf32, #tpu.memory_space<vmem>>, %arg12: memref<10240x128xf32, #tpu.memory_space<vmem_shared>>, %arg13: memref<!tpu.dma_semaphore, #tpu.memory_space<semaphore_mem>>, %arg14: memref<!tpu.dma_semaphore, #tpu.memory_space<semaphore_mem>>) attributes {dimension_semantics = [#tpu.dimension_semantics<core_parallel>, #tpu.dimension_semantics<subcore_parallel>], iteration_bounds = array<i64: 2, 16>, scalar_prefetch = 0 : i64, scratch_operands = 7 : i64, tpu.core_type = #tpu.core_type<sc_vector_subcore>, window_params = [{transform_indices = #map}, {transform_indices = #map}, {transform_indices = #map}, {transform_indices = #map}, {transform_indices = #map}, {transform_indices = #map}]} {
    %scan3A = arith.constant 0 : i32
    %scan3A_0 = arith.constant 128 : i32
    %scan3A_1 = arith.addi %scan3A, %scan3A_0 : i32
    %scan3A_2 = arith.constant 1 : i32
    scf.for %scan3A_27 = %scan3A to %scan3A_1 step %scan3A_2  : i32 {
      %mul3A_28 = arith.constant 1 : i32
      %mul3A_29 = arith.muli %scan3A_27, %mul3A_28 : i32
      %add3A_30 = arith.constant 0 : i32
      %add3A_31 = arith.addi %add3A_30, %mul3A_29 : i32
      %scan3A_32 = arith.constant 0 : i32
      %scan3A_33 = arith.constant 8 : i32
      %scan3A_34 = arith.addi %scan3A_32, %scan3A_33 : i32
      %scan3A_35 = arith.constant 1 : i32
      scf.for %scan3A_37 = %scan3A_32 to %scan3A_34 step %scan3A_35  : i32 {
        %mul3A_38 = arith.constant 1 : i32
        %mul3A_39 = arith.muli %scan3A_37, %mul3A_38 : i32
        %add3A_40 = arith.constant 0 : i32
        %add3A_41 = arith.addi %add3A_40, %mul3A_39 : i32
        %broadcast_in_dim3A = arith.constant 0.000000e+00 : f32
        %broadcast_in_dim3A_42 = vector.broadcast %broadcast_in_dim3A : f32 to vector<16xf32>
        %mul3A_43 = arith.constant 16 : i32
        %mul3A_44 = arith.muli %add3A_41, %mul3A_43 : i32
        %swap3A = arith.index_cast %add3A_31 : i32 to index
        %swap3A_45 = arith.index_cast %mul3A_44 : i32 to index
        %swap3A_46 = tpu.vector_load %arg10[%swap3A, %swap3A_45] {strides = array<i32>} : memref<128x128xf32, #tpu.memory_space<vmem>>, vector<1x16xf32>,
        %swap3A_47 = vector.shape_cast %swap3A_46 : vector<1x16xf32> to vector<16xf32>
        %swap3A_48 = vector.shape_cast %broadcast_in_dim3A_42 : vector<16xf32> to vector<1x16xf32>
        tpu.vector_store %arg10[%swap3A, %swap3A_45], %swap3A_48 {strides = array<i32>} : memref<128x128xf32, #tpu.memory_space<vmem>>, vector<1x16xf32>,
      }
      %scan3A_36 = arith.constant 8 : i32
    }
    %scan3A_3 = arith.constant 128 : i32
    %mul3A = arith.constant 640 : i32
    %mul3A_4 = arith.muli %arg1, %mul3A : i32
    %add3A = arith.constant 0 : i32
    %add3A_5 = arith.addi %mul3A_4, %add3A : i32
    "tpu.region"() ({
      %run_scoped3A = tpu.sem_alloc : memref<!tpu.dma_semaphore, #tpu.memory_space<semaphore_mem>>
      %dma_start3A = arith.constant 0 : i32
      %dma_start3A_27 = tpu.memref_slice %arg12[%add3A_5, %dma_start3A] : memref<10240x128xf32, #tpu.memory_space<vmem_shared>> -> memref<128x128xf32, #tpu.memory_space<vmem_shared>>
      %dma_start3A_28 = arith.constant 0 : i32
      %dma_start3A_29 = tpu.memref_slice %arg12[%add3A_5, %dma_start3A_28] : memref<10240x128xf32, #tpu.memory_space<vmem_shared>> -> memref<128x128xf32, #tpu.memory_space<vmem_shared>>
      tpu.enqueue_dma source(%arg10 : memref<128x128xf32, #tpu.memory_space<vmem>>) target(%dma_start3A_29 : memref<128x128xf32, #tpu.memory_space<vmem_shared>>) target_semaphore(%run_scoped3A : memref<!tpu.dma_semaphore, #tpu.memory_space<semaphore_mem>>)
      %dma_wait3A = arith.constant 0 : i32
      %dma_wait3A_30 = tpu.memref_slice %arg12[%add3A_5, %dma_wait3A] : memref<10240x128xf32, #tpu.memory_space<vmem_shared>> -> memref<128x128xf32, #tpu.memory_space<vmem_shared>>
      %dma_wait3A_31 = arith.constant 0 : i32
      %dma_wait3A_32 = tpu.memref_slice %arg12[%add3A_5, %dma_wait3A_31] : memref<10240x128xf32, #tpu.memory_space<vmem_shared>> -> memref<128x128xf32, #tpu.memory_space<vmem_shared>>
      tpu.wait_dma2 semaphore(%run_scoped3A : memref<!tpu.dma_semaphore, #tpu.memory_space<semaphore_mem>>) src(%arg10 : memref<128x128xf32, #tpu.memory_space<vmem>>) dst(%dma_wait3A_32 : memref<128x128xf32, #tpu.memory_space<vmem_shared>>)
      tpu.yield
    }) : () -> ()
    %add3A_6 = arith.constant 128 : i32
    %add3A_7 = arith.addi %mul3A_4, %add3A_6 : i32
    "tpu.region"() ({
      %run_scoped3A = tpu.sem_alloc : memref<!tpu.dma_semaphore, #tpu.memory_space<semaphore_mem>>
      %dma_start3A = arith.constant 0 : i32
      %dma_start3A_27 = tpu.memref_slice %arg12[%add3A_7, %dma_start3A] : memref<10240x128xf32, #tpu.memory_space<vmem_shared>> -> memref<128x128xf32, #tpu.memory_space<vmem_shared>>
      %dma_start3A_28 = arith.constant 0 : i32
      %dma_start3A_29 = tpu.memref_slice %arg12[%add3A_7, %dma_start3A_28] : memref<10240x128xf32, #tpu.memory_space<vmem_shared>> -> memref<128x128xf32, #tpu.memory_space<vmem_shared>>
      tpu.enqueue_dma source(%arg10 : memref<128x128xf32, #tpu.memory_space<vmem>>) target(%dma_start3A_29 : memref<128x128xf32, #tpu.memory_space<vmem_shared>>) target_semaphore(%run_scoped3A : memref<!tpu.dma_semaphore, #tpu.memory_space<semaphore_mem>>)
      %dma_wait3A = arith.constant 0 : i32
      %dma_wait3A_30 = tpu.memref_slice %arg12[%add3A_7, %dma_wait3A] : memref<10240x128xf32, #tpu.memory_space<vmem_shared>> -> memref<128x128xf32, #tpu.memory_space<vmem_shared>>
      %dma_wait3A_31 = arith.constant 0 : i32
      %dma_wait3A_32 = tpu.memref_slice %arg12[%add3A_7, %dma_wait3A_31] : memref<10240x128xf32, #tpu.memory_space<vmem_shared>> -> memref<128x128xf32, #tpu.memory_space<vmem_shared>>
      tpu.wait_dma2 semaphore(%run_scoped3A : memref<!tpu.dma_semaphore, #tpu.memory_space<semaphore_mem>>) src(%arg10 : memref<128x128xf32, #tpu.memory_space<vmem>>) dst(%dma_wait3A_32 : memref<128x128xf32, #tpu.memory_space<vmem_shared>>)
      tpu.yield
    }) : () -> ()
    %add3A_8 = arith.constant 256 : i32
    %add3A_9 = arith.addi %mul3A_4, %add3A_8 : i32
    "tpu.region"() ({
      %run_scoped3A = tpu.sem_alloc : memref<!tpu.dma_semaphore, #tpu.memory_space<semaphore_mem>>
      %dma_start3A = arith.constant 0 : i32
      %dma_start3A_27 = tpu.memref_slice %arg12[%add3A_9, %dma_start3A] : memref<10240x128xf32, #tpu.memory_space<vmem_shared>> -> memref<128x128xf32, #tpu.memory_space<vmem_shared>>
      %dma_start3A_28 = arith.constant 0 : i32
      %dma_start3A_29 = tpu.memref_slice %arg12[%add3A_9, %dma_start3A_28] : memref<10240x128xf32, #tpu.memory_space<vmem_shared>> -> memref<128x128xf32, #tpu.memory_space<vmem_shared>>
      tpu.enqueue_dma source(%arg10 : memref<128x128xf32, #tpu.memory_space<vmem>>) target(%dma_start3A_29 : memref<128x128xf32, #tpu.memory_space<vmem_shared>>) target_semaphore(%run_scoped3A : memref<!tpu.dma_semaphore, #tpu.memory_space<semaphore_mem>>)
      %dma_wait3A = arith.constant 0 : i32
      %dma_wait3A_30 = tpu.memref_slice %arg12[%add3A_9, %dma_wait3A] : memref<10240x128xf32, #tpu.memory_space<vmem_shared>> -> memref<128x128xf32, #tpu.memory_space<vmem_shared>>
      %dma_wait3A_31 = arith.constant 0 : i32
      %dma_wait3A_32 = tpu.memref_slice %arg12[%add3A_9, %dma_wait3A_31] : memref<10240x128xf32, #tpu.memory_space<vmem_shared>> -> memref<128x128xf32, #tpu.memory_space<vmem_shared>>
      tpu.wait_dma2 semaphore(%run_scoped3A : memref<!tpu.dma_semaphore, #tpu.memory_space<semaphore_mem>>) src(%arg10 : memref<128x128xf32, #tpu.memory_space<vmem>>) dst(%dma_wait3A_32 : memref<128x128xf32, #tpu.memory_space<vmem_shared>>)
      tpu.yield
    }) : () -> ()
    %add3A_10 = arith.constant 384 : i32
    %add3A_11 = arith.addi %mul3A_4, %add3A_10 : i32
    "tpu.region"() ({
      %run_scoped3A = tpu.sem_alloc : memref<!tpu.dma_semaphore, #tpu.memory_space<semaphore_mem>>
      %dma_start3A = arith.constant 0 : i32
      %dma_start3A_27 = tpu.memref_slice %arg12[%add3A_11, %dma_start3A] : memref<10240x128xf32, #tpu.memory_space<vmem_shared>> -> memref<128x128xf32, #tpu.memory_space<vmem_shared>>
      %dma_start3A_28 = arith.constant 0 : i32
      %dma_start3A_29 = tpu.memref_slice %arg12[%add3A_11, %dma_start3A_28] : memref<10240x128xf32, #tpu.memory_space<vmem_shared>> -> memref<128x128xf32, #tpu.memory_space<vmem_shared>>
      tpu.enqueue_dma source(%arg10 : memref<128x128xf32, #tpu.memory_space<vmem>>) target(%dma_start3A_29 : memref<128x128xf32, #tpu.memory_space<vmem_shared>>) target_semaphore(%run_scoped3A : memref<!tpu.dma_semaphore, #tpu.memory_space<semaphore_mem>>)
      %dma_wait3A = arith.constant 0 : i32
      %dma_wait3A_30 = tpu.memref_slice %arg12[%add3A_11, %dma_wait3A] : memref<10240x128xf32, #tpu.memory_space<vmem_shared>> -> memref<128x128xf32, #tpu.memory_space<vmem_shared>>
      %dma_wait3A_31 = arith.constant 0 : i32
      %dma_wait3A_32 = tpu.memref_slice %arg12[%add3A_11, %dma_wait3A_31] : memref<10240x128xf32, #tpu.memory_space<vmem_shared>> -> memref<128x128xf32, #tpu.memory_space<vmem_shared>>
      tpu.wait_dma2 semaphore(%run_scoped3A : memref<!tpu.dma_semaphore, #tpu.memory_space<semaphore_mem>>) src(%arg10 : memref<128x128xf32, #tpu.memory_space<vmem>>) dst(%dma_wait3A_32 : memref<128x128xf32, #tpu.memory_space<vmem_shared>>)
      tpu.yield
    }) : () -> ()
    %add3A_12 = arith.constant 512 : i32
    %add3A_13 = arith.addi %mul3A_4, %add3A_12 : i32
    "tpu.region"() ({
      %run_scoped3A = tpu.sem_alloc : memref<!tpu.dma_semaphore, #tpu.memory_space<semaphore_mem>>
      %dma_start3A = arith.constant 0 : i32
      %dma_start3A_27 = tpu.memref_slice %arg12[%add3A_13, %dma_start3A] : memref<10240x128xf32, #tpu.memory_space<vmem_shared>> -> memref<128x128xf32, #tpu.memory_space<vmem_shared>>
      %dma_start3A_28 = arith.constant 0 : i32
      %dma_start3A_29 = tpu.memref_slice %arg12[%add3A_13, %dma_start3A_28] : memref<10240x128xf32, #tpu.memory_space<vmem_shared>> -> memref<128x128xf32, #tpu.memory_space<vmem_shared>>
      tpu.enqueue_dma source(%arg10 : memref<128x128xf32, #tpu.memory_space<vmem>>) target(%dma_start3A_29 : memref<128x128xf32, #tpu.memory_space<vmem_shared>>) target_semaphore(%run_scoped3A : memref<!tpu.dma_semaphore, #tpu.memory_space<semaphore_mem>>)
      %dma_wait3A = arith.constant 0 : i32
      %dma_wait3A_30 = tpu.memref_slice %arg12[%add3A_13, %dma_wait3A] : memref<10240x128xf32, #tpu.memory_space<vmem_shared>> -> memref<128x128xf32, #tpu.memory_space<vmem_shared>>
      %dma_wait3A_31 = arith.constant 0 : i32
      %dma_wait3A_32 = tpu.memref_slice %arg12[%add3A_13, %dma_wait3A_31] : memref<10240x128xf32, #tpu.memory_space<vmem_shared>> -> memref<128x128xf32, #tpu.memory_space<vmem_shared>>
      tpu.wait_dma2 semaphore(%run_scoped3A : memref<!tpu.dma_semaphore, #tpu.memory_space<semaphore_mem>>) src(%arg10 : memref<128x128xf32, #tpu.memory_space<vmem>>) dst(%dma_wait3A_32 : memref<128x128xf32, #tpu.memory_space<vmem_shared>>)
      tpu.yield
    }) : () -> ()
    %barrier3A = arith.constant 0 : index
    tpu.barrier barrier_id(%barrier3A)
    %scan3A_14 = arith.constant 0 : i32
    %scan3A_15 = arith.constant 10 : i32
    %scan3A_16 = arith.addi %scan3A_14, %scan3A_15 : i32
    %scan3A_17 = arith.constant 1 : i32
    scf.for %scan3A_27 = %scan3A_14 to %scan3A_16 step %scan3A_17  : i32 {
      %mul3A_28 = arith.constant 1 : i32
      %mul3A_29 = arith.muli %scan3A_27, %mul3A_28 : i32
      %add3A_30 = arith.constant 0 : i32
      %add3A_31 = arith.addi %add3A_30, %mul3A_29 : i32
      %mul3A_32 = arith.constant 160 : i32
      %mul3A_33 = arith.muli %arg1, %mul3A_32 : i32
      %mul3A_34 = arith.constant 16 : i32
      %mul3A_35 = arith.muli %add3A_31, %mul3A_34 : i32
      %add3A_36 = arith.addi %mul3A_33, %mul3A_35 : i32
      "tpu.region"() ({
        %run_scoped3A_323 = tpu.sem_alloc : memref<!tpu.dma_semaphore, #tpu.memory_space<semaphore_mem>>
        %dma_start3A = arith.constant 0 : i32
        %dma_start3A_324 = tpu.memref_slice %arg4[%add3A_36, %dma_start3A] : memref<2560x128xi32, #tpu.memory_space<hbm>> -> memref<16x128xi32, #tpu.memory_space<hbm>>
        %dma_start3A_325 = arith.constant 0 : i32
        %dma_start3A_326 = tpu.memref_slice %arg4[%add3A_36, %dma_start3A_325] : memref<2560x128xi32, #tpu.memory_space<hbm>> -> memref<16x128xi32, #tpu.memory_space<hbm>>
        tpu.enqueue_dma source(%dma_start3A_326 : memref<16x128xi32, #tpu.memory_space<hbm>>) target(%arg8 : memref<16x128xi32, #tpu.memory_space<vmem>>) target_semaphore(%run_scoped3A_323 : memref<!tpu.dma_semaphore, #tpu.memory_space<semaphore_mem>>)
        %dma_wait3A_327 = arith.constant 0 : i32
        %dma_wait3A_328 = tpu.memref_slice %arg4[%add3A_36, %dma_wait3A_327] : memref<2560x128xi32, #tpu.memory_space<hbm>> -> memref<16x128xi32, #tpu.memory_space<hbm>>
        %dma_wait3A_329 = arith.constant 0 : i32
        %dma_wait3A_330 = tpu.memref_slice %arg4[%add3A_36, %dma_wait3A_329] : memref<2560x128xi32, #tpu.memory_space<hbm>> -> memref<16x128xi32, #tpu.memory_space<hbm>>
        tpu.wait_dma2 semaphore(%run_scoped3A_323 : memref<!tpu.dma_semaphore, #tpu.memory_space<semaphore_mem>>) src(%dma_wait3A_330 : memref<16x128xi32, #tpu.memory_space<hbm>>) dst(%arg8 : memref<16x128xi32, #tpu.memory_space<vmem>>)
        tpu.yield
      }) : () -> ()
      "tpu.region"() ({
        %run_scoped3A_323 = tpu.sem_alloc : memref<!tpu.dma_semaphore, #tpu.memory_space<semaphore_mem>>
        %dma_start3A = arith.constant 0 : i32
        %dma_start3A_324 = tpu.memref_slice %arg5[%add3A_36, %dma_start3A] : memref<2560x128xi32, #tpu.memory_space<hbm>> -> memref<16x128xi32, #tpu.memory_space<hbm>>
        %dma_start3A_325 = arith.constant 0 : i32
        %dma_start3A_326 = tpu.memref_slice %arg5[%add3A_36, %dma_start3A_325] : memref<2560x128xi32, #tpu.memory_space<hbm>> -> memref<16x128xi32, #tpu.memory_space<hbm>>
        tpu.enqueue_dma source(%dma_start3A_326 : memref<16x128xi32, #tpu.memory_space<hbm>>) target(%arg9 : memref<16x128xi32, #tpu.memory_space<vmem>>) target_semaphore(%run_scoped3A_323 : memref<!tpu.dma_semaphore, #tpu.memory_space<semaphore_mem>>)
        %dma_wait3A_327 = arith.constant 0 : i32
        %dma_wait3A_328 = tpu.memref_slice %arg5[%add3A_36, %dma_wait3A_327] : memref<2560x128xi32, #tpu.memory_space<hbm>> -> memref<16x128xi32, #tpu.memory_space<hbm>>
        %dma_wait3A_329 = arith.constant 0 : i32
        %dma_wait3A_330 = tpu.memref_slice %arg5[%add3A_36, %dma_wait3A_329] : memref<2560x128xi32, #tpu.memory_space<hbm>> -> memref<16x128xi32, #tpu.memory_space<hbm>>
        tpu.wait_dma2 semaphore(%run_scoped3A_323 : memref<!tpu.dma_semaphore, #tpu.memory_space<semaphore_mem>>) src(%dma_wait3A_330 : memref<16x128xi32, #tpu.memory_space<hbm>>) dst(%arg9 : memref<16x128xi32, #tpu.memory_space<vmem>>)
        tpu.yield
      }) : () -> ()
      %eq3A_37 = arith.constant 0 : i32
      %eq3A_38 = arith.cmpi eq, %arg0, %eq3A_37 : i32
      %convert_element_type3A_39 = arith.extui %eq3A_38 : i1 to i32
      %cond3A_40 = arith.constant 0 : i32
      %cond3A_41 = arith.cmpi ne, %convert_element_type3A_39, %cond3A_40 : i32
      scf.if %cond3A_41 {
        %dma_start3A = arith.constant 0 : i32
        %dma_start3A_323 = arith.constant 0 : i32
        %dma_start3A_324 = tpu.memref_slice %arg8[%dma_start3A, %dma_start3A_323] : memref<16x128xi32, #tpu.memory_space<vmem>> -> memref<1x128xi32, #tpu.memory_space<vmem>>
        %dma_start3A_325 = tpu.memref_squeeze %dma_start3A_324 : memref<1x128xi32, #tpu.memory_space<vmem>> -> memref<128xi32, #tpu.memory_space<vmem>>
        %dma_start3A_326 = arith.constant 0 : i32
        %dma_start3A_327 = arith.constant 0 : i32
        %dma_start3A_328 = tpu.memref_slice %arg2[%dma_start3A_326, %dma_start3A_327] : memref<10000x128xf32, #tpu.memory_space<hbm>> -> memref<10000x128xf32, #tpu.memory_space<hbm>>
        tpu.enqueue_indirect_dma source(%dma_start3A_328 : memref<10000x128xf32, #tpu.memory_space<hbm>>) target(%arg10 : memref<128x128xf32, #tpu.memory_space<vmem>>) offsets(%dma_start3A_325 : memref<128xi32, #tpu.memory_space<vmem>>) semaphore(%arg13 : memref<!tpu.dma_semaphore, #tpu.memory_space<semaphore_mem>>)
      } else {
      }
      %eq3A_42 = arith.constant 1 : i32
      %eq3A_43 = arith.cmpi eq, %arg0, %eq3A_42 : i32
      %convert_element_type3A_44 = arith.extui %eq3A_43 : i1 to i32
      %cond3A_45 = arith.constant 0 : i32
      %cond3A_46 = arith.cmpi ne, %convert_element_type3A_44, %cond3A_45 : i32
      scf.if %cond3A_46 {
        %dma_start3A = arith.constant 0 : i32
        %dma_start3A_323 = arith.constant 0 : i32
        %dma_start3A_324 = tpu.memref_slice %arg8[%dma_start3A, %dma_start3A_323] : memref<16x128xi32, #tpu.memory_space<vmem>> -> memref<1x128xi32, #tpu.memory_space<vmem>>
        %dma_start3A_325 = tpu.memref_squeeze %dma_start3A_324 : memref<1x128xi32, #tpu.memory_space<vmem>> -> memref<128xi32, #tpu.memory_space<vmem>>
        %dma_start3A_326 = arith.constant 0 : i32
        %dma_start3A_327 = arith.constant 0 : i32
        %dma_start3A_328 = tpu.memref_slice %arg3[%dma_start3A_326, %dma_start3A_327] : memref<10000x128xf32, #tpu.memory_space<hbm>> -> memref<10000x128xf32, #tpu.memory_space<hbm>>
        tpu.enqueue_indirect_dma source(%dma_start3A_328 : memref<10000x128xf32, #tpu.memory_space<hbm>>) target(%arg10 : memref<128x128xf32, #tpu.memory_space<vmem>>) offsets(%dma_start3A_325 : memref<128xi32, #tpu.memory_space<vmem>>) semaphore(%arg13 : memref<!tpu.dma_semaphore, #tpu.memory_space<semaphore_mem>>)
      } else {
      }
      %dma_wait3A = arith.constant 0 : i32
      %dma_wait3A_47 = arith.constant 0 : i32
      %dma_wait3A_48 = tpu.memref_slice %arg8[%dma_wait3A, %dma_wait3A_47] : memref<16x128xi32, #tpu.memory_space<vmem>> -> memref<1x128xi32, #tpu.memory_space<vmem>>
      %dma_wait3A_49 = tpu.memref_squeeze %dma_wait3A_48 : memref<1x128xi32, #tpu.memory_space<vmem>> -> memref<128xi32, #tpu.memory_space<vmem>>
      %dma_wait3A_50 = arith.constant 0 : i32
      %dma_wait3A_51 = arith.constant 0 : i32
      %dma_wait3A_52 = tpu.memref_slice %arg2[%dma_wait3A_50, %dma_wait3A_51] : memref<10000x128xf32, #tpu.memory_space<hbm>> -> memref<10000x128xf32, #tpu.memory_space<hbm>>
      tpu.wait_indirect_dma semaphore(%arg13 : memref<!tpu.dma_semaphore, #tpu.memory_space<semaphore_mem>>) src(%dma_wait3A_52 : memref<10000x128xf32, #tpu.memory_space<hbm>>) dst(%arg10 : memref<128x128xf32, #tpu.memory_space<vmem>>)
      %run_scoped3A = arith.constant 0 : i32
      "tpu.region"() ({
        %run_scoped3A_323 = tpu.sem_alloc : memref<!tpu.dma_semaphore, #tpu.memory_space<semaphore_mem>>
        %dma_start3A = arith.constant 0 : i32
        %dma_start3A_324 = tpu.memref_slice %arg9[%run_scoped3A, %dma_start3A] : memref<16x128xi32, #tpu.memory_space<vmem>> -> memref<1x128xi32, #tpu.memory_space<vmem>>
        %dma_start3A_325 = tpu.memref_squeeze %dma_start3A_324 : memref<1x128xi32, #tpu.memory_space<vmem>> -> memref<128xi32, #tpu.memory_space<vmem>>
        %dma_start3A_326 = arith.constant 0 : i32
        %dma_start3A_327 = arith.constant 0 : i32
        %dma_start3A_328 = tpu.memref_slice %arg12[%dma_start3A_326, %dma_start3A_327] : memref<10240x128xf32, #tpu.memory_space<vmem_shared>> -> memref<10240x128xf32, #tpu.memory_space<vmem_shared>>
        tpu.enqueue_indirect_dma source(%arg10 : memref<128x128xf32, #tpu.memory_space<vmem>>) target(%dma_start3A_328 : memref<10240x128xf32, #tpu.memory_space<vmem_shared>>) offsets(%dma_start3A_325 : memref<128xi32, #tpu.memory_space<vmem>>) semaphore(%run_scoped3A_323 : memref<!tpu.dma_semaphore, #tpu.memory_space<semaphore_mem>>) {add = true}
        %dma_wait3A_329 = arith.constant 0 : i32
        %dma_wait3A_330 = tpu.memref_slice %arg9[%run_scoped3A, %dma_wait3A_329] : memref<16x128xi32, #tpu.memory_space<vmem>> -> memref<1x128xi32, #tpu.memory_space<vmem>>
        %dma_wait3A_331 = tpu.memref_squeeze %dma_wait3A_330 : memref<1x128xi32, #tpu.memory_space<vmem>> -> memref<128xi32, #tpu.memory_space<vmem>>
        %dma_wait3A_332 = arith.constant 0 : i32
        %dma_wait3A_333 = arith.constant 0 : i32
        %dma_wait3A_334 = tpu.memref_slice %arg12[%dma_wait3A_332, %dma_wait3A_333] : memref<10240x128xf32, #tpu.memory_space<vmem_shared>> -> memref<10240x128xf32, #tpu.memory_space<vmem_shared>>
        tpu.wait_indirect_dma semaphore(%run_scoped3A_323 : memref<!tpu.dma_semaphore, #tpu.memory_space<semaphore_mem>>) src(%arg10 : memref<128x128xf32, #tpu.memory_space<vmem>>) dst(%dma_wait3A_334 : memref<10240x128xf32, #tpu.memory_space<vmem_shared>>)
        tpu.yield
      }) : () -> ()
      %eq3A_53 = arith.constant 0 : i32
      %eq3A_54 = arith.cmpi eq, %arg0, %eq3A_53 : i32
      %convert_element_type3A_55 = arith.extui %eq3A_54 : i1 to i32
      %cond3A_56 = arith.constant 0 : i32
      %cond3A_57 = arith.cmpi ne, %convert_element_type3A_55, %cond3A_56 : i32
      scf.if %cond3A_57 {
        %dma_start3A = arith.constant 1 : i32
        %dma_start3A_323 = arith.constant 0 : i32
        %dma_start3A_324 = tpu.memref_slice %arg8[%dma_start3A, %dma_start3A_323] : memref<16x128xi32, #tpu.memory_space<vmem>> -> memref<1x128xi32, #tpu.memory_space<vmem>>
        %dma_start3A_325 = tpu.memref_squeeze %dma_start3A_324 : memref<1x128xi32, #tpu.memory_space<vmem>> -> memref<128xi32, #tpu.memory_space<vmem>>
        %dma_start3A_326 = arith.constant 0 : i32
        %dma_start3A_327 = arith.constant 0 : i32
        %dma_start3A_328 = tpu.memref_slice %arg2[%dma_start3A_326, %dma_start3A_327] : memref<10000x128xf32, #tpu.memory_space<hbm>> -> memref<10000x128xf32, #tpu.memory_space<hbm>>
        tpu.enqueue_indirect_dma source(%dma_start3A_328 : memref<10000x128xf32, #tpu.memory_space<hbm>>) target(%arg10 : memref<128x128xf32, #tpu.memory_space<vmem>>) offsets(%dma_start3A_325 : memref<128xi32, #tpu.memory_space<vmem>>) semaphore(%arg13 : memref<!tpu.dma_semaphore, #tpu.memory_space<semaphore_mem>>)
      } else {
      }
      %eq3A_58 = arith.constant 1 : i32
      %eq3A_59 = arith.cmpi eq, %arg0, %eq3A_58 : i32
      %convert_element_type3A_60 = arith.extui %eq3A_59 : i1 to i32
      %cond3A_61 = arith.constant 0 : i32
      %cond3A_62 = arith.cmpi ne, %convert_element_type3A_60, %cond3A_61 : i32
      scf.if %cond3A_62 {
        %dma_start3A = arith.constant 1 : i32
        %dma_start3A_323 = arith.constant 0 : i32
        %dma_start3A_324 = tpu.memref_slice %arg8[%dma_start3A, %dma_start3A_323] : memref<16x128xi32, #tpu.memory_space<vmem>> -> memref<1x128xi32, #tpu.memory_space<vmem>>
        %dma_start3A_325 = tpu.memref_squeeze %dma_start3A_324 : memref<1x128xi32, #tpu.memory_space<vmem>> -> memref<128xi32, #tpu.memory_space<vmem>>
        %dma_start3A_326 = arith.constant 0 : i32
        %dma_start3A_327 = arith.constant 0 : i32
        %dma_start3A_328 = tpu.memref_slice %arg3[%dma_start3A_326, %dma_start3A_327] : memref<10000x128xf32, #tpu.memory_space<hbm>> -> memref<10000x128xf32, #tpu.memory_space<hbm>>
        tpu.enqueue_indirect_dma source(%dma_start3A_328 : memref<10000x128xf32, #tpu.memory_space<hbm>>) target(%arg10 : memref<128x128xf32, #tpu.memory_space<vmem>>) offsets(%dma_start3A_325 : memref<128xi32, #tpu.memory_space<vmem>>) semaphore(%arg13 : memref<!tpu.dma_semaphore, #tpu.memory_space<semaphore_mem>>)
      } else {
      }
      %dma_wait3A_63 = arith.constant 0 : i32
      %dma_wait3A_64 = arith.constant 0 : i32
      %dma_wait3A_65 = tpu.memref_slice %arg8[%dma_wait3A_63, %dma_wait3A_64] : memref<16x128xi32, #tpu.memory_space<vmem>> -> memref<1x128xi32, #tpu.memory_space<vmem>>
      %dma_wait3A_66 = tpu.memref_squeeze %dma_wait3A_65 : memref<1x128xi32, #tpu.memory_space<vmem>> -> memref<128xi32, #tpu.memory_space<vmem>>
      %dma_wait3A_67 = arith.constant 0 : i32
      %dma_wait3A_68 = arith.constant 0 : i32
      %dma_wait3A_69 = tpu.memref_slice %arg2[%dma_wait3A_67, %dma_wait3A_68] : memref<10000x128xf32, #tpu.memory_space<hbm>> -> memref<10000x128xf32, #tpu.memory_space<hbm>>
      tpu.wait_indirect_dma semaphore(%arg13 : memref<!tpu.dma_semaphore, #tpu.memory_space<semaphore_mem>>) src(%dma_wait3A_69 : memref<10000x128xf32, #tpu.memory_space<hbm>>) dst(%arg10 : memref<128x128xf32, #tpu.memory_space<vmem>>)
      %run_scoped3A_70 = arith.constant 1 : i32
      "tpu.region"() ({
        %run_scoped3A_323 = tpu.sem_alloc : memref<!tpu.dma_semaphore, #tpu.memory_space<semaphore_mem>>
        %dma_start3A = arith.constant 0 : i32
        %dma_start3A_324 = tpu.memref_slice %arg9[%run_scoped3A_70, %dma_start3A] : memref<16x128xi32, #tpu.memory_space<vmem>> -> memref<1x128xi32, #tpu.memory_space<vmem>>
        %dma_start3A_325 = tpu.memref_squeeze %dma_start3A_324 : memref<1x128xi32, #tpu.memory_space<vmem>> -> memref<128xi32, #tpu.memory_space<vmem>>
        %dma_start3A_326 = arith.constant 0 : i32
        %dma_start3A_327 = arith.constant 0 : i32
        %dma_start3A_328 = tpu.memref_slice %arg12[%dma_start3A_326, %dma_start3A_327] : memref<10240x128xf32, #tpu.memory_space<vmem_shared>> -> memref<10240x128xf32, #tpu.memory_space<vmem_shared>>
        tpu.enqueue_indirect_dma source(%arg10 : memref<128x128xf32, #tpu.memory_space<vmem>>) target(%dma_start3A_328 : memref<10240x128xf32, #tpu.memory_space<vmem_shared>>) offsets(%dma_start3A_325 : memref<128xi32, #tpu.memory_space<vmem>>) semaphore(%run_scoped3A_323 : memref<!tpu.dma_semaphore, #tpu.memory_space<semaphore_mem>>) {add = true}
        %dma_wait3A_329 = arith.constant 0 : i32
        %dma_wait3A_330 = tpu.memref_slice %arg9[%run_scoped3A_70, %dma_wait3A_329] : memref<16x128xi32, #tpu.memory_space<vmem>> -> memref<1x128xi32, #tpu.memory_space<vmem>>
        %dma_wait3A_331 = tpu.memref_squeeze %dma_wait3A_330 : memref<1x128xi32, #tpu.memory_space<vmem>> -> memref<128xi32, #tpu.memory_space<vmem>>
        %dma_wait3A_332 = arith.constant 0 : i32
        %dma_wait3A_333 = arith.constant 0 : i32
        %dma_wait3A_334 = tpu.memref_slice %arg12[%dma_wait3A_332, %dma_wait3A_333] : memref<10240x128xf32, #tpu.memory_space<vmem_shared>> -> memref<10240x128xf32, #tpu.memory_space<vmem_shared>>
        tpu.wait_indirect_dma semaphore(%run_scoped3A_323 : memref<!tpu.dma_semaphore, #tpu.memory_space<semaphore_mem>>) src(%arg10 : memref<128x128xf32, #tpu.memory_space<vmem>>) dst(%dma_wait3A_334 : memref<10240x128xf32, #tpu.memory_space<vmem_shared>>)
        tpu.yield
      }) : () -> ()
      %eq3A_71 = arith.constant 0 : i32
      %eq3A_72 = arith.cmpi eq, %arg0, %eq3A_71 : i32
      %convert_element_type3A_73 = arith.extui %eq3A_72 : i1 to i32
      %cond3A_74 = arith.constant 0 : i32
      %cond3A_75 = arith.cmpi ne, %convert_element_type3A_73, %cond3A_74 : i32
      scf.if %cond3A_75 {
        %dma_start3A = arith.constant 2 : i32
        %dma_start3A_323 = arith.constant 0 : i32
        %dma_start3A_324 = tpu.memref_slice %arg8[%dma_start3A, %dma_start3A_323] : memref<16x128xi32, #tpu.memory_space<vmem>> -> memref<1x128xi32, #tpu.memory_space<vmem>>
        %dma_start3A_325 = tpu.memref_squeeze %dma_start3A_324 : memref<1x128xi32, #tpu.memory_space<vmem>> -> memref<128xi32, #tpu.memory_space<vmem>>
        %dma_start3A_326 = arith.constant 0 : i32
        %dma_start3A_327 = arith.constant 0 : i32
        %dma_start3A_328 = tpu.memref_slice %arg2[%dma_start3A_326, %dma_start3A_327] : memref<10000x128xf32, #tpu.memory_space<hbm>> -> memref<10000x128xf32, #tpu.memory_space<hbm>>
        tpu.enqueue_indirect_dma source(%dma_start3A_328 : memref<10000x128xf32, #tpu.memory_space<hbm>>) target(%arg10 : memref<128x128xf32, #tpu.memory_space<vmem>>) offsets(%dma_start3A_325 : memref<128xi32, #tpu.memory_space<vmem>>) semaphore(%arg13 : memref<!tpu.dma_semaphore, #tpu.memory_space<semaphore_mem>>)
      } else {
      }
      %eq3A_76 = arith.constant 1 : i32
      %eq3A_77 = arith.cmpi eq, %arg0, %eq3A_76 : i32
      %convert_element_type3A_78 = arith.extui %eq3A_77 : i1 to i32
      %cond3A_79 = arith.constant 0 : i32
      %cond3A_80 = arith.cmpi ne, %convert_element_type3A_78, %cond3A_79 : i32
      scf.if %cond3A_80 {
        %dma_start3A = arith.constant 2 : i32
        %dma_start3A_323 = arith.constant 0 : i32
        %dma_start3A_324 = tpu.memref_slice %arg8[%dma_start3A, %dma_start3A_323] : memref<16x128xi32, #tpu.memory_space<vmem>> -> memref<1x128xi32, #tpu.memory_space<vmem>>
        %dma_start3A_325 = tpu.memref_squeeze %dma_start3A_324 : memref<1x128xi32, #tpu.memory_space<vmem>> -> memref<128xi32, #tpu.memory_space<vmem>>
        %dma_start3A_326 = arith.constant 0 : i32
        %dma_start3A_327 = arith.constant 0 : i32
        %dma_start3A_328 = tpu.memref_slice %arg3[%dma_start3A_326, %dma_start3A_327] : memref<10000x128xf32, #tpu.memory_space<hbm>> -> memref<10000x128xf32, #tpu.memory_space<hbm>>
        tpu.enqueue_indirect_dma source(%dma_start3A_328 : memref<10000x128xf32, #tpu.memory_space<hbm>>) target(%arg10 : memref<128x128xf32, #tpu.memory_space<vmem>>) offsets(%dma_start3A_325 : memref<128xi32, #tpu.memory_space<vmem>>) semaphore(%arg13 : memref<!tpu.dma_semaphore, #tpu.memory_space<semaphore_mem>>)
      } else {
      }
      %dma_wait3A_81 = arith.constant 0 : i32
      %dma_wait3A_82 = arith.constant 0 : i32
      %dma_wait3A_83 = tpu.memref_slice %arg8[%dma_wait3A_81, %dma_wait3A_82] : memref<16x128xi32, #tpu.memory_space<vmem>> -> memref<1x128xi32, #tpu.memory_space<vmem>>
      %dma_wait3A_84 = tpu.memref_squeeze %dma_wait3A_83 : memref<1x128xi32, #tpu.memory_space<vmem>> -> memref<128xi32, #tpu.memory_space<vmem>>
      %dma_wait3A_85 = arith.constant 0 : i32
      %dma_wait3A_86 = arith.constant 0 : i32
      %dma_wait3A_87 = tpu.memref_slice %arg2[%dma_wait3A_85, %dma_wait3A_86] : memref<10000x128xf32, #tpu.memory_space<hbm>> -> memref<10000x128xf32, #tpu.memory_space<hbm>>
      tpu.wait_indirect_dma semaphore(%arg13 : memref<!tpu.dma_semaphore, #tpu.memory_space<semaphore_mem>>) src(%dma_wait3A_87 : memref<10000x128xf32, #tpu.memory_space<hbm>>) dst(%arg10 : memref<128x128xf32, #tpu.memory_space<vmem>>)
      %run_scoped3A_88 = arith.constant 2 : i32
      "tpu.region"() ({
        %run_scoped3A_323 = tpu.sem_alloc : memref<!tpu.dma_semaphore, #tpu.memory_space<semaphore_mem>>
        %dma_start3A = arith.constant 0 : i32
        %dma_start3A_324 = tpu.memref_slice %arg9[%run_scoped3A_88, %dma_start3A] : memref<16x128xi32, #tpu.memory_space<vmem>> -> memref<1x128xi32, #tpu.memory_space<vmem>>
        %dma_start3A_325 = tpu.memref_squeeze %dma_start3A_324 : memref<1x128xi32, #tpu.memory_space<vmem>> -> memref<128xi32, #tpu.memory_space<vmem>>
        %dma_start3A_326 = arith.constant 0 : i32
        %dma_start3A_327 = arith.constant 0 : i32
        %dma_start3A_328 = tpu.memref_slice %arg12[%dma_start3A_326, %dma_start3A_327] : memref<10240x128xf32, #tpu.memory_space<vmem_shared>> -> memref<10240x128xf32, #tpu.memory_space<vmem_shared>>
        tpu.enqueue_indirect_dma source(%arg10 : memref<128x128xf32, #tpu.memory_space<vmem>>) target(%dma_start3A_328 : memref<10240x128xf32, #tpu.memory_space<vmem_shared>>) offsets(%dma_start3A_325 : memref<128xi32, #tpu.memory_space<vmem>>) semaphore(%run_scoped3A_323 : memref<!tpu.dma_semaphore, #tpu.memory_space<semaphore_mem>>) {add = true}
        %dma_wait3A_329 = arith.constant 0 : i32
        %dma_wait3A_330 = tpu.memref_slice %arg9[%run_scoped3A_88, %dma_wait3A_329] : memref<16x128xi32, #tpu.memory_space<vmem>> -> memref<1x128xi32, #tpu.memory_space<vmem>>
        %dma_wait3A_331 = tpu.memref_squeeze %dma_wait3A_330 : memref<1x128xi32, #tpu.memory_space<vmem>> -> memref<128xi32, #tpu.memory_space<vmem>>
        %dma_wait3A_332 = arith.constant 0 : i32
        %dma_wait3A_333 = arith.constant 0 : i32
        %dma_wait3A_334 = tpu.memref_slice %arg12[%dma_wait3A_332, %dma_wait3A_333] : memref<10240x128xf32, #tpu.memory_space<vmem_shared>> -> memref<10240x128xf32, #tpu.memory_space<vmem_shared>>
        tpu.wait_indirect_dma semaphore(%run_scoped3A_323 : memref<!tpu.dma_semaphore, #tpu.memory_space<semaphore_mem>>) src(%arg10 : memref<128x128xf32, #tpu.memory_space<vmem>>) dst(%dma_wait3A_334 : memref<10240x128xf32, #tpu.memory_space<vmem_shared>>)
        tpu.yield
      }) : () -> ()
      %eq3A_89 = arith.constant 0 : i32
      %eq3A_90 = arith.cmpi eq, %arg0, %eq3A_89 : i32
      %convert_element_type3A_91 = arith.extui %eq3A_90 : i1 to i32
      %cond3A_92 = arith.constant 0 : i32
      %cond3A_93 = arith.cmpi ne, %convert_element_type3A_91, %cond3A_92 : i32
      scf.if %cond3A_93 {
        %dma_start3A = arith.constant 3 : i32
        %dma_start3A_323 = arith.constant 0 : i32
        %dma_start3A_324 = tpu.memref_slice %arg8[%dma_start3A, %dma_start3A_323] : memref<16x128xi32, #tpu.memory_space<vmem>> -> memref<1x128xi32, #tpu.memory_space<vmem>>
        %dma_start3A_325 = tpu.memref_squeeze %dma_start3A_324 : memref<1x128xi32, #tpu.memory_space<vmem>> -> memref<128xi32, #tpu.memory_space<vmem>>
        %dma_start3A_326 = arith.constant 0 : i32
        %dma_start3A_327 = arith.constant 0 : i32
        %dma_start3A_328 = tpu.memref_slice %arg2[%dma_start3A_326, %dma_start3A_327] : memref<10000x128xf32, #tpu.memory_space<hbm>> -> memref<10000x128xf32, #tpu.memory_space<hbm>>
        tpu.enqueue_indirect_dma source(%dma_start3A_328 : memref<10000x128xf32, #tpu.memory_space<hbm>>) target(%arg10 : memref<128x128xf32, #tpu.memory_space<vmem>>) offsets(%dma_start3A_325 : memref<128xi32, #tpu.memory_space<vmem>>) semaphore(%arg13 : memref<!tpu.dma_semaphore, #tpu.memory_space<semaphore_mem>>)
      } else {
      }
      %eq3A_94 = arith.constant 1 : i32
      %eq3A_95 = arith.cmpi eq, %arg0, %eq3A_94 : i32
      %convert_element_type3A_96 = arith.extui %eq3A_95 : i1 to i32
      %cond3A_97 = arith.constant 0 : i32
      %cond3A_98 = arith.cmpi ne, %convert_element_type3A_96, %cond3A_97 : i32
      scf.if %cond3A_98 {
        %dma_start3A = arith.constant 3 : i32
        %dma_start3A_323 = arith.constant 0 : i32
        %dma_start3A_324 = tpu.memref_slice %arg8[%dma_start3A, %dma_start3A_323] : memref<16x128xi32, #tpu.memory_space<vmem>> -> memref<1x128xi32, #tpu.memory_space<vmem>>
        %dma_start3A_325 = tpu.memref_squeeze %dma_start3A_324 : memref<1x128xi32, #tpu.memory_space<vmem>> -> memref<128xi32, #tpu.memory_space<vmem>>
        %dma_start3A_326 = arith.constant 0 : i32
        %dma_start3A_327 = arith.constant 0 : i32
        %dma_start3A_328 = tpu.memref_slice %arg3[%dma_start3A_326, %dma_start3A_327] : memref<10000x128xf32, #tpu.memory_space<hbm>> -> memref<10000x128xf32, #tpu.memory_space<hbm>>
        tpu.enqueue_indirect_dma source(%dma_start3A_328 : memref<10000x128xf32, #tpu.memory_space<hbm>>) target(%arg10 : memref<128x128xf32, #tpu.memory_space<vmem>>) offsets(%dma_start3A_325 : memref<128xi32, #tpu.memory_space<vmem>>) semaphore(%arg13 : memref<!tpu.dma_semaphore, #tpu.memory_space<semaphore_mem>>)
      } else {
      }
      %dma_wait3A_99 = arith.constant 0 : i32
      %dma_wait3A_100 = arith.constant 0 : i32
      %dma_wait3A_101 = tpu.memref_slice %arg8[%dma_wait3A_99, %dma_wait3A_100] : memref<16x128xi32, #tpu.memory_space<vmem>> -> memref<1x128xi32, #tpu.memory_space<vmem>>
      %dma_wait3A_102 = tpu.memref_squeeze %dma_wait3A_101 : memref<1x128xi32, #tpu.memory_space<vmem>> -> memref<128xi32, #tpu.memory_space<vmem>>
      %dma_wait3A_103 = arith.constant 0 : i32
      %dma_wait3A_104 = arith.constant 0 : i32
      %dma_wait3A_105 = tpu.memref_slice %arg2[%dma_wait3A_103, %dma_wait3A_104] : memref<10000x128xf32, #tpu.memory_space<hbm>> -> memref<10000x128xf32, #tpu.memory_space<hbm>>
      tpu.wait_indirect_dma semaphore(%arg13 : memref<!tpu.dma_semaphore, #tpu.memory_space<semaphore_mem>>) src(%dma_wait3A_105 : memref<10000x128xf32, #tpu.memory_space<hbm>>) dst(%arg10 : memref<128x128xf32, #tpu.memory_space<vmem>>)
      %run_scoped3A_106 = arith.constant 3 : i32
      "tpu.region"() ({
        %run_scoped3A_323 = tpu.sem_alloc : memref<!tpu.dma_semaphore, #tpu.memory_space<semaphore_mem>>
        %dma_start3A = arith.constant 0 : i32
        %dma_start3A_324 = tpu.memref_slice %arg9[%run_scoped3A_106, %dma_start3A] : memref<16x128xi32, #tpu.memory_space<vmem>> -> memref<1x128xi32, #tpu.memory_space<vmem>>
        %dma_start3A_325 = tpu.memref_squeeze %dma_start3A_324 : memref<1x128xi32, #tpu.memory_space<vmem>> -> memref<128xi32, #tpu.memory_space<vmem>>
        %dma_start3A_326 = arith.constant 0 : i32
        %dma_start3A_327 = arith.constant 0 : i32
        %dma_start3A_328 = tpu.memref_slice %arg12[%dma_start3A_326, %dma_start3A_327] : memref<10240x128xf32, #tpu.memory_space<vmem_shared>> -> memref<10240x128xf32, #tpu.memory_space<vmem_shared>>
        tpu.enqueue_indirect_dma source(%arg10 : memref<128x128xf32, #tpu.memory_space<vmem>>) target(%dma_start3A_328 : memref<10240x128xf32, #tpu.memory_space<vmem_shared>>) offsets(%dma_start3A_325 : memref<128xi32, #tpu.memory_space<vmem>>) semaphore(%run_scoped3A_323 : memref<!tpu.dma_semaphore, #tpu.memory_space<semaphore_mem>>) {add = true}
        %dma_wait3A_329 = arith.constant 0 : i32
        %dma_wait3A_330 = tpu.memref_slice %arg9[%run_scoped3A_106, %dma_wait3A_329] : memref<16x128xi32, #tpu.memory_space<vmem>> -> memref<1x128xi32, #tpu.memory_space<vmem>>
        %dma_wait3A_331 = tpu.memref_squeeze %dma_wait3A_330 : memref<1x128xi32, #tpu.memory_space<vmem>> -> memref<128xi32, #tpu.memory_space<vmem>>
        %dma_wait3A_332 = arith.constant 0 : i32
        %dma_wait3A_333 = arith.constant 0 : i32
        %dma_wait3A_334 = tpu.memref_slice %arg12[%dma_wait3A_332, %dma_wait3A_333] : memref<10240x128xf32, #tpu.memory_space<vmem_shared>> -> memref<10240x128xf32, #tpu.memory_space<vmem_shared>>
        tpu.wait_indirect_dma semaphore(%run_scoped3A_323 : memref<!tpu.dma_semaphore, #tpu.memory_space<semaphore_mem>>) src(%arg10 : memref<128x128xf32, #tpu.memory_space<vmem>>) dst(%dma_wait3A_334 : memref<10240x128xf32, #tpu.memory_space<vmem_shared>>)
        tpu.yield
      }) : () -> ()
      %eq3A_107 = arith.constant 0 : i32
      %eq3A_108 = arith.cmpi eq, %arg0, %eq3A_107 : i32
      %convert_element_type3A_109 = arith.extui %eq3A_108 : i1 to i32
      %cond3A_110 = arith.constant 0 : i32
      %cond3A_111 = arith.cmpi ne, %convert_element_type3A_109, %cond3A_110 : i32
      scf.if %cond3A_111 {
        %dma_start3A = arith.constant 4 : i32
        %dma_start3A_323 = arith.constant 0 : i32
        %dma_start3A_324 = tpu.memref_slice %arg8[%dma_start3A, %dma_start3A_323] : memref<16x128xi32, #tpu.memory_space<vmem>> -> memref<1x128xi32, #tpu.memory_space<vmem>>
        %dma_start3A_325 = tpu.memref_squeeze %dma_start3A_324 : memref<1x128xi32, #tpu.memory_space<vmem>> -> memref<128xi32, #tpu.memory_space<vmem>>
        %dma_start3A_326 = arith.constant 0 : i32
        %dma_start3A_327 = arith.constant 0 : i32
        %dma_start3A_328 = tpu.memref_slice %arg2[%dma_start3A_326, %dma_start3A_327] : memref<10000x128xf32, #tpu.memory_space<hbm>> -> memref<10000x128xf32, #tpu.memory_space<hbm>>
        tpu.enqueue_indirect_dma source(%dma_start3A_328 : memref<10000x128xf32, #tpu.memory_space<hbm>>) target(%arg10 : memref<128x128xf32, #tpu.memory_space<vmem>>) offsets(%dma_start3A_325 : memref<128xi32, #tpu.memory_space<vmem>>) semaphore(%arg13 : memref<!tpu.dma_semaphore, #tpu.memory_space<semaphore_mem>>)
      } else {
      }
      %eq3A_112 = arith.constant 1 : i32
      %eq3A_113 = arith.cmpi eq, %arg0, %eq3A_112 : i32
      %convert_element_type3A_114 = arith.extui %eq3A_113 : i1 to i32
      %cond3A_115 = arith.constant 0 : i32
      %cond3A_116 = arith.cmpi ne, %convert_element_type3A_114, %cond3A_115 : i32
      scf.if %cond3A_116 {
        %dma_start3A = arith.constant 4 : i32
        %dma_start3A_323 = arith.constant 0 : i32
        %dma_start3A_324 = tpu.memref_slice %arg8[%dma_start3A, %dma_start3A_323] : memref<16x128xi32, #tpu.memory_space<vmem>> -> memref<1x128xi32, #tpu.memory_space<vmem>>
        %dma_start3A_325 = tpu.memref_squeeze %dma_start3A_324 : memref<1x128xi32, #tpu.memory_space<vmem>> -> memref<128xi32, #tpu.memory_space<vmem>>
        %dma_start3A_326 = arith.constant 0 : i32
        %dma_start3A_327 = arith.constant 0 : i32
        %dma_start3A_328 = tpu.memref_slice %arg3[%dma_start3A_326, %dma_start3A_327] : memref<10000x128xf32, #tpu.memory_space<hbm>> -> memref<10000x128xf32, #tpu.memory_space<hbm>>
        tpu.enqueue_indirect_dma source(%dma_start3A_328 : memref<10000x128xf32, #tpu.memory_space<hbm>>) target(%arg10 : memref<128x128xf32, #tpu.memory_space<vmem>>) offsets(%dma_start3A_325 : memref<128xi32, #tpu.memory_space<vmem>>) semaphore(%arg13 : memref<!tpu.dma_semaphore, #tpu.memory_space<semaphore_mem>>)
      } else {
      }
      %dma_wait3A_117 = arith.constant 0 : i32
      %dma_wait3A_118 = arith.constant 0 : i32
      %dma_wait3A_119 = tpu.memref_slice %arg8[%dma_wait3A_117, %dma_wait3A_118] : memref<16x128xi32, #tpu.memory_space<vmem>> -> memref<1x128xi32, #tpu.memory_space<vmem>>
      %dma_wait3A_120 = tpu.memref_squeeze %dma_wait3A_119 : memref<1x128xi32, #tpu.memory_space<vmem>> -> memref<128xi32, #tpu.memory_space<vmem>>
      %dma_wait3A_121 = arith.constant 0 : i32
      %dma_wait3A_122 = arith.constant 0 : i32
      %dma_wait3A_123 = tpu.memref_slice %arg2[%dma_wait3A_121, %dma_wait3A_122] : memref<10000x128xf32, #tpu.memory_space<hbm>> -> memref<10000x128xf32, #tpu.memory_space<hbm>>
      tpu.wait_indirect_dma semaphore(%arg13 : memref<!tpu.dma_semaphore, #tpu.memory_space<semaphore_mem>>) src(%dma_wait3A_123 : memref<10000x128xf32, #tpu.memory_space<hbm>>) dst(%arg10 : memref<128x128xf32, #tpu.memory_space<vmem>>)
      %run_scoped3A_124 = arith.constant 4 : i32
      "tpu.region"() ({
        %run_scoped3A_323 = tpu.sem_alloc : memref<!tpu.dma_semaphore, #tpu.memory_space<semaphore_mem>>
        %dma_start3A = arith.constant 0 : i32
        %dma_start3A_324 = tpu.memref_slice %arg9[%run_scoped3A_124, %dma_start3A] : memref<16x128xi32, #tpu.memory_space<vmem>> -> memref<1x128xi32, #tpu.memory_space<vmem>>
        %dma_start3A_325 = tpu.memref_squeeze %dma_start3A_324 : memref<1x128xi32, #tpu.memory_space<vmem>> -> memref<128xi32, #tpu.memory_space<vmem>>
        %dma_start3A_326 = arith.constant 0 : i32
        %dma_start3A_327 = arith.constant 0 : i32
        %dma_start3A_328 = tpu.memref_slice %arg12[%dma_start3A_326, %dma_start3A_327] : memref<10240x128xf32, #tpu.memory_space<vmem_shared>> -> memref<10240x128xf32, #tpu.memory_space<vmem_shared>>
        tpu.enqueue_indirect_dma source(%arg10 : memref<128x128xf32, #tpu.memory_space<vmem>>) target(%dma_start3A_328 : memref<10240x128xf32, #tpu.memory_space<vmem_shared>>) offsets(%dma_start3A_325 : memref<128xi32, #tpu.memory_space<vmem>>) semaphore(%run_scoped3A_323 : memref<!tpu.dma_semaphore, #tpu.memory_space<semaphore_mem>>) {add = true}
        %dma_wait3A_329 = arith.constant 0 : i32
        %dma_wait3A_330 = tpu.memref_slice %arg9[%run_scoped3A_124, %dma_wait3A_329] : memref<16x128xi32, #tpu.memory_space<vmem>> -> memref<1x128xi32, #tpu.memory_space<vmem>>
        %dma_wait3A_331 = tpu.memref_squeeze %dma_wait3A_330 : memref<1x128xi32, #tpu.memory_space<vmem>> -> memref<128xi32, #tpu.memory_space<vmem>>
        %dma_wait3A_332 = arith.constant 0 : i32
        %dma_wait3A_333 = arith.constant 0 : i32
        %dma_wait3A_334 = tpu.memref_slice %arg12[%dma_wait3A_332, %dma_wait3A_333] : memref<10240x128xf32, #tpu.memory_space<vmem_shared>> -> memref<10240x128xf32, #tpu.memory_space<vmem_shared>>
        tpu.wait_indirect_dma semaphore(%run_scoped3A_323 : memref<!tpu.dma_semaphore, #tpu.memory_space<semaphore_mem>>) src(%arg10 : memref<128x128xf32, #tpu.memory_space<vmem>>) dst(%dma_wait3A_334 : memref<10240x128xf32, #tpu.memory_space<vmem_shared>>)
        tpu.yield
      }) : () -> ()
      %eq3A_125 = arith.constant 0 : i32
      %eq3A_126 = arith.cmpi eq, %arg0, %eq3A_125 : i32
      %convert_element_type3A_127 = arith.extui %eq3A_126 : i1 to i32
      %cond3A_128 = arith.constant 0 : i32
      %cond3A_129 = arith.cmpi ne, %convert_element_type3A_127, %cond3A_128 : i32
      scf.if %cond3A_129 {
        %dma_start3A = arith.constant 5 : i32
        %dma_start3A_323 = arith.constant 0 : i32
        %dma_start3A_324 = tpu.memref_slice %arg8[%dma_start3A, %dma_start3A_323] : memref<16x128xi32, #tpu.memory_space<vmem>> -> memref<1x128xi32, #tpu.memory_space<vmem>>
        %dma_start3A_325 = tpu.memref_squeeze %dma_start3A_324 : memref<1x128xi32, #tpu.memory_space<vmem>> -> memref<128xi32, #tpu.memory_space<vmem>>
        %dma_start3A_326 = arith.constant 0 : i32
        %dma_start3A_327 = arith.constant 0 : i32
        %dma_start3A_328 = tpu.memref_slice %arg2[%dma_start3A_326, %dma_start3A_327] : memref<10000x128xf32, #tpu.memory_space<hbm>> -> memref<10000x128xf32, #tpu.memory_space<hbm>>
        tpu.enqueue_indirect_dma source(%dma_start3A_328 : memref<10000x128xf32, #tpu.memory_space<hbm>>) target(%arg10 : memref<128x128xf32, #tpu.memory_space<vmem>>) offsets(%dma_start3A_325 : memref<128xi32, #tpu.memory_space<vmem>>) semaphore(%arg13 : memref<!tpu.dma_semaphore, #tpu.memory_space<semaphore_mem>>)
      } else {
      }
      %eq3A_130 = arith.constant 1 : i32
      %eq3A_131 = arith.cmpi eq, %arg0, %eq3A_130 : i32
      %convert_element_type3A_132 = arith.extui %eq3A_131 : i1 to i32
      %cond3A_133 = arith.constant 0 : i32
      %cond3A_134 = arith.cmpi ne, %convert_element_type3A_132, %cond3A_133 : i32
      scf.if %cond3A_134 {
        %dma_start3A = arith.constant 5 : i32
        %dma_start3A_323 = arith.constant 0 : i32
        %dma_start3A_324 = tpu.memref_slice %arg8[%dma_start3A, %dma_start3A_323] : memref<16x128xi32, #tpu.memory_space<vmem>> -> memref<1x128xi32, #tpu.memory_space<vmem>>
        %dma_start3A_325 = tpu.memref_squeeze %dma_start3A_324 : memref<1x128xi32, #tpu.memory_space<vmem>> -> memref<128xi32, #tpu.memory_space<vmem>>
        %dma_start3A_326 = arith.constant 0 : i32
        %dma_start3A_327 = arith.constant 0 : i32
        %dma_start3A_328 = tpu.memref_slice %arg3[%dma_start3A_326, %dma_start3A_327] : memref<10000x128xf32, #tpu.memory_space<hbm>> -> memref<10000x128xf32, #tpu.memory_space<hbm>>
        tpu.enqueue_indirect_dma source(%dma_start3A_328 : memref<10000x128xf32, #tpu.memory_space<hbm>>) target(%arg10 : memref<128x128xf32, #tpu.memory_space<vmem>>) offsets(%dma_start3A_325 : memref<128xi32, #tpu.memory_space<vmem>>) semaphore(%arg13 : memref<!tpu.dma_semaphore, #tpu.memory_space<semaphore_mem>>)
      } else {
      }
      %dma_wait3A_135 = arith.constant 0 : i32
      %dma_wait3A_136 = arith.constant 0 : i32
      %dma_wait3A_137 = tpu.memref_slice %arg8[%dma_wait3A_135, %dma_wait3A_136] : memref<16x128xi32, #tpu.memory_space<vmem>> -> memref<1x128xi32, #tpu.memory_space<vmem>>
      %dma_wait3A_138 = tpu.memref_squeeze %dma_wait3A_137 : memref<1x128xi32, #tpu.memory_space<vmem>> -> memref<128xi32, #tpu.memory_space<vmem>>
      %dma_wait3A_139 = arith.constant 0 : i32
      %dma_wait3A_140 = arith.constant 0 : i32
      %dma_wait3A_141 = tpu.memref_slice %arg2[%dma_wait3A_139, %dma_wait3A_140] : memref<10000x128xf32, #tpu.memory_space<hbm>> -> memref<10000x128xf32, #tpu.memory_space<hbm>>
      tpu.wait_indirect_dma semaphore(%arg13 : memref<!tpu.dma_semaphore, #tpu.memory_space<semaphore_mem>>) src(%dma_wait3A_141 : memref<10000x128xf32, #tpu.memory_space<hbm>>) dst(%arg10 : memref<128x128xf32, #tpu.memory_space<vmem>>)
      %run_scoped3A_142 = arith.constant 5 : i32
      "tpu.region"() ({
        %run_scoped3A_323 = tpu.sem_alloc : memref<!tpu.dma_semaphore, #tpu.memory_space<semaphore_mem>>
        %dma_start3A = arith.constant 0 : i32
        %dma_start3A_324 = tpu.memref_slice %arg9[%run_scoped3A_142, %dma_start3A] : memref<16x128xi32, #tpu.memory_space<vmem>> -> memref<1x128xi32, #tpu.memory_space<vmem>>
        %dma_start3A_325 = tpu.memref_squeeze %dma_start3A_324 : memref<1x128xi32, #tpu.memory_space<vmem>> -> memref<128xi32, #tpu.memory_space<vmem>>
        %dma_start3A_326 = arith.constant 0 : i32
        %dma_start3A_327 = arith.constant 0 : i32
        %dma_start3A_328 = tpu.memref_slice %arg12[%dma_start3A_326, %dma_start3A_327] : memref<10240x128xf32, #tpu.memory_space<vmem_shared>> -> memref<10240x128xf32, #tpu.memory_space<vmem_shared>>
        tpu.enqueue_indirect_dma source(%arg10 : memref<128x128xf32, #tpu.memory_space<vmem>>) target(%dma_start3A_328 : memref<10240x128xf32, #tpu.memory_space<vmem_shared>>) offsets(%dma_start3A_325 : memref<128xi32, #tpu.memory_space<vmem>>) semaphore(%run_scoped3A_323 : memref<!tpu.dma_semaphore, #tpu.memory_space<semaphore_mem>>) {add = true}
        %dma_wait3A_329 = arith.constant 0 : i32
        %dma_wait3A_330 = tpu.memref_slice %arg9[%run_scoped3A_142, %dma_wait3A_329] : memref<16x128xi32, #tpu.memory_space<vmem>> -> memref<1x128xi32, #tpu.memory_space<vmem>>
        %dma_wait3A_331 = tpu.memref_squeeze %dma_wait3A_330 : memref<1x128xi32, #tpu.memory_space<vmem>> -> memref<128xi32, #tpu.memory_space<vmem>>
        %dma_wait3A_332 = arith.constant 0 : i32
        %dma_wait3A_333 = arith.constant 0 : i32
        %dma_wait3A_334 = tpu.memref_slice %arg12[%dma_wait3A_332, %dma_wait3A_333] : memref<10240x128xf32, #tpu.memory_space<vmem_shared>> -> memref<10240x128xf32, #tpu.memory_space<vmem_shared>>
        tpu.wait_indirect_dma semaphore(%run_scoped3A_323 : memref<!tpu.dma_semaphore, #tpu.memory_space<semaphore_mem>>) src(%arg10 : memref<128x128xf32, #tpu.memory_space<vmem>>) dst(%dma_wait3A_334 : memref<10240x128xf32, #tpu.memory_space<vmem_shared>>)
        tpu.yield
      }) : () -> ()
      %eq3A_143 = arith.constant 0 : i32
      %eq3A_144 = arith.cmpi eq, %arg0, %eq3A_143 : i32
      %convert_element_type3A_145 = arith.extui %eq3A_144 : i1 to i32
      %cond3A_146 = arith.constant 0 : i32
      %cond3A_147 = arith.cmpi ne, %convert_element_type3A_145, %cond3A_146 : i32
      scf.if %cond3A_147 {
        %dma_start3A = arith.constant 6 : i32
        %dma_start3A_323 = arith.constant 0 : i32
        %dma_start3A_324 = tpu.memref_slice %arg8[%dma_start3A, %dma_start3A_323] : memref<16x128xi32, #tpu.memory_space<vmem>> -> memref<1x128xi32, #tpu.memory_space<vmem>>
        %dma_start3A_325 = tpu.memref_squeeze %dma_start3A_324 : memref<1x128xi32, #tpu.memory_space<vmem>> -> memref<128xi32, #tpu.memory_space<vmem>>
        %dma_start3A_326 = arith.constant 0 : i32
        %dma_start3A_327 = arith.constant 0 : i32
        %dma_start3A_328 = tpu.memref_slice %arg2[%dma_start3A_326, %dma_start3A_327] : memref<10000x128xf32, #tpu.memory_space<hbm>> -> memref<10000x128xf32, #tpu.memory_space<hbm>>
        tpu.enqueue_indirect_dma source(%dma_start3A_328 : memref<10000x128xf32, #tpu.memory_space<hbm>>) target(%arg10 : memref<128x128xf32, #tpu.memory_space<vmem>>) offsets(%dma_start3A_325 : memref<128xi32, #tpu.memory_space<vmem>>) semaphore(%arg13 : memref<!tpu.dma_semaphore, #tpu.memory_space<semaphore_mem>>)
      } else {
      }
      %eq3A_148 = arith.constant 1 : i32
      %eq3A_149 = arith.cmpi eq, %arg0, %eq3A_148 : i32
      %convert_element_type3A_150 = arith.extui %eq3A_149 : i1 to i32
      %cond3A_151 = arith.constant 0 : i32
      %cond3A_152 = arith.cmpi ne, %convert_element_type3A_150, %cond3A_151 : i32
      scf.if %cond3A_152 {
        %dma_start3A = arith.constant 6 : i32
        %dma_start3A_323 = arith.constant 0 : i32
        %dma_start3A_324 = tpu.memref_slice %arg8[%dma_start3A, %dma_start3A_323] : memref<16x128xi32, #tpu.memory_space<vmem>> -> memref<1x128xi32, #tpu.memory_space<vmem>>
        %dma_start3A_325 = tpu.memref_squeeze %dma_start3A_324 : memref<1x128xi32, #tpu.memory_space<vmem>> -> memref<128xi32, #tpu.memory_space<vmem>>
        %dma_start3A_326 = arith.constant 0 : i32
        %dma_start3A_327 = arith.constant 0 : i32
        %dma_start3A_328 = tpu.memref_slice %arg3[%dma_start3A_326, %dma_start3A_327] : memref<10000x128xf32, #tpu.memory_space<hbm>> -> memref<10000x128xf32, #tpu.memory_space<hbm>>
        tpu.enqueue_indirect_dma source(%dma_start3A_328 : memref<10000x128xf32, #tpu.memory_space<hbm>>) target(%arg10 : memref<128x128xf32, #tpu.memory_space<vmem>>) offsets(%dma_start3A_325 : memref<128xi32, #tpu.memory_space<vmem>>) semaphore(%arg13 : memref<!tpu.dma_semaphore, #tpu.memory_space<semaphore_mem>>)
      } else {
      }
      %dma_wait3A_153 = arith.constant 0 : i32
      %dma_wait3A_154 = arith.constant 0 : i32
      %dma_wait3A_155 = tpu.memref_slice %arg8[%dma_wait3A_153, %dma_wait3A_154] : memref<16x128xi32, #tpu.memory_space<vmem>> -> memref<1x128xi32, #tpu.memory_space<vmem>>
      %dma_wait3A_156 = tpu.memref_squeeze %dma_wait3A_155 : memref<1x128xi32, #tpu.memory_space<vmem>> -> memref<128xi32, #tpu.memory_space<vmem>>
      %dma_wait3A_157 = arith.constant 0 : i32
      %dma_wait3A_158 = arith.constant 0 : i32
      %dma_wait3A_159 = tpu.memref_slice %arg2[%dma_wait3A_157, %dma_wait3A_158] : memref<10000x128xf32, #tpu.memory_space<hbm>> -> memref<10000x128xf32, #tpu.memory_space<hbm>>
      tpu.wait_indirect_dma semaphore(%arg13 : memref<!tpu.dma_semaphore, #tpu.memory_space<semaphore_mem>>) src(%dma_wait3A_159 : memref<10000x128xf32, #tpu.memory_space<hbm>>) dst(%arg10 : memref<128x128xf32, #tpu.memory_space<vmem>>)
      %run_scoped3A_160 = arith.constant 6 : i32
      "tpu.region"() ({
        %run_scoped3A_323 = tpu.sem_alloc : memref<!tpu.dma_semaphore, #tpu.memory_space<semaphore_mem>>
        %dma_start3A = arith.constant 0 : i32
        %dma_start3A_324 = tpu.memref_slice %arg9[%run_scoped3A_160, %dma_start3A] : memref<16x128xi32, #tpu.memory_space<vmem>> -> memref<1x128xi32, #tpu.memory_space<vmem>>
        %dma_start3A_325 = tpu.memref_squeeze %dma_start3A_324 : memref<1x128xi32, #tpu.memory_space<vmem>> -> memref<128xi32, #tpu.memory_space<vmem>>
        %dma_start3A_326 = arith.constant 0 : i32
        %dma_start3A_327 = arith.constant 0 : i32
        %dma_start3A_328 = tpu.memref_slice %arg12[%dma_start3A_326, %dma_start3A_327] : memref<10240x128xf32, #tpu.memory_space<vmem_shared>> -> memref<10240x128xf32, #tpu.memory_space<vmem_shared>>
        tpu.enqueue_indirect_dma source(%arg10 : memref<128x128xf32, #tpu.memory_space<vmem>>) target(%dma_start3A_328 : memref<10240x128xf32, #tpu.memory_space<vmem_shared>>) offsets(%dma_start3A_325 : memref<128xi32, #tpu.memory_space<vmem>>) semaphore(%run_scoped3A_323 : memref<!tpu.dma_semaphore, #tpu.memory_space<semaphore_mem>>) {add = true}
        %dma_wait3A_329 = arith.constant 0 : i32
        %dma_wait3A_330 = tpu.memref_slice %arg9[%run_scoped3A_160, %dma_wait3A_329] : memref<16x128xi32, #tpu.memory_space<vmem>> -> memref<1x128xi32, #tpu.memory_space<vmem>>
        %dma_wait3A_331 = tpu.memref_squeeze %dma_wait3A_330 : memref<1x128xi32, #tpu.memory_space<vmem>> -> memref<128xi32, #tpu.memory_space<vmem>>
        %dma_wait3A_332 = arith.constant 0 : i32
        %dma_wait3A_333 = arith.constant 0 : i32
        %dma_wait3A_334 = tpu.memref_slice %arg12[%dma_wait3A_332, %dma_wait3A_333] : memref<10240x128xf32, #tpu.memory_space<vmem_shared>> -> memref<10240x128xf32, #tpu.memory_space<vmem_shared>>
        tpu.wait_indirect_dma semaphore(%run_scoped3A_323 : memref<!tpu.dma_semaphore, #tpu.memory_space<semaphore_mem>>) src(%arg10 : memref<128x128xf32, #tpu.memory_space<vmem>>) dst(%dma_wait3A_334 : memref<10240x128xf32, #tpu.memory_space<vmem_shared>>)
        tpu.yield
      }) : () -> ()
      %eq3A_161 = arith.constant 0 : i32
      %eq3A_162 = arith.cmpi eq, %arg0, %eq3A_161 : i32
      %convert_element_type3A_163 = arith.extui %eq3A_162 : i1 to i32
      %cond3A_164 = arith.constant 0 : i32
      %cond3A_165 = arith.cmpi ne, %convert_element_type3A_163, %cond3A_164 : i32
      scf.if %cond3A_165 {
        %dma_start3A = arith.constant 7 : i32
        %dma_start3A_323 = arith.constant 0 : i32
        %dma_start3A_324 = tpu.memref_slice %arg8[%dma_start3A, %dma_start3A_323] : memref<16x128xi32, #tpu.memory_space<vmem>> -> memref<1x128xi32, #tpu.memory_space<vmem>>
        %dma_start3A_325 = tpu.memref_squeeze %dma_start3A_324 : memref<1x128xi32, #tpu.memory_space<vmem>> -> memref<128xi32, #tpu.memory_space<vmem>>
        %dma_start3A_326 = arith.constant 0 : i32
        %dma_start3A_327 = arith.constant 0 : i32
        %dma_start3A_328 = tpu.memref_slice %arg2[%dma_start3A_326, %dma_start3A_327] : memref<10000x128xf32, #tpu.memory_space<hbm>> -> memref<10000x128xf32, #tpu.memory_space<hbm>>
        tpu.enqueue_indirect_dma source(%dma_start3A_328 : memref<10000x128xf32, #tpu.memory_space<hbm>>) target(%arg10 : memref<128x128xf32, #tpu.memory_space<vmem>>) offsets(%dma_start3A_325 : memref<128xi32, #tpu.memory_space<vmem>>) semaphore(%arg13 : memref<!tpu.dma_semaphore, #tpu.memory_space<semaphore_mem>>)
      } else {
      }
      %eq3A_166 = arith.constant 1 : i32
      %eq3A_167 = arith.cmpi eq, %arg0, %eq3A_166 : i32
      %convert_element_type3A_168 = arith.extui %eq3A_167 : i1 to i32
      %cond3A_169 = arith.constant 0 : i32
      %cond3A_170 = arith.cmpi ne, %convert_element_type3A_168, %cond3A_169 : i32
      scf.if %cond3A_170 {
        %dma_start3A = arith.constant 7 : i32
        %dma_start3A_323 = arith.constant 0 : i32
        %dma_start3A_324 = tpu.memref_slice %arg8[%dma_start3A, %dma_start3A_323] : memref<16x128xi32, #tpu.memory_space<vmem>> -> memref<1x128xi32, #tpu.memory_space<vmem>>
        %dma_start3A_325 = tpu.memref_squeeze %dma_start3A_324 : memref<1x128xi32, #tpu.memory_space<vmem>> -> memref<128xi32, #tpu.memory_space<vmem>>
        %dma_start3A_326 = arith.constant 0 : i32
        %dma_start3A_327 = arith.constant 0 : i32
        %dma_start3A_328 = tpu.memref_slice %arg3[%dma_start3A_326, %dma_start3A_327] : memref<10000x128xf32, #tpu.memory_space<hbm>> -> memref<10000x128xf32, #tpu.memory_space<hbm>>
        tpu.enqueue_indirect_dma source(%dma_start3A_328 : memref<10000x128xf32, #tpu.memory_space<hbm>>) target(%arg10 : memref<128x128xf32, #tpu.memory_space<vmem>>) offsets(%dma_start3A_325 : memref<128xi32, #tpu.memory_space<vmem>>) semaphore(%arg13 : memref<!tpu.dma_semaphore, #tpu.memory_space<semaphore_mem>>)
      } else {
      }
      %dma_wait3A_171 = arith.constant 0 : i32
      %dma_wait3A_172 = arith.constant 0 : i32
      %dma_wait3A_173 = tpu.memref_slice %arg8[%dma_wait3A_171, %dma_wait3A_172] : memref<16x128xi32, #tpu.memory_space<vmem>> -> memref<1x128xi32, #tpu.memory_space<vmem>>
      %dma_wait3A_174 = tpu.memref_squeeze %dma_wait3A_173 : memref<1x128xi32, #tpu.memory_space<vmem>> -> memref<128xi32, #tpu.memory_space<vmem>>
      %dma_wait3A_175 = arith.constant 0 : i32
      %dma_wait3A_176 = arith.constant 0 : i32
      %dma_wait3A_177 = tpu.memref_slice %arg2[%dma_wait3A_175, %dma_wait3A_176] : memref<10000x128xf32, #tpu.memory_space<hbm>> -> memref<10000x128xf32, #tpu.memory_space<hbm>>
      tpu.wait_indirect_dma semaphore(%arg13 : memref<!tpu.dma_semaphore, #tpu.memory_space<semaphore_mem>>) src(%dma_wait3A_177 : memref<10000x128xf32, #tpu.memory_space<hbm>>) dst(%arg10 : memref<128x128xf32, #tpu.memory_space<vmem>>)
      %run_scoped3A_178 = arith.constant 7 : i32
      "tpu.region"() ({
        %run_scoped3A_323 = tpu.sem_alloc : memref<!tpu.dma_semaphore, #tpu.memory_space<semaphore_mem>>
        %dma_start3A = arith.constant 0 : i32
        %dma_start3A_324 = tpu.memref_slice %arg9[%run_scoped3A_178, %dma_start3A] : memref<16x128xi32, #tpu.memory_space<vmem>> -> memref<1x128xi32, #tpu.memory_space<vmem>>
        %dma_start3A_325 = tpu.memref_squeeze %dma_start3A_324 : memref<1x128xi32, #tpu.memory_space<vmem>> -> memref<128xi32, #tpu.memory_space<vmem>>
        %dma_start3A_326 = arith.constant 0 : i32
        %dma_start3A_327 = arith.constant 0 : i32
        %dma_start3A_328 = tpu.memref_slice %arg12[%dma_start3A_326, %dma_start3A_327] : memref<10240x128xf32, #tpu.memory_space<vmem_shared>> -> memref<10240x128xf32, #tpu.memory_space<vmem_shared>>
        tpu.enqueue_indirect_dma source(%arg10 : memref<128x128xf32, #tpu.memory_space<vmem>>) target(%dma_start3A_328 : memref<10240x128xf32, #tpu.memory_space<vmem_shared>>) offsets(%dma_start3A_325 : memref<128xi32, #tpu.memory_space<vmem>>) semaphore(%run_scoped3A_323 : memref<!tpu.dma_semaphore, #tpu.memory_space<semaphore_mem>>) {add = true}
        %dma_wait3A_329 = arith.constant 0 : i32
        %dma_wait3A_330 = tpu.memref_slice %arg9[%run_scoped3A_178, %dma_wait3A_329] : memref<16x128xi32, #tpu.memory_space<vmem>> -> memref<1x128xi32, #tpu.memory_space<vmem>>
        %dma_wait3A_331 = tpu.memref_squeeze %dma_wait3A_330 : memref<1x128xi32, #tpu.memory_space<vmem>> -> memref<128xi32, #tpu.memory_space<vmem>>
        %dma_wait3A_332 = arith.constant 0 : i32
        %dma_wait3A_333 = arith.constant 0 : i32
        %dma_wait3A_334 = tpu.memref_slice %arg12[%dma_wait3A_332, %dma_wait3A_333] : memref<10240x128xf32, #tpu.memory_space<vmem_shared>> -> memref<10240x128xf32, #tpu.memory_space<vmem_shared>>
        tpu.wait_indirect_dma semaphore(%run_scoped3A_323 : memref<!tpu.dma_semaphore, #tpu.memory_space<semaphore_mem>>) src(%arg10 : memref<128x128xf32, #tpu.memory_space<vmem>>) dst(%dma_wait3A_334 : memref<10240x128xf32, #tpu.memory_space<vmem_shared>>)
        tpu.yield
      }) : () -> ()
      %eq3A_179 = arith.constant 0 : i32
      %eq3A_180 = arith.cmpi eq, %arg0, %eq3A_179 : i32
      %convert_element_type3A_181 = arith.extui %eq3A_180 : i1 to i32
      %cond3A_182 = arith.constant 0 : i32
      %cond3A_183 = arith.cmpi ne, %convert_element_type3A_181, %cond3A_182 : i32
      scf.if %cond3A_183 {
        %dma_start3A = arith.constant 8 : i32
        %dma_start3A_323 = arith.constant 0 : i32
        %dma_start3A_324 = tpu.memref_slice %arg8[%dma_start3A, %dma_start3A_323] : memref<16x128xi32, #tpu.memory_space<vmem>> -> memref<1x128xi32, #tpu.memory_space<vmem>>
        %dma_start3A_325 = tpu.memref_squeeze %dma_start3A_324 : memref<1x128xi32, #tpu.memory_space<vmem>> -> memref<128xi32, #tpu.memory_space<vmem>>
        %dma_start3A_326 = arith.constant 0 : i32
        %dma_start3A_327 = arith.constant 0 : i32
        %dma_start3A_328 = tpu.memref_slice %arg2[%dma_start3A_326, %dma_start3A_327] : memref<10000x128xf32, #tpu.memory_space<hbm>> -> memref<10000x128xf32, #tpu.memory_space<hbm>>
        tpu.enqueue_indirect_dma source(%dma_start3A_328 : memref<10000x128xf32, #tpu.memory_space<hbm>>) target(%arg10 : memref<128x128xf32, #tpu.memory_space<vmem>>) offsets(%dma_start3A_325 : memref<128xi32, #tpu.memory_space<vmem>>) semaphore(%arg13 : memref<!tpu.dma_semaphore, #tpu.memory_space<semaphore_mem>>)
      } else {
      }
      %eq3A_184 = arith.constant 1 : i32
      %eq3A_185 = arith.cmpi eq, %arg0, %eq3A_184 : i32
      %convert_element_type3A_186 = arith.extui %eq3A_185 : i1 to i32
      %cond3A_187 = arith.constant 0 : i32
      %cond3A_188 = arith.cmpi ne, %convert_element_type3A_186, %cond3A_187 : i32
      scf.if %cond3A_188 {
        %dma_start3A = arith.constant 8 : i32
        %dma_start3A_323 = arith.constant 0 : i32
        %dma_start3A_324 = tpu.memref_slice %arg8[%dma_start3A, %dma_start3A_323] : memref<16x128xi32, #tpu.memory_space<vmem>> -> memref<1x128xi32, #tpu.memory_space<vmem>>
        %dma_start3A_325 = tpu.memref_squeeze %dma_start3A_324 : memref<1x128xi32, #tpu.memory_space<vmem>> -> memref<128xi32, #tpu.memory_space<vmem>>
        %dma_start3A_326 = arith.constant 0 : i32
        %dma_start3A_327 = arith.constant 0 : i32
        %dma_start3A_328 = tpu.memref_slice %arg3[%dma_start3A_326, %dma_start3A_327] : memref<10000x128xf32, #tpu.memory_space<hbm>> -> memref<10000x128xf32, #tpu.memory_space<hbm>>
        tpu.enqueue_indirect_dma source(%dma_start3A_328 : memref<10000x128xf32, #tpu.memory_space<hbm>>) target(%arg10 : memref<128x128xf32, #tpu.memory_space<vmem>>) offsets(%dma_start3A_325 : memref<128xi32, #tpu.memory_space<vmem>>) semaphore(%arg13 : memref<!tpu.dma_semaphore, #tpu.memory_space<semaphore_mem>>)
      } else {
      }
      %dma_wait3A_189 = arith.constant 0 : i32
      %dma_wait3A_190 = arith.constant 0 : i32
      %dma_wait3A_191 = tpu.memref_slice %arg8[%dma_wait3A_189, %dma_wait3A_190] : memref<16x128xi32, #tpu.memory_space<vmem>> -> memref<1x128xi32, #tpu.memory_space<vmem>>
      %dma_wait3A_192 = tpu.memref_squeeze %dma_wait3A_191 : memref<1x128xi32, #tpu.memory_space<vmem>> -> memref<128xi32, #tpu.memory_space<vmem>>
      %dma_wait3A_193 = arith.constant 0 : i32
      %dma_wait3A_194 = arith.constant 0 : i32
      %dma_wait3A_195 = tpu.memref_slice %arg2[%dma_wait3A_193, %dma_wait3A_194] : memref<10000x128xf32, #tpu.memory_space<hbm>> -> memref<10000x128xf32, #tpu.memory_space<hbm>>
      tpu.wait_indirect_dma semaphore(%arg13 : memref<!tpu.dma_semaphore, #tpu.memory_space<semaphore_mem>>) src(%dma_wait3A_195 : memref<10000x128xf32, #tpu.memory_space<hbm>>) dst(%arg10 : memref<128x128xf32, #tpu.memory_space<vmem>>)
      %run_scoped3A_196 = arith.constant 8 : i32
      "tpu.region"() ({
        %run_scoped3A_323 = tpu.sem_alloc : memref<!tpu.dma_semaphore, #tpu.memory_space<semaphore_mem>>
        %dma_start3A = arith.constant 0 : i32
        %dma_start3A_324 = tpu.memref_slice %arg9[%run_scoped3A_196, %dma_start3A] : memref<16x128xi32, #tpu.memory_space<vmem>> -> memref<1x128xi32, #tpu.memory_space<vmem>>
        %dma_start3A_325 = tpu.memref_squeeze %dma_start3A_324 : memref<1x128xi32, #tpu.memory_space<vmem>> -> memref<128xi32, #tpu.memory_space<vmem>>
        %dma_start3A_326 = arith.constant 0 : i32
        %dma_start3A_327 = arith.constant 0 : i32
        %dma_start3A_328 = tpu.memref_slice %arg12[%dma_start3A_326, %dma_start3A_327] : memref<10240x128xf32, #tpu.memory_space<vmem_shared>> -> memref<10240x128xf32, #tpu.memory_space<vmem_shared>>
        tpu.enqueue_indirect_dma source(%arg10 : memref<128x128xf32, #tpu.memory_space<vmem>>) target(%dma_start3A_328 : memref<10240x128xf32, #tpu.memory_space<vmem_shared>>) offsets(%dma_start3A_325 : memref<128xi32, #tpu.memory_space<vmem>>) semaphore(%run_scoped3A_323 : memref<!tpu.dma_semaphore, #tpu.memory_space<semaphore_mem>>) {add = true}
        %dma_wait3A_329 = arith.constant 0 : i32
        %dma_wait3A_330 = tpu.memref_slice %arg9[%run_scoped3A_196, %dma_wait3A_329] : memref<16x128xi32, #tpu.memory_space<vmem>> -> memref<1x128xi32, #tpu.memory_space<vmem>>
        %dma_wait3A_331 = tpu.memref_squeeze %dma_wait3A_330 : memref<1x128xi32, #tpu.memory_space<vmem>> -> memref<128xi32, #tpu.memory_space<vmem>>
        %dma_wait3A_332 = arith.constant 0 : i32
        %dma_wait3A_333 = arith.constant 0 : i32
        %dma_wait3A_334 = tpu.memref_slice %arg12[%dma_wait3A_332, %dma_wait3A_333] : memref<10240x128xf32, #tpu.memory_space<vmem_shared>> -> memref<10240x128xf32, #tpu.memory_space<vmem_shared>>
        tpu.wait_indirect_dma semaphore(%run_scoped3A_323 : memref<!tpu.dma_semaphore, #tpu.memory_space<semaphore_mem>>) src(%arg10 : memref<128x128xf32, #tpu.memory_space<vmem>>) dst(%dma_wait3A_334 : memref<10240x128xf32, #tpu.memory_space<vmem_shared>>)
        tpu.yield
      }) : () -> ()
      %eq3A_197 = arith.constant 0 : i32
      %eq3A_198 = arith.cmpi eq, %arg0, %eq3A_197 : i32
      %convert_element_type3A_199 = arith.extui %eq3A_198 : i1 to i32
      %cond3A_200 = arith.constant 0 : i32
      %cond3A_201 = arith.cmpi ne, %convert_element_type3A_199, %cond3A_200 : i32
      scf.if %cond3A_201 {
        %dma_start3A = arith.constant 9 : i32
        %dma_start3A_323 = arith.constant 0 : i32
        %dma_start3A_324 = tpu.memref_slice %arg8[%dma_start3A, %dma_start3A_323] : memref<16x128xi32, #tpu.memory_space<vmem>> -> memref<1x128xi32, #tpu.memory_space<vmem>>
        %dma_start3A_325 = tpu.memref_squeeze %dma_start3A_324 : memref<1x128xi32, #tpu.memory_space<vmem>> -> memref<128xi32, #tpu.memory_space<vmem>>
        %dma_start3A_326 = arith.constant 0 : i32
        %dma_start3A_327 = arith.constant 0 : i32
        %dma_start3A_328 = tpu.memref_slice %arg2[%dma_start3A_326, %dma_start3A_327] : memref<10000x128xf32, #tpu.memory_space<hbm>> -> memref<10000x128xf32, #tpu.memory_space<hbm>>
        tpu.enqueue_indirect_dma source(%dma_start3A_328 : memref<10000x128xf32, #tpu.memory_space<hbm>>) target(%arg10 : memref<128x128xf32, #tpu.memory_space<vmem>>) offsets(%dma_start3A_325 : memref<128xi32, #tpu.memory_space<vmem>>) semaphore(%arg13 : memref<!tpu.dma_semaphore, #tpu.memory_space<semaphore_mem>>)
      } else {
      }
      %eq3A_202 = arith.constant 1 : i32
      %eq3A_203 = arith.cmpi eq, %arg0, %eq3A_202 : i32
      %convert_element_type3A_204 = arith.extui %eq3A_203 : i1 to i32
      %cond3A_205 = arith.constant 0 : i32
      %cond3A_206 = arith.cmpi ne, %convert_element_type3A_204, %cond3A_205 : i32
      scf.if %cond3A_206 {
        %dma_start3A = arith.constant 9 : i32
        %dma_start3A_323 = arith.constant 0 : i32
        %dma_start3A_324 = tpu.memref_slice %arg8[%dma_start3A, %dma_start3A_323] : memref<16x128xi32, #tpu.memory_space<vmem>> -> memref<1x128xi32, #tpu.memory_space<vmem>>
        %dma_start3A_325 = tpu.memref_squeeze %dma_start3A_324 : memref<1x128xi32, #tpu.memory_space<vmem>> -> memref<128xi32, #tpu.memory_space<vmem>>
        %dma_start3A_326 = arith.constant 0 : i32
        %dma_start3A_327 = arith.constant 0 : i32
        %dma_start3A_328 = tpu.memref_slice %arg3[%dma_start3A_326, %dma_start3A_327] : memref<10000x128xf32, #tpu.memory_space<hbm>> -> memref<10000x128xf32, #tpu.memory_space<hbm>>
        tpu.enqueue_indirect_dma source(%dma_start3A_328 : memref<10000x128xf32, #tpu.memory_space<hbm>>) target(%arg10 : memref<128x128xf32, #tpu.memory_space<vmem>>) offsets(%dma_start3A_325 : memref<128xi32, #tpu.memory_space<vmem>>) semaphore(%arg13 : memref<!tpu.dma_semaphore, #tpu.memory_space<semaphore_mem>>)
      } else {
      }
      %dma_wait3A_207 = arith.constant 0 : i32
      %dma_wait3A_208 = arith.constant 0 : i32
      %dma_wait3A_209 = tpu.memref_slice %arg8[%dma_wait3A_207, %dma_wait3A_208] : memref<16x128xi32, #tpu.memory_space<vmem>> -> memref<1x128xi32, #tpu.memory_space<vmem>>
      %dma_wait3A_210 = tpu.memref_squeeze %dma_wait3A_209 : memref<1x128xi32, #tpu.memory_space<vmem>> -> memref<128xi32, #tpu.memory_space<vmem>>
      %dma_wait3A_211 = arith.constant 0 : i32
      %dma_wait3A_212 = arith.constant 0 : i32
      %dma_wait3A_213 = tpu.memref_slice %arg2[%dma_wait3A_211, %dma_wait3A_212] : memref<10000x128xf32, #tpu.memory_space<hbm>> -> memref<10000x128xf32, #tpu.memory_space<hbm>>
      tpu.wait_indirect_dma semaphore(%arg13 : memref<!tpu.dma_semaphore, #tpu.memory_space<semaphore_mem>>) src(%dma_wait3A_213 : memref<10000x128xf32, #tpu.memory_space<hbm>>) dst(%arg10 : memref<128x128xf32, #tpu.memory_space<vmem>>)
      %run_scoped3A_214 = arith.constant 9 : i32
      "tpu.region"() ({
        %run_scoped3A_323 = tpu.sem_alloc : memref<!tpu.dma_semaphore, #tpu.memory_space<semaphore_mem>>
        %dma_start3A = arith.constant 0 : i32
        %dma_start3A_324 = tpu.memref_slice %arg9[%run_scoped3A_214, %dma_start3A] : memref<16x128xi32, #tpu.memory_space<vmem>> -> memref<1x128xi32, #tpu.memory_space<vmem>>
        %dma_start3A_325 = tpu.memref_squeeze %dma_start3A_324 : memref<1x128xi32, #tpu.memory_space<vmem>> -> memref<128xi32, #tpu.memory_space<vmem>>
        %dma_start3A_326 = arith.constant 0 : i32
        %dma_start3A_327 = arith.constant 0 : i32
        %dma_start3A_328 = tpu.memref_slice %arg12[%dma_start3A_326, %dma_start3A_327] : memref<10240x128xf32, #tpu.memory_space<vmem_shared>> -> memref<10240x128xf32, #tpu.memory_space<vmem_shared>>
        tpu.enqueue_indirect_dma source(%arg10 : memref<128x128xf32, #tpu.memory_space<vmem>>) target(%dma_start3A_328 : memref<10240x128xf32, #tpu.memory_space<vmem_shared>>) offsets(%dma_start3A_325 : memref<128xi32, #tpu.memory_space<vmem>>) semaphore(%run_scoped3A_323 : memref<!tpu.dma_semaphore, #tpu.memory_space<semaphore_mem>>) {add = true}
        %dma_wait3A_329 = arith.constant 0 : i32
        %dma_wait3A_330 = tpu.memref_slice %arg9[%run_scoped3A_214, %dma_wait3A_329] : memref<16x128xi32, #tpu.memory_space<vmem>> -> memref<1x128xi32, #tpu.memory_space<vmem>>
        %dma_wait3A_331 = tpu.memref_squeeze %dma_wait3A_330 : memref<1x128xi32, #tpu.memory_space<vmem>> -> memref<128xi32, #tpu.memory_space<vmem>>
        %dma_wait3A_332 = arith.constant 0 : i32
        %dma_wait3A_333 = arith.constant 0 : i32
        %dma_wait3A_334 = tpu.memref_slice %arg12[%dma_wait3A_332, %dma_wait3A_333] : memref<10240x128xf32, #tpu.memory_space<vmem_shared>> -> memref<10240x128xf32, #tpu.memory_space<vmem_shared>>
        tpu.wait_indirect_dma semaphore(%run_scoped3A_323 : memref<!tpu.dma_semaphore, #tpu.memory_space<semaphore_mem>>) src(%arg10 : memref<128x128xf32, #tpu.memory_space<vmem>>) dst(%dma_wait3A_334 : memref<10240x128xf32, #tpu.memory_space<vmem_shared>>)
        tpu.yield
      }) : () -> ()
      %eq3A_215 = arith.constant 0 : i32
      %eq3A_216 = arith.cmpi eq, %arg0, %eq3A_215 : i32
      %convert_element_type3A_217 = arith.extui %eq3A_216 : i1 to i32
      %cond3A_218 = arith.constant 0 : i32
      %cond3A_219 = arith.cmpi ne, %convert_element_type3A_217, %cond3A_218 : i32
      scf.if %cond3A_219 {
        %dma_start3A = arith.constant 10 : i32
        %dma_start3A_323 = arith.constant 0 : i32
        %dma_start3A_324 = tpu.memref_slice %arg8[%dma_start3A, %dma_start3A_323] : memref<16x128xi32, #tpu.memory_space<vmem>> -> memref<1x128xi32, #tpu.memory_space<vmem>>
        %dma_start3A_325 = tpu.memref_squeeze %dma_start3A_324 : memref<1x128xi32, #tpu.memory_space<vmem>> -> memref<128xi32, #tpu.memory_space<vmem>>
        %dma_start3A_326 = arith.constant 0 : i32
        %dma_start3A_327 = arith.constant 0 : i32
        %dma_start3A_328 = tpu.memref_slice %arg2[%dma_start3A_326, %dma_start3A_327] : memref<10000x128xf32, #tpu.memory_space<hbm>> -> memref<10000x128xf32, #tpu.memory_space<hbm>>
        tpu.enqueue_indirect_dma source(%dma_start3A_328 : memref<10000x128xf32, #tpu.memory_space<hbm>>) target(%arg10 : memref<128x128xf32, #tpu.memory_space<vmem>>) offsets(%dma_start3A_325 : memref<128xi32, #tpu.memory_space<vmem>>) semaphore(%arg13 : memref<!tpu.dma_semaphore, #tpu.memory_space<semaphore_mem>>)
      } else {
      }
      %eq3A_220 = arith.constant 1 : i32
      %eq3A_221 = arith.cmpi eq, %arg0, %eq3A_220 : i32
      %convert_element_type3A_222 = arith.extui %eq3A_221 : i1 to i32
      %cond3A_223 = arith.constant 0 : i32
      %cond3A_224 = arith.cmpi ne, %convert_element_type3A_222, %cond3A_223 : i32
      scf.if %cond3A_224 {
        %dma_start3A = arith.constant 10 : i32
        %dma_start3A_323 = arith.constant 0 : i32
        %dma_start3A_324 = tpu.memref_slice %arg8[%dma_start3A, %dma_start3A_323] : memref<16x128xi32, #tpu.memory_space<vmem>> -> memref<1x128xi32, #tpu.memory_space<vmem>>
        %dma_start3A_325 = tpu.memref_squeeze %dma_start3A_324 : memref<1x128xi32, #tpu.memory_space<vmem>> -> memref<128xi32, #tpu.memory_space<vmem>>
        %dma_start3A_326 = arith.constant 0 : i32
        %dma_start3A_327 = arith.constant 0 : i32
        %dma_start3A_328 = tpu.memref_slice %arg3[%dma_start3A_326, %dma_start3A_327] : memref<10000x128xf32, #tpu.memory_space<hbm>> -> memref<10000x128xf32, #tpu.memory_space<hbm>>
        tpu.enqueue_indirect_dma source(%dma_start3A_328 : memref<10000x128xf32, #tpu.memory_space<hbm>>) target(%arg10 : memref<128x128xf32, #tpu.memory_space<vmem>>) offsets(%dma_start3A_325 : memref<128xi32, #tpu.memory_space<vmem>>) semaphore(%arg13 : memref<!tpu.dma_semaphore, #tpu.memory_space<semaphore_mem>>)
      } else {
      }
      %dma_wait3A_225 = arith.constant 0 : i32
      %dma_wait3A_226 = arith.constant 0 : i32
      %dma_wait3A_227 = tpu.memref_slice %arg8[%dma_wait3A_225, %dma_wait3A_226] : memref<16x128xi32, #tpu.memory_space<vmem>> -> memref<1x128xi32, #tpu.memory_space<vmem>>
      %dma_wait3A_228 = tpu.memref_squeeze %dma_wait3A_227 : memref<1x128xi32, #tpu.memory_space<vmem>> -> memref<128xi32, #tpu.memory_space<vmem>>
      %dma_wait3A_229 = arith.constant 0 : i32
      %dma_wait3A_230 = arith.constant 0 : i32
      %dma_wait3A_231 = tpu.memref_slice %arg2[%dma_wait3A_229, %dma_wait3A_230] : memref<10000x128xf32, #tpu.memory_space<hbm>> -> memref<10000x128xf32, #tpu.memory_space<hbm>>
      tpu.wait_indirect_dma semaphore(%arg13 : memref<!tpu.dma_semaphore, #tpu.memory_space<semaphore_mem>>) src(%dma_wait3A_231 : memref<10000x128xf32, #tpu.memory_space<hbm>>) dst(%arg10 : memref<128x128xf32, #tpu.memory_space<vmem>>)
      %run_scoped3A_232 = arith.constant 10 : i32
      "tpu.region"() ({
        %run_scoped3A_323 = tpu.sem_alloc : memref<!tpu.dma_semaphore, #tpu.memory_space<semaphore_mem>>
        %dma_start3A = arith.constant 0 : i32
        %dma_start3A_324 = tpu.memref_slice %arg9[%run_scoped3A_232, %dma_start3A] : memref<16x128xi32, #tpu.memory_space<vmem>> -> memref<1x128xi32, #tpu.memory_space<vmem>>
        %dma_start3A_325 = tpu.memref_squeeze %dma_start3A_324 : memref<1x128xi32, #tpu.memory_space<vmem>> -> memref<128xi32, #tpu.memory_space<vmem>>
        %dma_start3A_326 = arith.constant 0 : i32
        %dma_start3A_327 = arith.constant 0 : i32
        %dma_start3A_328 = tpu.memref_slice %arg12[%dma_start3A_326, %dma_start3A_327] : memref<10240x128xf32, #tpu.memory_space<vmem_shared>> -> memref<10240x128xf32, #tpu.memory_space<vmem_shared>>
        tpu.enqueue_indirect_dma source(%arg10 : memref<128x128xf32, #tpu.memory_space<vmem>>) target(%dma_start3A_328 : memref<10240x128xf32, #tpu.memory_space<vmem_shared>>) offsets(%dma_start3A_325 : memref<128xi32, #tpu.memory_space<vmem>>) semaphore(%run_scoped3A_323 : memref<!tpu.dma_semaphore, #tpu.memory_space<semaphore_mem>>) {add = true}
        %dma_wait3A_329 = arith.constant 0 : i32
        %dma_wait3A_330 = tpu.memref_slice %arg9[%run_scoped3A_232, %dma_wait3A_329] : memref<16x128xi32, #tpu.memory_space<vmem>> -> memref<1x128xi32, #tpu.memory_space<vmem>>
        %dma_wait3A_331 = tpu.memref_squeeze %dma_wait3A_330 : memref<1x128xi32, #tpu.memory_space<vmem>> -> memref<128xi32, #tpu.memory_space<vmem>>
        %dma_wait3A_332 = arith.constant 0 : i32
        %dma_wait3A_333 = arith.constant 0 : i32
        %dma_wait3A_334 = tpu.memref_slice %arg12[%dma_wait3A_332, %dma_wait3A_333] : memref<10240x128xf32, #tpu.memory_space<vmem_shared>> -> memref<10240x128xf32, #tpu.memory_space<vmem_shared>>
        tpu.wait_indirect_dma semaphore(%run_scoped3A_323 : memref<!tpu.dma_semaphore, #tpu.memory_space<semaphore_mem>>) src(%arg10 : memref<128x128xf32, #tpu.memory_space<vmem>>) dst(%dma_wait3A_334 : memref<10240x128xf32, #tpu.memory_space<vmem_shared>>)
        tpu.yield
      }) : () -> ()
      %eq3A_233 = arith.constant 0 : i32
      %eq3A_234 = arith.cmpi eq, %arg0, %eq3A_233 : i32
      %convert_element_type3A_235 = arith.extui %eq3A_234 : i1 to i32
      %cond3A_236 = arith.constant 0 : i32
      %cond3A_237 = arith.cmpi ne, %convert_element_type3A_235, %cond3A_236 : i32
      scf.if %cond3A_237 {
        %dma_start3A = arith.constant 11 : i32
        %dma_start3A_323 = arith.constant 0 : i32
        %dma_start3A_324 = tpu.memref_slice %arg8[%dma_start3A, %dma_start3A_323] : memref<16x128xi32, #tpu.memory_space<vmem>> -> memref<1x128xi32, #tpu.memory_space<vmem>>
        %dma_start3A_325 = tpu.memref_squeeze %dma_start3A_324 : memref<1x128xi32, #tpu.memory_space<vmem>> -> memref<128xi32, #tpu.memory_space<vmem>>
        %dma_start3A_326 = arith.constant 0 : i32
        %dma_start3A_327 = arith.constant 0 : i32
        %dma_start3A_328 = tpu.memref_slice %arg2[%dma_start3A_326, %dma_start3A_327] : memref<10000x128xf32, #tpu.memory_space<hbm>> -> memref<10000x128xf32, #tpu.memory_space<hbm>>
        tpu.enqueue_indirect_dma source(%dma_start3A_328 : memref<10000x128xf32, #tpu.memory_space<hbm>>) target(%arg10 : memref<128x128xf32, #tpu.memory_space<vmem>>) offsets(%dma_start3A_325 : memref<128xi32, #tpu.memory_space<vmem>>) semaphore(%arg13 : memref<!tpu.dma_semaphore, #tpu.memory_space<semaphore_mem>>)
      } else {
      }
      %eq3A_238 = arith.constant 1 : i32
      %eq3A_239 = arith.cmpi eq, %arg0, %eq3A_238 : i32
      %convert_element_type3A_240 = arith.extui %eq3A_239 : i1 to i32
      %cond3A_241 = arith.constant 0 : i32
      %cond3A_242 = arith.cmpi ne, %convert_element_type3A_240, %cond3A_241 : i32
      scf.if %cond3A_242 {
        %dma_start3A = arith.constant 11 : i32
        %dma_start3A_323 = arith.constant 0 : i32
        %dma_start3A_324 = tpu.memref_slice %arg8[%dma_start3A, %dma_start3A_323] : memref<16x128xi32, #tpu.memory_space<vmem>> -> memref<1x128xi32, #tpu.memory_space<vmem>>
        %dma_start3A_325 = tpu.memref_squeeze %dma_start3A_324 : memref<1x128xi32, #tpu.memory_space<vmem>> -> memref<128xi32, #tpu.memory_space<vmem>>
        %dma_start3A_326 = arith.constant 0 : i32
        %dma_start3A_327 = arith.constant 0 : i32
        %dma_start3A_328 = tpu.memref_slice %arg3[%dma_start3A_326, %dma_start3A_327] : memref<10000x128xf32, #tpu.memory_space<hbm>> -> memref<10000x128xf32, #tpu.memory_space<hbm>>
        tpu.enqueue_indirect_dma source(%dma_start3A_328 : memref<10000x128xf32, #tpu.memory_space<hbm>>) target(%arg10 : memref<128x128xf32, #tpu.memory_space<vmem>>) offsets(%dma_start3A_325 : memref<128xi32, #tpu.memory_space<vmem>>) semaphore(%arg13 : memref<!tpu.dma_semaphore, #tpu.memory_space<semaphore_mem>>)
      } else {
      }
      %dma_wait3A_243 = arith.constant 0 : i32
      %dma_wait3A_244 = arith.constant 0 : i32
      %dma_wait3A_245 = tpu.memref_slice %arg8[%dma_wait3A_243, %dma_wait3A_244] : memref<16x128xi32, #tpu.memory_space<vmem>> -> memref<1x128xi32, #tpu.memory_space<vmem>>
      %dma_wait3A_246 = tpu.memref_squeeze %dma_wait3A_245 : memref<1x128xi32, #tpu.memory_space<vmem>> -> memref<128xi32, #tpu.memory_space<vmem>>
      %dma_wait3A_247 = arith.constant 0 : i32
      %dma_wait3A_248 = arith.constant 0 : i32
      %dma_wait3A_249 = tpu.memref_slice %arg2[%dma_wait3A_247, %dma_wait3A_248] : memref<10000x128xf32, #tpu.memory_space<hbm>> -> memref<10000x128xf32, #tpu.memory_space<hbm>>
      tpu.wait_indirect_dma semaphore(%arg13 : memref<!tpu.dma_semaphore, #tpu.memory_space<semaphore_mem>>) src(%dma_wait3A_249 : memref<10000x128xf32, #tpu.memory_space<hbm>>) dst(%arg10 : memref<128x128xf32, #tpu.memory_space<vmem>>)
      %run_scoped3A_250 = arith.constant 11 : i32
      "tpu.region"() ({
        %run_scoped3A_323 = tpu.sem_alloc : memref<!tpu.dma_semaphore, #tpu.memory_space<semaphore_mem>>
        %dma_start3A = arith.constant 0 : i32
        %dma_start3A_324 = tpu.memref_slice %arg9[%run_scoped3A_250, %dma_start3A] : memref<16x128xi32, #tpu.memory_space<vmem>> -> memref<1x128xi32, #tpu.memory_space<vmem>>
        %dma_start3A_325 = tpu.memref_squeeze %dma_start3A_324 : memref<1x128xi32, #tpu.memory_space<vmem>> -> memref<128xi32, #tpu.memory_space<vmem>>
        %dma_start3A_326 = arith.constant 0 : i32
        %dma_start3A_327 = arith.constant 0 : i32
        %dma_start3A_328 = tpu.memref_slice %arg12[%dma_start3A_326, %dma_start3A_327] : memref<10240x128xf32, #tpu.memory_space<vmem_shared>> -> memref<10240x128xf32, #tpu.memory_space<vmem_shared>>
        tpu.enqueue_indirect_dma source(%arg10 : memref<128x128xf32, #tpu.memory_space<vmem>>) target(%dma_start3A_328 : memref<10240x128xf32, #tpu.memory_space<vmem_shared>>) offsets(%dma_start3A_325 : memref<128xi32, #tpu.memory_space<vmem>>) semaphore(%run_scoped3A_323 : memref<!tpu.dma_semaphore, #tpu.memory_space<semaphore_mem>>) {add = true}
        %dma_wait3A_329 = arith.constant 0 : i32
        %dma_wait3A_330 = tpu.memref_slice %arg9[%run_scoped3A_250, %dma_wait3A_329] : memref<16x128xi32, #tpu.memory_space<vmem>> -> memref<1x128xi32, #tpu.memory_space<vmem>>
        %dma_wait3A_331 = tpu.memref_squeeze %dma_wait3A_330 : memref<1x128xi32, #tpu.memory_space<vmem>> -> memref<128xi32, #tpu.memory_space<vmem>>
        %dma_wait3A_332 = arith.constant 0 : i32
        %dma_wait3A_333 = arith.constant 0 : i32
        %dma_wait3A_334 = tpu.memref_slice %arg12[%dma_wait3A_332, %dma_wait3A_333] : memref<10240x128xf32, #tpu.memory_space<vmem_shared>> -> memref<10240x128xf32, #tpu.memory_space<vmem_shared>>
        tpu.wait_indirect_dma semaphore(%run_scoped3A_323 : memref<!tpu.dma_semaphore, #tpu.memory_space<semaphore_mem>>) src(%arg10 : memref<128x128xf32, #tpu.memory_space<vmem>>) dst(%dma_wait3A_334 : memref<10240x128xf32, #tpu.memory_space<vmem_shared>>)
        tpu.yield
      }) : () -> ()
      %eq3A_251 = arith.constant 0 : i32
      %eq3A_252 = arith.cmpi eq, %arg0, %eq3A_251 : i32
      %convert_element_type3A_253 = arith.extui %eq3A_252 : i1 to i32
      %cond3A_254 = arith.constant 0 : i32
      %cond3A_255 = arith.cmpi ne, %convert_element_type3A_253, %cond3A_254 : i32
      scf.if %cond3A_255 {
        %dma_start3A = arith.constant 12 : i32
        %dma_start3A_323 = arith.constant 0 : i32
        %dma_start3A_324 = tpu.memref_slice %arg8[%dma_start3A, %dma_start3A_323] : memref<16x128xi32, #tpu.memory_space<vmem>> -> memref<1x128xi32, #tpu.memory_space<vmem>>
        %dma_start3A_325 = tpu.memref_squeeze %dma_start3A_324 : memref<1x128xi32, #tpu.memory_space<vmem>> -> memref<128xi32, #tpu.memory_space<vmem>>
        %dma_start3A_326 = arith.constant 0 : i32
        %dma_start3A_327 = arith.constant 0 : i32
        %dma_start3A_328 = tpu.memref_slice %arg2[%dma_start3A_326, %dma_start3A_327] : memref<10000x128xf32, #tpu.memory_space<hbm>> -> memref<10000x128xf32, #tpu.memory_space<hbm>>
        tpu.enqueue_indirect_dma source(%dma_start3A_328 : memref<10000x128xf32, #tpu.memory_space<hbm>>) target(%arg10 : memref<128x128xf32, #tpu.memory_space<vmem>>) offsets(%dma_start3A_325 : memref<128xi32, #tpu.memory_space<vmem>>) semaphore(%arg13 : memref<!tpu.dma_semaphore, #tpu.memory_space<semaphore_mem>>)
      } else {
      }
      %eq3A_256 = arith.constant 1 : i32
      %eq3A_257 = arith.cmpi eq, %arg0, %eq3A_256 : i32
      %convert_element_type3A_258 = arith.extui %eq3A_257 : i1 to i32
      %cond3A_259 = arith.constant 0 : i32
      %cond3A_260 = arith.cmpi ne, %convert_element_type3A_258, %cond3A_259 : i32
      scf.if %cond3A_260 {
        %dma_start3A = arith.constant 12 : i32
        %dma_start3A_323 = arith.constant 0 : i32
        %dma_start3A_324 = tpu.memref_slice %arg8[%dma_start3A, %dma_start3A_323] : memref<16x128xi32, #tpu.memory_space<vmem>> -> memref<1x128xi32, #tpu.memory_space<vmem>>
        %dma_start3A_325 = tpu.memref_squeeze %dma_start3A_324 : memref<1x128xi32, #tpu.memory_space<vmem>> -> memref<128xi32, #tpu.memory_space<vmem>>
        %dma_start3A_326 = arith.constant 0 : i32
        %dma_start3A_327 = arith.constant 0 : i32
        %dma_start3A_328 = tpu.memref_slice %arg3[%dma_start3A_326, %dma_start3A_327] : memref<10000x128xf32, #tpu.memory_space<hbm>> -> memref<10000x128xf32, #tpu.memory_space<hbm>>
        tpu.enqueue_indirect_dma source(%dma_start3A_328 : memref<10000x128xf32, #tpu.memory_space<hbm>>) target(%arg10 : memref<128x128xf32, #tpu.memory_space<vmem>>) offsets(%dma_start3A_325 : memref<128xi32, #tpu.memory_space<vmem>>) semaphore(%arg13 : memref<!tpu.dma_semaphore, #tpu.memory_space<semaphore_mem>>)
      } else {
      }
      %dma_wait3A_261 = arith.constant 0 : i32
      %dma_wait3A_262 = arith.constant 0 : i32
      %dma_wait3A_263 = tpu.memref_slice %arg8[%dma_wait3A_261, %dma_wait3A_262] : memref<16x128xi32, #tpu.memory_space<vmem>> -> memref<1x128xi32, #tpu.memory_space<vmem>>
      %dma_wait3A_264 = tpu.memref_squeeze %dma_wait3A_263 : memref<1x128xi32, #tpu.memory_space<vmem>> -> memref<128xi32, #tpu.memory_space<vmem>>
      %dma_wait3A_265 = arith.constant 0 : i32
      %dma_wait3A_266 = arith.constant 0 : i32
      %dma_wait3A_267 = tpu.memref_slice %arg2[%dma_wait3A_265, %dma_wait3A_266] : memref<10000x128xf32, #tpu.memory_space<hbm>> -> memref<10000x128xf32, #tpu.memory_space<hbm>>
      tpu.wait_indirect_dma semaphore(%arg13 : memref<!tpu.dma_semaphore, #tpu.memory_space<semaphore_mem>>) src(%dma_wait3A_267 : memref<10000x128xf32, #tpu.memory_space<hbm>>) dst(%arg10 : memref<128x128xf32, #tpu.memory_space<vmem>>)
      %run_scoped3A_268 = arith.constant 12 : i32
      "tpu.region"() ({
        %run_scoped3A_323 = tpu.sem_alloc : memref<!tpu.dma_semaphore, #tpu.memory_space<semaphore_mem>>
        %dma_start3A = arith.constant 0 : i32
        %dma_start3A_324 = tpu.memref_slice %arg9[%run_scoped3A_268, %dma_start3A] : memref<16x128xi32, #tpu.memory_space<vmem>> -> memref<1x128xi32, #tpu.memory_space<vmem>>
        %dma_start3A_325 = tpu.memref_squeeze %dma_start3A_324 : memref<1x128xi32, #tpu.memory_space<vmem>> -> memref<128xi32, #tpu.memory_space<vmem>>
        %dma_start3A_326 = arith.constant 0 : i32
        %dma_start3A_327 = arith.constant 0 : i32
        %dma_start3A_328 = tpu.memref_slice %arg12[%dma_start3A_326, %dma_start3A_327] : memref<10240x128xf32, #tpu.memory_space<vmem_shared>> -> memref<10240x128xf32, #tpu.memory_space<vmem_shared>>
        tpu.enqueue_indirect_dma source(%arg10 : memref<128x128xf32, #tpu.memory_space<vmem>>) target(%dma_start3A_328 : memref<10240x128xf32, #tpu.memory_space<vmem_shared>>) offsets(%dma_start3A_325 : memref<128xi32, #tpu.memory_space<vmem>>) semaphore(%run_scoped3A_323 : memref<!tpu.dma_semaphore, #tpu.memory_space<semaphore_mem>>) {add = true}
        %dma_wait3A_329 = arith.constant 0 : i32
        %dma_wait3A_330 = tpu.memref_slice %arg9[%run_scoped3A_268, %dma_wait3A_329] : memref<16x128xi32, #tpu.memory_space<vmem>> -> memref<1x128xi32, #tpu.memory_space<vmem>>
        %dma_wait3A_331 = tpu.memref_squeeze %dma_wait3A_330 : memref<1x128xi32, #tpu.memory_space<vmem>> -> memref<128xi32, #tpu.memory_space<vmem>>
        %dma_wait3A_332 = arith.constant 0 : i32
        %dma_wait3A_333 = arith.constant 0 : i32
        %dma_wait3A_334 = tpu.memref_slice %arg12[%dma_wait3A_332, %dma_wait3A_333] : memref<10240x128xf32, #tpu.memory_space<vmem_shared>> -> memref<10240x128xf32, #tpu.memory_space<vmem_shared>>
        tpu.wait_indirect_dma semaphore(%run_scoped3A_323 : memref<!tpu.dma_semaphore, #tpu.memory_space<semaphore_mem>>) src(%arg10 : memref<128x128xf32, #tpu.memory_space<vmem>>) dst(%dma_wait3A_334 : memref<10240x128xf32, #tpu.memory_space<vmem_shared>>)
        tpu.yield
      }) : () -> ()
      %eq3A_269 = arith.constant 0 : i32
      %eq3A_270 = arith.cmpi eq, %arg0, %eq3A_269 : i32
      %convert_element_type3A_271 = arith.extui %eq3A_270 : i1 to i32
      %cond3A_272 = arith.constant 0 : i32
      %cond3A_273 = arith.cmpi ne, %convert_element_type3A_271, %cond3A_272 : i32
      scf.if %cond3A_273 {
        %dma_start3A = arith.constant 13 : i32
        %dma_start3A_323 = arith.constant 0 : i32
        %dma_start3A_324 = tpu.memref_slice %arg8[%dma_start3A, %dma_start3A_323] : memref<16x128xi32, #tpu.memory_space<vmem>> -> memref<1x128xi32, #tpu.memory_space<vmem>>
        %dma_start3A_325 = tpu.memref_squeeze %dma_start3A_324 : memref<1x128xi32, #tpu.memory_space<vmem>> -> memref<128xi32, #tpu.memory_space<vmem>>
        %dma_start3A_326 = arith.constant 0 : i32
        %dma_start3A_327 = arith.constant 0 : i32
        %dma_start3A_328 = tpu.memref_slice %arg2[%dma_start3A_326, %dma_start3A_327] : memref<10000x128xf32, #tpu.memory_space<hbm>> -> memref<10000x128xf32, #tpu.memory_space<hbm>>
        tpu.enqueue_indirect_dma source(%dma_start3A_328 : memref<10000x128xf32, #tpu.memory_space<hbm>>) target(%arg10 : memref<128x128xf32, #tpu.memory_space<vmem>>) offsets(%dma_start3A_325 : memref<128xi32, #tpu.memory_space<vmem>>) semaphore(%arg13 : memref<!tpu.dma_semaphore, #tpu.memory_space<semaphore_mem>>)
      } else {
      }
      %eq3A_274 = arith.constant 1 : i32
      %eq3A_275 = arith.cmpi eq, %arg0, %eq3A_274 : i32
      %convert_element_type3A_276 = arith.extui %eq3A_275 : i1 to i32
      %cond3A_277 = arith.constant 0 : i32
      %cond3A_278 = arith.cmpi ne, %convert_element_type3A_276, %cond3A_277 : i32
      scf.if %cond3A_278 {
        %dma_start3A = arith.constant 13 : i32
        %dma_start3A_323 = arith.constant 0 : i32
        %dma_start3A_324 = tpu.memref_slice %arg8[%dma_start3A, %dma_start3A_323] : memref<16x128xi32, #tpu.memory_space<vmem>> -> memref<1x128xi32, #tpu.memory_space<vmem>>
        %dma_start3A_325 = tpu.memref_squeeze %dma_start3A_324 : memref<1x128xi32, #tpu.memory_space<vmem>> -> memref<128xi32, #tpu.memory_space<vmem>>
        %dma_start3A_326 = arith.constant 0 : i32
        %dma_start3A_327 = arith.constant 0 : i32
        %dma_start3A_328 = tpu.memref_slice %arg3[%dma_start3A_326, %dma_start3A_327] : memref<10000x128xf32, #tpu.memory_space<hbm>> -> memref<10000x128xf32, #tpu.memory_space<hbm>>
        tpu.enqueue_indirect_dma source(%dma_start3A_328 : memref<10000x128xf32, #tpu.memory_space<hbm>>) target(%arg10 : memref<128x128xf32, #tpu.memory_space<vmem>>) offsets(%dma_start3A_325 : memref<128xi32, #tpu.memory_space<vmem>>) semaphore(%arg13 : memref<!tpu.dma_semaphore, #tpu.memory_space<semaphore_mem>>)
      } else {
      }
      %dma_wait3A_279 = arith.constant 0 : i32
      %dma_wait3A_280 = arith.constant 0 : i32
      %dma_wait3A_281 = tpu.memref_slice %arg8[%dma_wait3A_279, %dma_wait3A_280] : memref<16x128xi32, #tpu.memory_space<vmem>> -> memref<1x128xi32, #tpu.memory_space<vmem>>
      %dma_wait3A_282 = tpu.memref_squeeze %dma_wait3A_281 : memref<1x128xi32, #tpu.memory_space<vmem>> -> memref<128xi32, #tpu.memory_space<vmem>>
      %dma_wait3A_283 = arith.constant 0 : i32
      %dma_wait3A_284 = arith.constant 0 : i32
      %dma_wait3A_285 = tpu.memref_slice %arg2[%dma_wait3A_283, %dma_wait3A_284] : memref<10000x128xf32, #tpu.memory_space<hbm>> -> memref<10000x128xf32, #tpu.memory_space<hbm>>
      tpu.wait_indirect_dma semaphore(%arg13 : memref<!tpu.dma_semaphore, #tpu.memory_space<semaphore_mem>>) src(%dma_wait3A_285 : memref<10000x128xf32, #tpu.memory_space<hbm>>) dst(%arg10 : memref<128x128xf32, #tpu.memory_space<vmem>>)
      %run_scoped3A_286 = arith.constant 13 : i32
      "tpu.region"() ({
        %run_scoped3A_323 = tpu.sem_alloc : memref<!tpu.dma_semaphore, #tpu.memory_space<semaphore_mem>>
        %dma_start3A = arith.constant 0 : i32
        %dma_start3A_324 = tpu.memref_slice %arg9[%run_scoped3A_286, %dma_start3A] : memref<16x128xi32, #tpu.memory_space<vmem>> -> memref<1x128xi32, #tpu.memory_space<vmem>>
        %dma_start3A_325 = tpu.memref_squeeze %dma_start3A_324 : memref<1x128xi32, #tpu.memory_space<vmem>> -> memref<128xi32, #tpu.memory_space<vmem>>
        %dma_start3A_326 = arith.constant 0 : i32
        %dma_start3A_327 = arith.constant 0 : i32
        %dma_start3A_328 = tpu.memref_slice %arg12[%dma_start3A_326, %dma_start3A_327] : memref<10240x128xf32, #tpu.memory_space<vmem_shared>> -> memref<10240x128xf32, #tpu.memory_space<vmem_shared>>
        tpu.enqueue_indirect_dma source(%arg10 : memref<128x128xf32, #tpu.memory_space<vmem>>) target(%dma_start3A_328 : memref<10240x128xf32, #tpu.memory_space<vmem_shared>>) offsets(%dma_start3A_325 : memref<128xi32, #tpu.memory_space<vmem>>) semaphore(%run_scoped3A_323 : memref<!tpu.dma_semaphore, #tpu.memory_space<semaphore_mem>>) {add = true}
        %dma_wait3A_329 = arith.constant 0 : i32
        %dma_wait3A_330 = tpu.memref_slice %arg9[%run_scoped3A_286, %dma_wait3A_329] : memref<16x128xi32, #tpu.memory_space<vmem>> -> memref<1x128xi32, #tpu.memory_space<vmem>>
        %dma_wait3A_331 = tpu.memref_squeeze %dma_wait3A_330 : memref<1x128xi32, #tpu.memory_space<vmem>> -> memref<128xi32, #tpu.memory_space<vmem>>
        %dma_wait3A_332 = arith.constant 0 : i32
        %dma_wait3A_333 = arith.constant 0 : i32
        %dma_wait3A_334 = tpu.memref_slice %arg12[%dma_wait3A_332, %dma_wait3A_333] : memref<10240x128xf32, #tpu.memory_space<vmem_shared>> -> memref<10240x128xf32, #tpu.memory_space<vmem_shared>>
        tpu.wait_indirect_dma semaphore(%run_scoped3A_323 : memref<!tpu.dma_semaphore, #tpu.memory_space<semaphore_mem>>) src(%arg10 : memref<128x128xf32, #tpu.memory_space<vmem>>) dst(%dma_wait3A_334 : memref<10240x128xf32, #tpu.memory_space<vmem_shared>>)
        tpu.yield
      }) : () -> ()
      %eq3A_287 = arith.constant 0 : i32
      %eq3A_288 = arith.cmpi eq, %arg0, %eq3A_287 : i32
      %convert_element_type3A_289 = arith.extui %eq3A_288 : i1 to i32
      %cond3A_290 = arith.constant 0 : i32
      %cond3A_291 = arith.cmpi ne, %convert_element_type3A_289, %cond3A_290 : i32
      scf.if %cond3A_291 {
        %dma_start3A = arith.constant 14 : i32
        %dma_start3A_323 = arith.constant 0 : i32
        %dma_start3A_324 = tpu.memref_slice %arg8[%dma_start3A, %dma_start3A_323] : memref<16x128xi32, #tpu.memory_space<vmem>> -> memref<1x128xi32, #tpu.memory_space<vmem>>
        %dma_start3A_325 = tpu.memref_squeeze %dma_start3A_324 : memref<1x128xi32, #tpu.memory_space<vmem>> -> memref<128xi32, #tpu.memory_space<vmem>>
        %dma_start3A_326 = arith.constant 0 : i32
        %dma_start3A_327 = arith.constant 0 : i32
        %dma_start3A_328 = tpu.memref_slice %arg2[%dma_start3A_326, %dma_start3A_327] : memref<10000x128xf32, #tpu.memory_space<hbm>> -> memref<10000x128xf32, #tpu.memory_space<hbm>>
        tpu.enqueue_indirect_dma source(%dma_start3A_328 : memref<10000x128xf32, #tpu.memory_space<hbm>>) target(%arg10 : memref<128x128xf32, #tpu.memory_space<vmem>>) offsets(%dma_start3A_325 : memref<128xi32, #tpu.memory_space<vmem>>) semaphore(%arg13 : memref<!tpu.dma_semaphore, #tpu.memory_space<semaphore_mem>>)
      } else {
      }
      %eq3A_292 = arith.constant 1 : i32
      %eq3A_293 = arith.cmpi eq, %arg0, %eq3A_292 : i32
      %convert_element_type3A_294 = arith.extui %eq3A_293 : i1 to i32
      %cond3A_295 = arith.constant 0 : i32
      %cond3A_296 = arith.cmpi ne, %convert_element_type3A_294, %cond3A_295 : i32
      scf.if %cond3A_296 {
        %dma_start3A = arith.constant 14 : i32
        %dma_start3A_323 = arith.constant 0 : i32
        %dma_start3A_324 = tpu.memref_slice %arg8[%dma_start3A, %dma_start3A_323] : memref<16x128xi32, #tpu.memory_space<vmem>> -> memref<1x128xi32, #tpu.memory_space<vmem>>
        %dma_start3A_325 = tpu.memref_squeeze %dma_start3A_324 : memref<1x128xi32, #tpu.memory_space<vmem>> -> memref<128xi32, #tpu.memory_space<vmem>>
        %dma_start3A_326 = arith.constant 0 : i32
        %dma_start3A_327 = arith.constant 0 : i32
        %dma_start3A_328 = tpu.memref_slice %arg3[%dma_start3A_326, %dma_start3A_327] : memref<10000x128xf32, #tpu.memory_space<hbm>> -> memref<10000x128xf32, #tpu.memory_space<hbm>>
        tpu.enqueue_indirect_dma source(%dma_start3A_328 : memref<10000x128xf32, #tpu.memory_space<hbm>>) target(%arg10 : memref<128x128xf32, #tpu.memory_space<vmem>>) offsets(%dma_start3A_325 : memref<128xi32, #tpu.memory_space<vmem>>) semaphore(%arg13 : memref<!tpu.dma_semaphore, #tpu.memory_space<semaphore_mem>>)
      } else {
      }
      %dma_wait3A_297 = arith.constant 0 : i32
      %dma_wait3A_298 = arith.constant 0 : i32
      %dma_wait3A_299 = tpu.memref_slice %arg8[%dma_wait3A_297, %dma_wait3A_298] : memref<16x128xi32, #tpu.memory_space<vmem>> -> memref<1x128xi32, #tpu.memory_space<vmem>>
      %dma_wait3A_300 = tpu.memref_squeeze %dma_wait3A_299 : memref<1x128xi32, #tpu.memory_space<vmem>> -> memref<128xi32, #tpu.memory_space<vmem>>
      %dma_wait3A_301 = arith.constant 0 : i32
      %dma_wait3A_302 = arith.constant 0 : i32
      %dma_wait3A_303 = tpu.memref_slice %arg2[%dma_wait3A_301, %dma_wait3A_302] : memref<10000x128xf32, #tpu.memory_space<hbm>> -> memref<10000x128xf32, #tpu.memory_space<hbm>>
      tpu.wait_indirect_dma semaphore(%arg13 : memref<!tpu.dma_semaphore, #tpu.memory_space<semaphore_mem>>) src(%dma_wait3A_303 : memref<10000x128xf32, #tpu.memory_space<hbm>>) dst(%arg10 : memref<128x128xf32, #tpu.memory_space<vmem>>)
      %run_scoped3A_304 = arith.constant 14 : i32
      "tpu.region"() ({
        %run_scoped3A_323 = tpu.sem_alloc : memref<!tpu.dma_semaphore, #tpu.memory_space<semaphore_mem>>
        %dma_start3A = arith.constant 0 : i32
        %dma_start3A_324 = tpu.memref_slice %arg9[%run_scoped3A_304, %dma_start3A] : memref<16x128xi32, #tpu.memory_space<vmem>> -> memref<1x128xi32, #tpu.memory_space<vmem>>
        %dma_start3A_325 = tpu.memref_squeeze %dma_start3A_324 : memref<1x128xi32, #tpu.memory_space<vmem>> -> memref<128xi32, #tpu.memory_space<vmem>>
        %dma_start3A_326 = arith.constant 0 : i32
        %dma_start3A_327 = arith.constant 0 : i32
        %dma_start3A_328 = tpu.memref_slice %arg12[%dma_start3A_326, %dma_start3A_327] : memref<10240x128xf32, #tpu.memory_space<vmem_shared>> -> memref<10240x128xf32, #tpu.memory_space<vmem_shared>>
        tpu.enqueue_indirect_dma source(%arg10 : memref<128x128xf32, #tpu.memory_space<vmem>>) target(%dma_start3A_328 : memref<10240x128xf32, #tpu.memory_space<vmem_shared>>) offsets(%dma_start3A_325 : memref<128xi32, #tpu.memory_space<vmem>>) semaphore(%run_scoped3A_323 : memref<!tpu.dma_semaphore, #tpu.memory_space<semaphore_mem>>) {add = true}
        %dma_wait3A_329 = arith.constant 0 : i32
        %dma_wait3A_330 = tpu.memref_slice %arg9[%run_scoped3A_304, %dma_wait3A_329] : memref<16x128xi32, #tpu.memory_space<vmem>> -> memref<1x128xi32, #tpu.memory_space<vmem>>
        %dma_wait3A_331 = tpu.memref_squeeze %dma_wait3A_330 : memref<1x128xi32, #tpu.memory_space<vmem>> -> memref<128xi32, #tpu.memory_space<vmem>>
        %dma_wait3A_332 = arith.constant 0 : i32
        %dma_wait3A_333 = arith.constant 0 : i32
        %dma_wait3A_334 = tpu.memref_slice %arg12[%dma_wait3A_332, %dma_wait3A_333] : memref<10240x128xf32, #tpu.memory_space<vmem_shared>> -> memref<10240x128xf32, #tpu.memory_space<vmem_shared>>
        tpu.wait_indirect_dma semaphore(%run_scoped3A_323 : memref<!tpu.dma_semaphore, #tpu.memory_space<semaphore_mem>>) src(%arg10 : memref<128x128xf32, #tpu.memory_space<vmem>>) dst(%dma_wait3A_334 : memref<10240x128xf32, #tpu.memory_space<vmem_shared>>)
        tpu.yield
      }) : () -> ()
      %eq3A_305 = arith.constant 0 : i32
      %eq3A_306 = arith.cmpi eq, %arg0, %eq3A_305 : i32
      %convert_element_type3A_307 = arith.extui %eq3A_306 : i1 to i32
      %cond3A_308 = arith.constant 0 : i32
      %cond3A_309 = arith.cmpi ne, %convert_element_type3A_307, %cond3A_308 : i32
      scf.if %cond3A_309 {
        %dma_start3A = arith.constant 15 : i32
        %dma_start3A_323 = arith.constant 0 : i32
        %dma_start3A_324 = tpu.memref_slice %arg8[%dma_start3A, %dma_start3A_323] : memref<16x128xi32, #tpu.memory_space<vmem>> -> memref<1x128xi32, #tpu.memory_space<vmem>>
        %dma_start3A_325 = tpu.memref_squeeze %dma_start3A_324 : memref<1x128xi32, #tpu.memory_space<vmem>> -> memref<128xi32, #tpu.memory_space<vmem>>
        %dma_start3A_326 = arith.constant 0 : i32
        %dma_start3A_327 = arith.constant 0 : i32
        %dma_start3A_328 = tpu.memref_slice %arg2[%dma_start3A_326, %dma_start3A_327] : memref<10000x128xf32, #tpu.memory_space<hbm>> -> memref<10000x128xf32, #tpu.memory_space<hbm>>
        tpu.enqueue_indirect_dma source(%dma_start3A_328 : memref<10000x128xf32, #tpu.memory_space<hbm>>) target(%arg10 : memref<128x128xf32, #tpu.memory_space<vmem>>) offsets(%dma_start3A_325 : memref<128xi32, #tpu.memory_space<vmem>>) semaphore(%arg13 : memref<!tpu.dma_semaphore, #tpu.memory_space<semaphore_mem>>)
      } else {
      }
      %eq3A_310 = arith.constant 1 : i32
      %eq3A_311 = arith.cmpi eq, %arg0, %eq3A_310 : i32
      %convert_element_type3A_312 = arith.extui %eq3A_311 : i1 to i32
      %cond3A_313 = arith.constant 0 : i32
      %cond3A_314 = arith.cmpi ne, %convert_element_type3A_312, %cond3A_313 : i32
      scf.if %cond3A_314 {
        %dma_start3A = arith.constant 15 : i32
        %dma_start3A_323 = arith.constant 0 : i32
        %dma_start3A_324 = tpu.memref_slice %arg8[%dma_start3A, %dma_start3A_323] : memref<16x128xi32, #tpu.memory_space<vmem>> -> memref<1x128xi32, #tpu.memory_space<vmem>>
        %dma_start3A_325 = tpu.memref_squeeze %dma_start3A_324 : memref<1x128xi32, #tpu.memory_space<vmem>> -> memref<128xi32, #tpu.memory_space<vmem>>
        %dma_start3A_326 = arith.constant 0 : i32
        %dma_start3A_327 = arith.constant 0 : i32
        %dma_start3A_328 = tpu.memref_slice %arg3[%dma_start3A_326, %dma_start3A_327] : memref<10000x128xf32, #tpu.memory_space<hbm>> -> memref<10000x128xf32, #tpu.memory_space<hbm>>
        tpu.enqueue_indirect_dma source(%dma_start3A_328 : memref<10000x128xf32, #tpu.memory_space<hbm>>) target(%arg10 : memref<128x128xf32, #tpu.memory_space<vmem>>) offsets(%dma_start3A_325 : memref<128xi32, #tpu.memory_space<vmem>>) semaphore(%arg13 : memref<!tpu.dma_semaphore, #tpu.memory_space<semaphore_mem>>)
      } else {
      }
      %dma_wait3A_315 = arith.constant 0 : i32
      %dma_wait3A_316 = arith.constant 0 : i32
      %dma_wait3A_317 = tpu.memref_slice %arg8[%dma_wait3A_315, %dma_wait3A_316] : memref<16x128xi32, #tpu.memory_space<vmem>> -> memref<1x128xi32, #tpu.memory_space<vmem>>
      %dma_wait3A_318 = tpu.memref_squeeze %dma_wait3A_317 : memref<1x128xi32, #tpu.memory_space<vmem>> -> memref<128xi32, #tpu.memory_space<vmem>>
      %dma_wait3A_319 = arith.constant 0 : i32
      %dma_wait3A_320 = arith.constant 0 : i32
      %dma_wait3A_321 = tpu.memref_slice %arg2[%dma_wait3A_319, %dma_wait3A_320] : memref<10000x128xf32, #tpu.memory_space<hbm>> -> memref<10000x128xf32, #tpu.memory_space<hbm>>
      tpu.wait_indirect_dma semaphore(%arg13 : memref<!tpu.dma_semaphore, #tpu.memory_space<semaphore_mem>>) src(%dma_wait3A_321 : memref<10000x128xf32, #tpu.memory_space<hbm>>) dst(%arg10 : memref<128x128xf32, #tpu.memory_space<vmem>>)
      %run_scoped3A_322 = arith.constant 15 : i32
      "tpu.region"() ({
        %run_scoped3A_323 = tpu.sem_alloc : memref<!tpu.dma_semaphore, #tpu.memory_space<semaphore_mem>>
        %dma_start3A = arith.constant 0 : i32
        %dma_start3A_324 = tpu.memref_slice %arg9[%run_scoped3A_322, %dma_start3A] : memref<16x128xi32, #tpu.memory_space<vmem>> -> memref<1x128xi32, #tpu.memory_space<vmem>>
        %dma_start3A_325 = tpu.memref_squeeze %dma_start3A_324 : memref<1x128xi32, #tpu.memory_space<vmem>> -> memref<128xi32, #tpu.memory_space<vmem>>
        %dma_start3A_326 = arith.constant 0 : i32
        %dma_start3A_327 = arith.constant 0 : i32
        %dma_start3A_328 = tpu.memref_slice %arg12[%dma_start3A_326, %dma_start3A_327] : memref<10240x128xf32, #tpu.memory_space<vmem_shared>> -> memref<10240x128xf32, #tpu.memory_space<vmem_shared>>
        tpu.enqueue_indirect_dma source(%arg10 : memref<128x128xf32, #tpu.memory_space<vmem>>) target(%dma_start3A_328 : memref<10240x128xf32, #tpu.memory_space<vmem_shared>>) offsets(%dma_start3A_325 : memref<128xi32, #tpu.memory_space<vmem>>) semaphore(%run_scoped3A_323 : memref<!tpu.dma_semaphore, #tpu.memory_space<semaphore_mem>>) {add = true}
        %dma_wait3A_329 = arith.constant 0 : i32
        %dma_wait3A_330 = tpu.memref_slice %arg9[%run_scoped3A_322, %dma_wait3A_329] : memref<16x128xi32, #tpu.memory_space<vmem>> -> memref<1x128xi32, #tpu.memory_space<vmem>>
        %dma_wait3A_331 = tpu.memref_squeeze %dma_wait3A_330 : memref<1x128xi32, #tpu.memory_space<vmem>> -> memref<128xi32, #tpu.memory_space<vmem>>
        %dma_wait3A_332 = arith.constant 0 : i32
        %dma_wait3A_333 = arith.constant 0 : i32
        %dma_wait3A_334 = tpu.memref_slice %arg12[%dma_wait3A_332, %dma_wait3A_333] : memref<10240x128xf32, #tpu.memory_space<vmem_shared>> -> memref<10240x128xf32, #tpu.memory_space<vmem_shared>>
        tpu.wait_indirect_dma semaphore(%run_scoped3A_323 : memref<!tpu.dma_semaphore, #tpu.memory_space<semaphore_mem>>) src(%arg10 : memref<128x128xf32, #tpu.memory_space<vmem>>) dst(%dma_wait3A_334 : memref<10240x128xf32, #tpu.memory_space<vmem_shared>>)
        tpu.yield
      }) : () -> ()
    }
    %scan3A_18 = arith.constant 10 : i32
    %barrier3A_19 = arith.constant 0 : index
    tpu.barrier barrier_id(%barrier3A_19)
    %eq3A = arith.constant 0 : i32
    %eq3A_20 = arith.cmpi eq, %arg0, %eq3A : i32
    %convert_element_type3A = arith.extui %eq3A_20 : i1 to i32
    %cond3A = arith.constant 0 : i32
    %cond3A_21 = arith.cmpi ne, %convert_element_type3A, %cond3A : i32
    scf.if %cond3A_21 {
      %mul3A_27 = arith.constant 640 : i32
      %mul3A_28 = arith.muli %arg1, %mul3A_27 : i32
      %mul3A_29 = arith.constant 640 : i32
      %mul3A_30 = arith.muli %arg1, %mul3A_29 : i32
      "tpu.region"() ({
        %run_scoped3A = tpu.sem_alloc : memref<!tpu.dma_semaphore, #tpu.memory_space<semaphore_mem>>
        %dma_start3A = arith.constant 0 : i32
        %dma_start3A_31 = tpu.memref_slice %arg6[%mul3A_30, %dma_start3A] : memref<10240x128xf32, #tpu.memory_space<hbm>> -> memref<640x128xf32, #tpu.memory_space<hbm>>
        %dma_start3A_32 = arith.constant 0 : i32
        %dma_start3A_33 = tpu.memref_slice %arg12[%mul3A_28, %dma_start3A_32] : memref<10240x128xf32, #tpu.memory_space<vmem_shared>> -> memref<640x128xf32, #tpu.memory_space<vmem_shared>>
        tpu.enqueue_dma source(%dma_start3A_33 : memref<640x128xf32, #tpu.memory_space<vmem_shared>>) target(%dma_start3A_31 : memref<640x128xf32, #tpu.memory_space<hbm>>) target_semaphore(%run_scoped3A : memref<!tpu.dma_semaphore, #tpu.memory_space<semaphore_mem>>)
        %dma_wait3A = arith.constant 0 : i32
        %dma_wait3A_34 = tpu.memref_slice %arg6[%mul3A_30, %dma_wait3A] : memref<10240x128xf32, #tpu.memory_space<hbm>> -> memref<640x128xf32, #tpu.memory_space<hbm>>
        %dma_wait3A_35 = arith.constant 0 : i32
        %dma_wait3A_36 = tpu.memref_slice %arg12[%mul3A_28, %dma_wait3A_35] : memref<10240x128xf32, #tpu.memory_space<vmem_shared>> -> memref<640x128xf32, #tpu.memory_space<vmem_shared>>
        tpu.wait_dma2 semaphore(%run_scoped3A : memref<!tpu.dma_semaphore, #tpu.memory_space<semaphore_mem>>) src(%dma_wait3A_36 : memref<640x128xf32, #tpu.memory_space<vmem_shared>>) dst(%dma_wait3A_34 : memref<640x128xf32, #tpu.memory_space<hbm>>)
        tpu.yield
      }) : () -> ()
    } else {
    }
    %eq3A_22 = arith.constant 1 : i32
    %eq3A_23 = arith.cmpi eq, %arg0, %eq3A_22 : i32
    %convert_element_type3A_24 = arith.extui %eq3A_23 : i1 to i32
    %cond3A_25 = arith.constant 0 : i32
    %cond3A_26 = arith.cmpi ne, %convert_element_type3A_24, %cond3A_25 : i32
    scf.if %cond3A_26 {
      %mul3A_27 = arith.constant 640 : i32
      %mul3A_28 = arith.muli %arg1, %mul3A_27 : i32
      %mul3A_29 = arith.constant 640 : i32
      %mul3A_30 = arith.muli %arg1, %mul3A_29 : i32
      "tpu.region"() ({
        %run_scoped3A = tpu.sem_alloc : memref<!tpu.dma_semaphore, #tpu.memory_space<semaphore_mem>>
        %dma_start3A = arith.constant 0 : i32
        %dma_start3A_31 = tpu.memref_slice %arg7[%mul3A_30, %dma_start3A] : memref<10240x128xf32, #tpu.memory_space<hbm>> -> memref<640x128xf32, #tpu.memory_space<hbm>>
        %dma_start3A_32 = arith.constant 0 : i32
        %dma_start3A_33 = tpu.memref_slice %arg12[%mul3A_28, %dma_start3A_32] : memref<10240x128xf32, #tpu.memory_space<vmem_shared>> -> memref<640x128xf32, #tpu.memory_space<vmem_shared>>
        tpu.enqueue_dma source(%dma_start3A_33 : memref<640x128xf32, #tpu.memory_space<vmem_shared>>) target(%dma_start3A_31 : memref<640x128xf32, #tpu.memory_space<hbm>>) target_semaphore(%run_scoped3A : memref<!tpu.dma_semaphore, #tpu.memory_space<semaphore_mem>>)
        %dma_wait3A = arith.constant 0 : i32
        %dma_wait3A_34 = tpu.memref_slice %arg7[%mul3A_30, %dma_wait3A] : memref<10240x128xf32, #tpu.memory_space<hbm>> -> memref<640x128xf32, #tpu.memory_space<hbm>>
        %dma_wait3A_35 = arith.constant 0 : i32
        %dma_wait3A_36 = tpu.memref_slice %arg12[%mul3A_28, %dma_wait3A_35] : memref<10240x128xf32, #tpu.memory_space<vmem_shared>> -> memref<640x128xf32, #tpu.memory_space<vmem_shared>>
        tpu.wait_dma2 semaphore(%run_scoped3A : memref<!tpu.dma_semaphore, #tpu.memory_space<semaphore_mem>>) src(%dma_wait3A_36 : memref<640x128xf32, #tpu.memory_space<vmem_shared>>) dst(%dma_wait3A_34 : memref<640x128xf32, #tpu.memory_space<hbm>>)
        tpu.yield
      }) : () -> ()
    } else {
    }
    return
  }
}

#map = affine_map<(d0, d1) -> (0, 0)>
module attributes {stable_mosaic.version = 14 : i64} {
  func.func @_sc_aggregate_body(%arg0: i32, %arg1: i32, %arg2: memref<10000x128xf32, #tpu.memory_space<hbm>>, %arg3: memref<10000x128xf32, #tpu.memory_space<hbm>>, %arg4: memref<2560x128xi32, #tpu.memory_space<hbm>>, %arg5: memref<2560x128xi32, #tpu.memory_space<hbm>>, %arg6: memref<10240x128xf32, #tpu.memory_space<hbm>>, %arg7: memref<10240x128xf32, #tpu.memory_space<hbm>>, %arg8: memref<16x128xi32, #tpu.memory_space<vmem>>, %arg9: memref<16x128xi32, #tpu.memory_space<vmem>>, %arg10: memref<128x128xf32, #tpu.memory_space<vmem>>, %arg11: memref<128x128xf32, #tpu.memory_space<vmem>>, %arg12: memref<10240x128xf32, #tpu.memory_space<vmem_shared>>, %arg13: memref<!tpu.dma_semaphore, #tpu.memory_space<semaphore_mem>>, %arg14: memref<!tpu.dma_semaphore, #tpu.memory_space<semaphore_mem>>) attributes {dimension_semantics = [#tpu.dimension_semantics<core_parallel>, #tpu.dimension_semantics<subcore_parallel>], iteration_bounds = array<i64: 2, 16>, scalar_prefetch = 0 : i64, scratch_operands = 7 : i64, tpu.core_type = #tpu.core_type<sc_vector_subcore>, window_params = [{transform_indices = #map}, {transform_indices = #map}, {transform_indices = #map}, {transform_indices = #map}, {transform_indices = #map}, {transform_indices = #map}]} {
    %scan3A = arith.constant 0 : i32
    %scan3A_0 = arith.constant 128 : i32
    %scan3A_1 = arith.addi %scan3A, %scan3A_0 : i32
    %scan3A_2 = arith.constant 1 : i32
    scf.for %scan3A_27 = %scan3A to %scan3A_1 step %scan3A_2  : i32 {
      %mul3A_28 = arith.constant 1 : i32
      %mul3A_29 = arith.muli %scan3A_27, %mul3A_28 : i32
      %add3A_30 = arith.constant 0 : i32
      %add3A_31 = arith.addi %add3A_30, %mul3A_29 : i32
      %scan3A_32 = arith.constant 0 : i32
      %scan3A_33 = arith.constant 8 : i32
      %scan3A_34 = arith.addi %scan3A_32, %scan3A_33 : i32
      %scan3A_35 = arith.constant 1 : i32
      scf.for %scan3A_37 = %scan3A_32 to %scan3A_34 step %scan3A_35  : i32 {
        %mul3A_38 = arith.constant 1 : i32
        %mul3A_39 = arith.muli %scan3A_37, %mul3A_38 : i32
        %add3A_40 = arith.constant 0 : i32
        %add3A_41 = arith.addi %add3A_40, %mul3A_39 : i32
        %broadcast_in_dim3A = arith.constant 0.000000e+00 : f32
        %broadcast_in_dim3A_42 = vector.broadcast %broadcast_in_dim3A : f32 to vector<16xf32>
        %mul3A_43 = arith.constant 16 : i32
        %mul3A_44 = arith.muli %add3A_41, %mul3A_43 : i32
        %swap3A = arith.index_cast %add3A_31 : i32 to index
        %swap3A_45 = arith.index_cast %mul3A_44 : i32 to index
        %swap3A_46 = tpu.vector_load %arg10[%swap3A, %swap3A_45] {strides = array<i32>} : memref<128x128xf32, #tpu.memory_space<vmem>>, vector<1x16xf32>,
        %swap3A_47 = vector.shape_cast %swap3A_46 : vector<1x16xf32> to vector<16xf32>
        %swap3A_48 = vector.shape_cast %broadcast_in_dim3A_42 : vector<16xf32> to vector<1x16xf32>
        tpu.vector_store %arg10[%swap3A, %swap3A_45], %swap3A_48 {strides = array<i32>} : memref<128x128xf32, #tpu.memory_space<vmem>>, vector<1x16xf32>,
      }
      %scan3A_36 = arith.constant 8 : i32
    }
    %scan3A_3 = arith.constant 128 : i32
    %mul3A = arith.constant 640 : i32
    %mul3A_4 = arith.muli %arg1, %mul3A : i32
    %add3A = arith.constant 0 : i32
    %add3A_5 = arith.addi %mul3A_4, %add3A : i32
    "tpu.region"() ({
      %run_scoped3A = tpu.sem_alloc : memref<!tpu.dma_semaphore, #tpu.memory_space<semaphore_mem>>
      %dma_start3A = arith.constant 0 : i32
      %dma_start3A_27 = tpu.memref_slice %arg12[%add3A_5, %dma_start3A] : memref<10240x128xf32, #tpu.memory_space<vmem_shared>> -> memref<128x128xf32, #tpu.memory_space<vmem_shared>>
      %dma_start3A_28 = arith.constant 0 : i32
      %dma_start3A_29 = tpu.memref_slice %arg12[%add3A_5, %dma_start3A_28] : memref<10240x128xf32, #tpu.memory_space<vmem_shared>> -> memref<128x128xf32, #tpu.memory_space<vmem_shared>>
      tpu.enqueue_dma source(%arg10 : memref<128x128xf32, #tpu.memory_space<vmem>>) target(%dma_start3A_29 : memref<128x128xf32, #tpu.memory_space<vmem_shared>>) target_semaphore(%run_scoped3A : memref<!tpu.dma_semaphore, #tpu.memory_space<semaphore_mem>>)
      %dma_wait3A = arith.constant 0 : i32
      %dma_wait3A_30 = tpu.memref_slice %arg12[%add3A_5, %dma_wait3A] : memref<10240x128xf32, #tpu.memory_space<vmem_shared>> -> memref<128x128xf32, #tpu.memory_space<vmem_shared>>
      %dma_wait3A_31 = arith.constant 0 : i32
      %dma_wait3A_32 = tpu.memref_slice %arg12[%add3A_5, %dma_wait3A_31] : memref<10240x128xf32, #tpu.memory_space<vmem_shared>> -> memref<128x128xf32, #tpu.memory_space<vmem_shared>>
      tpu.wait_dma2 semaphore(%run_scoped3A : memref<!tpu.dma_semaphore, #tpu.memory_space<semaphore_mem>>) src(%arg10 : memref<128x128xf32, #tpu.memory_space<vmem>>) dst(%dma_wait3A_32 : memref<128x128xf32, #tpu.memory_space<vmem_shared>>)
      tpu.yield
    }) : () -> ()
    %add3A_6 = arith.constant 128 : i32
    %add3A_7 = arith.addi %mul3A_4, %add3A_6 : i32
    "tpu.region"() ({
      %run_scoped3A = tpu.sem_alloc : memref<!tpu.dma_semaphore, #tpu.memory_space<semaphore_mem>>
      %dma_start3A = arith.constant 0 : i32
      %dma_start3A_27 = tpu.memref_slice %arg12[%add3A_7, %dma_start3A] : memref<10240x128xf32, #tpu.memory_space<vmem_shared>> -> memref<128x128xf32, #tpu.memory_space<vmem_shared>>
      %dma_start3A_28 = arith.constant 0 : i32
      %dma_start3A_29 = tpu.memref_slice %arg12[%add3A_7, %dma_start3A_28] : memref<10240x128xf32, #tpu.memory_space<vmem_shared>> -> memref<128x128xf32, #tpu.memory_space<vmem_shared>>
      tpu.enqueue_dma source(%arg10 : memref<128x128xf32, #tpu.memory_space<vmem>>) target(%dma_start3A_29 : memref<128x128xf32, #tpu.memory_space<vmem_shared>>) target_semaphore(%run_scoped3A : memref<!tpu.dma_semaphore, #tpu.memory_space<semaphore_mem>>)
      %dma_wait3A = arith.constant 0 : i32
      %dma_wait3A_30 = tpu.memref_slice %arg12[%add3A_7, %dma_wait3A] : memref<10240x128xf32, #tpu.memory_space<vmem_shared>> -> memref<128x128xf32, #tpu.memory_space<vmem_shared>>
      %dma_wait3A_31 = arith.constant 0 : i32
      %dma_wait3A_32 = tpu.memref_slice %arg12[%add3A_7, %dma_wait3A_31] : memref<10240x128xf32, #tpu.memory_space<vmem_shared>> -> memref<128x128xf32, #tpu.memory_space<vmem_shared>>
      tpu.wait_dma2 semaphore(%run_scoped3A : memref<!tpu.dma_semaphore, #tpu.memory_space<semaphore_mem>>) src(%arg10 : memref<128x128xf32, #tpu.memory_space<vmem>>) dst(%dma_wait3A_32 : memref<128x128xf32, #tpu.memory_space<vmem_shared>>)
      tpu.yield
    }) : () -> ()
    %add3A_8 = arith.constant 256 : i32
    %add3A_9 = arith.addi %mul3A_4, %add3A_8 : i32
    "tpu.region"() ({
      %run_scoped3A = tpu.sem_alloc : memref<!tpu.dma_semaphore, #tpu.memory_space<semaphore_mem>>
      %dma_start3A = arith.constant 0 : i32
      %dma_start3A_27 = tpu.memref_slice %arg12[%add3A_9, %dma_start3A] : memref<10240x128xf32, #tpu.memory_space<vmem_shared>> -> memref<128x128xf32, #tpu.memory_space<vmem_shared>>
      %dma_start3A_28 = arith.constant 0 : i32
      %dma_start3A_29 = tpu.memref_slice %arg12[%add3A_9, %dma_start3A_28] : memref<10240x128xf32, #tpu.memory_space<vmem_shared>> -> memref<128x128xf32, #tpu.memory_space<vmem_shared>>
      tpu.enqueue_dma source(%arg10 : memref<128x128xf32, #tpu.memory_space<vmem>>) target(%dma_start3A_29 : memref<128x128xf32, #tpu.memory_space<vmem_shared>>) target_semaphore(%run_scoped3A : memref<!tpu.dma_semaphore, #tpu.memory_space<semaphore_mem>>)
      %dma_wait3A = arith.constant 0 : i32
      %dma_wait3A_30 = tpu.memref_slice %arg12[%add3A_9, %dma_wait3A] : memref<10240x128xf32, #tpu.memory_space<vmem_shared>> -> memref<128x128xf32, #tpu.memory_space<vmem_shared>>
      %dma_wait3A_31 = arith.constant 0 : i32
      %dma_wait3A_32 = tpu.memref_slice %arg12[%add3A_9, %dma_wait3A_31] : memref<10240x128xf32, #tpu.memory_space<vmem_shared>> -> memref<128x128xf32, #tpu.memory_space<vmem_shared>>
      tpu.wait_dma2 semaphore(%run_scoped3A : memref<!tpu.dma_semaphore, #tpu.memory_space<semaphore_mem>>) src(%arg10 : memref<128x128xf32, #tpu.memory_space<vmem>>) dst(%dma_wait3A_32 : memref<128x128xf32, #tpu.memory_space<vmem_shared>>)
      tpu.yield
    }) : () -> ()
    %add3A_10 = arith.constant 384 : i32
    %add3A_11 = arith.addi %mul3A_4, %add3A_10 : i32
    "tpu.region"() ({
      %run_scoped3A = tpu.sem_alloc : memref<!tpu.dma_semaphore, #tpu.memory_space<semaphore_mem>>
      %dma_start3A = arith.constant 0 : i32
      %dma_start3A_27 = tpu.memref_slice %arg12[%add3A_11, %dma_start3A] : memref<10240x128xf32, #tpu.memory_space<vmem_shared>> -> memref<128x128xf32, #tpu.memory_space<vmem_shared>>
      %dma_start3A_28 = arith.constant 0 : i32
      %dma_start3A_29 = tpu.memref_slice %arg12[%add3A_11, %dma_start3A_28] : memref<10240x128xf32, #tpu.memory_space<vmem_shared>> -> memref<128x128xf32, #tpu.memory_space<vmem_shared>>
      tpu.enqueue_dma source(%arg10 : memref<128x128xf32, #tpu.memory_space<vmem>>) target(%dma_start3A_29 : memref<128x128xf32, #tpu.memory_space<vmem_shared>>) target_semaphore(%run_scoped3A : memref<!tpu.dma_semaphore, #tpu.memory_space<semaphore_mem>>)
      %dma_wait3A = arith.constant 0 : i32
      %dma_wait3A_30 = tpu.memref_slice %arg12[%add3A_11, %dma_wait3A] : memref<10240x128xf32, #tpu.memory_space<vmem_shared>> -> memref<128x128xf32, #tpu.memory_space<vmem_shared>>
      %dma_wait3A_31 = arith.constant 0 : i32
      %dma_wait3A_32 = tpu.memref_slice %arg12[%add3A_11, %dma_wait3A_31] : memref<10240x128xf32, #tpu.memory_space<vmem_shared>> -> memref<128x128xf32, #tpu.memory_space<vmem_shared>>
      tpu.wait_dma2 semaphore(%run_scoped3A : memref<!tpu.dma_semaphore, #tpu.memory_space<semaphore_mem>>) src(%arg10 : memref<128x128xf32, #tpu.memory_space<vmem>>) dst(%dma_wait3A_32 : memref<128x128xf32, #tpu.memory_space<vmem_shared>>)
      tpu.yield
    }) : () -> ()
    %add3A_12 = arith.constant 512 : i32
    %add3A_13 = arith.addi %mul3A_4, %add3A_12 : i32
    "tpu.region"() ({
      %run_scoped3A = tpu.sem_alloc : memref<!tpu.dma_semaphore, #tpu.memory_space<semaphore_mem>>
      %dma_start3A = arith.constant 0 : i32
      %dma_start3A_27 = tpu.memref_slice %arg12[%add3A_13, %dma_start3A] : memref<10240x128xf32, #tpu.memory_space<vmem_shared>> -> memref<128x128xf32, #tpu.memory_space<vmem_shared>>
      %dma_start3A_28 = arith.constant 0 : i32
      %dma_start3A_29 = tpu.memref_slice %arg12[%add3A_13, %dma_start3A_28] : memref<10240x128xf32, #tpu.memory_space<vmem_shared>> -> memref<128x128xf32, #tpu.memory_space<vmem_shared>>
      tpu.enqueue_dma source(%arg10 : memref<128x128xf32, #tpu.memory_space<vmem>>) target(%dma_start3A_29 : memref<128x128xf32, #tpu.memory_space<vmem_shared>>) target_semaphore(%run_scoped3A : memref<!tpu.dma_semaphore, #tpu.memory_space<semaphore_mem>>)
      %dma_wait3A = arith.constant 0 : i32
      %dma_wait3A_30 = tpu.memref_slice %arg12[%add3A_13, %dma_wait3A] : memref<10240x128xf32, #tpu.memory_space<vmem_shared>> -> memref<128x128xf32, #tpu.memory_space<vmem_shared>>
      %dma_wait3A_31 = arith.constant 0 : i32
      %dma_wait3A_32 = tpu.memref_slice %arg12[%add3A_13, %dma_wait3A_31] : memref<10240x128xf32, #tpu.memory_space<vmem_shared>> -> memref<128x128xf32, #tpu.memory_space<vmem_shared>>
      tpu.wait_dma2 semaphore(%run_scoped3A : memref<!tpu.dma_semaphore, #tpu.memory_space<semaphore_mem>>) src(%arg10 : memref<128x128xf32, #tpu.memory_space<vmem>>) dst(%dma_wait3A_32 : memref<128x128xf32, #tpu.memory_space<vmem_shared>>)
      tpu.yield
    }) : () -> ()
    %barrier3A = arith.constant 0 : index
    tpu.barrier barrier_id(%barrier3A)
    %scan3A_14 = arith.constant 0 : i32
    %scan3A_15 = arith.constant 10 : i32
    %scan3A_16 = arith.addi %scan3A_14, %scan3A_15 : i32
    %scan3A_17 = arith.constant 1 : i32
    scf.for %scan3A_27 = %scan3A_14 to %scan3A_16 step %scan3A_17  : i32 {
      %mul3A_28 = arith.constant 1 : i32
      %mul3A_29 = arith.muli %scan3A_27, %mul3A_28 : i32
      %add3A_30 = arith.constant 0 : i32
      %add3A_31 = arith.addi %add3A_30, %mul3A_29 : i32
      %mul3A_32 = arith.constant 160 : i32
      %mul3A_33 = arith.muli %arg1, %mul3A_32 : i32
      %mul3A_34 = arith.constant 16 : i32
      %mul3A_35 = arith.muli %add3A_31, %mul3A_34 : i32
      %add3A_36 = arith.addi %mul3A_33, %mul3A_35 : i32
      "tpu.region"() ({
        %run_scoped3A_323 = tpu.sem_alloc : memref<!tpu.dma_semaphore, #tpu.memory_space<semaphore_mem>>
        %dma_start3A = arith.constant 0 : i32
        %dma_start3A_324 = tpu.memref_slice %arg4[%add3A_36, %dma_start3A] : memref<2560x128xi32, #tpu.memory_space<hbm>> -> memref<16x128xi32, #tpu.memory_space<hbm>>
        %dma_start3A_325 = arith.constant 0 : i32
        %dma_start3A_326 = tpu.memref_slice %arg4[%add3A_36, %dma_start3A_325] : memref<2560x128xi32, #tpu.memory_space<hbm>> -> memref<16x128xi32, #tpu.memory_space<hbm>>
        tpu.enqueue_dma source(%dma_start3A_326 : memref<16x128xi32, #tpu.memory_space<hbm>>) target(%arg8 : memref<16x128xi32, #tpu.memory_space<vmem>>) target_semaphore(%run_scoped3A_323 : memref<!tpu.dma_semaphore, #tpu.memory_space<semaphore_mem>>)
        %dma_wait3A_327 = arith.constant 0 : i32
        %dma_wait3A_328 = tpu.memref_slice %arg4[%add3A_36, %dma_wait3A_327] : memref<2560x128xi32, #tpu.memory_space<hbm>> -> memref<16x128xi32, #tpu.memory_space<hbm>>
        %dma_wait3A_329 = arith.constant 0 : i32
        %dma_wait3A_330 = tpu.memref_slice %arg4[%add3A_36, %dma_wait3A_329] : memref<2560x128xi32, #tpu.memory_space<hbm>> -> memref<16x128xi32, #tpu.memory_space<hbm>>
        tpu.wait_dma2 semaphore(%run_scoped3A_323 : memref<!tpu.dma_semaphore, #tpu.memory_space<semaphore_mem>>) src(%dma_wait3A_330 : memref<16x128xi32, #tpu.memory_space<hbm>>) dst(%arg8 : memref<16x128xi32, #tpu.memory_space<vmem>>)
        tpu.yield
      }) : () -> ()
      "tpu.region"() ({
        %run_scoped3A_323 = tpu.sem_alloc : memref<!tpu.dma_semaphore, #tpu.memory_space<semaphore_mem>>
        %dma_start3A = arith.constant 0 : i32
        %dma_start3A_324 = tpu.memref_slice %arg5[%add3A_36, %dma_start3A] : memref<2560x128xi32, #tpu.memory_space<hbm>> -> memref<16x128xi32, #tpu.memory_space<hbm>>
        %dma_start3A_325 = arith.constant 0 : i32
        %dma_start3A_326 = tpu.memref_slice %arg5[%add3A_36, %dma_start3A_325] : memref<2560x128xi32, #tpu.memory_space<hbm>> -> memref<16x128xi32, #tpu.memory_space<hbm>>
        tpu.enqueue_dma source(%dma_start3A_326 : memref<16x128xi32, #tpu.memory_space<hbm>>) target(%arg9 : memref<16x128xi32, #tpu.memory_space<vmem>>) target_semaphore(%run_scoped3A_323 : memref<!tpu.dma_semaphore, #tpu.memory_space<semaphore_mem>>)
        %dma_wait3A_327 = arith.constant 0 : i32
        %dma_wait3A_328 = tpu.memref_slice %arg5[%add3A_36, %dma_wait3A_327] : memref<2560x128xi32, #tpu.memory_space<hbm>> -> memref<16x128xi32, #tpu.memory_space<hbm>>
        %dma_wait3A_329 = arith.constant 0 : i32
        %dma_wait3A_330 = tpu.memref_slice %arg5[%add3A_36, %dma_wait3A_329] : memref<2560x128xi32, #tpu.memory_space<hbm>> -> memref<16x128xi32, #tpu.memory_space<hbm>>
        tpu.wait_dma2 semaphore(%run_scoped3A_323 : memref<!tpu.dma_semaphore, #tpu.memory_space<semaphore_mem>>) src(%dma_wait3A_330 : memref<16x128xi32, #tpu.memory_space<hbm>>) dst(%arg9 : memref<16x128xi32, #tpu.memory_space<vmem>>)
        tpu.yield
      }) : () -> ()
      %eq3A_37 = arith.constant 0 : i32
      %eq3A_38 = arith.cmpi eq, %arg0, %eq3A_37 : i32
      %convert_element_type3A_39 = arith.extui %eq3A_38 : i1 to i32
      %cond3A_40 = arith.constant 0 : i32
      %cond3A_41 = arith.cmpi ne, %convert_element_type3A_39, %cond3A_40 : i32
      scf.if %cond3A_41 {
        %dma_start3A = arith.constant 0 : i32
        %dma_start3A_323 = arith.constant 0 : i32
        %dma_start3A_324 = tpu.memref_slice %arg8[%dma_start3A, %dma_start3A_323] : memref<16x128xi32, #tpu.memory_space<vmem>> -> memref<1x128xi32, #tpu.memory_space<vmem>>
        %dma_start3A_325 = tpu.memref_squeeze %dma_start3A_324 : memref<1x128xi32, #tpu.memory_space<vmem>> -> memref<128xi32, #tpu.memory_space<vmem>>
        %dma_start3A_326 = arith.constant 0 : i32
        %dma_start3A_327 = arith.constant 0 : i32
        %dma_start3A_328 = tpu.memref_slice %arg2[%dma_start3A_326, %dma_start3A_327] : memref<10000x128xf32, #tpu.memory_space<hbm>> -> memref<10000x128xf32, #tpu.memory_space<hbm>>
        tpu.enqueue_indirect_dma source(%dma_start3A_328 : memref<10000x128xf32, #tpu.memory_space<hbm>>) target(%arg10 : memref<128x128xf32, #tpu.memory_space<vmem>>) offsets(%dma_start3A_325 : memref<128xi32, #tpu.memory_space<vmem>>) semaphore(%arg13 : memref<!tpu.dma_semaphore, #tpu.memory_space<semaphore_mem>>)
      } else {
      }
      %eq3A_42 = arith.constant 1 : i32
      %eq3A_43 = arith.cmpi eq, %arg0, %eq3A_42 : i32
      %convert_element_type3A_44 = arith.extui %eq3A_43 : i1 to i32
      %cond3A_45 = arith.constant 0 : i32
      %cond3A_46 = arith.cmpi ne, %convert_element_type3A_44, %cond3A_45 : i32
      scf.if %cond3A_46 {
        %dma_start3A = arith.constant 0 : i32
        %dma_start3A_323 = arith.constant 0 : i32
        %dma_start3A_324 = tpu.memref_slice %arg8[%dma_start3A, %dma_start3A_323] : memref<16x128xi32, #tpu.memory_space<vmem>> -> memref<1x128xi32, #tpu.memory_space<vmem>>
        %dma_start3A_325 = tpu.memref_squeeze %dma_start3A_324 : memref<1x128xi32, #tpu.memory_space<vmem>> -> memref<128xi32, #tpu.memory_space<vmem>>
        %dma_start3A_326 = arith.constant 0 : i32
        %dma_start3A_327 = arith.constant 0 : i32
        %dma_start3A_328 = tpu.memref_slice %arg3[%dma_start3A_326, %dma_start3A_327] : memref<10000x128xf32, #tpu.memory_space<hbm>> -> memref<10000x128xf32, #tpu.memory_space<hbm>>
        tpu.enqueue_indirect_dma source(%dma_start3A_328 : memref<10000x128xf32, #tpu.memory_space<hbm>>) target(%arg10 : memref<128x128xf32, #tpu.memory_space<vmem>>) offsets(%dma_start3A_325 : memref<128xi32, #tpu.memory_space<vmem>>) semaphore(%arg13 : memref<!tpu.dma_semaphore, #tpu.memory_space<semaphore_mem>>)
      } else {
      }
      %dma_wait3A = arith.constant 0 : i32
      %dma_wait3A_47 = arith.constant 0 : i32
      %dma_wait3A_48 = tpu.memref_slice %arg8[%dma_wait3A, %dma_wait3A_47] : memref<16x128xi32, #tpu.memory_space<vmem>> -> memref<1x128xi32, #tpu.memory_space<vmem>>
      %dma_wait3A_49 = tpu.memref_squeeze %dma_wait3A_48 : memref<1x128xi32, #tpu.memory_space<vmem>> -> memref<128xi32, #tpu.memory_space<vmem>>
      %dma_wait3A_50 = arith.constant 0 : i32
      %dma_wait3A_51 = arith.constant 0 : i32
      %dma_wait3A_52 = tpu.memref_slice %arg2[%dma_wait3A_50, %dma_wait3A_51] : memref<10000x128xf32, #tpu.memory_space<hbm>> -> memref<10000x128xf32, #tpu.memory_space<hbm>>
      tpu.wait_indirect_dma semaphore(%arg13 : memref<!tpu.dma_semaphore, #tpu.memory_space<semaphore_mem>>) src(%dma_wait3A_52 : memref<10000x128xf32, #tpu.memory_space<hbm>>) dst(%arg10 : memref<128x128xf32, #tpu.memory_space<vmem>>)
      %run_scoped3A = arith.constant 0 : i32
      "tpu.region"() ({
        %run_scoped3A_323 = tpu.sem_alloc : memref<!tpu.dma_semaphore, #tpu.memory_space<semaphore_mem>>
        %dma_start3A = arith.constant 0 : i32
        %dma_start3A_324 = tpu.memref_slice %arg9[%run_scoped3A, %dma_start3A] : memref<16x128xi32, #tpu.memory_space<vmem>> -> memref<1x128xi32, #tpu.memory_space<vmem>>
        %dma_start3A_325 = tpu.memref_squeeze %dma_start3A_324 : memref<1x128xi32, #tpu.memory_space<vmem>> -> memref<128xi32, #tpu.memory_space<vmem>>
        %dma_start3A_326 = arith.constant 0 : i32
        %dma_start3A_327 = arith.constant 0 : i32
        %dma_start3A_328 = tpu.memref_slice %arg12[%dma_start3A_326, %dma_start3A_327] : memref<10240x128xf32, #tpu.memory_space<vmem_shared>> -> memref<10240x128xf32, #tpu.memory_space<vmem_shared>>
        tpu.enqueue_indirect_dma source(%arg10 : memref<128x128xf32, #tpu.memory_space<vmem>>) target(%dma_start3A_328 : memref<10240x128xf32, #tpu.memory_space<vmem_shared>>) offsets(%dma_start3A_325 : memref<128xi32, #tpu.memory_space<vmem>>) semaphore(%run_scoped3A_323 : memref<!tpu.dma_semaphore, #tpu.memory_space<semaphore_mem>>) {add = true}
        %dma_wait3A_329 = arith.constant 0 : i32
        %dma_wait3A_330 = tpu.memref_slice %arg9[%run_scoped3A, %dma_wait3A_329] : memref<16x128xi32, #tpu.memory_space<vmem>> -> memref<1x128xi32, #tpu.memory_space<vmem>>
        %dma_wait3A_331 = tpu.memref_squeeze %dma_wait3A_330 : memref<1x128xi32, #tpu.memory_space<vmem>> -> memref<128xi32, #tpu.memory_space<vmem>>
        %dma_wait3A_332 = arith.constant 0 : i32
        %dma_wait3A_333 = arith.constant 0 : i32
        %dma_wait3A_334 = tpu.memref_slice %arg12[%dma_wait3A_332, %dma_wait3A_333] : memref<10240x128xf32, #tpu.memory_space<vmem_shared>> -> memref<10240x128xf32, #tpu.memory_space<vmem_shared>>
        tpu.wait_indirect_dma semaphore(%run_scoped3A_323 : memref<!tpu.dma_semaphore, #tpu.memory_space<semaphore_mem>>) src(%arg10 : memref<128x128xf32, #tpu.memory_space<vmem>>) dst(%dma_wait3A_334 : memref<10240x128xf32, #tpu.memory_space<vmem_shared>>)
        tpu.yield
      }) : () -> ()
      %eq3A_53 = arith.constant 0 : i32
      %eq3A_54 = arith.cmpi eq, %arg0, %eq3A_53 : i32
      %convert_element_type3A_55 = arith.extui %eq3A_54 : i1 to i32
      %cond3A_56 = arith.constant 0 : i32
      %cond3A_57 = arith.cmpi ne, %convert_element_type3A_55, %cond3A_56 : i32
      scf.if %cond3A_57 {
        %dma_start3A = arith.constant 1 : i32
        %dma_start3A_323 = arith.constant 0 : i32
        %dma_start3A_324 = tpu.memref_slice %arg8[%dma_start3A, %dma_start3A_323] : memref<16x128xi32, #tpu.memory_space<vmem>> -> memref<1x128xi32, #tpu.memory_space<vmem>>
        %dma_start3A_325 = tpu.memref_squeeze %dma_start3A_324 : memref<1x128xi32, #tpu.memory_space<vmem>> -> memref<128xi32, #tpu.memory_space<vmem>>
        %dma_start3A_326 = arith.constant 0 : i32
        %dma_start3A_327 = arith.constant 0 : i32
        %dma_start3A_328 = tpu.memref_slice %arg2[%dma_start3A_326, %dma_start3A_327] : memref<10000x128xf32, #tpu.memory_space<hbm>> -> memref<10000x128xf32, #tpu.memory_space<hbm>>
        tpu.enqueue_indirect_dma source(%dma_start3A_328 : memref<10000x128xf32, #tpu.memory_space<hbm>>) target(%arg10 : memref<128x128xf32, #tpu.memory_space<vmem>>) offsets(%dma_start3A_325 : memref<128xi32, #tpu.memory_space<vmem>>) semaphore(%arg13 : memref<!tpu.dma_semaphore, #tpu.memory_space<semaphore_mem>>)
      } else {
      }
      %eq3A_58 = arith.constant 1 : i32
      %eq3A_59 = arith.cmpi eq, %arg0, %eq3A_58 : i32
      %convert_element_type3A_60 = arith.extui %eq3A_59 : i1 to i32
      %cond3A_61 = arith.constant 0 : i32
      %cond3A_62 = arith.cmpi ne, %convert_element_type3A_60, %cond3A_61 : i32
      scf.if %cond3A_62 {
        %dma_start3A = arith.constant 1 : i32
        %dma_start3A_323 = arith.constant 0 : i32
        %dma_start3A_324 = tpu.memref_slice %arg8[%dma_start3A, %dma_start3A_323] : memref<16x128xi32, #tpu.memory_space<vmem>> -> memref<1x128xi32, #tpu.memory_space<vmem>>
        %dma_start3A_325 = tpu.memref_squeeze %dma_start3A_324 : memref<1x128xi32, #tpu.memory_space<vmem>> -> memref<128xi32, #tpu.memory_space<vmem>>
        %dma_start3A_326 = arith.constant 0 : i32
        %dma_start3A_327 = arith.constant 0 : i32
        %dma_start3A_328 = tpu.memref_slice %arg3[%dma_start3A_326, %dma_start3A_327] : memref<10000x128xf32, #tpu.memory_space<hbm>> -> memref<10000x128xf32, #tpu.memory_space<hbm>>
        tpu.enqueue_indirect_dma source(%dma_start3A_328 : memref<10000x128xf32, #tpu.memory_space<hbm>>) target(%arg10 : memref<128x128xf32, #tpu.memory_space<vmem>>) offsets(%dma_start3A_325 : memref<128xi32, #tpu.memory_space<vmem>>) semaphore(%arg13 : memref<!tpu.dma_semaphore, #tpu.memory_space<semaphore_mem>>)
      } else {
      }
      %dma_wait3A_63 = arith.constant 0 : i32
      %dma_wait3A_64 = arith.constant 0 : i32
      %dma_wait3A_65 = tpu.memref_slice %arg8[%dma_wait3A_63, %dma_wait3A_64] : memref<16x128xi32, #tpu.memory_space<vmem>> -> memref<1x128xi32, #tpu.memory_space<vmem>>
      %dma_wait3A_66 = tpu.memref_squeeze %dma_wait3A_65 : memref<1x128xi32, #tpu.memory_space<vmem>> -> memref<128xi32, #tpu.memory_space<vmem>>
      %dma_wait3A_67 = arith.constant 0 : i32
      %dma_wait3A_68 = arith.constant 0 : i32
      %dma_wait3A_69 = tpu.memref_slice %arg2[%dma_wait3A_67, %dma_wait3A_68] : memref<10000x128xf32, #tpu.memory_space<hbm>> -> memref<10000x128xf32, #tpu.memory_space<hbm>>
      tpu.wait_indirect_dma semaphore(%arg13 : memref<!tpu.dma_semaphore, #tpu.memory_space<semaphore_mem>>) src(%dma_wait3A_69 : memref<10000x128xf32, #tpu.memory_space<hbm>>) dst(%arg10 : memref<128x128xf32, #tpu.memory_space<vmem>>)
      %run_scoped3A_70 = arith.constant 1 : i32
      "tpu.region"() ({
        %run_scoped3A_323 = tpu.sem_alloc : memref<!tpu.dma_semaphore, #tpu.memory_space<semaphore_mem>>
        %dma_start3A = arith.constant 0 : i32
        %dma_start3A_324 = tpu.memref_slice %arg9[%run_scoped3A_70, %dma_start3A] : memref<16x128xi32, #tpu.memory_space<vmem>> -> memref<1x128xi32, #tpu.memory_space<vmem>>
        %dma_start3A_325 = tpu.memref_squeeze %dma_start3A_324 : memref<1x128xi32, #tpu.memory_space<vmem>> -> memref<128xi32, #tpu.memory_space<vmem>>
        %dma_start3A_326 = arith.constant 0 : i32
        %dma_start3A_327 = arith.constant 0 : i32
        %dma_start3A_328 = tpu.memref_slice %arg12[%dma_start3A_326, %dma_start3A_327] : memref<10240x128xf32, #tpu.memory_space<vmem_shared>> -> memref<10240x128xf32, #tpu.memory_space<vmem_shared>>
        tpu.enqueue_indirect_dma source(%arg10 : memref<128x128xf32, #tpu.memory_space<vmem>>) target(%dma_start3A_328 : memref<10240x128xf32, #tpu.memory_space<vmem_shared>>) offsets(%dma_start3A_325 : memref<128xi32, #tpu.memory_space<vmem>>) semaphore(%run_scoped3A_323 : memref<!tpu.dma_semaphore, #tpu.memory_space<semaphore_mem>>) {add = true}
        %dma_wait3A_329 = arith.constant 0 : i32
        %dma_wait3A_330 = tpu.memref_slice %arg9[%run_scoped3A_70, %dma_wait3A_329] : memref<16x128xi32, #tpu.memory_space<vmem>> -> memref<1x128xi32, #tpu.memory_space<vmem>>
        %dma_wait3A_331 = tpu.memref_squeeze %dma_wait3A_330 : memref<1x128xi32, #tpu.memory_space<vmem>> -> memref<128xi32, #tpu.memory_space<vmem>>
        %dma_wait3A_332 = arith.constant 0 : i32
        %dma_wait3A_333 = arith.constant 0 : i32
        %dma_wait3A_334 = tpu.memref_slice %arg12[%dma_wait3A_332, %dma_wait3A_333] : memref<10240x128xf32, #tpu.memory_space<vmem_shared>> -> memref<10240x128xf32, #tpu.memory_space<vmem_shared>>
        tpu.wait_indirect_dma semaphore(%run_scoped3A_323 : memref<!tpu.dma_semaphore, #tpu.memory_space<semaphore_mem>>) src(%arg10 : memref<128x128xf32, #tpu.memory_space<vmem>>) dst(%dma_wait3A_334 : memref<10240x128xf32, #tpu.memory_space<vmem_shared>>)
        tpu.yield
      }) : () -> ()
      %eq3A_71 = arith.constant 0 : i32
      %eq3A_72 = arith.cmpi eq, %arg0, %eq3A_71 : i32
      %convert_element_type3A_73 = arith.extui %eq3A_72 : i1 to i32
      %cond3A_74 = arith.constant 0 : i32
      %cond3A_75 = arith.cmpi ne, %convert_element_type3A_73, %cond3A_74 : i32
      scf.if %cond3A_75 {
        %dma_start3A = arith.constant 2 : i32
        %dma_start3A_323 = arith.constant 0 : i32
        %dma_start3A_324 = tpu.memref_slice %arg8[%dma_start3A, %dma_start3A_323] : memref<16x128xi32, #tpu.memory_space<vmem>> -> memref<1x128xi32, #tpu.memory_space<vmem>>
        %dma_start3A_325 = tpu.memref_squeeze %dma_start3A_324 : memref<1x128xi32, #tpu.memory_space<vmem>> -> memref<128xi32, #tpu.memory_space<vmem>>
        %dma_start3A_326 = arith.constant 0 : i32
        %dma_start3A_327 = arith.constant 0 : i32
        %dma_start3A_328 = tpu.memref_slice %arg2[%dma_start3A_326, %dma_start3A_327] : memref<10000x128xf32, #tpu.memory_space<hbm>> -> memref<10000x128xf32, #tpu.memory_space<hbm>>
        tpu.enqueue_indirect_dma source(%dma_start3A_328 : memref<10000x128xf32, #tpu.memory_space<hbm>>) target(%arg10 : memref<128x128xf32, #tpu.memory_space<vmem>>) offsets(%dma_start3A_325 : memref<128xi32, #tpu.memory_space<vmem>>) semaphore(%arg13 : memref<!tpu.dma_semaphore, #tpu.memory_space<semaphore_mem>>)
      } else {
      }
      %eq3A_76 = arith.constant 1 : i32
      %eq3A_77 = arith.cmpi eq, %arg0, %eq3A_76 : i32
      %convert_element_type3A_78 = arith.extui %eq3A_77 : i1 to i32
      %cond3A_79 = arith.constant 0 : i32
      %cond3A_80 = arith.cmpi ne, %convert_element_type3A_78, %cond3A_79 : i32
      scf.if %cond3A_80 {
        %dma_start3A = arith.constant 2 : i32
        %dma_start3A_323 = arith.constant 0 : i32
        %dma_start3A_324 = tpu.memref_slice %arg8[%dma_start3A, %dma_start3A_323] : memref<16x128xi32, #tpu.memory_space<vmem>> -> memref<1x128xi32, #tpu.memory_space<vmem>>
        %dma_start3A_325 = tpu.memref_squeeze %dma_start3A_324 : memref<1x128xi32, #tpu.memory_space<vmem>> -> memref<128xi32, #tpu.memory_space<vmem>>
        %dma_start3A_326 = arith.constant 0 : i32
        %dma_start3A_327 = arith.constant 0 : i32
        %dma_start3A_328 = tpu.memref_slice %arg3[%dma_start3A_326, %dma_start3A_327] : memref<10000x128xf32, #tpu.memory_space<hbm>> -> memref<10000x128xf32, #tpu.memory_space<hbm>>
        tpu.enqueue_indirect_dma source(%dma_start3A_328 : memref<10000x128xf32, #tpu.memory_space<hbm>>) target(%arg10 : memref<128x128xf32, #tpu.memory_space<vmem>>) offsets(%dma_start3A_325 : memref<128xi32, #tpu.memory_space<vmem>>) semaphore(%arg13 : memref<!tpu.dma_semaphore, #tpu.memory_space<semaphore_mem>>)
      } else {
      }
      %dma_wait3A_81 = arith.constant 0 : i32
      %dma_wait3A_82 = arith.constant 0 : i32
      %dma_wait3A_83 = tpu.memref_slice %arg8[%dma_wait3A_81, %dma_wait3A_82] : memref<16x128xi32, #tpu.memory_space<vmem>> -> memref<1x128xi32, #tpu.memory_space<vmem>>
      %dma_wait3A_84 = tpu.memref_squeeze %dma_wait3A_83 : memref<1x128xi32, #tpu.memory_space<vmem>> -> memref<128xi32, #tpu.memory_space<vmem>>
      %dma_wait3A_85 = arith.constant 0 : i32
      %dma_wait3A_86 = arith.constant 0 : i32
      %dma_wait3A_87 = tpu.memref_slice %arg2[%dma_wait3A_85, %dma_wait3A_86] : memref<10000x128xf32, #tpu.memory_space<hbm>> -> memref<10000x128xf32, #tpu.memory_space<hbm>>
      tpu.wait_indirect_dma semaphore(%arg13 : memref<!tpu.dma_semaphore, #tpu.memory_space<semaphore_mem>>) src(%dma_wait3A_87 : memref<10000x128xf32, #tpu.memory_space<hbm>>) dst(%arg10 : memref<128x128xf32, #tpu.memory_space<vmem>>)
      %run_scoped3A_88 = arith.constant 2 : i32
      "tpu.region"() ({
        %run_scoped3A_323 = tpu.sem_alloc : memref<!tpu.dma_semaphore, #tpu.memory_space<semaphore_mem>>
        %dma_start3A = arith.constant 0 : i32
        %dma_start3A_324 = tpu.memref_slice %arg9[%run_scoped3A_88, %dma_start3A] : memref<16x128xi32, #tpu.memory_space<vmem>> -> memref<1x128xi32, #tpu.memory_space<vmem>>
        %dma_start3A_325 = tpu.memref_squeeze %dma_start3A_324 : memref<1x128xi32, #tpu.memory_space<vmem>> -> memref<128xi32, #tpu.memory_space<vmem>>
        %dma_start3A_326 = arith.constant 0 : i32
        %dma_start3A_327 = arith.constant 0 : i32
        %dma_start3A_328 = tpu.memref_slice %arg12[%dma_start3A_326, %dma_start3A_327] : memref<10240x128xf32, #tpu.memory_space<vmem_shared>> -> memref<10240x128xf32, #tpu.memory_space<vmem_shared>>
        tpu.enqueue_indirect_dma source(%arg10 : memref<128x128xf32, #tpu.memory_space<vmem>>) target(%dma_start3A_328 : memref<10240x128xf32, #tpu.memory_space<vmem_shared>>) offsets(%dma_start3A_325 : memref<128xi32, #tpu.memory_space<vmem>>) semaphore(%run_scoped3A_323 : memref<!tpu.dma_semaphore, #tpu.memory_space<semaphore_mem>>) {add = true}
        %dma_wait3A_329 = arith.constant 0 : i32
        %dma_wait3A_330 = tpu.memref_slice %arg9[%run_scoped3A_88, %dma_wait3A_329] : memref<16x128xi32, #tpu.memory_space<vmem>> -> memref<1x128xi32, #tpu.memory_space<vmem>>
        %dma_wait3A_331 = tpu.memref_squeeze %dma_wait3A_330 : memref<1x128xi32, #tpu.memory_space<vmem>> -> memref<128xi32, #tpu.memory_space<vmem>>
        %dma_wait3A_332 = arith.constant 0 : i32
        %dma_wait3A_333 = arith.constant 0 : i32
        %dma_wait3A_334 = tpu.memref_slice %arg12[%dma_wait3A_332, %dma_wait3A_333] : memref<10240x128xf32, #tpu.memory_space<vmem_shared>> -> memref<10240x128xf32, #tpu.memory_space<vmem_shared>>
        tpu.wait_indirect_dma semaphore(%run_scoped3A_323 : memref<!tpu.dma_semaphore, #tpu.memory_space<semaphore_mem>>) src(%arg10 : memref<128x128xf32, #tpu.memory_space<vmem>>) dst(%dma_wait3A_334 : memref<10240x128xf32, #tpu.memory_space<vmem_shared>>)
        tpu.yield
      }) : () -> ()
      %eq3A_89 = arith.constant 0 : i32
      %eq3A_90 = arith.cmpi eq, %arg0, %eq3A_89 : i32
      %convert_element_type3A_91 = arith.extui %eq3A_90 : i1 to i32
      %cond3A_92 = arith.constant 0 : i32
      %cond3A_93 = arith.cmpi ne, %convert_element_type3A_91, %cond3A_92 : i32
      scf.if %cond3A_93 {
        %dma_start3A = arith.constant 3 : i32
        %dma_start3A_323 = arith.constant 0 : i32
        %dma_start3A_324 = tpu.memref_slice %arg8[%dma_start3A, %dma_start3A_323] : memref<16x128xi32, #tpu.memory_space<vmem>> -> memref<1x128xi32, #tpu.memory_space<vmem>>
        %dma_start3A_325 = tpu.memref_squeeze %dma_start3A_324 : memref<1x128xi32, #tpu.memory_space<vmem>> -> memref<128xi32, #tpu.memory_space<vmem>>
        %dma_start3A_326 = arith.constant 0 : i32
        %dma_start3A_327 = arith.constant 0 : i32
        %dma_start3A_328 = tpu.memref_slice %arg2[%dma_start3A_326, %dma_start3A_327] : memref<10000x128xf32, #tpu.memory_space<hbm>> -> memref<10000x128xf32, #tpu.memory_space<hbm>>
        tpu.enqueue_indirect_dma source(%dma_start3A_328 : memref<10000x128xf32, #tpu.memory_space<hbm>>) target(%arg10 : memref<128x128xf32, #tpu.memory_space<vmem>>) offsets(%dma_start3A_325 : memref<128xi32, #tpu.memory_space<vmem>>) semaphore(%arg13 : memref<!tpu.dma_semaphore, #tpu.memory_space<semaphore_mem>>)
      } else {
      }
      %eq3A_94 = arith.constant 1 : i32
      %eq3A_95 = arith.cmpi eq, %arg0, %eq3A_94 : i32
      %convert_element_type3A_96 = arith.extui %eq3A_95 : i1 to i32
      %cond3A_97 = arith.constant 0 : i32
      %cond3A_98 = arith.cmpi ne, %convert_element_type3A_96, %cond3A_97 : i32
      scf.if %cond3A_98 {
        %dma_start3A = arith.constant 3 : i32
        %dma_start3A_323 = arith.constant 0 : i32
        %dma_start3A_324 = tpu.memref_slice %arg8[%dma_start3A, %dma_start3A_323] : memref<16x128xi32, #tpu.memory_space<vmem>> -> memref<1x128xi32, #tpu.memory_space<vmem>>
        %dma_start3A_325 = tpu.memref_squeeze %dma_start3A_324 : memref<1x128xi32, #tpu.memory_space<vmem>> -> memref<128xi32, #tpu.memory_space<vmem>>
        %dma_start3A_326 = arith.constant 0 : i32
        %dma_start3A_327 = arith.constant 0 : i32
        %dma_start3A_328 = tpu.memref_slice %arg3[%dma_start3A_326, %dma_start3A_327] : memref<10000x128xf32, #tpu.memory_space<hbm>> -> memref<10000x128xf32, #tpu.memory_space<hbm>>
        tpu.enqueue_indirect_dma source(%dma_start3A_328 : memref<10000x128xf32, #tpu.memory_space<hbm>>) target(%arg10 : memref<128x128xf32, #tpu.memory_space<vmem>>) offsets(%dma_start3A_325 : memref<128xi32, #tpu.memory_space<vmem>>) semaphore(%arg13 : memref<!tpu.dma_semaphore, #tpu.memory_space<semaphore_mem>>)
      } else {
      }
      %dma_wait3A_99 = arith.constant 0 : i32
      %dma_wait3A_100 = arith.constant 0 : i32
      %dma_wait3A_101 = tpu.memref_slice %arg8[%dma_wait3A_99, %dma_wait3A_100] : memref<16x128xi32, #tpu.memory_space<vmem>> -> memref<1x128xi32, #tpu.memory_space<vmem>>
      %dma_wait3A_102 = tpu.memref_squeeze %dma_wait3A_101 : memref<1x128xi32, #tpu.memory_space<vmem>> -> memref<128xi32, #tpu.memory_space<vmem>>
      %dma_wait3A_103 = arith.constant 0 : i32
      %dma_wait3A_104 = arith.constant 0 : i32
      %dma_wait3A_105 = tpu.memref_slice %arg2[%dma_wait3A_103, %dma_wait3A_104] : memref<10000x128xf32, #tpu.memory_space<hbm>> -> memref<10000x128xf32, #tpu.memory_space<hbm>>
      tpu.wait_indirect_dma semaphore(%arg13 : memref<!tpu.dma_semaphore, #tpu.memory_space<semaphore_mem>>) src(%dma_wait3A_105 : memref<10000x128xf32, #tpu.memory_space<hbm>>) dst(%arg10 : memref<128x128xf32, #tpu.memory_space<vmem>>)
      %run_scoped3A_106 = arith.constant 3 : i32
      "tpu.region"() ({
        %run_scoped3A_323 = tpu.sem_alloc : memref<!tpu.dma_semaphore, #tpu.memory_space<semaphore_mem>>
        %dma_start3A = arith.constant 0 : i32
        %dma_start3A_324 = tpu.memref_slice %arg9[%run_scoped3A_106, %dma_start3A] : memref<16x128xi32, #tpu.memory_space<vmem>> -> memref<1x128xi32, #tpu.memory_space<vmem>>
        %dma_start3A_325 = tpu.memref_squeeze %dma_start3A_324 : memref<1x128xi32, #tpu.memory_space<vmem>> -> memref<128xi32, #tpu.memory_space<vmem>>
        %dma_start3A_326 = arith.constant 0 : i32
        %dma_start3A_327 = arith.constant 0 : i32
        %dma_start3A_328 = tpu.memref_slice %arg12[%dma_start3A_326, %dma_start3A_327] : memref<10240x128xf32, #tpu.memory_space<vmem_shared>> -> memref<10240x128xf32, #tpu.memory_space<vmem_shared>>
        tpu.enqueue_indirect_dma source(%arg10 : memref<128x128xf32, #tpu.memory_space<vmem>>) target(%dma_start3A_328 : memref<10240x128xf32, #tpu.memory_space<vmem_shared>>) offsets(%dma_start3A_325 : memref<128xi32, #tpu.memory_space<vmem>>) semaphore(%run_scoped3A_323 : memref<!tpu.dma_semaphore, #tpu.memory_space<semaphore_mem>>) {add = true}
        %dma_wait3A_329 = arith.constant 0 : i32
        %dma_wait3A_330 = tpu.memref_slice %arg9[%run_scoped3A_106, %dma_wait3A_329] : memref<16x128xi32, #tpu.memory_space<vmem>> -> memref<1x128xi32, #tpu.memory_space<vmem>>
        %dma_wait3A_331 = tpu.memref_squeeze %dma_wait3A_330 : memref<1x128xi32, #tpu.memory_space<vmem>> -> memref<128xi32, #tpu.memory_space<vmem>>
        %dma_wait3A_332 = arith.constant 0 : i32
        %dma_wait3A_333 = arith.constant 0 : i32
        %dma_wait3A_334 = tpu.memref_slice %arg12[%dma_wait3A_332, %dma_wait3A_333] : memref<10240x128xf32, #tpu.memory_space<vmem_shared>> -> memref<10240x128xf32, #tpu.memory_space<vmem_shared>>
        tpu.wait_indirect_dma semaphore(%run_scoped3A_323 : memref<!tpu.dma_semaphore, #tpu.memory_space<semaphore_mem>>) src(%arg10 : memref<128x128xf32, #tpu.memory_space<vmem>>) dst(%dma_wait3A_334 : memref<10240x128xf32, #tpu.memory_space<vmem_shared>>)
        tpu.yield
      }) : () -> ()
      %eq3A_107 = arith.constant 0 : i32
      %eq3A_108 = arith.cmpi eq, %arg0, %eq3A_107 : i32
      %convert_element_type3A_109 = arith.extui %eq3A_108 : i1 to i32
      %cond3A_110 = arith.constant 0 : i32
      %cond3A_111 = arith.cmpi ne, %convert_element_type3A_109, %cond3A_110 : i32
      scf.if %cond3A_111 {
        %dma_start3A = arith.constant 4 : i32
        %dma_start3A_323 = arith.constant 0 : i32
        %dma_start3A_324 = tpu.memref_slice %arg8[%dma_start3A, %dma_start3A_323] : memref<16x128xi32, #tpu.memory_space<vmem>> -> memref<1x128xi32, #tpu.memory_space<vmem>>
        %dma_start3A_325 = tpu.memref_squeeze %dma_start3A_324 : memref<1x128xi32, #tpu.memory_space<vmem>> -> memref<128xi32, #tpu.memory_space<vmem>>
        %dma_start3A_326 = arith.constant 0 : i32
        %dma_start3A_327 = arith.constant 0 : i32
        %dma_start3A_328 = tpu.memref_slice %arg2[%dma_start3A_326, %dma_start3A_327] : memref<10000x128xf32, #tpu.memory_space<hbm>> -> memref<10000x128xf32, #tpu.memory_space<hbm>>
        tpu.enqueue_indirect_dma source(%dma_start3A_328 : memref<10000x128xf32, #tpu.memory_space<hbm>>) target(%arg10 : memref<128x128xf32, #tpu.memory_space<vmem>>) offsets(%dma_start3A_325 : memref<128xi32, #tpu.memory_space<vmem>>) semaphore(%arg13 : memref<!tpu.dma_semaphore, #tpu.memory_space<semaphore_mem>>)
      } else {
      }
      %eq3A_112 = arith.constant 1 : i32
      %eq3A_113 = arith.cmpi eq, %arg0, %eq3A_112 : i32
      %convert_element_type3A_114 = arith.extui %eq3A_113 : i1 to i32
      %cond3A_115 = arith.constant 0 : i32
      %cond3A_116 = arith.cmpi ne, %convert_element_type3A_114, %cond3A_115 : i32
      scf.if %cond3A_116 {
        %dma_start3A = arith.constant 4 : i32
        %dma_start3A_323 = arith.constant 0 : i32
        %dma_start3A_324 = tpu.memref_slice %arg8[%dma_start3A, %dma_start3A_323] : memref<16x128xi32, #tpu.memory_space<vmem>> -> memref<1x128xi32, #tpu.memory_space<vmem>>
        %dma_start3A_325 = tpu.memref_squeeze %dma_start3A_324 : memref<1x128xi32, #tpu.memory_space<vmem>> -> memref<128xi32, #tpu.memory_space<vmem>>
        %dma_start3A_326 = arith.constant 0 : i32
        %dma_start3A_327 = arith.constant 0 : i32
        %dma_start3A_328 = tpu.memref_slice %arg3[%dma_start3A_326, %dma_start3A_327] : memref<10000x128xf32, #tpu.memory_space<hbm>> -> memref<10000x128xf32, #tpu.memory_space<hbm>>
        tpu.enqueue_indirect_dma source(%dma_start3A_328 : memref<10000x128xf32, #tpu.memory_space<hbm>>) target(%arg10 : memref<128x128xf32, #tpu.memory_space<vmem>>) offsets(%dma_start3A_325 : memref<128xi32, #tpu.memory_space<vmem>>) semaphore(%arg13 : memref<!tpu.dma_semaphore, #tpu.memory_space<semaphore_mem>>)
      } else {
      }
      %dma_wait3A_117 = arith.constant 0 : i32
      %dma_wait3A_118 = arith.constant 0 : i32
      %dma_wait3A_119 = tpu.memref_slice %arg8[%dma_wait3A_117, %dma_wait3A_118] : memref<16x128xi32, #tpu.memory_space<vmem>> -> memref<1x128xi32, #tpu.memory_space<vmem>>
      %dma_wait3A_120 = tpu.memref_squeeze %dma_wait3A_119 : memref<1x128xi32, #tpu.memory_space<vmem>> -> memref<128xi32, #tpu.memory_space<vmem>>
      %dma_wait3A_121 = arith.constant 0 : i32
      %dma_wait3A_122 = arith.constant 0 : i32
      %dma_wait3A_123 = tpu.memref_slice %arg2[%dma_wait3A_121, %dma_wait3A_122] : memref<10000x128xf32, #tpu.memory_space<hbm>> -> memref<10000x128xf32, #tpu.memory_space<hbm>>
      tpu.wait_indirect_dma semaphore(%arg13 : memref<!tpu.dma_semaphore, #tpu.memory_space<semaphore_mem>>) src(%dma_wait3A_123 : memref<10000x128xf32, #tpu.memory_space<hbm>>) dst(%arg10 : memref<128x128xf32, #tpu.memory_space<vmem>>)
      %run_scoped3A_124 = arith.constant 4 : i32
      "tpu.region"() ({
        %run_scoped3A_323 = tpu.sem_alloc : memref<!tpu.dma_semaphore, #tpu.memory_space<semaphore_mem>>
        %dma_start3A = arith.constant 0 : i32
        %dma_start3A_324 = tpu.memref_slice %arg9[%run_scoped3A_124, %dma_start3A] : memref<16x128xi32, #tpu.memory_space<vmem>> -> memref<1x128xi32, #tpu.memory_space<vmem>>
        %dma_start3A_325 = tpu.memref_squeeze %dma_start3A_324 : memref<1x128xi32, #tpu.memory_space<vmem>> -> memref<128xi32, #tpu.memory_space<vmem>>
        %dma_start3A_326 = arith.constant 0 : i32
        %dma_start3A_327 = arith.constant 0 : i32
        %dma_start3A_328 = tpu.memref_slice %arg12[%dma_start3A_326, %dma_start3A_327] : memref<10240x128xf32, #tpu.memory_space<vmem_shared>> -> memref<10240x128xf32, #tpu.memory_space<vmem_shared>>
        tpu.enqueue_indirect_dma source(%arg10 : memref<128x128xf32, #tpu.memory_space<vmem>>) target(%dma_start3A_328 : memref<10240x128xf32, #tpu.memory_space<vmem_shared>>) offsets(%dma_start3A_325 : memref<128xi32, #tpu.memory_space<vmem>>) semaphore(%run_scoped3A_323 : memref<!tpu.dma_semaphore, #tpu.memory_space<semaphore_mem>>) {add = true}
        %dma_wait3A_329 = arith.constant 0 : i32
        %dma_wait3A_330 = tpu.memref_slice %arg9[%run_scoped3A_124, %dma_wait3A_329] : memref<16x128xi32, #tpu.memory_space<vmem>> -> memref<1x128xi32, #tpu.memory_space<vmem>>
        %dma_wait3A_331 = tpu.memref_squeeze %dma_wait3A_330 : memref<1x128xi32, #tpu.memory_space<vmem>> -> memref<128xi32, #tpu.memory_space<vmem>>
        %dma_wait3A_332 = arith.constant 0 : i32
        %dma_wait3A_333 = arith.constant 0 : i32
        %dma_wait3A_334 = tpu.memref_slice %arg12[%dma_wait3A_332, %dma_wait3A_333] : memref<10240x128xf32, #tpu.memory_space<vmem_shared>> -> memref<10240x128xf32, #tpu.memory_space<vmem_shared>>
        tpu.wait_indirect_dma semaphore(%run_scoped3A_323 : memref<!tpu.dma_semaphore, #tpu.memory_space<semaphore_mem>>) src(%arg10 : memref<128x128xf32, #tpu.memory_space<vmem>>) dst(%dma_wait3A_334 : memref<10240x128xf32, #tpu.memory_space<vmem_shared>>)
        tpu.yield
      }) : () -> ()
      %eq3A_125 = arith.constant 0 : i32
      %eq3A_126 = arith.cmpi eq, %arg0, %eq3A_125 : i32
      %convert_element_type3A_127 = arith.extui %eq3A_126 : i1 to i32
      %cond3A_128 = arith.constant 0 : i32
      %cond3A_129 = arith.cmpi ne, %convert_element_type3A_127, %cond3A_128 : i32
      scf.if %cond3A_129 {
        %dma_start3A = arith.constant 5 : i32
        %dma_start3A_323 = arith.constant 0 : i32
        %dma_start3A_324 = tpu.memref_slice %arg8[%dma_start3A, %dma_start3A_323] : memref<16x128xi32, #tpu.memory_space<vmem>> -> memref<1x128xi32, #tpu.memory_space<vmem>>
        %dma_start3A_325 = tpu.memref_squeeze %dma_start3A_324 : memref<1x128xi32, #tpu.memory_space<vmem>> -> memref<128xi32, #tpu.memory_space<vmem>>
        %dma_start3A_326 = arith.constant 0 : i32
        %dma_start3A_327 = arith.constant 0 : i32
        %dma_start3A_328 = tpu.memref_slice %arg2[%dma_start3A_326, %dma_start3A_327] : memref<10000x128xf32, #tpu.memory_space<hbm>> -> memref<10000x128xf32, #tpu.memory_space<hbm>>
        tpu.enqueue_indirect_dma source(%dma_start3A_328 : memref<10000x128xf32, #tpu.memory_space<hbm>>) target(%arg10 : memref<128x128xf32, #tpu.memory_space<vmem>>) offsets(%dma_start3A_325 : memref<128xi32, #tpu.memory_space<vmem>>) semaphore(%arg13 : memref<!tpu.dma_semaphore, #tpu.memory_space<semaphore_mem>>)
      } else {
      }
      %eq3A_130 = arith.constant 1 : i32
      %eq3A_131 = arith.cmpi eq, %arg0, %eq3A_130 : i32
      %convert_element_type3A_132 = arith.extui %eq3A_131 : i1 to i32
      %cond3A_133 = arith.constant 0 : i32
      %cond3A_134 = arith.cmpi ne, %convert_element_type3A_132, %cond3A_133 : i32
      scf.if %cond3A_134 {
        %dma_start3A = arith.constant 5 : i32
        %dma_start3A_323 = arith.constant 0 : i32
        %dma_start3A_324 = tpu.memref_slice %arg8[%dma_start3A, %dma_start3A_323] : memref<16x128xi32, #tpu.memory_space<vmem>> -> memref<1x128xi32, #tpu.memory_space<vmem>>
        %dma_start3A_325 = tpu.memref_squeeze %dma_start3A_324 : memref<1x128xi32, #tpu.memory_space<vmem>> -> memref<128xi32, #tpu.memory_space<vmem>>
        %dma_start3A_326 = arith.constant 0 : i32
        %dma_start3A_327 = arith.constant 0 : i32
        %dma_start3A_328 = tpu.memref_slice %arg3[%dma_start3A_326, %dma_start3A_327] : memref<10000x128xf32, #tpu.memory_space<hbm>> -> memref<10000x128xf32, #tpu.memory_space<hbm>>
        tpu.enqueue_indirect_dma source(%dma_start3A_328 : memref<10000x128xf32, #tpu.memory_space<hbm>>) target(%arg10 : memref<128x128xf32, #tpu.memory_space<vmem>>) offsets(%dma_start3A_325 : memref<128xi32, #tpu.memory_space<vmem>>) semaphore(%arg13 : memref<!tpu.dma_semaphore, #tpu.memory_space<semaphore_mem>>)
      } else {
      }
      %dma_wait3A_135 = arith.constant 0 : i32
      %dma_wait3A_136 = arith.constant 0 : i32
      %dma_wait3A_137 = tpu.memref_slice %arg8[%dma_wait3A_135, %dma_wait3A_136] : memref<16x128xi32, #tpu.memory_space<vmem>> -> memref<1x128xi32, #tpu.memory_space<vmem>>
      %dma_wait3A_138 = tpu.memref_squeeze %dma_wait3A_137 : memref<1x128xi32, #tpu.memory_space<vmem>> -> memref<128xi32, #tpu.memory_space<vmem>>
      %dma_wait3A_139 = arith.constant 0 : i32
      %dma_wait3A_140 = arith.constant 0 : i32
      %dma_wait3A_141 = tpu.memref_slice %arg2[%dma_wait3A_139, %dma_wait3A_140] : memref<10000x128xf32, #tpu.memory_space<hbm>> -> memref<10000x128xf32, #tpu.memory_space<hbm>>
      tpu.wait_indirect_dma semaphore(%arg13 : memref<!tpu.dma_semaphore, #tpu.memory_space<semaphore_mem>>) src(%dma_wait3A_141 : memref<10000x128xf32, #tpu.memory_space<hbm>>) dst(%arg10 : memref<128x128xf32, #tpu.memory_space<vmem>>)
      %run_scoped3A_142 = arith.constant 5 : i32
      "tpu.region"() ({
        %run_scoped3A_323 = tpu.sem_alloc : memref<!tpu.dma_semaphore, #tpu.memory_space<semaphore_mem>>
        %dma_start3A = arith.constant 0 : i32
        %dma_start3A_324 = tpu.memref_slice %arg9[%run_scoped3A_142, %dma_start3A] : memref<16x128xi32, #tpu.memory_space<vmem>> -> memref<1x128xi32, #tpu.memory_space<vmem>>
        %dma_start3A_325 = tpu.memref_squeeze %dma_start3A_324 : memref<1x128xi32, #tpu.memory_space<vmem>> -> memref<128xi32, #tpu.memory_space<vmem>>
        %dma_start3A_326 = arith.constant 0 : i32
        %dma_start3A_327 = arith.constant 0 : i32
        %dma_start3A_328 = tpu.memref_slice %arg12[%dma_start3A_326, %dma_start3A_327] : memref<10240x128xf32, #tpu.memory_space<vmem_shared>> -> memref<10240x128xf32, #tpu.memory_space<vmem_shared>>
        tpu.enqueue_indirect_dma source(%arg10 : memref<128x128xf32, #tpu.memory_space<vmem>>) target(%dma_start3A_328 : memref<10240x128xf32, #tpu.memory_space<vmem_shared>>) offsets(%dma_start3A_325 : memref<128xi32, #tpu.memory_space<vmem>>) semaphore(%run_scoped3A_323 : memref<!tpu.dma_semaphore, #tpu.memory_space<semaphore_mem>>) {add = true}
        %dma_wait3A_329 = arith.constant 0 : i32
        %dma_wait3A_330 = tpu.memref_slice %arg9[%run_scoped3A_142, %dma_wait3A_329] : memref<16x128xi32, #tpu.memory_space<vmem>> -> memref<1x128xi32, #tpu.memory_space<vmem>>
        %dma_wait3A_331 = tpu.memref_squeeze %dma_wait3A_330 : memref<1x128xi32, #tpu.memory_space<vmem>> -> memref<128xi32, #tpu.memory_space<vmem>>
        %dma_wait3A_332 = arith.constant 0 : i32
        %dma_wait3A_333 = arith.constant 0 : i32
        %dma_wait3A_334 = tpu.memref_slice %arg12[%dma_wait3A_332, %dma_wait3A_333] : memref<10240x128xf32, #tpu.memory_space<vmem_shared>> -> memref<10240x128xf32, #tpu.memory_space<vmem_shared>>
        tpu.wait_indirect_dma semaphore(%run_scoped3A_323 : memref<!tpu.dma_semaphore, #tpu.memory_space<semaphore_mem>>) src(%arg10 : memref<128x128xf32, #tpu.memory_space<vmem>>) dst(%dma_wait3A_334 : memref<10240x128xf32, #tpu.memory_space<vmem_shared>>)
        tpu.yield
      }) : () -> ()
      %eq3A_143 = arith.constant 0 : i32
      %eq3A_144 = arith.cmpi eq, %arg0, %eq3A_143 : i32
      %convert_element_type3A_145 = arith.extui %eq3A_144 : i1 to i32
      %cond3A_146 = arith.constant 0 : i32
      %cond3A_147 = arith.cmpi ne, %convert_element_type3A_145, %cond3A_146 : i32
      scf.if %cond3A_147 {
        %dma_start3A = arith.constant 6 : i32
        %dma_start3A_323 = arith.constant 0 : i32
        %dma_start3A_324 = tpu.memref_slice %arg8[%dma_start3A, %dma_start3A_323] : memref<16x128xi32, #tpu.memory_space<vmem>> -> memref<1x128xi32, #tpu.memory_space<vmem>>
        %dma_start3A_325 = tpu.memref_squeeze %dma_start3A_324 : memref<1x128xi32, #tpu.memory_space<vmem>> -> memref<128xi32, #tpu.memory_space<vmem>>
        %dma_start3A_326 = arith.constant 0 : i32
        %dma_start3A_327 = arith.constant 0 : i32
        %dma_start3A_328 = tpu.memref_slice %arg2[%dma_start3A_326, %dma_start3A_327] : memref<10000x128xf32, #tpu.memory_space<hbm>> -> memref<10000x128xf32, #tpu.memory_space<hbm>>
        tpu.enqueue_indirect_dma source(%dma_start3A_328 : memref<10000x128xf32, #tpu.memory_space<hbm>>) target(%arg10 : memref<128x128xf32, #tpu.memory_space<vmem>>) offsets(%dma_start3A_325 : memref<128xi32, #tpu.memory_space<vmem>>) semaphore(%arg13 : memref<!tpu.dma_semaphore, #tpu.memory_space<semaphore_mem>>)
      } else {
      }
      %eq3A_148 = arith.constant 1 : i32
      %eq3A_149 = arith.cmpi eq, %arg0, %eq3A_148 : i32
      %convert_element_type3A_150 = arith.extui %eq3A_149 : i1 to i32
      %cond3A_151 = arith.constant 0 : i32
      %cond3A_152 = arith.cmpi ne, %convert_element_type3A_150, %cond3A_151 : i32
      scf.if %cond3A_152 {
        %dma_start3A = arith.constant 6 : i32
        %dma_start3A_323 = arith.constant 0 : i32
        %dma_start3A_324 = tpu.memref_slice %arg8[%dma_start3A, %dma_start3A_323] : memref<16x128xi32, #tpu.memory_space<vmem>> -> memref<1x128xi32, #tpu.memory_space<vmem>>
        %dma_start3A_325 = tpu.memref_squeeze %dma_start3A_324 : memref<1x128xi32, #tpu.memory_space<vmem>> -> memref<128xi32, #tpu.memory_space<vmem>>
        %dma_start3A_326 = arith.constant 0 : i32
        %dma_start3A_327 = arith.constant 0 : i32
        %dma_start3A_328 = tpu.memref_slice %arg3[%dma_start3A_326, %dma_start3A_327] : memref<10000x128xf32, #tpu.memory_space<hbm>> -> memref<10000x128xf32, #tpu.memory_space<hbm>>
        tpu.enqueue_indirect_dma source(%dma_start3A_328 : memref<10000x128xf32, #tpu.memory_space<hbm>>) target(%arg10 : memref<128x128xf32, #tpu.memory_space<vmem>>) offsets(%dma_start3A_325 : memref<128xi32, #tpu.memory_space<vmem>>) semaphore(%arg13 : memref<!tpu.dma_semaphore, #tpu.memory_space<semaphore_mem>>)
      } else {
      }
      %dma_wait3A_153 = arith.constant 0 : i32
      %dma_wait3A_154 = arith.constant 0 : i32
      %dma_wait3A_155 = tpu.memref_slice %arg8[%dma_wait3A_153, %dma_wait3A_154] : memref<16x128xi32, #tpu.memory_space<vmem>> -> memref<1x128xi32, #tpu.memory_space<vmem>>
      %dma_wait3A_156 = tpu.memref_squeeze %dma_wait3A_155 : memref<1x128xi32, #tpu.memory_space<vmem>> -> memref<128xi32, #tpu.memory_space<vmem>>
      %dma_wait3A_157 = arith.constant 0 : i32
      %dma_wait3A_158 = arith.constant 0 : i32
      %dma_wait3A_159 = tpu.memref_slice %arg2[%dma_wait3A_157, %dma_wait3A_158] : memref<10000x128xf32, #tpu.memory_space<hbm>> -> memref<10000x128xf32, #tpu.memory_space<hbm>>
      tpu.wait_indirect_dma semaphore(%arg13 : memref<!tpu.dma_semaphore, #tpu.memory_space<semaphore_mem>>) src(%dma_wait3A_159 : memref<10000x128xf32, #tpu.memory_space<hbm>>) dst(%arg10 : memref<128x128xf32, #tpu.memory_space<vmem>>)
      %run_scoped3A_160 = arith.constant 6 : i32
      "tpu.region"() ({
        %run_scoped3A_323 = tpu.sem_alloc : memref<!tpu.dma_semaphore, #tpu.memory_space<semaphore_mem>>
        %dma_start3A = arith.constant 0 : i32
        %dma_start3A_324 = tpu.memref_slice %arg9[%run_scoped3A_160, %dma_start3A] : memref<16x128xi32, #tpu.memory_space<vmem>> -> memref<1x128xi32, #tpu.memory_space<vmem>>
        %dma_start3A_325 = tpu.memref_squeeze %dma_start3A_324 : memref<1x128xi32, #tpu.memory_space<vmem>> -> memref<128xi32, #tpu.memory_space<vmem>>
        %dma_start3A_326 = arith.constant 0 : i32
        %dma_start3A_327 = arith.constant 0 : i32
        %dma_start3A_328 = tpu.memref_slice %arg12[%dma_start3A_326, %dma_start3A_327] : memref<10240x128xf32, #tpu.memory_space<vmem_shared>> -> memref<10240x128xf32, #tpu.memory_space<vmem_shared>>
        tpu.enqueue_indirect_dma source(%arg10 : memref<128x128xf32, #tpu.memory_space<vmem>>) target(%dma_start3A_328 : memref<10240x128xf32, #tpu.memory_space<vmem_shared>>) offsets(%dma_start3A_325 : memref<128xi32, #tpu.memory_space<vmem>>) semaphore(%run_scoped3A_323 : memref<!tpu.dma_semaphore, #tpu.memory_space<semaphore_mem>>) {add = true}
        %dma_wait3A_329 = arith.constant 0 : i32
        %dma_wait3A_330 = tpu.memref_slice %arg9[%run_scoped3A_160, %dma_wait3A_329] : memref<16x128xi32, #tpu.memory_space<vmem>> -> memref<1x128xi32, #tpu.memory_space<vmem>>
        %dma_wait3A_331 = tpu.memref_squeeze %dma_wait3A_330 : memref<1x128xi32, #tpu.memory_space<vmem>> -> memref<128xi32, #tpu.memory_space<vmem>>
        %dma_wait3A_332 = arith.constant 0 : i32
        %dma_wait3A_333 = arith.constant 0 : i32
        %dma_wait3A_334 = tpu.memref_slice %arg12[%dma_wait3A_332, %dma_wait3A_333] : memref<10240x128xf32, #tpu.memory_space<vmem_shared>> -> memref<10240x128xf32, #tpu.memory_space<vmem_shared>>
        tpu.wait_indirect_dma semaphore(%run_scoped3A_323 : memref<!tpu.dma_semaphore, #tpu.memory_space<semaphore_mem>>) src(%arg10 : memref<128x128xf32, #tpu.memory_space<vmem>>) dst(%dma_wait3A_334 : memref<10240x128xf32, #tpu.memory_space<vmem_shared>>)
        tpu.yield
      }) : () -> ()
      %eq3A_161 = arith.constant 0 : i32
      %eq3A_162 = arith.cmpi eq, %arg0, %eq3A_161 : i32
      %convert_element_type3A_163 = arith.extui %eq3A_162 : i1 to i32
      %cond3A_164 = arith.constant 0 : i32
      %cond3A_165 = arith.cmpi ne, %convert_element_type3A_163, %cond3A_164 : i32
      scf.if %cond3A_165 {
        %dma_start3A = arith.constant 7 : i32
        %dma_start3A_323 = arith.constant 0 : i32
        %dma_start3A_324 = tpu.memref_slice %arg8[%dma_start3A, %dma_start3A_323] : memref<16x128xi32, #tpu.memory_space<vmem>> -> memref<1x128xi32, #tpu.memory_space<vmem>>
        %dma_start3A_325 = tpu.memref_squeeze %dma_start3A_324 : memref<1x128xi32, #tpu.memory_space<vmem>> -> memref<128xi32, #tpu.memory_space<vmem>>
        %dma_start3A_326 = arith.constant 0 : i32
        %dma_start3A_327 = arith.constant 0 : i32
        %dma_start3A_328 = tpu.memref_slice %arg2[%dma_start3A_326, %dma_start3A_327] : memref<10000x128xf32, #tpu.memory_space<hbm>> -> memref<10000x128xf32, #tpu.memory_space<hbm>>
        tpu.enqueue_indirect_dma source(%dma_start3A_328 : memref<10000x128xf32, #tpu.memory_space<hbm>>) target(%arg10 : memref<128x128xf32, #tpu.memory_space<vmem>>) offsets(%dma_start3A_325 : memref<128xi32, #tpu.memory_space<vmem>>) semaphore(%arg13 : memref<!tpu.dma_semaphore, #tpu.memory_space<semaphore_mem>>)
      } else {
      }
      %eq3A_166 = arith.constant 1 : i32
      %eq3A_167 = arith.cmpi eq, %arg0, %eq3A_166 : i32
      %convert_element_type3A_168 = arith.extui %eq3A_167 : i1 to i32
      %cond3A_169 = arith.constant 0 : i32
      %cond3A_170 = arith.cmpi ne, %convert_element_type3A_168, %cond3A_169 : i32
      scf.if %cond3A_170 {
        %dma_start3A = arith.constant 7 : i32
        %dma_start3A_323 = arith.constant 0 : i32
        %dma_start3A_324 = tpu.memref_slice %arg8[%dma_start3A, %dma_start3A_323] : memref<16x128xi32, #tpu.memory_space<vmem>> -> memref<1x128xi32, #tpu.memory_space<vmem>>
        %dma_start3A_325 = tpu.memref_squeeze %dma_start3A_324 : memref<1x128xi32, #tpu.memory_space<vmem>> -> memref<128xi32, #tpu.memory_space<vmem>>
        %dma_start3A_326 = arith.constant 0 : i32
        %dma_start3A_327 = arith.constant 0 : i32
        %dma_start3A_328 = tpu.memref_slice %arg3[%dma_start3A_326, %dma_start3A_327] : memref<10000x128xf32, #tpu.memory_space<hbm>> -> memref<10000x128xf32, #tpu.memory_space<hbm>>
        tpu.enqueue_indirect_dma source(%dma_start3A_328 : memref<10000x128xf32, #tpu.memory_space<hbm>>) target(%arg10 : memref<128x128xf32, #tpu.memory_space<vmem>>) offsets(%dma_start3A_325 : memref<128xi32, #tpu.memory_space<vmem>>) semaphore(%arg13 : memref<!tpu.dma_semaphore, #tpu.memory_space<semaphore_mem>>)
      } else {
      }
      %dma_wait3A_171 = arith.constant 0 : i32
      %dma_wait3A_172 = arith.constant 0 : i32
      %dma_wait3A_173 = tpu.memref_slice %arg8[%dma_wait3A_171, %dma_wait3A_172] : memref<16x128xi32, #tpu.memory_space<vmem>> -> memref<1x128xi32, #tpu.memory_space<vmem>>
      %dma_wait3A_174 = tpu.memref_squeeze %dma_wait3A_173 : memref<1x128xi32, #tpu.memory_space<vmem>> -> memref<128xi32, #tpu.memory_space<vmem>>
      %dma_wait3A_175 = arith.constant 0 : i32
      %dma_wait3A_176 = arith.constant 0 : i32
      %dma_wait3A_177 = tpu.memref_slice %arg2[%dma_wait3A_175, %dma_wait3A_176] : memref<10000x128xf32, #tpu.memory_space<hbm>> -> memref<10000x128xf32, #tpu.memory_space<hbm>>
      tpu.wait_indirect_dma semaphore(%arg13 : memref<!tpu.dma_semaphore, #tpu.memory_space<semaphore_mem>>) src(%dma_wait3A_177 : memref<10000x128xf32, #tpu.memory_space<hbm>>) dst(%arg10 : memref<128x128xf32, #tpu.memory_space<vmem>>)
      %run_scoped3A_178 = arith.constant 7 : i32
      "tpu.region"() ({
        %run_scoped3A_323 = tpu.sem_alloc : memref<!tpu.dma_semaphore, #tpu.memory_space<semaphore_mem>>
        %dma_start3A = arith.constant 0 : i32
        %dma_start3A_324 = tpu.memref_slice %arg9[%run_scoped3A_178, %dma_start3A] : memref<16x128xi32, #tpu.memory_space<vmem>> -> memref<1x128xi32, #tpu.memory_space<vmem>>
        %dma_start3A_325 = tpu.memref_squeeze %dma_start3A_324 : memref<1x128xi32, #tpu.memory_space<vmem>> -> memref<128xi32, #tpu.memory_space<vmem>>
        %dma_start3A_326 = arith.constant 0 : i32
        %dma_start3A_327 = arith.constant 0 : i32
        %dma_start3A_328 = tpu.memref_slice %arg12[%dma_start3A_326, %dma_start3A_327] : memref<10240x128xf32, #tpu.memory_space<vmem_shared>> -> memref<10240x128xf32, #tpu.memory_space<vmem_shared>>
        tpu.enqueue_indirect_dma source(%arg10 : memref<128x128xf32, #tpu.memory_space<vmem>>) target(%dma_start3A_328 : memref<10240x128xf32, #tpu.memory_space<vmem_shared>>) offsets(%dma_start3A_325 : memref<128xi32, #tpu.memory_space<vmem>>) semaphore(%run_scoped3A_323 : memref<!tpu.dma_semaphore, #tpu.memory_space<semaphore_mem>>) {add = true}
        %dma_wait3A_329 = arith.constant 0 : i32
        %dma_wait3A_330 = tpu.memref_slice %arg9[%run_scoped3A_178, %dma_wait3A_329] : memref<16x128xi32, #tpu.memory_space<vmem>> -> memref<1x128xi32, #tpu.memory_space<vmem>>
        %dma_wait3A_331 = tpu.memref_squeeze %dma_wait3A_330 : memref<1x128xi32, #tpu.memory_space<vmem>> -> memref<128xi32, #tpu.memory_space<vmem>>
        %dma_wait3A_332 = arith.constant 0 : i32
        %dma_wait3A_333 = arith.constant 0 : i32
        %dma_wait3A_334 = tpu.memref_slice %arg12[%dma_wait3A_332, %dma_wait3A_333] : memref<10240x128xf32, #tpu.memory_space<vmem_shared>> -> memref<10240x128xf32, #tpu.memory_space<vmem_shared>>
        tpu.wait_indirect_dma semaphore(%run_scoped3A_323 : memref<!tpu.dma_semaphore, #tpu.memory_space<semaphore_mem>>) src(%arg10 : memref<128x128xf32, #tpu.memory_space<vmem>>) dst(%dma_wait3A_334 : memref<10240x128xf32, #tpu.memory_space<vmem_shared>>)
        tpu.yield
      }) : () -> ()
      %eq3A_179 = arith.constant 0 : i32
      %eq3A_180 = arith.cmpi eq, %arg0, %eq3A_179 : i32
      %convert_element_type3A_181 = arith.extui %eq3A_180 : i1 to i32
      %cond3A_182 = arith.constant 0 : i32
      %cond3A_183 = arith.cmpi ne, %convert_element_type3A_181, %cond3A_182 : i32
      scf.if %cond3A_183 {
        %dma_start3A = arith.constant 8 : i32
        %dma_start3A_323 = arith.constant 0 : i32
        %dma_start3A_324 = tpu.memref_slice %arg8[%dma_start3A, %dma_start3A_323] : memref<16x128xi32, #tpu.memory_space<vmem>> -> memref<1x128xi32, #tpu.memory_space<vmem>>
        %dma_start3A_325 = tpu.memref_squeeze %dma_start3A_324 : memref<1x128xi32, #tpu.memory_space<vmem>> -> memref<128xi32, #tpu.memory_space<vmem>>
        %dma_start3A_326 = arith.constant 0 : i32
        %dma_start3A_327 = arith.constant 0 : i32
        %dma_start3A_328 = tpu.memref_slice %arg2[%dma_start3A_326, %dma_start3A_327] : memref<10000x128xf32, #tpu.memory_space<hbm>> -> memref<10000x128xf32, #tpu.memory_space<hbm>>
        tpu.enqueue_indirect_dma source(%dma_start3A_328 : memref<10000x128xf32, #tpu.memory_space<hbm>>) target(%arg10 : memref<128x128xf32, #tpu.memory_space<vmem>>) offsets(%dma_start3A_325 : memref<128xi32, #tpu.memory_space<vmem>>) semaphore(%arg13 : memref<!tpu.dma_semaphore, #tpu.memory_space<semaphore_mem>>)
      } else {
      }
      %eq3A_184 = arith.constant 1 : i32
      %eq3A_185 = arith.cmpi eq, %arg0, %eq3A_184 : i32
      %convert_element_type3A_186 = arith.extui %eq3A_185 : i1 to i32
      %cond3A_187 = arith.constant 0 : i32
      %cond3A_188 = arith.cmpi ne, %convert_element_type3A_186, %cond3A_187 : i32
      scf.if %cond3A_188 {
        %dma_start3A = arith.constant 8 : i32
        %dma_start3A_323 = arith.constant 0 : i32
        %dma_start3A_324 = tpu.memref_slice %arg8[%dma_start3A, %dma_start3A_323] : memref<16x128xi32, #tpu.memory_space<vmem>> -> memref<1x128xi32, #tpu.memory_space<vmem>>
        %dma_start3A_325 = tpu.memref_squeeze %dma_start3A_324 : memref<1x128xi32, #tpu.memory_space<vmem>> -> memref<128xi32, #tpu.memory_space<vmem>>
        %dma_start3A_326 = arith.constant 0 : i32
        %dma_start3A_327 = arith.constant 0 : i32
        %dma_start3A_328 = tpu.memref_slice %arg3[%dma_start3A_326, %dma_start3A_327] : memref<10000x128xf32, #tpu.memory_space<hbm>> -> memref<10000x128xf32, #tpu.memory_space<hbm>>
        tpu.enqueue_indirect_dma source(%dma_start3A_328 : memref<10000x128xf32, #tpu.memory_space<hbm>>) target(%arg10 : memref<128x128xf32, #tpu.memory_space<vmem>>) offsets(%dma_start3A_325 : memref<128xi32, #tpu.memory_space<vmem>>) semaphore(%arg13 : memref<!tpu.dma_semaphore, #tpu.memory_space<semaphore_mem>>)
      } else {
      }
      %dma_wait3A_189 = arith.constant 0 : i32
      %dma_wait3A_190 = arith.constant 0 : i32
      %dma_wait3A_191 = tpu.memref_slice %arg8[%dma_wait3A_189, %dma_wait3A_190] : memref<16x128xi32, #tpu.memory_space<vmem>> -> memref<1x128xi32, #tpu.memory_space<vmem>>
      %dma_wait3A_192 = tpu.memref_squeeze %dma_wait3A_191 : memref<1x128xi32, #tpu.memory_space<vmem>> -> memref<128xi32, #tpu.memory_space<vmem>>
      %dma_wait3A_193 = arith.constant 0 : i32
      %dma_wait3A_194 = arith.constant 0 : i32
      %dma_wait3A_195 = tpu.memref_slice %arg2[%dma_wait3A_193, %dma_wait3A_194] : memref<10000x128xf32, #tpu.memory_space<hbm>> -> memref<10000x128xf32, #tpu.memory_space<hbm>>
      tpu.wait_indirect_dma semaphore(%arg13 : memref<!tpu.dma_semaphore, #tpu.memory_space<semaphore_mem>>) src(%dma_wait3A_195 : memref<10000x128xf32, #tpu.memory_space<hbm>>) dst(%arg10 : memref<128x128xf32, #tpu.memory_space<vmem>>)
      %run_scoped3A_196 = arith.constant 8 : i32
      "tpu.region"() ({
        %run_scoped3A_323 = tpu.sem_alloc : memref<!tpu.dma_semaphore, #tpu.memory_space<semaphore_mem>>
        %dma_start3A = arith.constant 0 : i32
        %dma_start3A_324 = tpu.memref_slice %arg9[%run_scoped3A_196, %dma_start3A] : memref<16x128xi32, #tpu.memory_space<vmem>> -> memref<1x128xi32, #tpu.memory_space<vmem>>
        %dma_start3A_325 = tpu.memref_squeeze %dma_start3A_324 : memref<1x128xi32, #tpu.memory_space<vmem>> -> memref<128xi32, #tpu.memory_space<vmem>>
        %dma_start3A_326 = arith.constant 0 : i32
        %dma_start3A_327 = arith.constant 0 : i32
        %dma_start3A_328 = tpu.memref_slice %arg12[%dma_start3A_326, %dma_start3A_327] : memref<10240x128xf32, #tpu.memory_space<vmem_shared>> -> memref<10240x128xf32, #tpu.memory_space<vmem_shared>>
        tpu.enqueue_indirect_dma source(%arg10 : memref<128x128xf32, #tpu.memory_space<vmem>>) target(%dma_start3A_328 : memref<10240x128xf32, #tpu.memory_space<vmem_shared>>) offsets(%dma_start3A_325 : memref<128xi32, #tpu.memory_space<vmem>>) semaphore(%run_scoped3A_323 : memref<!tpu.dma_semaphore, #tpu.memory_space<semaphore_mem>>) {add = true}
        %dma_wait3A_329 = arith.constant 0 : i32
        %dma_wait3A_330 = tpu.memref_slice %arg9[%run_scoped3A_196, %dma_wait3A_329] : memref<16x128xi32, #tpu.memory_space<vmem>> -> memref<1x128xi32, #tpu.memory_space<vmem>>
        %dma_wait3A_331 = tpu.memref_squeeze %dma_wait3A_330 : memref<1x128xi32, #tpu.memory_space<vmem>> -> memref<128xi32, #tpu.memory_space<vmem>>
        %dma_wait3A_332 = arith.constant 0 : i32
        %dma_wait3A_333 = arith.constant 0 : i32
        %dma_wait3A_334 = tpu.memref_slice %arg12[%dma_wait3A_332, %dma_wait3A_333] : memref<10240x128xf32, #tpu.memory_space<vmem_shared>> -> memref<10240x128xf32, #tpu.memory_space<vmem_shared>>
        tpu.wait_indirect_dma semaphore(%run_scoped3A_323 : memref<!tpu.dma_semaphore, #tpu.memory_space<semaphore_mem>>) src(%arg10 : memref<128x128xf32, #tpu.memory_space<vmem>>) dst(%dma_wait3A_334 : memref<10240x128xf32, #tpu.memory_space<vmem_shared>>)
        tpu.yield
      }) : () -> ()
      %eq3A_197 = arith.constant 0 : i32
      %eq3A_198 = arith.cmpi eq, %arg0, %eq3A_197 : i32
      %convert_element_type3A_199 = arith.extui %eq3A_198 : i1 to i32
      %cond3A_200 = arith.constant 0 : i32
      %cond3A_201 = arith.cmpi ne, %convert_element_type3A_199, %cond3A_200 : i32
      scf.if %cond3A_201 {
        %dma_start3A = arith.constant 9 : i32
        %dma_start3A_323 = arith.constant 0 : i32
        %dma_start3A_324 = tpu.memref_slice %arg8[%dma_start3A, %dma_start3A_323] : memref<16x128xi32, #tpu.memory_space<vmem>> -> memref<1x128xi32, #tpu.memory_space<vmem>>
        %dma_start3A_325 = tpu.memref_squeeze %dma_start3A_324 : memref<1x128xi32, #tpu.memory_space<vmem>> -> memref<128xi32, #tpu.memory_space<vmem>>
        %dma_start3A_326 = arith.constant 0 : i32
        %dma_start3A_327 = arith.constant 0 : i32
        %dma_start3A_328 = tpu.memref_slice %arg2[%dma_start3A_326, %dma_start3A_327] : memref<10000x128xf32, #tpu.memory_space<hbm>> -> memref<10000x128xf32, #tpu.memory_space<hbm>>
        tpu.enqueue_indirect_dma source(%dma_start3A_328 : memref<10000x128xf32, #tpu.memory_space<hbm>>) target(%arg10 : memref<128x128xf32, #tpu.memory_space<vmem>>) offsets(%dma_start3A_325 : memref<128xi32, #tpu.memory_space<vmem>>) semaphore(%arg13 : memref<!tpu.dma_semaphore, #tpu.memory_space<semaphore_mem>>)
      } else {
      }
      %eq3A_202 = arith.constant 1 : i32
      %eq3A_203 = arith.cmpi eq, %arg0, %eq3A_202 : i32
      %convert_element_type3A_204 = arith.extui %eq3A_203 : i1 to i32
      %cond3A_205 = arith.constant 0 : i32
      %cond3A_206 = arith.cmpi ne, %convert_element_type3A_204, %cond3A_205 : i32
      scf.if %cond3A_206 {
        %dma_start3A = arith.constant 9 : i32
        %dma_start3A_323 = arith.constant 0 : i32
        %dma_start3A_324 = tpu.memref_slice %arg8[%dma_start3A, %dma_start3A_323] : memref<16x128xi32, #tpu.memory_space<vmem>> -> memref<1x128xi32, #tpu.memory_space<vmem>>
        %dma_start3A_325 = tpu.memref_squeeze %dma_start3A_324 : memref<1x128xi32, #tpu.memory_space<vmem>> -> memref<128xi32, #tpu.memory_space<vmem>>
        %dma_start3A_326 = arith.constant 0 : i32
        %dma_start3A_327 = arith.constant 0 : i32
        %dma_start3A_328 = tpu.memref_slice %arg3[%dma_start3A_326, %dma_start3A_327] : memref<10000x128xf32, #tpu.memory_space<hbm>> -> memref<10000x128xf32, #tpu.memory_space<hbm>>
        tpu.enqueue_indirect_dma source(%dma_start3A_328 : memref<10000x128xf32, #tpu.memory_space<hbm>>) target(%arg10 : memref<128x128xf32, #tpu.memory_space<vmem>>) offsets(%dma_start3A_325 : memref<128xi32, #tpu.memory_space<vmem>>) semaphore(%arg13 : memref<!tpu.dma_semaphore, #tpu.memory_space<semaphore_mem>>)
      } else {
      }
      %dma_wait3A_207 = arith.constant 0 : i32
      %dma_wait3A_208 = arith.constant 0 : i32
      %dma_wait3A_209 = tpu.memref_slice %arg8[%dma_wait3A_207, %dma_wait3A_208] : memref<16x128xi32, #tpu.memory_space<vmem>> -> memref<1x128xi32, #tpu.memory_space<vmem>>
      %dma_wait3A_210 = tpu.memref_squeeze %dma_wait3A_209 : memref<1x128xi32, #tpu.memory_space<vmem>> -> memref<128xi32, #tpu.memory_space<vmem>>
      %dma_wait3A_211 = arith.constant 0 : i32
      %dma_wait3A_212 = arith.constant 0 : i32
      %dma_wait3A_213 = tpu.memref_slice %arg2[%dma_wait3A_211, %dma_wait3A_212] : memref<10000x128xf32, #tpu.memory_space<hbm>> -> memref<10000x128xf32, #tpu.memory_space<hbm>>
      tpu.wait_indirect_dma semaphore(%arg13 : memref<!tpu.dma_semaphore, #tpu.memory_space<semaphore_mem>>) src(%dma_wait3A_213 : memref<10000x128xf32, #tpu.memory_space<hbm>>) dst(%arg10 : memref<128x128xf32, #tpu.memory_space<vmem>>)
      %run_scoped3A_214 = arith.constant 9 : i32
      "tpu.region"() ({
        %run_scoped3A_323 = tpu.sem_alloc : memref<!tpu.dma_semaphore, #tpu.memory_space<semaphore_mem>>
        %dma_start3A = arith.constant 0 : i32
        %dma_start3A_324 = tpu.memref_slice %arg9[%run_scoped3A_214, %dma_start3A] : memref<16x128xi32, #tpu.memory_space<vmem>> -> memref<1x128xi32, #tpu.memory_space<vmem>>
        %dma_start3A_325 = tpu.memref_squeeze %dma_start3A_324 : memref<1x128xi32, #tpu.memory_space<vmem>> -> memref<128xi32, #tpu.memory_space<vmem>>
        %dma_start3A_326 = arith.constant 0 : i32
        %dma_start3A_327 = arith.constant 0 : i32
        %dma_start3A_328 = tpu.memref_slice %arg12[%dma_start3A_326, %dma_start3A_327] : memref<10240x128xf32, #tpu.memory_space<vmem_shared>> -> memref<10240x128xf32, #tpu.memory_space<vmem_shared>>
        tpu.enqueue_indirect_dma source(%arg10 : memref<128x128xf32, #tpu.memory_space<vmem>>) target(%dma_start3A_328 : memref<10240x128xf32, #tpu.memory_space<vmem_shared>>) offsets(%dma_start3A_325 : memref<128xi32, #tpu.memory_space<vmem>>) semaphore(%run_scoped3A_323 : memref<!tpu.dma_semaphore, #tpu.memory_space<semaphore_mem>>) {add = true}
        %dma_wait3A_329 = arith.constant 0 : i32
        %dma_wait3A_330 = tpu.memref_slice %arg9[%run_scoped3A_214, %dma_wait3A_329] : memref<16x128xi32, #tpu.memory_space<vmem>> -> memref<1x128xi32, #tpu.memory_space<vmem>>
        %dma_wait3A_331 = tpu.memref_squeeze %dma_wait3A_330 : memref<1x128xi32, #tpu.memory_space<vmem>> -> memref<128xi32, #tpu.memory_space<vmem>>
        %dma_wait3A_332 = arith.constant 0 : i32
        %dma_wait3A_333 = arith.constant 0 : i32
        %dma_wait3A_334 = tpu.memref_slice %arg12[%dma_wait3A_332, %dma_wait3A_333] : memref<10240x128xf32, #tpu.memory_space<vmem_shared>> -> memref<10240x128xf32, #tpu.memory_space<vmem_shared>>
        tpu.wait_indirect_dma semaphore(%run_scoped3A_323 : memref<!tpu.dma_semaphore, #tpu.memory_space<semaphore_mem>>) src(%arg10 : memref<128x128xf32, #tpu.memory_space<vmem>>) dst(%dma_wait3A_334 : memref<10240x128xf32, #tpu.memory_space<vmem_shared>>)
        tpu.yield
      }) : () -> ()
      %eq3A_215 = arith.constant 0 : i32
      %eq3A_216 = arith.cmpi eq, %arg0, %eq3A_215 : i32
      %convert_element_type3A_217 = arith.extui %eq3A_216 : i1 to i32
      %cond3A_218 = arith.constant 0 : i32
      %cond3A_219 = arith.cmpi ne, %convert_element_type3A_217, %cond3A_218 : i32
      scf.if %cond3A_219 {
        %dma_start3A = arith.constant 10 : i32
        %dma_start3A_323 = arith.constant 0 : i32
        %dma_start3A_324 = tpu.memref_slice %arg8[%dma_start3A, %dma_start3A_323] : memref<16x128xi32, #tpu.memory_space<vmem>> -> memref<1x128xi32, #tpu.memory_space<vmem>>
        %dma_start3A_325 = tpu.memref_squeeze %dma_start3A_324 : memref<1x128xi32, #tpu.memory_space<vmem>> -> memref<128xi32, #tpu.memory_space<vmem>>
        %dma_start3A_326 = arith.constant 0 : i32
        %dma_start3A_327 = arith.constant 0 : i32
        %dma_start3A_328 = tpu.memref_slice %arg2[%dma_start3A_326, %dma_start3A_327] : memref<10000x128xf32, #tpu.memory_space<hbm>> -> memref<10000x128xf32, #tpu.memory_space<hbm>>
        tpu.enqueue_indirect_dma source(%dma_start3A_328 : memref<10000x128xf32, #tpu.memory_space<hbm>>) target(%arg10 : memref<128x128xf32, #tpu.memory_space<vmem>>) offsets(%dma_start3A_325 : memref<128xi32, #tpu.memory_space<vmem>>) semaphore(%arg13 : memref<!tpu.dma_semaphore, #tpu.memory_space<semaphore_mem>>)
      } else {
      }
      %eq3A_220 = arith.constant 1 : i32
      %eq3A_221 = arith.cmpi eq, %arg0, %eq3A_220 : i32
      %convert_element_type3A_222 = arith.extui %eq3A_221 : i1 to i32
      %cond3A_223 = arith.constant 0 : i32
      %cond3A_224 = arith.cmpi ne, %convert_element_type3A_222, %cond3A_223 : i32
      scf.if %cond3A_224 {
        %dma_start3A = arith.constant 10 : i32
        %dma_start3A_323 = arith.constant 0 : i32
        %dma_start3A_324 = tpu.memref_slice %arg8[%dma_start3A, %dma_start3A_323] : memref<16x128xi32, #tpu.memory_space<vmem>> -> memref<1x128xi32, #tpu.memory_space<vmem>>
        %dma_start3A_325 = tpu.memref_squeeze %dma_start3A_324 : memref<1x128xi32, #tpu.memory_space<vmem>> -> memref<128xi32, #tpu.memory_space<vmem>>
        %dma_start3A_326 = arith.constant 0 : i32
        %dma_start3A_327 = arith.constant 0 : i32
        %dma_start3A_328 = tpu.memref_slice %arg3[%dma_start3A_326, %dma_start3A_327] : memref<10000x128xf32, #tpu.memory_space<hbm>> -> memref<10000x128xf32, #tpu.memory_space<hbm>>
        tpu.enqueue_indirect_dma source(%dma_start3A_328 : memref<10000x128xf32, #tpu.memory_space<hbm>>) target(%arg10 : memref<128x128xf32, #tpu.memory_space<vmem>>) offsets(%dma_start3A_325 : memref<128xi32, #tpu.memory_space<vmem>>) semaphore(%arg13 : memref<!tpu.dma_semaphore, #tpu.memory_space<semaphore_mem>>)
      } else {
      }
      %dma_wait3A_225 = arith.constant 0 : i32
      %dma_wait3A_226 = arith.constant 0 : i32
      %dma_wait3A_227 = tpu.memref_slice %arg8[%dma_wait3A_225, %dma_wait3A_226] : memref<16x128xi32, #tpu.memory_space<vmem>> -> memref<1x128xi32, #tpu.memory_space<vmem>>
      %dma_wait3A_228 = tpu.memref_squeeze %dma_wait3A_227 : memref<1x128xi32, #tpu.memory_space<vmem>> -> memref<128xi32, #tpu.memory_space<vmem>>
      %dma_wait3A_229 = arith.constant 0 : i32
      %dma_wait3A_230 = arith.constant 0 : i32
      %dma_wait3A_231 = tpu.memref_slice %arg2[%dma_wait3A_229, %dma_wait3A_230] : memref<10000x128xf32, #tpu.memory_space<hbm>> -> memref<10000x128xf32, #tpu.memory_space<hbm>>
      tpu.wait_indirect_dma semaphore(%arg13 : memref<!tpu.dma_semaphore, #tpu.memory_space<semaphore_mem>>) src(%dma_wait3A_231 : memref<10000x128xf32, #tpu.memory_space<hbm>>) dst(%arg10 : memref<128x128xf32, #tpu.memory_space<vmem>>)
      %run_scoped3A_232 = arith.constant 10 : i32
      "tpu.region"() ({
        %run_scoped3A_323 = tpu.sem_alloc : memref<!tpu.dma_semaphore, #tpu.memory_space<semaphore_mem>>
        %dma_start3A = arith.constant 0 : i32
        %dma_start3A_324 = tpu.memref_slice %arg9[%run_scoped3A_232, %dma_start3A] : memref<16x128xi32, #tpu.memory_space<vmem>> -> memref<1x128xi32, #tpu.memory_space<vmem>>
        %dma_start3A_325 = tpu.memref_squeeze %dma_start3A_324 : memref<1x128xi32, #tpu.memory_space<vmem>> -> memref<128xi32, #tpu.memory_space<vmem>>
        %dma_start3A_326 = arith.constant 0 : i32
        %dma_start3A_327 = arith.constant 0 : i32
        %dma_start3A_328 = tpu.memref_slice %arg12[%dma_start3A_326, %dma_start3A_327] : memref<10240x128xf32, #tpu.memory_space<vmem_shared>> -> memref<10240x128xf32, #tpu.memory_space<vmem_shared>>
        tpu.enqueue_indirect_dma source(%arg10 : memref<128x128xf32, #tpu.memory_space<vmem>>) target(%dma_start3A_328 : memref<10240x128xf32, #tpu.memory_space<vmem_shared>>) offsets(%dma_start3A_325 : memref<128xi32, #tpu.memory_space<vmem>>) semaphore(%run_scoped3A_323 : memref<!tpu.dma_semaphore, #tpu.memory_space<semaphore_mem>>) {add = true}
        %dma_wait3A_329 = arith.constant 0 : i32
        %dma_wait3A_330 = tpu.memref_slice %arg9[%run_scoped3A_232, %dma_wait3A_329] : memref<16x128xi32, #tpu.memory_space<vmem>> -> memref<1x128xi32, #tpu.memory_space<vmem>>
        %dma_wait3A_331 = tpu.memref_squeeze %dma_wait3A_330 : memref<1x128xi32, #tpu.memory_space<vmem>> -> memref<128xi32, #tpu.memory_space<vmem>>
        %dma_wait3A_332 = arith.constant 0 : i32
        %dma_wait3A_333 = arith.constant 0 : i32
        %dma_wait3A_334 = tpu.memref_slice %arg12[%dma_wait3A_332, %dma_wait3A_333] : memref<10240x128xf32, #tpu.memory_space<vmem_shared>> -> memref<10240x128xf32, #tpu.memory_space<vmem_shared>>
        tpu.wait_indirect_dma semaphore(%run_scoped3A_323 : memref<!tpu.dma_semaphore, #tpu.memory_space<semaphore_mem>>) src(%arg10 : memref<128x128xf32, #tpu.memory_space<vmem>>) dst(%dma_wait3A_334 : memref<10240x128xf32, #tpu.memory_space<vmem_shared>>)
        tpu.yield
      }) : () -> ()
      %eq3A_233 = arith.constant 0 : i32
      %eq3A_234 = arith.cmpi eq, %arg0, %eq3A_233 : i32
      %convert_element_type3A_235 = arith.extui %eq3A_234 : i1 to i32
      %cond3A_236 = arith.constant 0 : i32
      %cond3A_237 = arith.cmpi ne, %convert_element_type3A_235, %cond3A_236 : i32
      scf.if %cond3A_237 {
        %dma_start3A = arith.constant 11 : i32
        %dma_start3A_323 = arith.constant 0 : i32
        %dma_start3A_324 = tpu.memref_slice %arg8[%dma_start3A, %dma_start3A_323] : memref<16x128xi32, #tpu.memory_space<vmem>> -> memref<1x128xi32, #tpu.memory_space<vmem>>
        %dma_start3A_325 = tpu.memref_squeeze %dma_start3A_324 : memref<1x128xi32, #tpu.memory_space<vmem>> -> memref<128xi32, #tpu.memory_space<vmem>>
        %dma_start3A_326 = arith.constant 0 : i32
        %dma_start3A_327 = arith.constant 0 : i32
        %dma_start3A_328 = tpu.memref_slice %arg2[%dma_start3A_326, %dma_start3A_327] : memref<10000x128xf32, #tpu.memory_space<hbm>> -> memref<10000x128xf32, #tpu.memory_space<hbm>>
        tpu.enqueue_indirect_dma source(%dma_start3A_328 : memref<10000x128xf32, #tpu.memory_space<hbm>>) target(%arg10 : memref<128x128xf32, #tpu.memory_space<vmem>>) offsets(%dma_start3A_325 : memref<128xi32, #tpu.memory_space<vmem>>) semaphore(%arg13 : memref<!tpu.dma_semaphore, #tpu.memory_space<semaphore_mem>>)
      } else {
      }
      %eq3A_238 = arith.constant 1 : i32
      %eq3A_239 = arith.cmpi eq, %arg0, %eq3A_238 : i32
      %convert_element_type3A_240 = arith.extui %eq3A_239 : i1 to i32
      %cond3A_241 = arith.constant 0 : i32
      %cond3A_242 = arith.cmpi ne, %convert_element_type3A_240, %cond3A_241 : i32
      scf.if %cond3A_242 {
        %dma_start3A = arith.constant 11 : i32
        %dma_start3A_323 = arith.constant 0 : i32
        %dma_start3A_324 = tpu.memref_slice %arg8[%dma_start3A, %dma_start3A_323] : memref<16x128xi32, #tpu.memory_space<vmem>> -> memref<1x128xi32, #tpu.memory_space<vmem>>
        %dma_start3A_325 = tpu.memref_squeeze %dma_start3A_324 : memref<1x128xi32, #tpu.memory_space<vmem>> -> memref<128xi32, #tpu.memory_space<vmem>>
        %dma_start3A_326 = arith.constant 0 : i32
        %dma_start3A_327 = arith.constant 0 : i32
        %dma_start3A_328 = tpu.memref_slice %arg3[%dma_start3A_326, %dma_start3A_327] : memref<10000x128xf32, #tpu.memory_space<hbm>> -> memref<10000x128xf32, #tpu.memory_space<hbm>>
        tpu.enqueue_indirect_dma source(%dma_start3A_328 : memref<10000x128xf32, #tpu.memory_space<hbm>>) target(%arg10 : memref<128x128xf32, #tpu.memory_space<vmem>>) offsets(%dma_start3A_325 : memref<128xi32, #tpu.memory_space<vmem>>) semaphore(%arg13 : memref<!tpu.dma_semaphore, #tpu.memory_space<semaphore_mem>>)
      } else {
      }
      %dma_wait3A_243 = arith.constant 0 : i32
      %dma_wait3A_244 = arith.constant 0 : i32
      %dma_wait3A_245 = tpu.memref_slice %arg8[%dma_wait3A_243, %dma_wait3A_244] : memref<16x128xi32, #tpu.memory_space<vmem>> -> memref<1x128xi32, #tpu.memory_space<vmem>>
      %dma_wait3A_246 = tpu.memref_squeeze %dma_wait3A_245 : memref<1x128xi32, #tpu.memory_space<vmem>> -> memref<128xi32, #tpu.memory_space<vmem>>
      %dma_wait3A_247 = arith.constant 0 : i32
      %dma_wait3A_248 = arith.constant 0 : i32
      %dma_wait3A_249 = tpu.memref_slice %arg2[%dma_wait3A_247, %dma_wait3A_248] : memref<10000x128xf32, #tpu.memory_space<hbm>> -> memref<10000x128xf32, #tpu.memory_space<hbm>>
      tpu.wait_indirect_dma semaphore(%arg13 : memref<!tpu.dma_semaphore, #tpu.memory_space<semaphore_mem>>) src(%dma_wait3A_249 : memref<10000x128xf32, #tpu.memory_space<hbm>>) dst(%arg10 : memref<128x128xf32, #tpu.memory_space<vmem>>)
      %run_scoped3A_250 = arith.constant 11 : i32
      "tpu.region"() ({
        %run_scoped3A_323 = tpu.sem_alloc : memref<!tpu.dma_semaphore, #tpu.memory_space<semaphore_mem>>
        %dma_start3A = arith.constant 0 : i32
        %dma_start3A_324 = tpu.memref_slice %arg9[%run_scoped3A_250, %dma_start3A] : memref<16x128xi32, #tpu.memory_space<vmem>> -> memref<1x128xi32, #tpu.memory_space<vmem>>
        %dma_start3A_325 = tpu.memref_squeeze %dma_start3A_324 : memref<1x128xi32, #tpu.memory_space<vmem>> -> memref<128xi32, #tpu.memory_space<vmem>>
        %dma_start3A_326 = arith.constant 0 : i32
        %dma_start3A_327 = arith.constant 0 : i32
        %dma_start3A_328 = tpu.memref_slice %arg12[%dma_start3A_326, %dma_start3A_327] : memref<10240x128xf32, #tpu.memory_space<vmem_shared>> -> memref<10240x128xf32, #tpu.memory_space<vmem_shared>>
        tpu.enqueue_indirect_dma source(%arg10 : memref<128x128xf32, #tpu.memory_space<vmem>>) target(%dma_start3A_328 : memref<10240x128xf32, #tpu.memory_space<vmem_shared>>) offsets(%dma_start3A_325 : memref<128xi32, #tpu.memory_space<vmem>>) semaphore(%run_scoped3A_323 : memref<!tpu.dma_semaphore, #tpu.memory_space<semaphore_mem>>) {add = true}
        %dma_wait3A_329 = arith.constant 0 : i32
        %dma_wait3A_330 = tpu.memref_slice %arg9[%run_scoped3A_250, %dma_wait3A_329] : memref<16x128xi32, #tpu.memory_space<vmem>> -> memref<1x128xi32, #tpu.memory_space<vmem>>
        %dma_wait3A_331 = tpu.memref_squeeze %dma_wait3A_330 : memref<1x128xi32, #tpu.memory_space<vmem>> -> memref<128xi32, #tpu.memory_space<vmem>>
        %dma_wait3A_332 = arith.constant 0 : i32
        %dma_wait3A_333 = arith.constant 0 : i32
        %dma_wait3A_334 = tpu.memref_slice %arg12[%dma_wait3A_332, %dma_wait3A_333] : memref<10240x128xf32, #tpu.memory_space<vmem_shared>> -> memref<10240x128xf32, #tpu.memory_space<vmem_shared>>
        tpu.wait_indirect_dma semaphore(%run_scoped3A_323 : memref<!tpu.dma_semaphore, #tpu.memory_space<semaphore_mem>>) src(%arg10 : memref<128x128xf32, #tpu.memory_space<vmem>>) dst(%dma_wait3A_334 : memref<10240x128xf32, #tpu.memory_space<vmem_shared>>)
        tpu.yield
      }) : () -> ()
      %eq3A_251 = arith.constant 0 : i32
      %eq3A_252 = arith.cmpi eq, %arg0, %eq3A_251 : i32
      %convert_element_type3A_253 = arith.extui %eq3A_252 : i1 to i32
      %cond3A_254 = arith.constant 0 : i32
      %cond3A_255 = arith.cmpi ne, %convert_element_type3A_253, %cond3A_254 : i32
      scf.if %cond3A_255 {
        %dma_start3A = arith.constant 12 : i32
        %dma_start3A_323 = arith.constant 0 : i32
        %dma_start3A_324 = tpu.memref_slice %arg8[%dma_start3A, %dma_start3A_323] : memref<16x128xi32, #tpu.memory_space<vmem>> -> memref<1x128xi32, #tpu.memory_space<vmem>>
        %dma_start3A_325 = tpu.memref_squeeze %dma_start3A_324 : memref<1x128xi32, #tpu.memory_space<vmem>> -> memref<128xi32, #tpu.memory_space<vmem>>
        %dma_start3A_326 = arith.constant 0 : i32
        %dma_start3A_327 = arith.constant 0 : i32
        %dma_start3A_328 = tpu.memref_slice %arg2[%dma_start3A_326, %dma_start3A_327] : memref<10000x128xf32, #tpu.memory_space<hbm>> -> memref<10000x128xf32, #tpu.memory_space<hbm>>
        tpu.enqueue_indirect_dma source(%dma_start3A_328 : memref<10000x128xf32, #tpu.memory_space<hbm>>) target(%arg10 : memref<128x128xf32, #tpu.memory_space<vmem>>) offsets(%dma_start3A_325 : memref<128xi32, #tpu.memory_space<vmem>>) semaphore(%arg13 : memref<!tpu.dma_semaphore, #tpu.memory_space<semaphore_mem>>)
      } else {
      }
      %eq3A_256 = arith.constant 1 : i32
      %eq3A_257 = arith.cmpi eq, %arg0, %eq3A_256 : i32
      %convert_element_type3A_258 = arith.extui %eq3A_257 : i1 to i32
      %cond3A_259 = arith.constant 0 : i32
      %cond3A_260 = arith.cmpi ne, %convert_element_type3A_258, %cond3A_259 : i32
      scf.if %cond3A_260 {
        %dma_start3A = arith.constant 12 : i32
        %dma_start3A_323 = arith.constant 0 : i32
        %dma_start3A_324 = tpu.memref_slice %arg8[%dma_start3A, %dma_start3A_323] : memref<16x128xi32, #tpu.memory_space<vmem>> -> memref<1x128xi32, #tpu.memory_space<vmem>>
        %dma_start3A_325 = tpu.memref_squeeze %dma_start3A_324 : memref<1x128xi32, #tpu.memory_space<vmem>> -> memref<128xi32, #tpu.memory_space<vmem>>
        %dma_start3A_326 = arith.constant 0 : i32
        %dma_start3A_327 = arith.constant 0 : i32
        %dma_start3A_328 = tpu.memref_slice %arg3[%dma_start3A_326, %dma_start3A_327] : memref<10000x128xf32, #tpu.memory_space<hbm>> -> memref<10000x128xf32, #tpu.memory_space<hbm>>
        tpu.enqueue_indirect_dma source(%dma_start3A_328 : memref<10000x128xf32, #tpu.memory_space<hbm>>) target(%arg10 : memref<128x128xf32, #tpu.memory_space<vmem>>) offsets(%dma_start3A_325 : memref<128xi32, #tpu.memory_space<vmem>>) semaphore(%arg13 : memref<!tpu.dma_semaphore, #tpu.memory_space<semaphore_mem>>)
      } else {
      }
      %dma_wait3A_261 = arith.constant 0 : i32
      %dma_wait3A_262 = arith.constant 0 : i32
      %dma_wait3A_263 = tpu.memref_slice %arg8[%dma_wait3A_261, %dma_wait3A_262] : memref<16x128xi32, #tpu.memory_space<vmem>> -> memref<1x128xi32, #tpu.memory_space<vmem>>
      %dma_wait3A_264 = tpu.memref_squeeze %dma_wait3A_263 : memref<1x128xi32, #tpu.memory_space<vmem>> -> memref<128xi32, #tpu.memory_space<vmem>>
      %dma_wait3A_265 = arith.constant 0 : i32
      %dma_wait3A_266 = arith.constant 0 : i32
      %dma_wait3A_267 = tpu.memref_slice %arg2[%dma_wait3A_265, %dma_wait3A_266] : memref<10000x128xf32, #tpu.memory_space<hbm>> -> memref<10000x128xf32, #tpu.memory_space<hbm>>
      tpu.wait_indirect_dma semaphore(%arg13 : memref<!tpu.dma_semaphore, #tpu.memory_space<semaphore_mem>>) src(%dma_wait3A_267 : memref<10000x128xf32, #tpu.memory_space<hbm>>) dst(%arg10 : memref<128x128xf32, #tpu.memory_space<vmem>>)
      %run_scoped3A_268 = arith.constant 12 : i32
      "tpu.region"() ({
        %run_scoped3A_323 = tpu.sem_alloc : memref<!tpu.dma_semaphore, #tpu.memory_space<semaphore_mem>>
        %dma_start3A = arith.constant 0 : i32
        %dma_start3A_324 = tpu.memref_slice %arg9[%run_scoped3A_268, %dma_start3A] : memref<16x128xi32, #tpu.memory_space<vmem>> -> memref<1x128xi32, #tpu.memory_space<vmem>>
        %dma_start3A_325 = tpu.memref_squeeze %dma_start3A_324 : memref<1x128xi32, #tpu.memory_space<vmem>> -> memref<128xi32, #tpu.memory_space<vmem>>
        %dma_start3A_326 = arith.constant 0 : i32
        %dma_start3A_327 = arith.constant 0 : i32
        %dma_start3A_328 = tpu.memref_slice %arg12[%dma_start3A_326, %dma_start3A_327] : memref<10240x128xf32, #tpu.memory_space<vmem_shared>> -> memref<10240x128xf32, #tpu.memory_space<vmem_shared>>
        tpu.enqueue_indirect_dma source(%arg10 : memref<128x128xf32, #tpu.memory_space<vmem>>) target(%dma_start3A_328 : memref<10240x128xf32, #tpu.memory_space<vmem_shared>>) offsets(%dma_start3A_325 : memref<128xi32, #tpu.memory_space<vmem>>) semaphore(%run_scoped3A_323 : memref<!tpu.dma_semaphore, #tpu.memory_space<semaphore_mem>>) {add = true}
        %dma_wait3A_329 = arith.constant 0 : i32
        %dma_wait3A_330 = tpu.memref_slice %arg9[%run_scoped3A_268, %dma_wait3A_329] : memref<16x128xi32, #tpu.memory_space<vmem>> -> memref<1x128xi32, #tpu.memory_space<vmem>>
        %dma_wait3A_331 = tpu.memref_squeeze %dma_wait3A_330 : memref<1x128xi32, #tpu.memory_space<vmem>> -> memref<128xi32, #tpu.memory_space<vmem>>
        %dma_wait3A_332 = arith.constant 0 : i32
        %dma_wait3A_333 = arith.constant 0 : i32
        %dma_wait3A_334 = tpu.memref_slice %arg12[%dma_wait3A_332, %dma_wait3A_333] : memref<10240x128xf32, #tpu.memory_space<vmem_shared>> -> memref<10240x128xf32, #tpu.memory_space<vmem_shared>>
        tpu.wait_indirect_dma semaphore(%run_scoped3A_323 : memref<!tpu.dma_semaphore, #tpu.memory_space<semaphore_mem>>) src(%arg10 : memref<128x128xf32, #tpu.memory_space<vmem>>) dst(%dma_wait3A_334 : memref<10240x128xf32, #tpu.memory_space<vmem_shared>>)
        tpu.yield
      }) : () -> ()
      %eq3A_269 = arith.constant 0 : i32
      %eq3A_270 = arith.cmpi eq, %arg0, %eq3A_269 : i32
      %convert_element_type3A_271 = arith.extui %eq3A_270 : i1 to i32
      %cond3A_272 = arith.constant 0 : i32
      %cond3A_273 = arith.cmpi ne, %convert_element_type3A_271, %cond3A_272 : i32
      scf.if %cond3A_273 {
        %dma_start3A = arith.constant 13 : i32
        %dma_start3A_323 = arith.constant 0 : i32
        %dma_start3A_324 = tpu.memref_slice %arg8[%dma_start3A, %dma_start3A_323] : memref<16x128xi32, #tpu.memory_space<vmem>> -> memref<1x128xi32, #tpu.memory_space<vmem>>
        %dma_start3A_325 = tpu.memref_squeeze %dma_start3A_324 : memref<1x128xi32, #tpu.memory_space<vmem>> -> memref<128xi32, #tpu.memory_space<vmem>>
        %dma_start3A_326 = arith.constant 0 : i32
        %dma_start3A_327 = arith.constant 0 : i32
        %dma_start3A_328 = tpu.memref_slice %arg2[%dma_start3A_326, %dma_start3A_327] : memref<10000x128xf32, #tpu.memory_space<hbm>> -> memref<10000x128xf32, #tpu.memory_space<hbm>>
        tpu.enqueue_indirect_dma source(%dma_start3A_328 : memref<10000x128xf32, #tpu.memory_space<hbm>>) target(%arg10 : memref<128x128xf32, #tpu.memory_space<vmem>>) offsets(%dma_start3A_325 : memref<128xi32, #tpu.memory_space<vmem>>) semaphore(%arg13 : memref<!tpu.dma_semaphore, #tpu.memory_space<semaphore_mem>>)
      } else {
      }
      %eq3A_274 = arith.constant 1 : i32
      %eq3A_275 = arith.cmpi eq, %arg0, %eq3A_274 : i32
      %convert_element_type3A_276 = arith.extui %eq3A_275 : i1 to i32
      %cond3A_277 = arith.constant 0 : i32
      %cond3A_278 = arith.cmpi ne, %convert_element_type3A_276, %cond3A_277 : i32
      scf.if %cond3A_278 {
        %dma_start3A = arith.constant 13 : i32
        %dma_start3A_323 = arith.constant 0 : i32
        %dma_start3A_324 = tpu.memref_slice %arg8[%dma_start3A, %dma_start3A_323] : memref<16x128xi32, #tpu.memory_space<vmem>> -> memref<1x128xi32, #tpu.memory_space<vmem>>
        %dma_start3A_325 = tpu.memref_squeeze %dma_start3A_324 : memref<1x128xi32, #tpu.memory_space<vmem>> -> memref<128xi32, #tpu.memory_space<vmem>>
        %dma_start3A_326 = arith.constant 0 : i32
        %dma_start3A_327 = arith.constant 0 : i32
        %dma_start3A_328 = tpu.memref_slice %arg3[%dma_start3A_326, %dma_start3A_327] : memref<10000x128xf32, #tpu.memory_space<hbm>> -> memref<10000x128xf32, #tpu.memory_space<hbm>>
        tpu.enqueue_indirect_dma source(%dma_start3A_328 : memref<10000x128xf32, #tpu.memory_space<hbm>>) target(%arg10 : memref<128x128xf32, #tpu.memory_space<vmem>>) offsets(%dma_start3A_325 : memref<128xi32, #tpu.memory_space<vmem>>) semaphore(%arg13 : memref<!tpu.dma_semaphore, #tpu.memory_space<semaphore_mem>>)
      } else {
      }
      %dma_wait3A_279 = arith.constant 0 : i32
      %dma_wait3A_280 = arith.constant 0 : i32
      %dma_wait3A_281 = tpu.memref_slice %arg8[%dma_wait3A_279, %dma_wait3A_280] : memref<16x128xi32, #tpu.memory_space<vmem>> -> memref<1x128xi32, #tpu.memory_space<vmem>>
      %dma_wait3A_282 = tpu.memref_squeeze %dma_wait3A_281 : memref<1x128xi32, #tpu.memory_space<vmem>> -> memref<128xi32, #tpu.memory_space<vmem>>
      %dma_wait3A_283 = arith.constant 0 : i32
      %dma_wait3A_284 = arith.constant 0 : i32
      %dma_wait3A_285 = tpu.memref_slice %arg2[%dma_wait3A_283, %dma_wait3A_284] : memref<10000x128xf32, #tpu.memory_space<hbm>> -> memref<10000x128xf32, #tpu.memory_space<hbm>>
      tpu.wait_indirect_dma semaphore(%arg13 : memref<!tpu.dma_semaphore, #tpu.memory_space<semaphore_mem>>) src(%dma_wait3A_285 : memref<10000x128xf32, #tpu.memory_space<hbm>>) dst(%arg10 : memref<128x128xf32, #tpu.memory_space<vmem>>)
      %run_scoped3A_286 = arith.constant 13 : i32
      "tpu.region"() ({
        %run_scoped3A_323 = tpu.sem_alloc : memref<!tpu.dma_semaphore, #tpu.memory_space<semaphore_mem>>
        %dma_start3A = arith.constant 0 : i32
        %dma_start3A_324 = tpu.memref_slice %arg9[%run_scoped3A_286, %dma_start3A] : memref<16x128xi32, #tpu.memory_space<vmem>> -> memref<1x128xi32, #tpu.memory_space<vmem>>
        %dma_start3A_325 = tpu.memref_squeeze %dma_start3A_324 : memref<1x128xi32, #tpu.memory_space<vmem>> -> memref<128xi32, #tpu.memory_space<vmem>>
        %dma_start3A_326 = arith.constant 0 : i32
        %dma_start3A_327 = arith.constant 0 : i32
        %dma_start3A_328 = tpu.memref_slice %arg12[%dma_start3A_326, %dma_start3A_327] : memref<10240x128xf32, #tpu.memory_space<vmem_shared>> -> memref<10240x128xf32, #tpu.memory_space<vmem_shared>>
        tpu.enqueue_indirect_dma source(%arg10 : memref<128x128xf32, #tpu.memory_space<vmem>>) target(%dma_start3A_328 : memref<10240x128xf32, #tpu.memory_space<vmem_shared>>) offsets(%dma_start3A_325 : memref<128xi32, #tpu.memory_space<vmem>>) semaphore(%run_scoped3A_323 : memref<!tpu.dma_semaphore, #tpu.memory_space<semaphore_mem>>) {add = true}
        %dma_wait3A_329 = arith.constant 0 : i32
        %dma_wait3A_330 = tpu.memref_slice %arg9[%run_scoped3A_286, %dma_wait3A_329] : memref<16x128xi32, #tpu.memory_space<vmem>> -> memref<1x128xi32, #tpu.memory_space<vmem>>
        %dma_wait3A_331 = tpu.memref_squeeze %dma_wait3A_330 : memref<1x128xi32, #tpu.memory_space<vmem>> -> memref<128xi32, #tpu.memory_space<vmem>>
        %dma_wait3A_332 = arith.constant 0 : i32
        %dma_wait3A_333 = arith.constant 0 : i32
        %dma_wait3A_334 = tpu.memref_slice %arg12[%dma_wait3A_332, %dma_wait3A_333] : memref<10240x128xf32, #tpu.memory_space<vmem_shared>> -> memref<10240x128xf32, #tpu.memory_space<vmem_shared>>
        tpu.wait_indirect_dma semaphore(%run_scoped3A_323 : memref<!tpu.dma_semaphore, #tpu.memory_space<semaphore_mem>>) src(%arg10 : memref<128x128xf32, #tpu.memory_space<vmem>>) dst(%dma_wait3A_334 : memref<10240x128xf32, #tpu.memory_space<vmem_shared>>)
        tpu.yield
      }) : () -> ()
      %eq3A_287 = arith.constant 0 : i32
      %eq3A_288 = arith.cmpi eq, %arg0, %eq3A_287 : i32
      %convert_element_type3A_289 = arith.extui %eq3A_288 : i1 to i32
      %cond3A_290 = arith.constant 0 : i32
      %cond3A_291 = arith.cmpi ne, %convert_element_type3A_289, %cond3A_290 : i32
      scf.if %cond3A_291 {
        %dma_start3A = arith.constant 14 : i32
        %dma_start3A_323 = arith.constant 0 : i32
        %dma_start3A_324 = tpu.memref_slice %arg8[%dma_start3A, %dma_start3A_323] : memref<16x128xi32, #tpu.memory_space<vmem>> -> memref<1x128xi32, #tpu.memory_space<vmem>>
        %dma_start3A_325 = tpu.memref_squeeze %dma_start3A_324 : memref<1x128xi32, #tpu.memory_space<vmem>> -> memref<128xi32, #tpu.memory_space<vmem>>
        %dma_start3A_326 = arith.constant 0 : i32
        %dma_start3A_327 = arith.constant 0 : i32
        %dma_start3A_328 = tpu.memref_slice %arg2[%dma_start3A_326, %dma_start3A_327] : memref<10000x128xf32, #tpu.memory_space<hbm>> -> memref<10000x128xf32, #tpu.memory_space<hbm>>
        tpu.enqueue_indirect_dma source(%dma_start3A_328 : memref<10000x128xf32, #tpu.memory_space<hbm>>) target(%arg10 : memref<128x128xf32, #tpu.memory_space<vmem>>) offsets(%dma_start3A_325 : memref<128xi32, #tpu.memory_space<vmem>>) semaphore(%arg13 : memref<!tpu.dma_semaphore, #tpu.memory_space<semaphore_mem>>)
      } else {
      }
      %eq3A_292 = arith.constant 1 : i32
      %eq3A_293 = arith.cmpi eq, %arg0, %eq3A_292 : i32
      %convert_element_type3A_294 = arith.extui %eq3A_293 : i1 to i32
      %cond3A_295 = arith.constant 0 : i32
      %cond3A_296 = arith.cmpi ne, %convert_element_type3A_294, %cond3A_295 : i32
      scf.if %cond3A_296 {
        %dma_start3A = arith.constant 14 : i32
        %dma_start3A_323 = arith.constant 0 : i32
        %dma_start3A_324 = tpu.memref_slice %arg8[%dma_start3A, %dma_start3A_323] : memref<16x128xi32, #tpu.memory_space<vmem>> -> memref<1x128xi32, #tpu.memory_space<vmem>>
        %dma_start3A_325 = tpu.memref_squeeze %dma_start3A_324 : memref<1x128xi32, #tpu.memory_space<vmem>> -> memref<128xi32, #tpu.memory_space<vmem>>
        %dma_start3A_326 = arith.constant 0 : i32
        %dma_start3A_327 = arith.constant 0 : i32
        %dma_start3A_328 = tpu.memref_slice %arg3[%dma_start3A_326, %dma_start3A_327] : memref<10000x128xf32, #tpu.memory_space<hbm>> -> memref<10000x128xf32, #tpu.memory_space<hbm>>
        tpu.enqueue_indirect_dma source(%dma_start3A_328 : memref<10000x128xf32, #tpu.memory_space<hbm>>) target(%arg10 : memref<128x128xf32, #tpu.memory_space<vmem>>) offsets(%dma_start3A_325 : memref<128xi32, #tpu.memory_space<vmem>>) semaphore(%arg13 : memref<!tpu.dma_semaphore, #tpu.memory_space<semaphore_mem>>)
      } else {
      }
      %dma_wait3A_297 = arith.constant 0 : i32
      %dma_wait3A_298 = arith.constant 0 : i32
      %dma_wait3A_299 = tpu.memref_slice %arg8[%dma_wait3A_297, %dma_wait3A_298] : memref<16x128xi32, #tpu.memory_space<vmem>> -> memref<1x128xi32, #tpu.memory_space<vmem>>
      %dma_wait3A_300 = tpu.memref_squeeze %dma_wait3A_299 : memref<1x128xi32, #tpu.memory_space<vmem>> -> memref<128xi32, #tpu.memory_space<vmem>>
      %dma_wait3A_301 = arith.constant 0 : i32
      %dma_wait3A_302 = arith.constant 0 : i32
      %dma_wait3A_303 = tpu.memref_slice %arg2[%dma_wait3A_301, %dma_wait3A_302] : memref<10000x128xf32, #tpu.memory_space<hbm>> -> memref<10000x128xf32, #tpu.memory_space<hbm>>
      tpu.wait_indirect_dma semaphore(%arg13 : memref<!tpu.dma_semaphore, #tpu.memory_space<semaphore_mem>>) src(%dma_wait3A_303 : memref<10000x128xf32, #tpu.memory_space<hbm>>) dst(%arg10 : memref<128x128xf32, #tpu.memory_space<vmem>>)
      %run_scoped3A_304 = arith.constant 14 : i32
      "tpu.region"() ({
        %run_scoped3A_323 = tpu.sem_alloc : memref<!tpu.dma_semaphore, #tpu.memory_space<semaphore_mem>>
        %dma_start3A = arith.constant 0 : i32
        %dma_start3A_324 = tpu.memref_slice %arg9[%run_scoped3A_304, %dma_start3A] : memref<16x128xi32, #tpu.memory_space<vmem>> -> memref<1x128xi32, #tpu.memory_space<vmem>>
        %dma_start3A_325 = tpu.memref_squeeze %dma_start3A_324 : memref<1x128xi32, #tpu.memory_space<vmem>> -> memref<128xi32, #tpu.memory_space<vmem>>
        %dma_start3A_326 = arith.constant 0 : i32
        %dma_start3A_327 = arith.constant 0 : i32
        %dma_start3A_328 = tpu.memref_slice %arg12[%dma_start3A_326, %dma_start3A_327] : memref<10240x128xf32, #tpu.memory_space<vmem_shared>> -> memref<10240x128xf32, #tpu.memory_space<vmem_shared>>
        tpu.enqueue_indirect_dma source(%arg10 : memref<128x128xf32, #tpu.memory_space<vmem>>) target(%dma_start3A_328 : memref<10240x128xf32, #tpu.memory_space<vmem_shared>>) offsets(%dma_start3A_325 : memref<128xi32, #tpu.memory_space<vmem>>) semaphore(%run_scoped3A_323 : memref<!tpu.dma_semaphore, #tpu.memory_space<semaphore_mem>>) {add = true}
        %dma_wait3A_329 = arith.constant 0 : i32
        %dma_wait3A_330 = tpu.memref_slice %arg9[%run_scoped3A_304, %dma_wait3A_329] : memref<16x128xi32, #tpu.memory_space<vmem>> -> memref<1x128xi32, #tpu.memory_space<vmem>>
        %dma_wait3A_331 = tpu.memref_squeeze %dma_wait3A_330 : memref<1x128xi32, #tpu.memory_space<vmem>> -> memref<128xi32, #tpu.memory_space<vmem>>
        %dma_wait3A_332 = arith.constant 0 : i32
        %dma_wait3A_333 = arith.constant 0 : i32
        %dma_wait3A_334 = tpu.memref_slice %arg12[%dma_wait3A_332, %dma_wait3A_333] : memref<10240x128xf32, #tpu.memory_space<vmem_shared>> -> memref<10240x128xf32, #tpu.memory_space<vmem_shared>>
        tpu.wait_indirect_dma semaphore(%run_scoped3A_323 : memref<!tpu.dma_semaphore, #tpu.memory_space<semaphore_mem>>) src(%arg10 : memref<128x128xf32, #tpu.memory_space<vmem>>) dst(%dma_wait3A_334 : memref<10240x128xf32, #tpu.memory_space<vmem_shared>>)
        tpu.yield
      }) : () -> ()
      %eq3A_305 = arith.constant 0 : i32
      %eq3A_306 = arith.cmpi eq, %arg0, %eq3A_305 : i32
      %convert_element_type3A_307 = arith.extui %eq3A_306 : i1 to i32
      %cond3A_308 = arith.constant 0 : i32
      %cond3A_309 = arith.cmpi ne, %convert_element_type3A_307, %cond3A_308 : i32
      scf.if %cond3A_309 {
        %dma_start3A = arith.constant 15 : i32
        %dma_start3A_323 = arith.constant 0 : i32
        %dma_start3A_324 = tpu.memref_slice %arg8[%dma_start3A, %dma_start3A_323] : memref<16x128xi32, #tpu.memory_space<vmem>> -> memref<1x128xi32, #tpu.memory_space<vmem>>
        %dma_start3A_325 = tpu.memref_squeeze %dma_start3A_324 : memref<1x128xi32, #tpu.memory_space<vmem>> -> memref<128xi32, #tpu.memory_space<vmem>>
        %dma_start3A_326 = arith.constant 0 : i32
        %dma_start3A_327 = arith.constant 0 : i32
        %dma_start3A_328 = tpu.memref_slice %arg2[%dma_start3A_326, %dma_start3A_327] : memref<10000x128xf32, #tpu.memory_space<hbm>> -> memref<10000x128xf32, #tpu.memory_space<hbm>>
        tpu.enqueue_indirect_dma source(%dma_start3A_328 : memref<10000x128xf32, #tpu.memory_space<hbm>>) target(%arg10 : memref<128x128xf32, #tpu.memory_space<vmem>>) offsets(%dma_start3A_325 : memref<128xi32, #tpu.memory_space<vmem>>) semaphore(%arg13 : memref<!tpu.dma_semaphore, #tpu.memory_space<semaphore_mem>>)
      } else {
      }
      %eq3A_310 = arith.constant 1 : i32
      %eq3A_311 = arith.cmpi eq, %arg0, %eq3A_310 : i32
      %convert_element_type3A_312 = arith.extui %eq3A_311 : i1 to i32
      %cond3A_313 = arith.constant 0 : i32
      %cond3A_314 = arith.cmpi ne, %convert_element_type3A_312, %cond3A_313 : i32
      scf.if %cond3A_314 {
        %dma_start3A = arith.constant 15 : i32
        %dma_start3A_323 = arith.constant 0 : i32
        %dma_start3A_324 = tpu.memref_slice %arg8[%dma_start3A, %dma_start3A_323] : memref<16x128xi32, #tpu.memory_space<vmem>> -> memref<1x128xi32, #tpu.memory_space<vmem>>
        %dma_start3A_325 = tpu.memref_squeeze %dma_start3A_324 : memref<1x128xi32, #tpu.memory_space<vmem>> -> memref<128xi32, #tpu.memory_space<vmem>>
        %dma_start3A_326 = arith.constant 0 : i32
        %dma_start3A_327 = arith.constant 0 : i32
        %dma_start3A_328 = tpu.memref_slice %arg3[%dma_start3A_326, %dma_start3A_327] : memref<10000x128xf32, #tpu.memory_space<hbm>> -> memref<10000x128xf32, #tpu.memory_space<hbm>>
        tpu.enqueue_indirect_dma source(%dma_start3A_328 : memref<10000x128xf32, #tpu.memory_space<hbm>>) target(%arg10 : memref<128x128xf32, #tpu.memory_space<vmem>>) offsets(%dma_start3A_325 : memref<128xi32, #tpu.memory_space<vmem>>) semaphore(%arg13 : memref<!tpu.dma_semaphore, #tpu.memory_space<semaphore_mem>>)
      } else {
      }
      %dma_wait3A_315 = arith.constant 0 : i32
      %dma_wait3A_316 = arith.constant 0 : i32
      %dma_wait3A_317 = tpu.memref_slice %arg8[%dma_wait3A_315, %dma_wait3A_316] : memref<16x128xi32, #tpu.memory_space<vmem>> -> memref<1x128xi32, #tpu.memory_space<vmem>>
      %dma_wait3A_318 = tpu.memref_squeeze %dma_wait3A_317 : memref<1x128xi32, #tpu.memory_space<vmem>> -> memref<128xi32, #tpu.memory_space<vmem>>
      %dma_wait3A_319 = arith.constant 0 : i32
      %dma_wait3A_320 = arith.constant 0 : i32
      %dma_wait3A_321 = tpu.memref_slice %arg2[%dma_wait3A_319, %dma_wait3A_320] : memref<10000x128xf32, #tpu.memory_space<hbm>> -> memref<10000x128xf32, #tpu.memory_space<hbm>>
      tpu.wait_indirect_dma semaphore(%arg13 : memref<!tpu.dma_semaphore, #tpu.memory_space<semaphore_mem>>) src(%dma_wait3A_321 : memref<10000x128xf32, #tpu.memory_space<hbm>>) dst(%arg10 : memref<128x128xf32, #tpu.memory_space<vmem>>)
      %run_scoped3A_322 = arith.constant 15 : i32
      "tpu.region"() ({
        %run_scoped3A_323 = tpu.sem_alloc : memref<!tpu.dma_semaphore, #tpu.memory_space<semaphore_mem>>
        %dma_start3A = arith.constant 0 : i32
        %dma_start3A_324 = tpu.memref_slice %arg9[%run_scoped3A_322, %dma_start3A] : memref<16x128xi32, #tpu.memory_space<vmem>> -> memref<1x128xi32, #tpu.memory_space<vmem>>
        %dma_start3A_325 = tpu.memref_squeeze %dma_start3A_324 : memref<1x128xi32, #tpu.memory_space<vmem>> -> memref<128xi32, #tpu.memory_space<vmem>>
        %dma_start3A_326 = arith.constant 0 : i32
        %dma_start3A_327 = arith.constant 0 : i32
        %dma_start3A_328 = tpu.memref_slice %arg12[%dma_start3A_326, %dma_start3A_327] : memref<10240x128xf32, #tpu.memory_space<vmem_shared>> -> memref<10240x128xf32, #tpu.memory_space<vmem_shared>>
        tpu.enqueue_indirect_dma source(%arg10 : memref<128x128xf32, #tpu.memory_space<vmem>>) target(%dma_start3A_328 : memref<10240x128xf32, #tpu.memory_space<vmem_shared>>) offsets(%dma_start3A_325 : memref<128xi32, #tpu.memory_space<vmem>>) semaphore(%run_scoped3A_323 : memref<!tpu.dma_semaphore, #tpu.memory_space<semaphore_mem>>) {add = true}
        %dma_wait3A_329 = arith.constant 0 : i32
        %dma_wait3A_330 = tpu.memref_slice %arg9[%run_scoped3A_322, %dma_wait3A_329] : memref<16x128xi32, #tpu.memory_space<vmem>> -> memref<1x128xi32, #tpu.memory_space<vmem>>
        %dma_wait3A_331 = tpu.memref_squeeze %dma_wait3A_330 : memref<1x128xi32, #tpu.memory_space<vmem>> -> memref<128xi32, #tpu.memory_space<vmem>>
        %dma_wait3A_332 = arith.constant 0 : i32
        %dma_wait3A_333 = arith.constant 0 : i32
        %dma_wait3A_334 = tpu.memref_slice %arg12[%dma_wait3A_332, %dma_wait3A_333] : memref<10240x128xf32, #tpu.memory_space<vmem_shared>> -> memref<10240x128xf32, #tpu.memory_space<vmem_shared>>
        tpu.wait_indirect_dma semaphore(%run_scoped3A_323 : memref<!tpu.dma_semaphore, #tpu.memory_space<semaphore_mem>>) src(%arg10 : memref<128x128xf32, #tpu.memory_space<vmem>>) dst(%dma_wait3A_334 : memref<10240x128xf32, #tpu.memory_space<vmem_shared>>)
        tpu.yield
      }) : () -> ()
    }
    %scan3A_18 = arith.constant 10 : i32
    %barrier3A_19 = arith.constant 0 : index
    tpu.barrier barrier_id(%barrier3A_19)
    %eq3A = arith.constant 0 : i32
    %eq3A_20 = arith.cmpi eq, %arg0, %eq3A : i32
    %convert_element_type3A = arith.extui %eq3A_20 : i1 to i32
    %cond3A = arith.constant 0 : i32
    %cond3A_21 = arith.cmpi ne, %convert_element_type3A, %cond3A : i32
    scf.if %cond3A_21 {
      %mul3A_27 = arith.constant 640 : i32
      %mul3A_28 = arith.muli %arg1, %mul3A_27 : i32
      %mul3A_29 = arith.constant 640 : i32
      %mul3A_30 = arith.muli %arg1, %mul3A_29 : i32
      "tpu.region"() ({
        %run_scoped3A = tpu.sem_alloc : memref<!tpu.dma_semaphore, #tpu.memory_space<semaphore_mem>>
        %dma_start3A = arith.constant 0 : i32
        %dma_start3A_31 = tpu.memref_slice %arg6[%mul3A_30, %dma_start3A] : memref<10240x128xf32, #tpu.memory_space<hbm>> -> memref<640x128xf32, #tpu.memory_space<hbm>>
        %dma_start3A_32 = arith.constant 0 : i32
        %dma_start3A_33 = tpu.memref_slice %arg12[%mul3A_28, %dma_start3A_32] : memref<10240x128xf32, #tpu.memory_space<vmem_shared>> -> memref<640x128xf32, #tpu.memory_space<vmem_shared>>
        tpu.enqueue_dma source(%dma_start3A_33 : memref<640x128xf32, #tpu.memory_space<vmem_shared>>) target(%dma_start3A_31 : memref<640x128xf32, #tpu.memory_space<hbm>>) target_semaphore(%run_scoped3A : memref<!tpu.dma_semaphore, #tpu.memory_space<semaphore_mem>>)
        %dma_wait3A = arith.constant 0 : i32
        %dma_wait3A_34 = tpu.memref_slice %arg6[%mul3A_30, %dma_wait3A] : memref<10240x128xf32, #tpu.memory_space<hbm>> -> memref<640x128xf32, #tpu.memory_space<hbm>>
        %dma_wait3A_35 = arith.constant 0 : i32
        %dma_wait3A_36 = tpu.memref_slice %arg12[%mul3A_28, %dma_wait3A_35] : memref<10240x128xf32, #tpu.memory_space<vmem_shared>> -> memref<640x128xf32, #tpu.memory_space<vmem_shared>>
        tpu.wait_dma2 semaphore(%run_scoped3A : memref<!tpu.dma_semaphore, #tpu.memory_space<semaphore_mem>>) src(%dma_wait3A_36 : memref<640x128xf32, #tpu.memory_space<vmem_shared>>) dst(%dma_wait3A_34 : memref<640x128xf32, #tpu.memory_space<hbm>>)
        tpu.yield
      }) : () -> ()
    } else {
    }
    %eq3A_22 = arith.constant 1 : i32
    %eq3A_23 = arith.cmpi eq, %arg0, %eq3A_22 : i32
    %convert_element_type3A_24 = arith.extui %eq3A_23 : i1 to i32
    %cond3A_25 = arith.constant 0 : i32
    %cond3A_26 = arith.cmpi ne, %convert_element_type3A_24, %cond3A_25 : i32
    scf.if %cond3A_26 {
      %mul3A_27 = arith.constant 640 : i32
      %mul3A_28 = arith.muli %arg1, %mul3A_27 : i32
      %mul3A_29 = arith.constant 640 : i32
      %mul3A_30 = arith.muli %arg1, %mul3A_29 : i32
      "tpu.region"() ({
        %run_scoped3A = tpu.sem_alloc : memref<!tpu.dma_semaphore, #tpu.memory_space<semaphore_mem>>
        %dma_start3A = arith.constant 0 : i32
        %dma_start3A_31 = tpu.memref_slice %arg7[%mul3A_30, %dma_start3A] : memref<10240x128xf32, #tpu.memory_space<hbm>> -> memref<640x128xf32, #tpu.memory_space<hbm>>
        %dma_start3A_32 = arith.constant 0 : i32
        %dma_start3A_33 = tpu.memref_slice %arg12[%mul3A_28, %dma_start3A_32] : memref<10240x128xf32, #tpu.memory_space<vmem_shared>> -> memref<640x128xf32, #tpu.memory_space<vmem_shared>>
        tpu.enqueue_dma source(%dma_start3A_33 : memref<640x128xf32, #tpu.memory_space<vmem_shared>>) target(%dma_start3A_31 : memref<640x128xf32, #tpu.memory_space<hbm>>) target_semaphore(%run_scoped3A : memref<!tpu.dma_semaphore, #tpu.memory_space<semaphore_mem>>)
        %dma_wait3A = arith.constant 0 : i32
        %dma_wait3A_34 = tpu.memref_slice %arg7[%mul3A_30, %dma_wait3A] : memref<10240x128xf32, #tpu.memory_space<hbm>> -> memref<640x128xf32, #tpu.memory_space<hbm>>
        %dma_wait3A_35 = arith.constant 0 : i32
        %dma_wait3A_36 = tpu.memref_slice %arg12[%mul3A_28, %dma_wait3A_35] : memref<10240x128xf32, #tpu.memory_space<vmem_shared>> -> memref<640x128xf32, #tpu.memory_space<vmem_shared>>
        tpu.wait_dma2 semaphore(%run_scoped3A : memref<!tpu.dma_semaphore, #tpu.memory_space<semaphore_mem>>) src(%dma_wait3A_36 : memref<640x128xf32, #tpu.memory_space<vmem_shared>>) dst(%dma_wait3A_34 : memref<640x128xf32, #tpu.memory_space<hbm>>)
        tpu.yield
      }) : () -> ()
    } else {
    }
    return
  }
}

#map = affine_map<(d0, d1) -> (0, 0)>
module attributes {stable_mosaic.version = 14 : i64} {
  func.func @_sc_aggregate_body(%arg0: i32, %arg1: i32, %arg2: memref<10000x128xf32, #tpu.memory_space<hbm>>, %arg3: memref<10000x128xf32, #tpu.memory_space<hbm>>, %arg4: memref<2560x128xi32, #tpu.memory_space<hbm>>, %arg5: memref<2560x128xi32, #tpu.memory_space<hbm>>, %arg6: memref<10240x128xf32, #tpu.memory_space<hbm>>, %arg7: memref<10240x128xf32, #tpu.memory_space<hbm>>, %arg8: memref<16x128xi32, #tpu.memory_space<vmem>>, %arg9: memref<16x128xi32, #tpu.memory_space<vmem>>, %arg10: memref<128x128xf32, #tpu.memory_space<vmem>>, %arg11: memref<128x128xf32, #tpu.memory_space<vmem>>, %arg12: memref<10240x128xf32, #tpu.memory_space<vmem_shared>>, %arg13: memref<!tpu.dma_semaphore, #tpu.memory_space<semaphore_mem>>, %arg14: memref<!tpu.dma_semaphore, #tpu.memory_space<semaphore_mem>>) attributes {dimension_semantics = [#tpu.dimension_semantics<core_parallel>, #tpu.dimension_semantics<subcore_parallel>], iteration_bounds = array<i64: 2, 16>, scalar_prefetch = 0 : i64, scratch_operands = 7 : i64, tpu.core_type = #tpu.core_type<sc_vector_subcore>, window_params = [{transform_indices = #map}, {transform_indices = #map}, {transform_indices = #map}, {transform_indices = #map}, {transform_indices = #map}, {transform_indices = #map}]} {
    %scan3A = arith.constant 0 : i32
    %scan3A_0 = arith.constant 128 : i32
    %scan3A_1 = arith.addi %scan3A, %scan3A_0 : i32
    %scan3A_2 = arith.constant 1 : i32
    scf.for %scan3A_27 = %scan3A to %scan3A_1 step %scan3A_2  : i32 {
      %mul3A_28 = arith.constant 1 : i32
      %mul3A_29 = arith.muli %scan3A_27, %mul3A_28 : i32
      %add3A_30 = arith.constant 0 : i32
      %add3A_31 = arith.addi %add3A_30, %mul3A_29 : i32
      %scan3A_32 = arith.constant 0 : i32
      %scan3A_33 = arith.constant 8 : i32
      %scan3A_34 = arith.addi %scan3A_32, %scan3A_33 : i32
      %scan3A_35 = arith.constant 1 : i32
      scf.for %scan3A_37 = %scan3A_32 to %scan3A_34 step %scan3A_35  : i32 {
        %mul3A_38 = arith.constant 1 : i32
        %mul3A_39 = arith.muli %scan3A_37, %mul3A_38 : i32
        %add3A_40 = arith.constant 0 : i32
        %add3A_41 = arith.addi %add3A_40, %mul3A_39 : i32
        %broadcast_in_dim3A = arith.constant 0.000000e+00 : f32
        %broadcast_in_dim3A_42 = vector.broadcast %broadcast_in_dim3A : f32 to vector<16xf32>
        %mul3A_43 = arith.constant 16 : i32
        %mul3A_44 = arith.muli %add3A_41, %mul3A_43 : i32
        %swap3A = arith.index_cast %add3A_31 : i32 to index
        %swap3A_45 = arith.index_cast %mul3A_44 : i32 to index
        %swap3A_46 = tpu.vector_load %arg10[%swap3A, %swap3A_45] {strides = array<i32>} : memref<128x128xf32, #tpu.memory_space<vmem>>, vector<1x16xf32>,
        %swap3A_47 = vector.shape_cast %swap3A_46 : vector<1x16xf32> to vector<16xf32>
        %swap3A_48 = vector.shape_cast %broadcast_in_dim3A_42 : vector<16xf32> to vector<1x16xf32>
        tpu.vector_store %arg10[%swap3A, %swap3A_45], %swap3A_48 {strides = array<i32>} : memref<128x128xf32, #tpu.memory_space<vmem>>, vector<1x16xf32>,
      }
      %scan3A_36 = arith.constant 8 : i32
    }
    %scan3A_3 = arith.constant 128 : i32
    %mul3A = arith.constant 640 : i32
    %mul3A_4 = arith.muli %arg1, %mul3A : i32
    %add3A = arith.constant 0 : i32
    %add3A_5 = arith.addi %mul3A_4, %add3A : i32
    "tpu.region"() ({
      %run_scoped3A = tpu.sem_alloc : memref<!tpu.dma_semaphore, #tpu.memory_space<semaphore_mem>>
      %dma_start3A = arith.constant 0 : i32
      %dma_start3A_27 = tpu.memref_slice %arg12[%add3A_5, %dma_start3A] : memref<10240x128xf32, #tpu.memory_space<vmem_shared>> -> memref<128x128xf32, #tpu.memory_space<vmem_shared>>
      %dma_start3A_28 = arith.constant 0 : i32
      %dma_start3A_29 = tpu.memref_slice %arg12[%add3A_5, %dma_start3A_28] : memref<10240x128xf32, #tpu.memory_space<vmem_shared>> -> memref<128x128xf32, #tpu.memory_space<vmem_shared>>
      tpu.enqueue_dma source(%arg10 : memref<128x128xf32, #tpu.memory_space<vmem>>) target(%dma_start3A_29 : memref<128x128xf32, #tpu.memory_space<vmem_shared>>) target_semaphore(%run_scoped3A : memref<!tpu.dma_semaphore, #tpu.memory_space<semaphore_mem>>)
      %dma_wait3A = arith.constant 0 : i32
      %dma_wait3A_30 = tpu.memref_slice %arg12[%add3A_5, %dma_wait3A] : memref<10240x128xf32, #tpu.memory_space<vmem_shared>> -> memref<128x128xf32, #tpu.memory_space<vmem_shared>>
      %dma_wait3A_31 = arith.constant 0 : i32
      %dma_wait3A_32 = tpu.memref_slice %arg12[%add3A_5, %dma_wait3A_31] : memref<10240x128xf32, #tpu.memory_space<vmem_shared>> -> memref<128x128xf32, #tpu.memory_space<vmem_shared>>
      tpu.wait_dma2 semaphore(%run_scoped3A : memref<!tpu.dma_semaphore, #tpu.memory_space<semaphore_mem>>) src(%arg10 : memref<128x128xf32, #tpu.memory_space<vmem>>) dst(%dma_wait3A_32 : memref<128x128xf32, #tpu.memory_space<vmem_shared>>)
      tpu.yield
    }) : () -> ()
    %add3A_6 = arith.constant 128 : i32
    %add3A_7 = arith.addi %mul3A_4, %add3A_6 : i32
    "tpu.region"() ({
      %run_scoped3A = tpu.sem_alloc : memref<!tpu.dma_semaphore, #tpu.memory_space<semaphore_mem>>
      %dma_start3A = arith.constant 0 : i32
      %dma_start3A_27 = tpu.memref_slice %arg12[%add3A_7, %dma_start3A] : memref<10240x128xf32, #tpu.memory_space<vmem_shared>> -> memref<128x128xf32, #tpu.memory_space<vmem_shared>>
      %dma_start3A_28 = arith.constant 0 : i32
      %dma_start3A_29 = tpu.memref_slice %arg12[%add3A_7, %dma_start3A_28] : memref<10240x128xf32, #tpu.memory_space<vmem_shared>> -> memref<128x128xf32, #tpu.memory_space<vmem_shared>>
      tpu.enqueue_dma source(%arg10 : memref<128x128xf32, #tpu.memory_space<vmem>>) target(%dma_start3A_29 : memref<128x128xf32, #tpu.memory_space<vmem_shared>>) target_semaphore(%run_scoped3A : memref<!tpu.dma_semaphore, #tpu.memory_space<semaphore_mem>>)
      %dma_wait3A = arith.constant 0 : i32
      %dma_wait3A_30 = tpu.memref_slice %arg12[%add3A_7, %dma_wait3A] : memref<10240x128xf32, #tpu.memory_space<vmem_shared>> -> memref<128x128xf32, #tpu.memory_space<vmem_shared>>
      %dma_wait3A_31 = arith.constant 0 : i32
      %dma_wait3A_32 = tpu.memref_slice %arg12[%add3A_7, %dma_wait3A_31] : memref<10240x128xf32, #tpu.memory_space<vmem_shared>> -> memref<128x128xf32, #tpu.memory_space<vmem_shared>>
      tpu.wait_dma2 semaphore(%run_scoped3A : memref<!tpu.dma_semaphore, #tpu.memory_space<semaphore_mem>>) src(%arg10 : memref<128x128xf32, #tpu.memory_space<vmem>>) dst(%dma_wait3A_32 : memref<128x128xf32, #tpu.memory_space<vmem_shared>>)
      tpu.yield
    }) : () -> ()
    %add3A_8 = arith.constant 256 : i32
    %add3A_9 = arith.addi %mul3A_4, %add3A_8 : i32
    "tpu.region"() ({
      %run_scoped3A = tpu.sem_alloc : memref<!tpu.dma_semaphore, #tpu.memory_space<semaphore_mem>>
      %dma_start3A = arith.constant 0 : i32
      %dma_start3A_27 = tpu.memref_slice %arg12[%add3A_9, %dma_start3A] : memref<10240x128xf32, #tpu.memory_space<vmem_shared>> -> memref<128x128xf32, #tpu.memory_space<vmem_shared>>
      %dma_start3A_28 = arith.constant 0 : i32
      %dma_start3A_29 = tpu.memref_slice %arg12[%add3A_9, %dma_start3A_28] : memref<10240x128xf32, #tpu.memory_space<vmem_shared>> -> memref<128x128xf32, #tpu.memory_space<vmem_shared>>
      tpu.enqueue_dma source(%arg10 : memref<128x128xf32, #tpu.memory_space<vmem>>) target(%dma_start3A_29 : memref<128x128xf32, #tpu.memory_space<vmem_shared>>) target_semaphore(%run_scoped3A : memref<!tpu.dma_semaphore, #tpu.memory_space<semaphore_mem>>)
      %dma_wait3A = arith.constant 0 : i32
      %dma_wait3A_30 = tpu.memref_slice %arg12[%add3A_9, %dma_wait3A] : memref<10240x128xf32, #tpu.memory_space<vmem_shared>> -> memref<128x128xf32, #tpu.memory_space<vmem_shared>>
      %dma_wait3A_31 = arith.constant 0 : i32
      %dma_wait3A_32 = tpu.memref_slice %arg12[%add3A_9, %dma_wait3A_31] : memref<10240x128xf32, #tpu.memory_space<vmem_shared>> -> memref<128x128xf32, #tpu.memory_space<vmem_shared>>
      tpu.wait_dma2 semaphore(%run_scoped3A : memref<!tpu.dma_semaphore, #tpu.memory_space<semaphore_mem>>) src(%arg10 : memref<128x128xf32, #tpu.memory_space<vmem>>) dst(%dma_wait3A_32 : memref<128x128xf32, #tpu.memory_space<vmem_shared>>)
      tpu.yield
    }) : () -> ()
    %add3A_10 = arith.constant 384 : i32
    %add3A_11 = arith.addi %mul3A_4, %add3A_10 : i32
    "tpu.region"() ({
      %run_scoped3A = tpu.sem_alloc : memref<!tpu.dma_semaphore, #tpu.memory_space<semaphore_mem>>
      %dma_start3A = arith.constant 0 : i32
      %dma_start3A_27 = tpu.memref_slice %arg12[%add3A_11, %dma_start3A] : memref<10240x128xf32, #tpu.memory_space<vmem_shared>> -> memref<128x128xf32, #tpu.memory_space<vmem_shared>>
      %dma_start3A_28 = arith.constant 0 : i32
      %dma_start3A_29 = tpu.memref_slice %arg12[%add3A_11, %dma_start3A_28] : memref<10240x128xf32, #tpu.memory_space<vmem_shared>> -> memref<128x128xf32, #tpu.memory_space<vmem_shared>>
      tpu.enqueue_dma source(%arg10 : memref<128x128xf32, #tpu.memory_space<vmem>>) target(%dma_start3A_29 : memref<128x128xf32, #tpu.memory_space<vmem_shared>>) target_semaphore(%run_scoped3A : memref<!tpu.dma_semaphore, #tpu.memory_space<semaphore_mem>>)
      %dma_wait3A = arith.constant 0 : i32
      %dma_wait3A_30 = tpu.memref_slice %arg12[%add3A_11, %dma_wait3A] : memref<10240x128xf32, #tpu.memory_space<vmem_shared>> -> memref<128x128xf32, #tpu.memory_space<vmem_shared>>
      %dma_wait3A_31 = arith.constant 0 : i32
      %dma_wait3A_32 = tpu.memref_slice %arg12[%add3A_11, %dma_wait3A_31] : memref<10240x128xf32, #tpu.memory_space<vmem_shared>> -> memref<128x128xf32, #tpu.memory_space<vmem_shared>>
      tpu.wait_dma2 semaphore(%run_scoped3A : memref<!tpu.dma_semaphore, #tpu.memory_space<semaphore_mem>>) src(%arg10 : memref<128x128xf32, #tpu.memory_space<vmem>>) dst(%dma_wait3A_32 : memref<128x128xf32, #tpu.memory_space<vmem_shared>>)
      tpu.yield
    }) : () -> ()
    %add3A_12 = arith.constant 512 : i32
    %add3A_13 = arith.addi %mul3A_4, %add3A_12 : i32
    "tpu.region"() ({
      %run_scoped3A = tpu.sem_alloc : memref<!tpu.dma_semaphore, #tpu.memory_space<semaphore_mem>>
      %dma_start3A = arith.constant 0 : i32
      %dma_start3A_27 = tpu.memref_slice %arg12[%add3A_13, %dma_start3A] : memref<10240x128xf32, #tpu.memory_space<vmem_shared>> -> memref<128x128xf32, #tpu.memory_space<vmem_shared>>
      %dma_start3A_28 = arith.constant 0 : i32
      %dma_start3A_29 = tpu.memref_slice %arg12[%add3A_13, %dma_start3A_28] : memref<10240x128xf32, #tpu.memory_space<vmem_shared>> -> memref<128x128xf32, #tpu.memory_space<vmem_shared>>
      tpu.enqueue_dma source(%arg10 : memref<128x128xf32, #tpu.memory_space<vmem>>) target(%dma_start3A_29 : memref<128x128xf32, #tpu.memory_space<vmem_shared>>) target_semaphore(%run_scoped3A : memref<!tpu.dma_semaphore, #tpu.memory_space<semaphore_mem>>)
      %dma_wait3A = arith.constant 0 : i32
      %dma_wait3A_30 = tpu.memref_slice %arg12[%add3A_13, %dma_wait3A] : memref<10240x128xf32, #tpu.memory_space<vmem_shared>> -> memref<128x128xf32, #tpu.memory_space<vmem_shared>>
      %dma_wait3A_31 = arith.constant 0 : i32
      %dma_wait3A_32 = tpu.memref_slice %arg12[%add3A_13, %dma_wait3A_31] : memref<10240x128xf32, #tpu.memory_space<vmem_shared>> -> memref<128x128xf32, #tpu.memory_space<vmem_shared>>
      tpu.wait_dma2 semaphore(%run_scoped3A : memref<!tpu.dma_semaphore, #tpu.memory_space<semaphore_mem>>) src(%arg10 : memref<128x128xf32, #tpu.memory_space<vmem>>) dst(%dma_wait3A_32 : memref<128x128xf32, #tpu.memory_space<vmem_shared>>)
      tpu.yield
    }) : () -> ()
    %barrier3A = arith.constant 0 : index
    tpu.barrier barrier_id(%barrier3A)
    %scan3A_14 = arith.constant 0 : i32
    %scan3A_15 = arith.constant 10 : i32
    %scan3A_16 = arith.addi %scan3A_14, %scan3A_15 : i32
    %scan3A_17 = arith.constant 1 : i32
    scf.for %scan3A_27 = %scan3A_14 to %scan3A_16 step %scan3A_17  : i32 {
      %mul3A_28 = arith.constant 1 : i32
      %mul3A_29 = arith.muli %scan3A_27, %mul3A_28 : i32
      %add3A_30 = arith.constant 0 : i32
      %add3A_31 = arith.addi %add3A_30, %mul3A_29 : i32
      %mul3A_32 = arith.constant 160 : i32
      %mul3A_33 = arith.muli %arg1, %mul3A_32 : i32
      %mul3A_34 = arith.constant 16 : i32
      %mul3A_35 = arith.muli %add3A_31, %mul3A_34 : i32
      %add3A_36 = arith.addi %mul3A_33, %mul3A_35 : i32
      "tpu.region"() ({
        %run_scoped3A_323 = tpu.sem_alloc : memref<!tpu.dma_semaphore, #tpu.memory_space<semaphore_mem>>
        %dma_start3A = arith.constant 0 : i32
        %dma_start3A_324 = tpu.memref_slice %arg4[%add3A_36, %dma_start3A] : memref<2560x128xi32, #tpu.memory_space<hbm>> -> memref<16x128xi32, #tpu.memory_space<hbm>>
        %dma_start3A_325 = arith.constant 0 : i32
        %dma_start3A_326 = tpu.memref_slice %arg4[%add3A_36, %dma_start3A_325] : memref<2560x128xi32, #tpu.memory_space<hbm>> -> memref<16x128xi32, #tpu.memory_space<hbm>>
        tpu.enqueue_dma source(%dma_start3A_326 : memref<16x128xi32, #tpu.memory_space<hbm>>) target(%arg8 : memref<16x128xi32, #tpu.memory_space<vmem>>) target_semaphore(%run_scoped3A_323 : memref<!tpu.dma_semaphore, #tpu.memory_space<semaphore_mem>>)
        %dma_wait3A_327 = arith.constant 0 : i32
        %dma_wait3A_328 = tpu.memref_slice %arg4[%add3A_36, %dma_wait3A_327] : memref<2560x128xi32, #tpu.memory_space<hbm>> -> memref<16x128xi32, #tpu.memory_space<hbm>>
        %dma_wait3A_329 = arith.constant 0 : i32
        %dma_wait3A_330 = tpu.memref_slice %arg4[%add3A_36, %dma_wait3A_329] : memref<2560x128xi32, #tpu.memory_space<hbm>> -> memref<16x128xi32, #tpu.memory_space<hbm>>
        tpu.wait_dma2 semaphore(%run_scoped3A_323 : memref<!tpu.dma_semaphore, #tpu.memory_space<semaphore_mem>>) src(%dma_wait3A_330 : memref<16x128xi32, #tpu.memory_space<hbm>>) dst(%arg8 : memref<16x128xi32, #tpu.memory_space<vmem>>)
        tpu.yield
      }) : () -> ()
      "tpu.region"() ({
        %run_scoped3A_323 = tpu.sem_alloc : memref<!tpu.dma_semaphore, #tpu.memory_space<semaphore_mem>>
        %dma_start3A = arith.constant 0 : i32
        %dma_start3A_324 = tpu.memref_slice %arg5[%add3A_36, %dma_start3A] : memref<2560x128xi32, #tpu.memory_space<hbm>> -> memref<16x128xi32, #tpu.memory_space<hbm>>
        %dma_start3A_325 = arith.constant 0 : i32
        %dma_start3A_326 = tpu.memref_slice %arg5[%add3A_36, %dma_start3A_325] : memref<2560x128xi32, #tpu.memory_space<hbm>> -> memref<16x128xi32, #tpu.memory_space<hbm>>
        tpu.enqueue_dma source(%dma_start3A_326 : memref<16x128xi32, #tpu.memory_space<hbm>>) target(%arg9 : memref<16x128xi32, #tpu.memory_space<vmem>>) target_semaphore(%run_scoped3A_323 : memref<!tpu.dma_semaphore, #tpu.memory_space<semaphore_mem>>)
        %dma_wait3A_327 = arith.constant 0 : i32
        %dma_wait3A_328 = tpu.memref_slice %arg5[%add3A_36, %dma_wait3A_327] : memref<2560x128xi32, #tpu.memory_space<hbm>> -> memref<16x128xi32, #tpu.memory_space<hbm>>
        %dma_wait3A_329 = arith.constant 0 : i32
        %dma_wait3A_330 = tpu.memref_slice %arg5[%add3A_36, %dma_wait3A_329] : memref<2560x128xi32, #tpu.memory_space<hbm>> -> memref<16x128xi32, #tpu.memory_space<hbm>>
        tpu.wait_dma2 semaphore(%run_scoped3A_323 : memref<!tpu.dma_semaphore, #tpu.memory_space<semaphore_mem>>) src(%dma_wait3A_330 : memref<16x128xi32, #tpu.memory_space<hbm>>) dst(%arg9 : memref<16x128xi32, #tpu.memory_space<vmem>>)
        tpu.yield
      }) : () -> ()
      %eq3A_37 = arith.constant 0 : i32
      %eq3A_38 = arith.cmpi eq, %arg0, %eq3A_37 : i32
      %convert_element_type3A_39 = arith.extui %eq3A_38 : i1 to i32
      %cond3A_40 = arith.constant 0 : i32
      %cond3A_41 = arith.cmpi ne, %convert_element_type3A_39, %cond3A_40 : i32
      scf.if %cond3A_41 {
        %dma_start3A = arith.constant 0 : i32
        %dma_start3A_323 = arith.constant 0 : i32
        %dma_start3A_324 = tpu.memref_slice %arg8[%dma_start3A, %dma_start3A_323] : memref<16x128xi32, #tpu.memory_space<vmem>> -> memref<1x128xi32, #tpu.memory_space<vmem>>
        %dma_start3A_325 = tpu.memref_squeeze %dma_start3A_324 : memref<1x128xi32, #tpu.memory_space<vmem>> -> memref<128xi32, #tpu.memory_space<vmem>>
        %dma_start3A_326 = arith.constant 0 : i32
        %dma_start3A_327 = arith.constant 0 : i32
        %dma_start3A_328 = tpu.memref_slice %arg2[%dma_start3A_326, %dma_start3A_327] : memref<10000x128xf32, #tpu.memory_space<hbm>> -> memref<10000x128xf32, #tpu.memory_space<hbm>>
        tpu.enqueue_indirect_dma source(%dma_start3A_328 : memref<10000x128xf32, #tpu.memory_space<hbm>>) target(%arg10 : memref<128x128xf32, #tpu.memory_space<vmem>>) offsets(%dma_start3A_325 : memref<128xi32, #tpu.memory_space<vmem>>) semaphore(%arg13 : memref<!tpu.dma_semaphore, #tpu.memory_space<semaphore_mem>>)
      } else {
      }
      %eq3A_42 = arith.constant 1 : i32
      %eq3A_43 = arith.cmpi eq, %arg0, %eq3A_42 : i32
      %convert_element_type3A_44 = arith.extui %eq3A_43 : i1 to i32
      %cond3A_45 = arith.constant 0 : i32
      %cond3A_46 = arith.cmpi ne, %convert_element_type3A_44, %cond3A_45 : i32
      scf.if %cond3A_46 {
        %dma_start3A = arith.constant 0 : i32
        %dma_start3A_323 = arith.constant 0 : i32
        %dma_start3A_324 = tpu.memref_slice %arg8[%dma_start3A, %dma_start3A_323] : memref<16x128xi32, #tpu.memory_space<vmem>> -> memref<1x128xi32, #tpu.memory_space<vmem>>
        %dma_start3A_325 = tpu.memref_squeeze %dma_start3A_324 : memref<1x128xi32, #tpu.memory_space<vmem>> -> memref<128xi32, #tpu.memory_space<vmem>>
        %dma_start3A_326 = arith.constant 0 : i32
        %dma_start3A_327 = arith.constant 0 : i32
        %dma_start3A_328 = tpu.memref_slice %arg3[%dma_start3A_326, %dma_start3A_327] : memref<10000x128xf32, #tpu.memory_space<hbm>> -> memref<10000x128xf32, #tpu.memory_space<hbm>>
        tpu.enqueue_indirect_dma source(%dma_start3A_328 : memref<10000x128xf32, #tpu.memory_space<hbm>>) target(%arg10 : memref<128x128xf32, #tpu.memory_space<vmem>>) offsets(%dma_start3A_325 : memref<128xi32, #tpu.memory_space<vmem>>) semaphore(%arg13 : memref<!tpu.dma_semaphore, #tpu.memory_space<semaphore_mem>>)
      } else {
      }
      %dma_wait3A = arith.constant 0 : i32
      %dma_wait3A_47 = arith.constant 0 : i32
      %dma_wait3A_48 = tpu.memref_slice %arg8[%dma_wait3A, %dma_wait3A_47] : memref<16x128xi32, #tpu.memory_space<vmem>> -> memref<1x128xi32, #tpu.memory_space<vmem>>
      %dma_wait3A_49 = tpu.memref_squeeze %dma_wait3A_48 : memref<1x128xi32, #tpu.memory_space<vmem>> -> memref<128xi32, #tpu.memory_space<vmem>>
      %dma_wait3A_50 = arith.constant 0 : i32
      %dma_wait3A_51 = arith.constant 0 : i32
      %dma_wait3A_52 = tpu.memref_slice %arg2[%dma_wait3A_50, %dma_wait3A_51] : memref<10000x128xf32, #tpu.memory_space<hbm>> -> memref<10000x128xf32, #tpu.memory_space<hbm>>
      tpu.wait_indirect_dma semaphore(%arg13 : memref<!tpu.dma_semaphore, #tpu.memory_space<semaphore_mem>>) src(%dma_wait3A_52 : memref<10000x128xf32, #tpu.memory_space<hbm>>) dst(%arg10 : memref<128x128xf32, #tpu.memory_space<vmem>>)
      %run_scoped3A = arith.constant 0 : i32
      "tpu.region"() ({
        %run_scoped3A_323 = tpu.sem_alloc : memref<!tpu.dma_semaphore, #tpu.memory_space<semaphore_mem>>
        %dma_start3A = arith.constant 0 : i32
        %dma_start3A_324 = tpu.memref_slice %arg9[%run_scoped3A, %dma_start3A] : memref<16x128xi32, #tpu.memory_space<vmem>> -> memref<1x128xi32, #tpu.memory_space<vmem>>
        %dma_start3A_325 = tpu.memref_squeeze %dma_start3A_324 : memref<1x128xi32, #tpu.memory_space<vmem>> -> memref<128xi32, #tpu.memory_space<vmem>>
        %dma_start3A_326 = arith.constant 0 : i32
        %dma_start3A_327 = arith.constant 0 : i32
        %dma_start3A_328 = tpu.memref_slice %arg12[%dma_start3A_326, %dma_start3A_327] : memref<10240x128xf32, #tpu.memory_space<vmem_shared>> -> memref<10240x128xf32, #tpu.memory_space<vmem_shared>>
        tpu.enqueue_indirect_dma source(%arg10 : memref<128x128xf32, #tpu.memory_space<vmem>>) target(%dma_start3A_328 : memref<10240x128xf32, #tpu.memory_space<vmem_shared>>) offsets(%dma_start3A_325 : memref<128xi32, #tpu.memory_space<vmem>>) semaphore(%run_scoped3A_323 : memref<!tpu.dma_semaphore, #tpu.memory_space<semaphore_mem>>) {add = true}
        %dma_wait3A_329 = arith.constant 0 : i32
        %dma_wait3A_330 = tpu.memref_slice %arg9[%run_scoped3A, %dma_wait3A_329] : memref<16x128xi32, #tpu.memory_space<vmem>> -> memref<1x128xi32, #tpu.memory_space<vmem>>
        %dma_wait3A_331 = tpu.memref_squeeze %dma_wait3A_330 : memref<1x128xi32, #tpu.memory_space<vmem>> -> memref<128xi32, #tpu.memory_space<vmem>>
        %dma_wait3A_332 = arith.constant 0 : i32
        %dma_wait3A_333 = arith.constant 0 : i32
        %dma_wait3A_334 = tpu.memref_slice %arg12[%dma_wait3A_332, %dma_wait3A_333] : memref<10240x128xf32, #tpu.memory_space<vmem_shared>> -> memref<10240x128xf32, #tpu.memory_space<vmem_shared>>
        tpu.wait_indirect_dma semaphore(%run_scoped3A_323 : memref<!tpu.dma_semaphore, #tpu.memory_space<semaphore_mem>>) src(%arg10 : memref<128x128xf32, #tpu.memory_space<vmem>>) dst(%dma_wait3A_334 : memref<10240x128xf32, #tpu.memory_space<vmem_shared>>)
        tpu.yield
      }) : () -> ()
      %eq3A_53 = arith.constant 0 : i32
      %eq3A_54 = arith.cmpi eq, %arg0, %eq3A_53 : i32
      %convert_element_type3A_55 = arith.extui %eq3A_54 : i1 to i32
      %cond3A_56 = arith.constant 0 : i32
      %cond3A_57 = arith.cmpi ne, %convert_element_type3A_55, %cond3A_56 : i32
      scf.if %cond3A_57 {
        %dma_start3A = arith.constant 1 : i32
        %dma_start3A_323 = arith.constant 0 : i32
        %dma_start3A_324 = tpu.memref_slice %arg8[%dma_start3A, %dma_start3A_323] : memref<16x128xi32, #tpu.memory_space<vmem>> -> memref<1x128xi32, #tpu.memory_space<vmem>>
        %dma_start3A_325 = tpu.memref_squeeze %dma_start3A_324 : memref<1x128xi32, #tpu.memory_space<vmem>> -> memref<128xi32, #tpu.memory_space<vmem>>
        %dma_start3A_326 = arith.constant 0 : i32
        %dma_start3A_327 = arith.constant 0 : i32
        %dma_start3A_328 = tpu.memref_slice %arg2[%dma_start3A_326, %dma_start3A_327] : memref<10000x128xf32, #tpu.memory_space<hbm>> -> memref<10000x128xf32, #tpu.memory_space<hbm>>
        tpu.enqueue_indirect_dma source(%dma_start3A_328 : memref<10000x128xf32, #tpu.memory_space<hbm>>) target(%arg10 : memref<128x128xf32, #tpu.memory_space<vmem>>) offsets(%dma_start3A_325 : memref<128xi32, #tpu.memory_space<vmem>>) semaphore(%arg13 : memref<!tpu.dma_semaphore, #tpu.memory_space<semaphore_mem>>)
      } else {
      }
      %eq3A_58 = arith.constant 1 : i32
      %eq3A_59 = arith.cmpi eq, %arg0, %eq3A_58 : i32
      %convert_element_type3A_60 = arith.extui %eq3A_59 : i1 to i32
      %cond3A_61 = arith.constant 0 : i32
      %cond3A_62 = arith.cmpi ne, %convert_element_type3A_60, %cond3A_61 : i32
      scf.if %cond3A_62 {
        %dma_start3A = arith.constant 1 : i32
        %dma_start3A_323 = arith.constant 0 : i32
        %dma_start3A_324 = tpu.memref_slice %arg8[%dma_start3A, %dma_start3A_323] : memref<16x128xi32, #tpu.memory_space<vmem>> -> memref<1x128xi32, #tpu.memory_space<vmem>>
        %dma_start3A_325 = tpu.memref_squeeze %dma_start3A_324 : memref<1x128xi32, #tpu.memory_space<vmem>> -> memref<128xi32, #tpu.memory_space<vmem>>
        %dma_start3A_326 = arith.constant 0 : i32
        %dma_start3A_327 = arith.constant 0 : i32
        %dma_start3A_328 = tpu.memref_slice %arg3[%dma_start3A_326, %dma_start3A_327] : memref<10000x128xf32, #tpu.memory_space<hbm>> -> memref<10000x128xf32, #tpu.memory_space<hbm>>
        tpu.enqueue_indirect_dma source(%dma_start3A_328 : memref<10000x128xf32, #tpu.memory_space<hbm>>) target(%arg10 : memref<128x128xf32, #tpu.memory_space<vmem>>) offsets(%dma_start3A_325 : memref<128xi32, #tpu.memory_space<vmem>>) semaphore(%arg13 : memref<!tpu.dma_semaphore, #tpu.memory_space<semaphore_mem>>)
      } else {
      }
      %dma_wait3A_63 = arith.constant 0 : i32
      %dma_wait3A_64 = arith.constant 0 : i32
      %dma_wait3A_65 = tpu.memref_slice %arg8[%dma_wait3A_63, %dma_wait3A_64] : memref<16x128xi32, #tpu.memory_space<vmem>> -> memref<1x128xi32, #tpu.memory_space<vmem>>
      %dma_wait3A_66 = tpu.memref_squeeze %dma_wait3A_65 : memref<1x128xi32, #tpu.memory_space<vmem>> -> memref<128xi32, #tpu.memory_space<vmem>>
      %dma_wait3A_67 = arith.constant 0 : i32
      %dma_wait3A_68 = arith.constant 0 : i32
      %dma_wait3A_69 = tpu.memref_slice %arg2[%dma_wait3A_67, %dma_wait3A_68] : memref<10000x128xf32, #tpu.memory_space<hbm>> -> memref<10000x128xf32, #tpu.memory_space<hbm>>
      tpu.wait_indirect_dma semaphore(%arg13 : memref<!tpu.dma_semaphore, #tpu.memory_space<semaphore_mem>>) src(%dma_wait3A_69 : memref<10000x128xf32, #tpu.memory_space<hbm>>) dst(%arg10 : memref<128x128xf32, #tpu.memory_space<vmem>>)
      %run_scoped3A_70 = arith.constant 1 : i32
      "tpu.region"() ({
        %run_scoped3A_323 = tpu.sem_alloc : memref<!tpu.dma_semaphore, #tpu.memory_space<semaphore_mem>>
        %dma_start3A = arith.constant 0 : i32
        %dma_start3A_324 = tpu.memref_slice %arg9[%run_scoped3A_70, %dma_start3A] : memref<16x128xi32, #tpu.memory_space<vmem>> -> memref<1x128xi32, #tpu.memory_space<vmem>>
        %dma_start3A_325 = tpu.memref_squeeze %dma_start3A_324 : memref<1x128xi32, #tpu.memory_space<vmem>> -> memref<128xi32, #tpu.memory_space<vmem>>
        %dma_start3A_326 = arith.constant 0 : i32
        %dma_start3A_327 = arith.constant 0 : i32
        %dma_start3A_328 = tpu.memref_slice %arg12[%dma_start3A_326, %dma_start3A_327] : memref<10240x128xf32, #tpu.memory_space<vmem_shared>> -> memref<10240x128xf32, #tpu.memory_space<vmem_shared>>
        tpu.enqueue_indirect_dma source(%arg10 : memref<128x128xf32, #tpu.memory_space<vmem>>) target(%dma_start3A_328 : memref<10240x128xf32, #tpu.memory_space<vmem_shared>>) offsets(%dma_start3A_325 : memref<128xi32, #tpu.memory_space<vmem>>) semaphore(%run_scoped3A_323 : memref<!tpu.dma_semaphore, #tpu.memory_space<semaphore_mem>>) {add = true}
        %dma_wait3A_329 = arith.constant 0 : i32
        %dma_wait3A_330 = tpu.memref_slice %arg9[%run_scoped3A_70, %dma_wait3A_329] : memref<16x128xi32, #tpu.memory_space<vmem>> -> memref<1x128xi32, #tpu.memory_space<vmem>>
        %dma_wait3A_331 = tpu.memref_squeeze %dma_wait3A_330 : memref<1x128xi32, #tpu.memory_space<vmem>> -> memref<128xi32, #tpu.memory_space<vmem>>
        %dma_wait3A_332 = arith.constant 0 : i32
        %dma_wait3A_333 = arith.constant 0 : i32
        %dma_wait3A_334 = tpu.memref_slice %arg12[%dma_wait3A_332, %dma_wait3A_333] : memref<10240x128xf32, #tpu.memory_space<vmem_shared>> -> memref<10240x128xf32, #tpu.memory_space<vmem_shared>>
        tpu.wait_indirect_dma semaphore(%run_scoped3A_323 : memref<!tpu.dma_semaphore, #tpu.memory_space<semaphore_mem>>) src(%arg10 : memref<128x128xf32, #tpu.memory_space<vmem>>) dst(%dma_wait3A_334 : memref<10240x128xf32, #tpu.memory_space<vmem_shared>>)
        tpu.yield
      }) : () -> ()
      %eq3A_71 = arith.constant 0 : i32
      %eq3A_72 = arith.cmpi eq, %arg0, %eq3A_71 : i32
      %convert_element_type3A_73 = arith.extui %eq3A_72 : i1 to i32
      %cond3A_74 = arith.constant 0 : i32
      %cond3A_75 = arith.cmpi ne, %convert_element_type3A_73, %cond3A_74 : i32
      scf.if %cond3A_75 {
        %dma_start3A = arith.constant 2 : i32
        %dma_start3A_323 = arith.constant 0 : i32
        %dma_start3A_324 = tpu.memref_slice %arg8[%dma_start3A, %dma_start3A_323] : memref<16x128xi32, #tpu.memory_space<vmem>> -> memref<1x128xi32, #tpu.memory_space<vmem>>
        %dma_start3A_325 = tpu.memref_squeeze %dma_start3A_324 : memref<1x128xi32, #tpu.memory_space<vmem>> -> memref<128xi32, #tpu.memory_space<vmem>>
        %dma_start3A_326 = arith.constant 0 : i32
        %dma_start3A_327 = arith.constant 0 : i32
        %dma_start3A_328 = tpu.memref_slice %arg2[%dma_start3A_326, %dma_start3A_327] : memref<10000x128xf32, #tpu.memory_space<hbm>> -> memref<10000x128xf32, #tpu.memory_space<hbm>>
        tpu.enqueue_indirect_dma source(%dma_start3A_328 : memref<10000x128xf32, #tpu.memory_space<hbm>>) target(%arg10 : memref<128x128xf32, #tpu.memory_space<vmem>>) offsets(%dma_start3A_325 : memref<128xi32, #tpu.memory_space<vmem>>) semaphore(%arg13 : memref<!tpu.dma_semaphore, #tpu.memory_space<semaphore_mem>>)
      } else {
      }
      %eq3A_76 = arith.constant 1 : i32
      %eq3A_77 = arith.cmpi eq, %arg0, %eq3A_76 : i32
      %convert_element_type3A_78 = arith.extui %eq3A_77 : i1 to i32
      %cond3A_79 = arith.constant 0 : i32
      %cond3A_80 = arith.cmpi ne, %convert_element_type3A_78, %cond3A_79 : i32
      scf.if %cond3A_80 {
        %dma_start3A = arith.constant 2 : i32
        %dma_start3A_323 = arith.constant 0 : i32
        %dma_start3A_324 = tpu.memref_slice %arg8[%dma_start3A, %dma_start3A_323] : memref<16x128xi32, #tpu.memory_space<vmem>> -> memref<1x128xi32, #tpu.memory_space<vmem>>
        %dma_start3A_325 = tpu.memref_squeeze %dma_start3A_324 : memref<1x128xi32, #tpu.memory_space<vmem>> -> memref<128xi32, #tpu.memory_space<vmem>>
        %dma_start3A_326 = arith.constant 0 : i32
        %dma_start3A_327 = arith.constant 0 : i32
        %dma_start3A_328 = tpu.memref_slice %arg3[%dma_start3A_326, %dma_start3A_327] : memref<10000x128xf32, #tpu.memory_space<hbm>> -> memref<10000x128xf32, #tpu.memory_space<hbm>>
        tpu.enqueue_indirect_dma source(%dma_start3A_328 : memref<10000x128xf32, #tpu.memory_space<hbm>>) target(%arg10 : memref<128x128xf32, #tpu.memory_space<vmem>>) offsets(%dma_start3A_325 : memref<128xi32, #tpu.memory_space<vmem>>) semaphore(%arg13 : memref<!tpu.dma_semaphore, #tpu.memory_space<semaphore_mem>>)
      } else {
      }
      %dma_wait3A_81 = arith.constant 0 : i32
      %dma_wait3A_82 = arith.constant 0 : i32
      %dma_wait3A_83 = tpu.memref_slice %arg8[%dma_wait3A_81, %dma_wait3A_82] : memref<16x128xi32, #tpu.memory_space<vmem>> -> memref<1x128xi32, #tpu.memory_space<vmem>>
      %dma_wait3A_84 = tpu.memref_squeeze %dma_wait3A_83 : memref<1x128xi32, #tpu.memory_space<vmem>> -> memref<128xi32, #tpu.memory_space<vmem>>
      %dma_wait3A_85 = arith.constant 0 : i32
      %dma_wait3A_86 = arith.constant 0 : i32
      %dma_wait3A_87 = tpu.memref_slice %arg2[%dma_wait3A_85, %dma_wait3A_86] : memref<10000x128xf32, #tpu.memory_space<hbm>> -> memref<10000x128xf32, #tpu.memory_space<hbm>>
      tpu.wait_indirect_dma semaphore(%arg13 : memref<!tpu.dma_semaphore, #tpu.memory_space<semaphore_mem>>) src(%dma_wait3A_87 : memref<10000x128xf32, #tpu.memory_space<hbm>>) dst(%arg10 : memref<128x128xf32, #tpu.memory_space<vmem>>)
      %run_scoped3A_88 = arith.constant 2 : i32
      "tpu.region"() ({
        %run_scoped3A_323 = tpu.sem_alloc : memref<!tpu.dma_semaphore, #tpu.memory_space<semaphore_mem>>
        %dma_start3A = arith.constant 0 : i32
        %dma_start3A_324 = tpu.memref_slice %arg9[%run_scoped3A_88, %dma_start3A] : memref<16x128xi32, #tpu.memory_space<vmem>> -> memref<1x128xi32, #tpu.memory_space<vmem>>
        %dma_start3A_325 = tpu.memref_squeeze %dma_start3A_324 : memref<1x128xi32, #tpu.memory_space<vmem>> -> memref<128xi32, #tpu.memory_space<vmem>>
        %dma_start3A_326 = arith.constant 0 : i32
        %dma_start3A_327 = arith.constant 0 : i32
        %dma_start3A_328 = tpu.memref_slice %arg12[%dma_start3A_326, %dma_start3A_327] : memref<10240x128xf32, #tpu.memory_space<vmem_shared>> -> memref<10240x128xf32, #tpu.memory_space<vmem_shared>>
        tpu.enqueue_indirect_dma source(%arg10 : memref<128x128xf32, #tpu.memory_space<vmem>>) target(%dma_start3A_328 : memref<10240x128xf32, #tpu.memory_space<vmem_shared>>) offsets(%dma_start3A_325 : memref<128xi32, #tpu.memory_space<vmem>>) semaphore(%run_scoped3A_323 : memref<!tpu.dma_semaphore, #tpu.memory_space<semaphore_mem>>) {add = true}
        %dma_wait3A_329 = arith.constant 0 : i32
        %dma_wait3A_330 = tpu.memref_slice %arg9[%run_scoped3A_88, %dma_wait3A_329] : memref<16x128xi32, #tpu.memory_space<vmem>> -> memref<1x128xi32, #tpu.memory_space<vmem>>
        %dma_wait3A_331 = tpu.memref_squeeze %dma_wait3A_330 : memref<1x128xi32, #tpu.memory_space<vmem>> -> memref<128xi32, #tpu.memory_space<vmem>>
        %dma_wait3A_332 = arith.constant 0 : i32
        %dma_wait3A_333 = arith.constant 0 : i32
        %dma_wait3A_334 = tpu.memref_slice %arg12[%dma_wait3A_332, %dma_wait3A_333] : memref<10240x128xf32, #tpu.memory_space<vmem_shared>> -> memref<10240x128xf32, #tpu.memory_space<vmem_shared>>
        tpu.wait_indirect_dma semaphore(%run_scoped3A_323 : memref<!tpu.dma_semaphore, #tpu.memory_space<semaphore_mem>>) src(%arg10 : memref<128x128xf32, #tpu.memory_space<vmem>>) dst(%dma_wait3A_334 : memref<10240x128xf32, #tpu.memory_space<vmem_shared>>)
        tpu.yield
      }) : () -> ()
      %eq3A_89 = arith.constant 0 : i32
      %eq3A_90 = arith.cmpi eq, %arg0, %eq3A_89 : i32
      %convert_element_type3A_91 = arith.extui %eq3A_90 : i1 to i32
      %cond3A_92 = arith.constant 0 : i32
      %cond3A_93 = arith.cmpi ne, %convert_element_type3A_91, %cond3A_92 : i32
      scf.if %cond3A_93 {
        %dma_start3A = arith.constant 3 : i32
        %dma_start3A_323 = arith.constant 0 : i32
        %dma_start3A_324 = tpu.memref_slice %arg8[%dma_start3A, %dma_start3A_323] : memref<16x128xi32, #tpu.memory_space<vmem>> -> memref<1x128xi32, #tpu.memory_space<vmem>>
        %dma_start3A_325 = tpu.memref_squeeze %dma_start3A_324 : memref<1x128xi32, #tpu.memory_space<vmem>> -> memref<128xi32, #tpu.memory_space<vmem>>
        %dma_start3A_326 = arith.constant 0 : i32
        %dma_start3A_327 = arith.constant 0 : i32
        %dma_start3A_328 = tpu.memref_slice %arg2[%dma_start3A_326, %dma_start3A_327] : memref<10000x128xf32, #tpu.memory_space<hbm>> -> memref<10000x128xf32, #tpu.memory_space<hbm>>
        tpu.enqueue_indirect_dma source(%dma_start3A_328 : memref<10000x128xf32, #tpu.memory_space<hbm>>) target(%arg10 : memref<128x128xf32, #tpu.memory_space<vmem>>) offsets(%dma_start3A_325 : memref<128xi32, #tpu.memory_space<vmem>>) semaphore(%arg13 : memref<!tpu.dma_semaphore, #tpu.memory_space<semaphore_mem>>)
      } else {
      }
      %eq3A_94 = arith.constant 1 : i32
      %eq3A_95 = arith.cmpi eq, %arg0, %eq3A_94 : i32
      %convert_element_type3A_96 = arith.extui %eq3A_95 : i1 to i32
      %cond3A_97 = arith.constant 0 : i32
      %cond3A_98 = arith.cmpi ne, %convert_element_type3A_96, %cond3A_97 : i32
      scf.if %cond3A_98 {
        %dma_start3A = arith.constant 3 : i32
        %dma_start3A_323 = arith.constant 0 : i32
        %dma_start3A_324 = tpu.memref_slice %arg8[%dma_start3A, %dma_start3A_323] : memref<16x128xi32, #tpu.memory_space<vmem>> -> memref<1x128xi32, #tpu.memory_space<vmem>>
        %dma_start3A_325 = tpu.memref_squeeze %dma_start3A_324 : memref<1x128xi32, #tpu.memory_space<vmem>> -> memref<128xi32, #tpu.memory_space<vmem>>
        %dma_start3A_326 = arith.constant 0 : i32
        %dma_start3A_327 = arith.constant 0 : i32
        %dma_start3A_328 = tpu.memref_slice %arg3[%dma_start3A_326, %dma_start3A_327] : memref<10000x128xf32, #tpu.memory_space<hbm>> -> memref<10000x128xf32, #tpu.memory_space<hbm>>
        tpu.enqueue_indirect_dma source(%dma_start3A_328 : memref<10000x128xf32, #tpu.memory_space<hbm>>) target(%arg10 : memref<128x128xf32, #tpu.memory_space<vmem>>) offsets(%dma_start3A_325 : memref<128xi32, #tpu.memory_space<vmem>>) semaphore(%arg13 : memref<!tpu.dma_semaphore, #tpu.memory_space<semaphore_mem>>)
      } else {
      }
      %dma_wait3A_99 = arith.constant 0 : i32
      %dma_wait3A_100 = arith.constant 0 : i32
      %dma_wait3A_101 = tpu.memref_slice %arg8[%dma_wait3A_99, %dma_wait3A_100] : memref<16x128xi32, #tpu.memory_space<vmem>> -> memref<1x128xi32, #tpu.memory_space<vmem>>
      %dma_wait3A_102 = tpu.memref_squeeze %dma_wait3A_101 : memref<1x128xi32, #tpu.memory_space<vmem>> -> memref<128xi32, #tpu.memory_space<vmem>>
      %dma_wait3A_103 = arith.constant 0 : i32
      %dma_wait3A_104 = arith.constant 0 : i32
      %dma_wait3A_105 = tpu.memref_slice %arg2[%dma_wait3A_103, %dma_wait3A_104] : memref<10000x128xf32, #tpu.memory_space<hbm>> -> memref<10000x128xf32, #tpu.memory_space<hbm>>
      tpu.wait_indirect_dma semaphore(%arg13 : memref<!tpu.dma_semaphore, #tpu.memory_space<semaphore_mem>>) src(%dma_wait3A_105 : memref<10000x128xf32, #tpu.memory_space<hbm>>) dst(%arg10 : memref<128x128xf32, #tpu.memory_space<vmem>>)
      %run_scoped3A_106 = arith.constant 3 : i32
      "tpu.region"() ({
        %run_scoped3A_323 = tpu.sem_alloc : memref<!tpu.dma_semaphore, #tpu.memory_space<semaphore_mem>>
        %dma_start3A = arith.constant 0 : i32
        %dma_start3A_324 = tpu.memref_slice %arg9[%run_scoped3A_106, %dma_start3A] : memref<16x128xi32, #tpu.memory_space<vmem>> -> memref<1x128xi32, #tpu.memory_space<vmem>>
        %dma_start3A_325 = tpu.memref_squeeze %dma_start3A_324 : memref<1x128xi32, #tpu.memory_space<vmem>> -> memref<128xi32, #tpu.memory_space<vmem>>
        %dma_start3A_326 = arith.constant 0 : i32
        %dma_start3A_327 = arith.constant 0 : i32
        %dma_start3A_328 = tpu.memref_slice %arg12[%dma_start3A_326, %dma_start3A_327] : memref<10240x128xf32, #tpu.memory_space<vmem_shared>> -> memref<10240x128xf32, #tpu.memory_space<vmem_shared>>
        tpu.enqueue_indirect_dma source(%arg10 : memref<128x128xf32, #tpu.memory_space<vmem>>) target(%dma_start3A_328 : memref<10240x128xf32, #tpu.memory_space<vmem_shared>>) offsets(%dma_start3A_325 : memref<128xi32, #tpu.memory_space<vmem>>) semaphore(%run_scoped3A_323 : memref<!tpu.dma_semaphore, #tpu.memory_space<semaphore_mem>>) {add = true}
        %dma_wait3A_329 = arith.constant 0 : i32
        %dma_wait3A_330 = tpu.memref_slice %arg9[%run_scoped3A_106, %dma_wait3A_329] : memref<16x128xi32, #tpu.memory_space<vmem>> -> memref<1x128xi32, #tpu.memory_space<vmem>>
        %dma_wait3A_331 = tpu.memref_squeeze %dma_wait3A_330 : memref<1x128xi32, #tpu.memory_space<vmem>> -> memref<128xi32, #tpu.memory_space<vmem>>
        %dma_wait3A_332 = arith.constant 0 : i32
        %dma_wait3A_333 = arith.constant 0 : i32
        %dma_wait3A_334 = tpu.memref_slice %arg12[%dma_wait3A_332, %dma_wait3A_333] : memref<10240x128xf32, #tpu.memory_space<vmem_shared>> -> memref<10240x128xf32, #tpu.memory_space<vmem_shared>>
        tpu.wait_indirect_dma semaphore(%run_scoped3A_323 : memref<!tpu.dma_semaphore, #tpu.memory_space<semaphore_mem>>) src(%arg10 : memref<128x128xf32, #tpu.memory_space<vmem>>) dst(%dma_wait3A_334 : memref<10240x128xf32, #tpu.memory_space<vmem_shared>>)
        tpu.yield
      }) : () -> ()
      %eq3A_107 = arith.constant 0 : i32
      %eq3A_108 = arith.cmpi eq, %arg0, %eq3A_107 : i32
      %convert_element_type3A_109 = arith.extui %eq3A_108 : i1 to i32
      %cond3A_110 = arith.constant 0 : i32
      %cond3A_111 = arith.cmpi ne, %convert_element_type3A_109, %cond3A_110 : i32
      scf.if %cond3A_111 {
        %dma_start3A = arith.constant 4 : i32
        %dma_start3A_323 = arith.constant 0 : i32
        %dma_start3A_324 = tpu.memref_slice %arg8[%dma_start3A, %dma_start3A_323] : memref<16x128xi32, #tpu.memory_space<vmem>> -> memref<1x128xi32, #tpu.memory_space<vmem>>
        %dma_start3A_325 = tpu.memref_squeeze %dma_start3A_324 : memref<1x128xi32, #tpu.memory_space<vmem>> -> memref<128xi32, #tpu.memory_space<vmem>>
        %dma_start3A_326 = arith.constant 0 : i32
        %dma_start3A_327 = arith.constant 0 : i32
        %dma_start3A_328 = tpu.memref_slice %arg2[%dma_start3A_326, %dma_start3A_327] : memref<10000x128xf32, #tpu.memory_space<hbm>> -> memref<10000x128xf32, #tpu.memory_space<hbm>>
        tpu.enqueue_indirect_dma source(%dma_start3A_328 : memref<10000x128xf32, #tpu.memory_space<hbm>>) target(%arg10 : memref<128x128xf32, #tpu.memory_space<vmem>>) offsets(%dma_start3A_325 : memref<128xi32, #tpu.memory_space<vmem>>) semaphore(%arg13 : memref<!tpu.dma_semaphore, #tpu.memory_space<semaphore_mem>>)
      } else {
      }
      %eq3A_112 = arith.constant 1 : i32
      %eq3A_113 = arith.cmpi eq, %arg0, %eq3A_112 : i32
      %convert_element_type3A_114 = arith.extui %eq3A_113 : i1 to i32
      %cond3A_115 = arith.constant 0 : i32
      %cond3A_116 = arith.cmpi ne, %convert_element_type3A_114, %cond3A_115 : i32
      scf.if %cond3A_116 {
        %dma_start3A = arith.constant 4 : i32
        %dma_start3A_323 = arith.constant 0 : i32
        %dma_start3A_324 = tpu.memref_slice %arg8[%dma_start3A, %dma_start3A_323] : memref<16x128xi32, #tpu.memory_space<vmem>> -> memref<1x128xi32, #tpu.memory_space<vmem>>
        %dma_start3A_325 = tpu.memref_squeeze %dma_start3A_324 : memref<1x128xi32, #tpu.memory_space<vmem>> -> memref<128xi32, #tpu.memory_space<vmem>>
        %dma_start3A_326 = arith.constant 0 : i32
        %dma_start3A_327 = arith.constant 0 : i32
        %dma_start3A_328 = tpu.memref_slice %arg3[%dma_start3A_326, %dma_start3A_327] : memref<10000x128xf32, #tpu.memory_space<hbm>> -> memref<10000x128xf32, #tpu.memory_space<hbm>>
        tpu.enqueue_indirect_dma source(%dma_start3A_328 : memref<10000x128xf32, #tpu.memory_space<hbm>>) target(%arg10 : memref<128x128xf32, #tpu.memory_space<vmem>>) offsets(%dma_start3A_325 : memref<128xi32, #tpu.memory_space<vmem>>) semaphore(%arg13 : memref<!tpu.dma_semaphore, #tpu.memory_space<semaphore_mem>>)
      } else {
      }
      %dma_wait3A_117 = arith.constant 0 : i32
      %dma_wait3A_118 = arith.constant 0 : i32
      %dma_wait3A_119 = tpu.memref_slice %arg8[%dma_wait3A_117, %dma_wait3A_118] : memref<16x128xi32, #tpu.memory_space<vmem>> -> memref<1x128xi32, #tpu.memory_space<vmem>>
      %dma_wait3A_120 = tpu.memref_squeeze %dma_wait3A_119 : memref<1x128xi32, #tpu.memory_space<vmem>> -> memref<128xi32, #tpu.memory_space<vmem>>
      %dma_wait3A_121 = arith.constant 0 : i32
      %dma_wait3A_122 = arith.constant 0 : i32
      %dma_wait3A_123 = tpu.memref_slice %arg2[%dma_wait3A_121, %dma_wait3A_122] : memref<10000x128xf32, #tpu.memory_space<hbm>> -> memref<10000x128xf32, #tpu.memory_space<hbm>>
      tpu.wait_indirect_dma semaphore(%arg13 : memref<!tpu.dma_semaphore, #tpu.memory_space<semaphore_mem>>) src(%dma_wait3A_123 : memref<10000x128xf32, #tpu.memory_space<hbm>>) dst(%arg10 : memref<128x128xf32, #tpu.memory_space<vmem>>)
      %run_scoped3A_124 = arith.constant 4 : i32
      "tpu.region"() ({
        %run_scoped3A_323 = tpu.sem_alloc : memref<!tpu.dma_semaphore, #tpu.memory_space<semaphore_mem>>
        %dma_start3A = arith.constant 0 : i32
        %dma_start3A_324 = tpu.memref_slice %arg9[%run_scoped3A_124, %dma_start3A] : memref<16x128xi32, #tpu.memory_space<vmem>> -> memref<1x128xi32, #tpu.memory_space<vmem>>
        %dma_start3A_325 = tpu.memref_squeeze %dma_start3A_324 : memref<1x128xi32, #tpu.memory_space<vmem>> -> memref<128xi32, #tpu.memory_space<vmem>>
        %dma_start3A_326 = arith.constant 0 : i32
        %dma_start3A_327 = arith.constant 0 : i32
        %dma_start3A_328 = tpu.memref_slice %arg12[%dma_start3A_326, %dma_start3A_327] : memref<10240x128xf32, #tpu.memory_space<vmem_shared>> -> memref<10240x128xf32, #tpu.memory_space<vmem_shared>>
        tpu.enqueue_indirect_dma source(%arg10 : memref<128x128xf32, #tpu.memory_space<vmem>>) target(%dma_start3A_328 : memref<10240x128xf32, #tpu.memory_space<vmem_shared>>) offsets(%dma_start3A_325 : memref<128xi32, #tpu.memory_space<vmem>>) semaphore(%run_scoped3A_323 : memref<!tpu.dma_semaphore, #tpu.memory_space<semaphore_mem>>) {add = true}
        %dma_wait3A_329 = arith.constant 0 : i32
        %dma_wait3A_330 = tpu.memref_slice %arg9[%run_scoped3A_124, %dma_wait3A_329] : memref<16x128xi32, #tpu.memory_space<vmem>> -> memref<1x128xi32, #tpu.memory_space<vmem>>
        %dma_wait3A_331 = tpu.memref_squeeze %dma_wait3A_330 : memref<1x128xi32, #tpu.memory_space<vmem>> -> memref<128xi32, #tpu.memory_space<vmem>>
        %dma_wait3A_332 = arith.constant 0 : i32
        %dma_wait3A_333 = arith.constant 0 : i32
        %dma_wait3A_334 = tpu.memref_slice %arg12[%dma_wait3A_332, %dma_wait3A_333] : memref<10240x128xf32, #tpu.memory_space<vmem_shared>> -> memref<10240x128xf32, #tpu.memory_space<vmem_shared>>
        tpu.wait_indirect_dma semaphore(%run_scoped3A_323 : memref<!tpu.dma_semaphore, #tpu.memory_space<semaphore_mem>>) src(%arg10 : memref<128x128xf32, #tpu.memory_space<vmem>>) dst(%dma_wait3A_334 : memref<10240x128xf32, #tpu.memory_space<vmem_shared>>)
        tpu.yield
      }) : () -> ()
      %eq3A_125 = arith.constant 0 : i32
      %eq3A_126 = arith.cmpi eq, %arg0, %eq3A_125 : i32
      %convert_element_type3A_127 = arith.extui %eq3A_126 : i1 to i32
      %cond3A_128 = arith.constant 0 : i32
      %cond3A_129 = arith.cmpi ne, %convert_element_type3A_127, %cond3A_128 : i32
      scf.if %cond3A_129 {
        %dma_start3A = arith.constant 5 : i32
        %dma_start3A_323 = arith.constant 0 : i32
        %dma_start3A_324 = tpu.memref_slice %arg8[%dma_start3A, %dma_start3A_323] : memref<16x128xi32, #tpu.memory_space<vmem>> -> memref<1x128xi32, #tpu.memory_space<vmem>>
        %dma_start3A_325 = tpu.memref_squeeze %dma_start3A_324 : memref<1x128xi32, #tpu.memory_space<vmem>> -> memref<128xi32, #tpu.memory_space<vmem>>
        %dma_start3A_326 = arith.constant 0 : i32
        %dma_start3A_327 = arith.constant 0 : i32
        %dma_start3A_328 = tpu.memref_slice %arg2[%dma_start3A_326, %dma_start3A_327] : memref<10000x128xf32, #tpu.memory_space<hbm>> -> memref<10000x128xf32, #tpu.memory_space<hbm>>
        tpu.enqueue_indirect_dma source(%dma_start3A_328 : memref<10000x128xf32, #tpu.memory_space<hbm>>) target(%arg10 : memref<128x128xf32, #tpu.memory_space<vmem>>) offsets(%dma_start3A_325 : memref<128xi32, #tpu.memory_space<vmem>>) semaphore(%arg13 : memref<!tpu.dma_semaphore, #tpu.memory_space<semaphore_mem>>)
      } else {
      }
      %eq3A_130 = arith.constant 1 : i32
      %eq3A_131 = arith.cmpi eq, %arg0, %eq3A_130 : i32
      %convert_element_type3A_132 = arith.extui %eq3A_131 : i1 to i32
      %cond3A_133 = arith.constant 0 : i32
      %cond3A_134 = arith.cmpi ne, %convert_element_type3A_132, %cond3A_133 : i32
      scf.if %cond3A_134 {
        %dma_start3A = arith.constant 5 : i32
        %dma_start3A_323 = arith.constant 0 : i32
        %dma_start3A_324 = tpu.memref_slice %arg8[%dma_start3A, %dma_start3A_323] : memref<16x128xi32, #tpu.memory_space<vmem>> -> memref<1x128xi32, #tpu.memory_space<vmem>>
        %dma_start3A_325 = tpu.memref_squeeze %dma_start3A_324 : memref<1x128xi32, #tpu.memory_space<vmem>> -> memref<128xi32, #tpu.memory_space<vmem>>
        %dma_start3A_326 = arith.constant 0 : i32
        %dma_start3A_327 = arith.constant 0 : i32
        %dma_start3A_328 = tpu.memref_slice %arg3[%dma_start3A_326, %dma_start3A_327] : memref<10000x128xf32, #tpu.memory_space<hbm>> -> memref<10000x128xf32, #tpu.memory_space<hbm>>
        tpu.enqueue_indirect_dma source(%dma_start3A_328 : memref<10000x128xf32, #tpu.memory_space<hbm>>) target(%arg10 : memref<128x128xf32, #tpu.memory_space<vmem>>) offsets(%dma_start3A_325 : memref<128xi32, #tpu.memory_space<vmem>>) semaphore(%arg13 : memref<!tpu.dma_semaphore, #tpu.memory_space<semaphore_mem>>)
      } else {
      }
      %dma_wait3A_135 = arith.constant 0 : i32
      %dma_wait3A_136 = arith.constant 0 : i32
      %dma_wait3A_137 = tpu.memref_slice %arg8[%dma_wait3A_135, %dma_wait3A_136] : memref<16x128xi32, #tpu.memory_space<vmem>> -> memref<1x128xi32, #tpu.memory_space<vmem>>
      %dma_wait3A_138 = tpu.memref_squeeze %dma_wait3A_137 : memref<1x128xi32, #tpu.memory_space<vmem>> -> memref<128xi32, #tpu.memory_space<vmem>>
      %dma_wait3A_139 = arith.constant 0 : i32
      %dma_wait3A_140 = arith.constant 0 : i32
      %dma_wait3A_141 = tpu.memref_slice %arg2[%dma_wait3A_139, %dma_wait3A_140] : memref<10000x128xf32, #tpu.memory_space<hbm>> -> memref<10000x128xf32, #tpu.memory_space<hbm>>
      tpu.wait_indirect_dma semaphore(%arg13 : memref<!tpu.dma_semaphore, #tpu.memory_space<semaphore_mem>>) src(%dma_wait3A_141 : memref<10000x128xf32, #tpu.memory_space<hbm>>) dst(%arg10 : memref<128x128xf32, #tpu.memory_space<vmem>>)
      %run_scoped3A_142 = arith.constant 5 : i32
      "tpu.region"() ({
        %run_scoped3A_323 = tpu.sem_alloc : memref<!tpu.dma_semaphore, #tpu.memory_space<semaphore_mem>>
        %dma_start3A = arith.constant 0 : i32
        %dma_start3A_324 = tpu.memref_slice %arg9[%run_scoped3A_142, %dma_start3A] : memref<16x128xi32, #tpu.memory_space<vmem>> -> memref<1x128xi32, #tpu.memory_space<vmem>>
        %dma_start3A_325 = tpu.memref_squeeze %dma_start3A_324 : memref<1x128xi32, #tpu.memory_space<vmem>> -> memref<128xi32, #tpu.memory_space<vmem>>
        %dma_start3A_326 = arith.constant 0 : i32
        %dma_start3A_327 = arith.constant 0 : i32
        %dma_start3A_328 = tpu.memref_slice %arg12[%dma_start3A_326, %dma_start3A_327] : memref<10240x128xf32, #tpu.memory_space<vmem_shared>> -> memref<10240x128xf32, #tpu.memory_space<vmem_shared>>
        tpu.enqueue_indirect_dma source(%arg10 : memref<128x128xf32, #tpu.memory_space<vmem>>) target(%dma_start3A_328 : memref<10240x128xf32, #tpu.memory_space<vmem_shared>>) offsets(%dma_start3A_325 : memref<128xi32, #tpu.memory_space<vmem>>) semaphore(%run_scoped3A_323 : memref<!tpu.dma_semaphore, #tpu.memory_space<semaphore_mem>>) {add = true}
        %dma_wait3A_329 = arith.constant 0 : i32
        %dma_wait3A_330 = tpu.memref_slice %arg9[%run_scoped3A_142, %dma_wait3A_329] : memref<16x128xi32, #tpu.memory_space<vmem>> -> memref<1x128xi32, #tpu.memory_space<vmem>>
        %dma_wait3A_331 = tpu.memref_squeeze %dma_wait3A_330 : memref<1x128xi32, #tpu.memory_space<vmem>> -> memref<128xi32, #tpu.memory_space<vmem>>
        %dma_wait3A_332 = arith.constant 0 : i32
        %dma_wait3A_333 = arith.constant 0 : i32
        %dma_wait3A_334 = tpu.memref_slice %arg12[%dma_wait3A_332, %dma_wait3A_333] : memref<10240x128xf32, #tpu.memory_space<vmem_shared>> -> memref<10240x128xf32, #tpu.memory_space<vmem_shared>>
        tpu.wait_indirect_dma semaphore(%run_scoped3A_323 : memref<!tpu.dma_semaphore, #tpu.memory_space<semaphore_mem>>) src(%arg10 : memref<128x128xf32, #tpu.memory_space<vmem>>) dst(%dma_wait3A_334 : memref<10240x128xf32, #tpu.memory_space<vmem_shared>>)
        tpu.yield
      }) : () -> ()
      %eq3A_143 = arith.constant 0 : i32
      %eq3A_144 = arith.cmpi eq, %arg0, %eq3A_143 : i32
      %convert_element_type3A_145 = arith.extui %eq3A_144 : i1 to i32
      %cond3A_146 = arith.constant 0 : i32
      %cond3A_147 = arith.cmpi ne, %convert_element_type3A_145, %cond3A_146 : i32
      scf.if %cond3A_147 {
        %dma_start3A = arith.constant 6 : i32
        %dma_start3A_323 = arith.constant 0 : i32
        %dma_start3A_324 = tpu.memref_slice %arg8[%dma_start3A, %dma_start3A_323] : memref<16x128xi32, #tpu.memory_space<vmem>> -> memref<1x128xi32, #tpu.memory_space<vmem>>
        %dma_start3A_325 = tpu.memref_squeeze %dma_start3A_324 : memref<1x128xi32, #tpu.memory_space<vmem>> -> memref<128xi32, #tpu.memory_space<vmem>>
        %dma_start3A_326 = arith.constant 0 : i32
        %dma_start3A_327 = arith.constant 0 : i32
        %dma_start3A_328 = tpu.memref_slice %arg2[%dma_start3A_326, %dma_start3A_327] : memref<10000x128xf32, #tpu.memory_space<hbm>> -> memref<10000x128xf32, #tpu.memory_space<hbm>>
        tpu.enqueue_indirect_dma source(%dma_start3A_328 : memref<10000x128xf32, #tpu.memory_space<hbm>>) target(%arg10 : memref<128x128xf32, #tpu.memory_space<vmem>>) offsets(%dma_start3A_325 : memref<128xi32, #tpu.memory_space<vmem>>) semaphore(%arg13 : memref<!tpu.dma_semaphore, #tpu.memory_space<semaphore_mem>>)
      } else {
      }
      %eq3A_148 = arith.constant 1 : i32
      %eq3A_149 = arith.cmpi eq, %arg0, %eq3A_148 : i32
      %convert_element_type3A_150 = arith.extui %eq3A_149 : i1 to i32
      %cond3A_151 = arith.constant 0 : i32
      %cond3A_152 = arith.cmpi ne, %convert_element_type3A_150, %cond3A_151 : i32
      scf.if %cond3A_152 {
        %dma_start3A = arith.constant 6 : i32
        %dma_start3A_323 = arith.constant 0 : i32
        %dma_start3A_324 = tpu.memref_slice %arg8[%dma_start3A, %dma_start3A_323] : memref<16x128xi32, #tpu.memory_space<vmem>> -> memref<1x128xi32, #tpu.memory_space<vmem>>
        %dma_start3A_325 = tpu.memref_squeeze %dma_start3A_324 : memref<1x128xi32, #tpu.memory_space<vmem>> -> memref<128xi32, #tpu.memory_space<vmem>>
        %dma_start3A_326 = arith.constant 0 : i32
        %dma_start3A_327 = arith.constant 0 : i32
        %dma_start3A_328 = tpu.memref_slice %arg3[%dma_start3A_326, %dma_start3A_327] : memref<10000x128xf32, #tpu.memory_space<hbm>> -> memref<10000x128xf32, #tpu.memory_space<hbm>>
        tpu.enqueue_indirect_dma source(%dma_start3A_328 : memref<10000x128xf32, #tpu.memory_space<hbm>>) target(%arg10 : memref<128x128xf32, #tpu.memory_space<vmem>>) offsets(%dma_start3A_325 : memref<128xi32, #tpu.memory_space<vmem>>) semaphore(%arg13 : memref<!tpu.dma_semaphore, #tpu.memory_space<semaphore_mem>>)
      } else {
      }
      %dma_wait3A_153 = arith.constant 0 : i32
      %dma_wait3A_154 = arith.constant 0 : i32
      %dma_wait3A_155 = tpu.memref_slice %arg8[%dma_wait3A_153, %dma_wait3A_154] : memref<16x128xi32, #tpu.memory_space<vmem>> -> memref<1x128xi32, #tpu.memory_space<vmem>>
      %dma_wait3A_156 = tpu.memref_squeeze %dma_wait3A_155 : memref<1x128xi32, #tpu.memory_space<vmem>> -> memref<128xi32, #tpu.memory_space<vmem>>
      %dma_wait3A_157 = arith.constant 0 : i32
      %dma_wait3A_158 = arith.constant 0 : i32
      %dma_wait3A_159 = tpu.memref_slice %arg2[%dma_wait3A_157, %dma_wait3A_158] : memref<10000x128xf32, #tpu.memory_space<hbm>> -> memref<10000x128xf32, #tpu.memory_space<hbm>>
      tpu.wait_indirect_dma semaphore(%arg13 : memref<!tpu.dma_semaphore, #tpu.memory_space<semaphore_mem>>) src(%dma_wait3A_159 : memref<10000x128xf32, #tpu.memory_space<hbm>>) dst(%arg10 : memref<128x128xf32, #tpu.memory_space<vmem>>)
      %run_scoped3A_160 = arith.constant 6 : i32
      "tpu.region"() ({
        %run_scoped3A_323 = tpu.sem_alloc : memref<!tpu.dma_semaphore, #tpu.memory_space<semaphore_mem>>
        %dma_start3A = arith.constant 0 : i32
        %dma_start3A_324 = tpu.memref_slice %arg9[%run_scoped3A_160, %dma_start3A] : memref<16x128xi32, #tpu.memory_space<vmem>> -> memref<1x128xi32, #tpu.memory_space<vmem>>
        %dma_start3A_325 = tpu.memref_squeeze %dma_start3A_324 : memref<1x128xi32, #tpu.memory_space<vmem>> -> memref<128xi32, #tpu.memory_space<vmem>>
        %dma_start3A_326 = arith.constant 0 : i32
        %dma_start3A_327 = arith.constant 0 : i32
        %dma_start3A_328 = tpu.memref_slice %arg12[%dma_start3A_326, %dma_start3A_327] : memref<10240x128xf32, #tpu.memory_space<vmem_shared>> -> memref<10240x128xf32, #tpu.memory_space<vmem_shared>>
        tpu.enqueue_indirect_dma source(%arg10 : memref<128x128xf32, #tpu.memory_space<vmem>>) target(%dma_start3A_328 : memref<10240x128xf32, #tpu.memory_space<vmem_shared>>) offsets(%dma_start3A_325 : memref<128xi32, #tpu.memory_space<vmem>>) semaphore(%run_scoped3A_323 : memref<!tpu.dma_semaphore, #tpu.memory_space<semaphore_mem>>) {add = true}
        %dma_wait3A_329 = arith.constant 0 : i32
        %dma_wait3A_330 = tpu.memref_slice %arg9[%run_scoped3A_160, %dma_wait3A_329] : memref<16x128xi32, #tpu.memory_space<vmem>> -> memref<1x128xi32, #tpu.memory_space<vmem>>
        %dma_wait3A_331 = tpu.memref_squeeze %dma_wait3A_330 : memref<1x128xi32, #tpu.memory_space<vmem>> -> memref<128xi32, #tpu.memory_space<vmem>>
        %dma_wait3A_332 = arith.constant 0 : i32
        %dma_wait3A_333 = arith.constant 0 : i32
        %dma_wait3A_334 = tpu.memref_slice %arg12[%dma_wait3A_332, %dma_wait3A_333] : memref<10240x128xf32, #tpu.memory_space<vmem_shared>> -> memref<10240x128xf32, #tpu.memory_space<vmem_shared>>
        tpu.wait_indirect_dma semaphore(%run_scoped3A_323 : memref<!tpu.dma_semaphore, #tpu.memory_space<semaphore_mem>>) src(%arg10 : memref<128x128xf32, #tpu.memory_space<vmem>>) dst(%dma_wait3A_334 : memref<10240x128xf32, #tpu.memory_space<vmem_shared>>)
        tpu.yield
      }) : () -> ()
      %eq3A_161 = arith.constant 0 : i32
      %eq3A_162 = arith.cmpi eq, %arg0, %eq3A_161 : i32
      %convert_element_type3A_163 = arith.extui %eq3A_162 : i1 to i32
      %cond3A_164 = arith.constant 0 : i32
      %cond3A_165 = arith.cmpi ne, %convert_element_type3A_163, %cond3A_164 : i32
      scf.if %cond3A_165 {
        %dma_start3A = arith.constant 7 : i32
        %dma_start3A_323 = arith.constant 0 : i32
        %dma_start3A_324 = tpu.memref_slice %arg8[%dma_start3A, %dma_start3A_323] : memref<16x128xi32, #tpu.memory_space<vmem>> -> memref<1x128xi32, #tpu.memory_space<vmem>>
        %dma_start3A_325 = tpu.memref_squeeze %dma_start3A_324 : memref<1x128xi32, #tpu.memory_space<vmem>> -> memref<128xi32, #tpu.memory_space<vmem>>
        %dma_start3A_326 = arith.constant 0 : i32
        %dma_start3A_327 = arith.constant 0 : i32
        %dma_start3A_328 = tpu.memref_slice %arg2[%dma_start3A_326, %dma_start3A_327] : memref<10000x128xf32, #tpu.memory_space<hbm>> -> memref<10000x128xf32, #tpu.memory_space<hbm>>
        tpu.enqueue_indirect_dma source(%dma_start3A_328 : memref<10000x128xf32, #tpu.memory_space<hbm>>) target(%arg10 : memref<128x128xf32, #tpu.memory_space<vmem>>) offsets(%dma_start3A_325 : memref<128xi32, #tpu.memory_space<vmem>>) semaphore(%arg13 : memref<!tpu.dma_semaphore, #tpu.memory_space<semaphore_mem>>)
      } else {
      }
      %eq3A_166 = arith.constant 1 : i32
      %eq3A_167 = arith.cmpi eq, %arg0, %eq3A_166 : i32
      %convert_element_type3A_168 = arith.extui %eq3A_167 : i1 to i32
      %cond3A_169 = arith.constant 0 : i32
      %cond3A_170 = arith.cmpi ne, %convert_element_type3A_168, %cond3A_169 : i32
      scf.if %cond3A_170 {
        %dma_start3A = arith.constant 7 : i32
        %dma_start3A_323 = arith.constant 0 : i32
        %dma_start3A_324 = tpu.memref_slice %arg8[%dma_start3A, %dma_start3A_323] : memref<16x128xi32, #tpu.memory_space<vmem>> -> memref<1x128xi32, #tpu.memory_space<vmem>>
        %dma_start3A_325 = tpu.memref_squeeze %dma_start3A_324 : memref<1x128xi32, #tpu.memory_space<vmem>> -> memref<128xi32, #tpu.memory_space<vmem>>
        %dma_start3A_326 = arith.constant 0 : i32
        %dma_start3A_327 = arith.constant 0 : i32
        %dma_start3A_328 = tpu.memref_slice %arg3[%dma_start3A_326, %dma_start3A_327] : memref<10000x128xf32, #tpu.memory_space<hbm>> -> memref<10000x128xf32, #tpu.memory_space<hbm>>
        tpu.enqueue_indirect_dma source(%dma_start3A_328 : memref<10000x128xf32, #tpu.memory_space<hbm>>) target(%arg10 : memref<128x128xf32, #tpu.memory_space<vmem>>) offsets(%dma_start3A_325 : memref<128xi32, #tpu.memory_space<vmem>>) semaphore(%arg13 : memref<!tpu.dma_semaphore, #tpu.memory_space<semaphore_mem>>)
      } else {
      }
      %dma_wait3A_171 = arith.constant 0 : i32
      %dma_wait3A_172 = arith.constant 0 : i32
      %dma_wait3A_173 = tpu.memref_slice %arg8[%dma_wait3A_171, %dma_wait3A_172] : memref<16x128xi32, #tpu.memory_space<vmem>> -> memref<1x128xi32, #tpu.memory_space<vmem>>
      %dma_wait3A_174 = tpu.memref_squeeze %dma_wait3A_173 : memref<1x128xi32, #tpu.memory_space<vmem>> -> memref<128xi32, #tpu.memory_space<vmem>>
      %dma_wait3A_175 = arith.constant 0 : i32
      %dma_wait3A_176 = arith.constant 0 : i32
      %dma_wait3A_177 = tpu.memref_slice %arg2[%dma_wait3A_175, %dma_wait3A_176] : memref<10000x128xf32, #tpu.memory_space<hbm>> -> memref<10000x128xf32, #tpu.memory_space<hbm>>
      tpu.wait_indirect_dma semaphore(%arg13 : memref<!tpu.dma_semaphore, #tpu.memory_space<semaphore_mem>>) src(%dma_wait3A_177 : memref<10000x128xf32, #tpu.memory_space<hbm>>) dst(%arg10 : memref<128x128xf32, #tpu.memory_space<vmem>>)
      %run_scoped3A_178 = arith.constant 7 : i32
      "tpu.region"() ({
        %run_scoped3A_323 = tpu.sem_alloc : memref<!tpu.dma_semaphore, #tpu.memory_space<semaphore_mem>>
        %dma_start3A = arith.constant 0 : i32
        %dma_start3A_324 = tpu.memref_slice %arg9[%run_scoped3A_178, %dma_start3A] : memref<16x128xi32, #tpu.memory_space<vmem>> -> memref<1x128xi32, #tpu.memory_space<vmem>>
        %dma_start3A_325 = tpu.memref_squeeze %dma_start3A_324 : memref<1x128xi32, #tpu.memory_space<vmem>> -> memref<128xi32, #tpu.memory_space<vmem>>
        %dma_start3A_326 = arith.constant 0 : i32
        %dma_start3A_327 = arith.constant 0 : i32
        %dma_start3A_328 = tpu.memref_slice %arg12[%dma_start3A_326, %dma_start3A_327] : memref<10240x128xf32, #tpu.memory_space<vmem_shared>> -> memref<10240x128xf32, #tpu.memory_space<vmem_shared>>
        tpu.enqueue_indirect_dma source(%arg10 : memref<128x128xf32, #tpu.memory_space<vmem>>) target(%dma_start3A_328 : memref<10240x128xf32, #tpu.memory_space<vmem_shared>>) offsets(%dma_start3A_325 : memref<128xi32, #tpu.memory_space<vmem>>) semaphore(%run_scoped3A_323 : memref<!tpu.dma_semaphore, #tpu.memory_space<semaphore_mem>>) {add = true}
        %dma_wait3A_329 = arith.constant 0 : i32
        %dma_wait3A_330 = tpu.memref_slice %arg9[%run_scoped3A_178, %dma_wait3A_329] : memref<16x128xi32, #tpu.memory_space<vmem>> -> memref<1x128xi32, #tpu.memory_space<vmem>>
        %dma_wait3A_331 = tpu.memref_squeeze %dma_wait3A_330 : memref<1x128xi32, #tpu.memory_space<vmem>> -> memref<128xi32, #tpu.memory_space<vmem>>
        %dma_wait3A_332 = arith.constant 0 : i32
        %dma_wait3A_333 = arith.constant 0 : i32
        %dma_wait3A_334 = tpu.memref_slice %arg12[%dma_wait3A_332, %dma_wait3A_333] : memref<10240x128xf32, #tpu.memory_space<vmem_shared>> -> memref<10240x128xf32, #tpu.memory_space<vmem_shared>>
        tpu.wait_indirect_dma semaphore(%run_scoped3A_323 : memref<!tpu.dma_semaphore, #tpu.memory_space<semaphore_mem>>) src(%arg10 : memref<128x128xf32, #tpu.memory_space<vmem>>) dst(%dma_wait3A_334 : memref<10240x128xf32, #tpu.memory_space<vmem_shared>>)
        tpu.yield
      }) : () -> ()
      %eq3A_179 = arith.constant 0 : i32
      %eq3A_180 = arith.cmpi eq, %arg0, %eq3A_179 : i32
      %convert_element_type3A_181 = arith.extui %eq3A_180 : i1 to i32
      %cond3A_182 = arith.constant 0 : i32
      %cond3A_183 = arith.cmpi ne, %convert_element_type3A_181, %cond3A_182 : i32
      scf.if %cond3A_183 {
        %dma_start3A = arith.constant 8 : i32
        %dma_start3A_323 = arith.constant 0 : i32
        %dma_start3A_324 = tpu.memref_slice %arg8[%dma_start3A, %dma_start3A_323] : memref<16x128xi32, #tpu.memory_space<vmem>> -> memref<1x128xi32, #tpu.memory_space<vmem>>
        %dma_start3A_325 = tpu.memref_squeeze %dma_start3A_324 : memref<1x128xi32, #tpu.memory_space<vmem>> -> memref<128xi32, #tpu.memory_space<vmem>>
        %dma_start3A_326 = arith.constant 0 : i32
        %dma_start3A_327 = arith.constant 0 : i32
        %dma_start3A_328 = tpu.memref_slice %arg2[%dma_start3A_326, %dma_start3A_327] : memref<10000x128xf32, #tpu.memory_space<hbm>> -> memref<10000x128xf32, #tpu.memory_space<hbm>>
        tpu.enqueue_indirect_dma source(%dma_start3A_328 : memref<10000x128xf32, #tpu.memory_space<hbm>>) target(%arg10 : memref<128x128xf32, #tpu.memory_space<vmem>>) offsets(%dma_start3A_325 : memref<128xi32, #tpu.memory_space<vmem>>) semaphore(%arg13 : memref<!tpu.dma_semaphore, #tpu.memory_space<semaphore_mem>>)
      } else {
      }
      %eq3A_184 = arith.constant 1 : i32
      %eq3A_185 = arith.cmpi eq, %arg0, %eq3A_184 : i32
      %convert_element_type3A_186 = arith.extui %eq3A_185 : i1 to i32
      %cond3A_187 = arith.constant 0 : i32
      %cond3A_188 = arith.cmpi ne, %convert_element_type3A_186, %cond3A_187 : i32
      scf.if %cond3A_188 {
        %dma_start3A = arith.constant 8 : i32
        %dma_start3A_323 = arith.constant 0 : i32
        %dma_start3A_324 = tpu.memref_slice %arg8[%dma_start3A, %dma_start3A_323] : memref<16x128xi32, #tpu.memory_space<vmem>> -> memref<1x128xi32, #tpu.memory_space<vmem>>
        %dma_start3A_325 = tpu.memref_squeeze %dma_start3A_324 : memref<1x128xi32, #tpu.memory_space<vmem>> -> memref<128xi32, #tpu.memory_space<vmem>>
        %dma_start3A_326 = arith.constant 0 : i32
        %dma_start3A_327 = arith.constant 0 : i32
        %dma_start3A_328 = tpu.memref_slice %arg3[%dma_start3A_326, %dma_start3A_327] : memref<10000x128xf32, #tpu.memory_space<hbm>> -> memref<10000x128xf32, #tpu.memory_space<hbm>>
        tpu.enqueue_indirect_dma source(%dma_start3A_328 : memref<10000x128xf32, #tpu.memory_space<hbm>>) target(%arg10 : memref<128x128xf32, #tpu.memory_space<vmem>>) offsets(%dma_start3A_325 : memref<128xi32, #tpu.memory_space<vmem>>) semaphore(%arg13 : memref<!tpu.dma_semaphore, #tpu.memory_space<semaphore_mem>>)
      } else {
      }
      %dma_wait3A_189 = arith.constant 0 : i32
      %dma_wait3A_190 = arith.constant 0 : i32
      %dma_wait3A_191 = tpu.memref_slice %arg8[%dma_wait3A_189, %dma_wait3A_190] : memref<16x128xi32, #tpu.memory_space<vmem>> -> memref<1x128xi32, #tpu.memory_space<vmem>>
      %dma_wait3A_192 = tpu.memref_squeeze %dma_wait3A_191 : memref<1x128xi32, #tpu.memory_space<vmem>> -> memref<128xi32, #tpu.memory_space<vmem>>
      %dma_wait3A_193 = arith.constant 0 : i32
      %dma_wait3A_194 = arith.constant 0 : i32
      %dma_wait3A_195 = tpu.memref_slice %arg2[%dma_wait3A_193, %dma_wait3A_194] : memref<10000x128xf32, #tpu.memory_space<hbm>> -> memref<10000x128xf32, #tpu.memory_space<hbm>>
      tpu.wait_indirect_dma semaphore(%arg13 : memref<!tpu.dma_semaphore, #tpu.memory_space<semaphore_mem>>) src(%dma_wait3A_195 : memref<10000x128xf32, #tpu.memory_space<hbm>>) dst(%arg10 : memref<128x128xf32, #tpu.memory_space<vmem>>)
      %run_scoped3A_196 = arith.constant 8 : i32
      "tpu.region"() ({
        %run_scoped3A_323 = tpu.sem_alloc : memref<!tpu.dma_semaphore, #tpu.memory_space<semaphore_mem>>
        %dma_start3A = arith.constant 0 : i32
        %dma_start3A_324 = tpu.memref_slice %arg9[%run_scoped3A_196, %dma_start3A] : memref<16x128xi32, #tpu.memory_space<vmem>> -> memref<1x128xi32, #tpu.memory_space<vmem>>
        %dma_start3A_325 = tpu.memref_squeeze %dma_start3A_324 : memref<1x128xi32, #tpu.memory_space<vmem>> -> memref<128xi32, #tpu.memory_space<vmem>>
        %dma_start3A_326 = arith.constant 0 : i32
        %dma_start3A_327 = arith.constant 0 : i32
        %dma_start3A_328 = tpu.memref_slice %arg12[%dma_start3A_326, %dma_start3A_327] : memref<10240x128xf32, #tpu.memory_space<vmem_shared>> -> memref<10240x128xf32, #tpu.memory_space<vmem_shared>>
        tpu.enqueue_indirect_dma source(%arg10 : memref<128x128xf32, #tpu.memory_space<vmem>>) target(%dma_start3A_328 : memref<10240x128xf32, #tpu.memory_space<vmem_shared>>) offsets(%dma_start3A_325 : memref<128xi32, #tpu.memory_space<vmem>>) semaphore(%run_scoped3A_323 : memref<!tpu.dma_semaphore, #tpu.memory_space<semaphore_mem>>) {add = true}
        %dma_wait3A_329 = arith.constant 0 : i32
        %dma_wait3A_330 = tpu.memref_slice %arg9[%run_scoped3A_196, %dma_wait3A_329] : memref<16x128xi32, #tpu.memory_space<vmem>> -> memref<1x128xi32, #tpu.memory_space<vmem>>
        %dma_wait3A_331 = tpu.memref_squeeze %dma_wait3A_330 : memref<1x128xi32, #tpu.memory_space<vmem>> -> memref<128xi32, #tpu.memory_space<vmem>>
        %dma_wait3A_332 = arith.constant 0 : i32
        %dma_wait3A_333 = arith.constant 0 : i32
        %dma_wait3A_334 = tpu.memref_slice %arg12[%dma_wait3A_332, %dma_wait3A_333] : memref<10240x128xf32, #tpu.memory_space<vmem_shared>> -> memref<10240x128xf32, #tpu.memory_space<vmem_shared>>
        tpu.wait_indirect_dma semaphore(%run_scoped3A_323 : memref<!tpu.dma_semaphore, #tpu.memory_space<semaphore_mem>>) src(%arg10 : memref<128x128xf32, #tpu.memory_space<vmem>>) dst(%dma_wait3A_334 : memref<10240x128xf32, #tpu.memory_space<vmem_shared>>)
        tpu.yield
      }) : () -> ()
      %eq3A_197 = arith.constant 0 : i32
      %eq3A_198 = arith.cmpi eq, %arg0, %eq3A_197 : i32
      %convert_element_type3A_199 = arith.extui %eq3A_198 : i1 to i32
      %cond3A_200 = arith.constant 0 : i32
      %cond3A_201 = arith.cmpi ne, %convert_element_type3A_199, %cond3A_200 : i32
      scf.if %cond3A_201 {
        %dma_start3A = arith.constant 9 : i32
        %dma_start3A_323 = arith.constant 0 : i32
        %dma_start3A_324 = tpu.memref_slice %arg8[%dma_start3A, %dma_start3A_323] : memref<16x128xi32, #tpu.memory_space<vmem>> -> memref<1x128xi32, #tpu.memory_space<vmem>>
        %dma_start3A_325 = tpu.memref_squeeze %dma_start3A_324 : memref<1x128xi32, #tpu.memory_space<vmem>> -> memref<128xi32, #tpu.memory_space<vmem>>
        %dma_start3A_326 = arith.constant 0 : i32
        %dma_start3A_327 = arith.constant 0 : i32
        %dma_start3A_328 = tpu.memref_slice %arg2[%dma_start3A_326, %dma_start3A_327] : memref<10000x128xf32, #tpu.memory_space<hbm>> -> memref<10000x128xf32, #tpu.memory_space<hbm>>
        tpu.enqueue_indirect_dma source(%dma_start3A_328 : memref<10000x128xf32, #tpu.memory_space<hbm>>) target(%arg10 : memref<128x128xf32, #tpu.memory_space<vmem>>) offsets(%dma_start3A_325 : memref<128xi32, #tpu.memory_space<vmem>>) semaphore(%arg13 : memref<!tpu.dma_semaphore, #tpu.memory_space<semaphore_mem>>)
      } else {
      }
      %eq3A_202 = arith.constant 1 : i32
      %eq3A_203 = arith.cmpi eq, %arg0, %eq3A_202 : i32
      %convert_element_type3A_204 = arith.extui %eq3A_203 : i1 to i32
      %cond3A_205 = arith.constant 0 : i32
      %cond3A_206 = arith.cmpi ne, %convert_element_type3A_204, %cond3A_205 : i32
      scf.if %cond3A_206 {
        %dma_start3A = arith.constant 9 : i32
        %dma_start3A_323 = arith.constant 0 : i32
        %dma_start3A_324 = tpu.memref_slice %arg8[%dma_start3A, %dma_start3A_323] : memref<16x128xi32, #tpu.memory_space<vmem>> -> memref<1x128xi32, #tpu.memory_space<vmem>>
        %dma_start3A_325 = tpu.memref_squeeze %dma_start3A_324 : memref<1x128xi32, #tpu.memory_space<vmem>> -> memref<128xi32, #tpu.memory_space<vmem>>
        %dma_start3A_326 = arith.constant 0 : i32
        %dma_start3A_327 = arith.constant 0 : i32
        %dma_start3A_328 = tpu.memref_slice %arg3[%dma_start3A_326, %dma_start3A_327] : memref<10000x128xf32, #tpu.memory_space<hbm>> -> memref<10000x128xf32, #tpu.memory_space<hbm>>
        tpu.enqueue_indirect_dma source(%dma_start3A_328 : memref<10000x128xf32, #tpu.memory_space<hbm>>) target(%arg10 : memref<128x128xf32, #tpu.memory_space<vmem>>) offsets(%dma_start3A_325 : memref<128xi32, #tpu.memory_space<vmem>>) semaphore(%arg13 : memref<!tpu.dma_semaphore, #tpu.memory_space<semaphore_mem>>)
      } else {
      }
      %dma_wait3A_207 = arith.constant 0 : i32
      %dma_wait3A_208 = arith.constant 0 : i32
      %dma_wait3A_209 = tpu.memref_slice %arg8[%dma_wait3A_207, %dma_wait3A_208] : memref<16x128xi32, #tpu.memory_space<vmem>> -> memref<1x128xi32, #tpu.memory_space<vmem>>
      %dma_wait3A_210 = tpu.memref_squeeze %dma_wait3A_209 : memref<1x128xi32, #tpu.memory_space<vmem>> -> memref<128xi32, #tpu.memory_space<vmem>>
      %dma_wait3A_211 = arith.constant 0 : i32
      %dma_wait3A_212 = arith.constant 0 : i32
      %dma_wait3A_213 = tpu.memref_slice %arg2[%dma_wait3A_211, %dma_wait3A_212] : memref<10000x128xf32, #tpu.memory_space<hbm>> -> memref<10000x128xf32, #tpu.memory_space<hbm>>
      tpu.wait_indirect_dma semaphore(%arg13 : memref<!tpu.dma_semaphore, #tpu.memory_space<semaphore_mem>>) src(%dma_wait3A_213 : memref<10000x128xf32, #tpu.memory_space<hbm>>) dst(%arg10 : memref<128x128xf32, #tpu.memory_space<vmem>>)
      %run_scoped3A_214 = arith.constant 9 : i32
      "tpu.region"() ({
        %run_scoped3A_323 = tpu.sem_alloc : memref<!tpu.dma_semaphore, #tpu.memory_space<semaphore_mem>>
        %dma_start3A = arith.constant 0 : i32
        %dma_start3A_324 = tpu.memref_slice %arg9[%run_scoped3A_214, %dma_start3A] : memref<16x128xi32, #tpu.memory_space<vmem>> -> memref<1x128xi32, #tpu.memory_space<vmem>>
        %dma_start3A_325 = tpu.memref_squeeze %dma_start3A_324 : memref<1x128xi32, #tpu.memory_space<vmem>> -> memref<128xi32, #tpu.memory_space<vmem>>
        %dma_start3A_326 = arith.constant 0 : i32
        %dma_start3A_327 = arith.constant 0 : i32
        %dma_start3A_328 = tpu.memref_slice %arg12[%dma_start3A_326, %dma_start3A_327] : memref<10240x128xf32, #tpu.memory_space<vmem_shared>> -> memref<10240x128xf32, #tpu.memory_space<vmem_shared>>
        tpu.enqueue_indirect_dma source(%arg10 : memref<128x128xf32, #tpu.memory_space<vmem>>) target(%dma_start3A_328 : memref<10240x128xf32, #tpu.memory_space<vmem_shared>>) offsets(%dma_start3A_325 : memref<128xi32, #tpu.memory_space<vmem>>) semaphore(%run_scoped3A_323 : memref<!tpu.dma_semaphore, #tpu.memory_space<semaphore_mem>>) {add = true}
        %dma_wait3A_329 = arith.constant 0 : i32
        %dma_wait3A_330 = tpu.memref_slice %arg9[%run_scoped3A_214, %dma_wait3A_329] : memref<16x128xi32, #tpu.memory_space<vmem>> -> memref<1x128xi32, #tpu.memory_space<vmem>>
        %dma_wait3A_331 = tpu.memref_squeeze %dma_wait3A_330 : memref<1x128xi32, #tpu.memory_space<vmem>> -> memref<128xi32, #tpu.memory_space<vmem>>
        %dma_wait3A_332 = arith.constant 0 : i32
        %dma_wait3A_333 = arith.constant 0 : i32
        %dma_wait3A_334 = tpu.memref_slice %arg12[%dma_wait3A_332, %dma_wait3A_333] : memref<10240x128xf32, #tpu.memory_space<vmem_shared>> -> memref<10240x128xf32, #tpu.memory_space<vmem_shared>>
        tpu.wait_indirect_dma semaphore(%run_scoped3A_323 : memref<!tpu.dma_semaphore, #tpu.memory_space<semaphore_mem>>) src(%arg10 : memref<128x128xf32, #tpu.memory_space<vmem>>) dst(%dma_wait3A_334 : memref<10240x128xf32, #tpu.memory_space<vmem_shared>>)
        tpu.yield
      }) : () -> ()
      %eq3A_215 = arith.constant 0 : i32
      %eq3A_216 = arith.cmpi eq, %arg0, %eq3A_215 : i32
      %convert_element_type3A_217 = arith.extui %eq3A_216 : i1 to i32
      %cond3A_218 = arith.constant 0 : i32
      %cond3A_219 = arith.cmpi ne, %convert_element_type3A_217, %cond3A_218 : i32
      scf.if %cond3A_219 {
        %dma_start3A = arith.constant 10 : i32
        %dma_start3A_323 = arith.constant 0 : i32
        %dma_start3A_324 = tpu.memref_slice %arg8[%dma_start3A, %dma_start3A_323] : memref<16x128xi32, #tpu.memory_space<vmem>> -> memref<1x128xi32, #tpu.memory_space<vmem>>
        %dma_start3A_325 = tpu.memref_squeeze %dma_start3A_324 : memref<1x128xi32, #tpu.memory_space<vmem>> -> memref<128xi32, #tpu.memory_space<vmem>>
        %dma_start3A_326 = arith.constant 0 : i32
        %dma_start3A_327 = arith.constant 0 : i32
        %dma_start3A_328 = tpu.memref_slice %arg2[%dma_start3A_326, %dma_start3A_327] : memref<10000x128xf32, #tpu.memory_space<hbm>> -> memref<10000x128xf32, #tpu.memory_space<hbm>>
        tpu.enqueue_indirect_dma source(%dma_start3A_328 : memref<10000x128xf32, #tpu.memory_space<hbm>>) target(%arg10 : memref<128x128xf32, #tpu.memory_space<vmem>>) offsets(%dma_start3A_325 : memref<128xi32, #tpu.memory_space<vmem>>) semaphore(%arg13 : memref<!tpu.dma_semaphore, #tpu.memory_space<semaphore_mem>>)
      } else {
      }
      %eq3A_220 = arith.constant 1 : i32
      %eq3A_221 = arith.cmpi eq, %arg0, %eq3A_220 : i32
      %convert_element_type3A_222 = arith.extui %eq3A_221 : i1 to i32
      %cond3A_223 = arith.constant 0 : i32
      %cond3A_224 = arith.cmpi ne, %convert_element_type3A_222, %cond3A_223 : i32
      scf.if %cond3A_224 {
        %dma_start3A = arith.constant 10 : i32
        %dma_start3A_323 = arith.constant 0 : i32
        %dma_start3A_324 = tpu.memref_slice %arg8[%dma_start3A, %dma_start3A_323] : memref<16x128xi32, #tpu.memory_space<vmem>> -> memref<1x128xi32, #tpu.memory_space<vmem>>
        %dma_start3A_325 = tpu.memref_squeeze %dma_start3A_324 : memref<1x128xi32, #tpu.memory_space<vmem>> -> memref<128xi32, #tpu.memory_space<vmem>>
        %dma_start3A_326 = arith.constant 0 : i32
        %dma_start3A_327 = arith.constant 0 : i32
        %dma_start3A_328 = tpu.memref_slice %arg3[%dma_start3A_326, %dma_start3A_327] : memref<10000x128xf32, #tpu.memory_space<hbm>> -> memref<10000x128xf32, #tpu.memory_space<hbm>>
        tpu.enqueue_indirect_dma source(%dma_start3A_328 : memref<10000x128xf32, #tpu.memory_space<hbm>>) target(%arg10 : memref<128x128xf32, #tpu.memory_space<vmem>>) offsets(%dma_start3A_325 : memref<128xi32, #tpu.memory_space<vmem>>) semaphore(%arg13 : memref<!tpu.dma_semaphore, #tpu.memory_space<semaphore_mem>>)
      } else {
      }
      %dma_wait3A_225 = arith.constant 0 : i32
      %dma_wait3A_226 = arith.constant 0 : i32
      %dma_wait3A_227 = tpu.memref_slice %arg8[%dma_wait3A_225, %dma_wait3A_226] : memref<16x128xi32, #tpu.memory_space<vmem>> -> memref<1x128xi32, #tpu.memory_space<vmem>>
      %dma_wait3A_228 = tpu.memref_squeeze %dma_wait3A_227 : memref<1x128xi32, #tpu.memory_space<vmem>> -> memref<128xi32, #tpu.memory_space<vmem>>
      %dma_wait3A_229 = arith.constant 0 : i32
      %dma_wait3A_230 = arith.constant 0 : i32
      %dma_wait3A_231 = tpu.memref_slice %arg2[%dma_wait3A_229, %dma_wait3A_230] : memref<10000x128xf32, #tpu.memory_space<hbm>> -> memref<10000x128xf32, #tpu.memory_space<hbm>>
      tpu.wait_indirect_dma semaphore(%arg13 : memref<!tpu.dma_semaphore, #tpu.memory_space<semaphore_mem>>) src(%dma_wait3A_231 : memref<10000x128xf32, #tpu.memory_space<hbm>>) dst(%arg10 : memref<128x128xf32, #tpu.memory_space<vmem>>)
      %run_scoped3A_232 = arith.constant 10 : i32
      "tpu.region"() ({
        %run_scoped3A_323 = tpu.sem_alloc : memref<!tpu.dma_semaphore, #tpu.memory_space<semaphore_mem>>
        %dma_start3A = arith.constant 0 : i32
        %dma_start3A_324 = tpu.memref_slice %arg9[%run_scoped3A_232, %dma_start3A] : memref<16x128xi32, #tpu.memory_space<vmem>> -> memref<1x128xi32, #tpu.memory_space<vmem>>
        %dma_start3A_325 = tpu.memref_squeeze %dma_start3A_324 : memref<1x128xi32, #tpu.memory_space<vmem>> -> memref<128xi32, #tpu.memory_space<vmem>>
        %dma_start3A_326 = arith.constant 0 : i32
        %dma_start3A_327 = arith.constant 0 : i32
        %dma_start3A_328 = tpu.memref_slice %arg12[%dma_start3A_326, %dma_start3A_327] : memref<10240x128xf32, #tpu.memory_space<vmem_shared>> -> memref<10240x128xf32, #tpu.memory_space<vmem_shared>>
        tpu.enqueue_indirect_dma source(%arg10 : memref<128x128xf32, #tpu.memory_space<vmem>>) target(%dma_start3A_328 : memref<10240x128xf32, #tpu.memory_space<vmem_shared>>) offsets(%dma_start3A_325 : memref<128xi32, #tpu.memory_space<vmem>>) semaphore(%run_scoped3A_323 : memref<!tpu.dma_semaphore, #tpu.memory_space<semaphore_mem>>) {add = true}
        %dma_wait3A_329 = arith.constant 0 : i32
        %dma_wait3A_330 = tpu.memref_slice %arg9[%run_scoped3A_232, %dma_wait3A_329] : memref<16x128xi32, #tpu.memory_space<vmem>> -> memref<1x128xi32, #tpu.memory_space<vmem>>
        %dma_wait3A_331 = tpu.memref_squeeze %dma_wait3A_330 : memref<1x128xi32, #tpu.memory_space<vmem>> -> memref<128xi32, #tpu.memory_space<vmem>>
        %dma_wait3A_332 = arith.constant 0 : i32
        %dma_wait3A_333 = arith.constant 0 : i32
        %dma_wait3A_334 = tpu.memref_slice %arg12[%dma_wait3A_332, %dma_wait3A_333] : memref<10240x128xf32, #tpu.memory_space<vmem_shared>> -> memref<10240x128xf32, #tpu.memory_space<vmem_shared>>
        tpu.wait_indirect_dma semaphore(%run_scoped3A_323 : memref<!tpu.dma_semaphore, #tpu.memory_space<semaphore_mem>>) src(%arg10 : memref<128x128xf32, #tpu.memory_space<vmem>>) dst(%dma_wait3A_334 : memref<10240x128xf32, #tpu.memory_space<vmem_shared>>)
        tpu.yield
      }) : () -> ()
      %eq3A_233 = arith.constant 0 : i32
      %eq3A_234 = arith.cmpi eq, %arg0, %eq3A_233 : i32
      %convert_element_type3A_235 = arith.extui %eq3A_234 : i1 to i32
      %cond3A_236 = arith.constant 0 : i32
      %cond3A_237 = arith.cmpi ne, %convert_element_type3A_235, %cond3A_236 : i32
      scf.if %cond3A_237 {
        %dma_start3A = arith.constant 11 : i32
        %dma_start3A_323 = arith.constant 0 : i32
        %dma_start3A_324 = tpu.memref_slice %arg8[%dma_start3A, %dma_start3A_323] : memref<16x128xi32, #tpu.memory_space<vmem>> -> memref<1x128xi32, #tpu.memory_space<vmem>>
        %dma_start3A_325 = tpu.memref_squeeze %dma_start3A_324 : memref<1x128xi32, #tpu.memory_space<vmem>> -> memref<128xi32, #tpu.memory_space<vmem>>
        %dma_start3A_326 = arith.constant 0 : i32
        %dma_start3A_327 = arith.constant 0 : i32
        %dma_start3A_328 = tpu.memref_slice %arg2[%dma_start3A_326, %dma_start3A_327] : memref<10000x128xf32, #tpu.memory_space<hbm>> -> memref<10000x128xf32, #tpu.memory_space<hbm>>
        tpu.enqueue_indirect_dma source(%dma_start3A_328 : memref<10000x128xf32, #tpu.memory_space<hbm>>) target(%arg10 : memref<128x128xf32, #tpu.memory_space<vmem>>) offsets(%dma_start3A_325 : memref<128xi32, #tpu.memory_space<vmem>>) semaphore(%arg13 : memref<!tpu.dma_semaphore, #tpu.memory_space<semaphore_mem>>)
      } else {
      }
      %eq3A_238 = arith.constant 1 : i32
      %eq3A_239 = arith.cmpi eq, %arg0, %eq3A_238 : i32
      %convert_element_type3A_240 = arith.extui %eq3A_239 : i1 to i32
      %cond3A_241 = arith.constant 0 : i32
      %cond3A_242 = arith.cmpi ne, %convert_element_type3A_240, %cond3A_241 : i32
      scf.if %cond3A_242 {
        %dma_start3A = arith.constant 11 : i32
        %dma_start3A_323 = arith.constant 0 : i32
        %dma_start3A_324 = tpu.memref_slice %arg8[%dma_start3A, %dma_start3A_323] : memref<16x128xi32, #tpu.memory_space<vmem>> -> memref<1x128xi32, #tpu.memory_space<vmem>>
        %dma_start3A_325 = tpu.memref_squeeze %dma_start3A_324 : memref<1x128xi32, #tpu.memory_space<vmem>> -> memref<128xi32, #tpu.memory_space<vmem>>
        %dma_start3A_326 = arith.constant 0 : i32
        %dma_start3A_327 = arith.constant 0 : i32
        %dma_start3A_328 = tpu.memref_slice %arg3[%dma_start3A_326, %dma_start3A_327] : memref<10000x128xf32, #tpu.memory_space<hbm>> -> memref<10000x128xf32, #tpu.memory_space<hbm>>
        tpu.enqueue_indirect_dma source(%dma_start3A_328 : memref<10000x128xf32, #tpu.memory_space<hbm>>) target(%arg10 : memref<128x128xf32, #tpu.memory_space<vmem>>) offsets(%dma_start3A_325 : memref<128xi32, #tpu.memory_space<vmem>>) semaphore(%arg13 : memref<!tpu.dma_semaphore, #tpu.memory_space<semaphore_mem>>)
      } else {
      }
      %dma_wait3A_243 = arith.constant 0 : i32
      %dma_wait3A_244 = arith.constant 0 : i32
      %dma_wait3A_245 = tpu.memref_slice %arg8[%dma_wait3A_243, %dma_wait3A_244] : memref<16x128xi32, #tpu.memory_space<vmem>> -> memref<1x128xi32, #tpu.memory_space<vmem>>
      %dma_wait3A_246 = tpu.memref_squeeze %dma_wait3A_245 : memref<1x128xi32, #tpu.memory_space<vmem>> -> memref<128xi32, #tpu.memory_space<vmem>>
      %dma_wait3A_247 = arith.constant 0 : i32
      %dma_wait3A_248 = arith.constant 0 : i32
      %dma_wait3A_249 = tpu.memref_slice %arg2[%dma_wait3A_247, %dma_wait3A_248] : memref<10000x128xf32, #tpu.memory_space<hbm>> -> memref<10000x128xf32, #tpu.memory_space<hbm>>
      tpu.wait_indirect_dma semaphore(%arg13 : memref<!tpu.dma_semaphore, #tpu.memory_space<semaphore_mem>>) src(%dma_wait3A_249 : memref<10000x128xf32, #tpu.memory_space<hbm>>) dst(%arg10 : memref<128x128xf32, #tpu.memory_space<vmem>>)
      %run_scoped3A_250 = arith.constant 11 : i32
      "tpu.region"() ({
        %run_scoped3A_323 = tpu.sem_alloc : memref<!tpu.dma_semaphore, #tpu.memory_space<semaphore_mem>>
        %dma_start3A = arith.constant 0 : i32
        %dma_start3A_324 = tpu.memref_slice %arg9[%run_scoped3A_250, %dma_start3A] : memref<16x128xi32, #tpu.memory_space<vmem>> -> memref<1x128xi32, #tpu.memory_space<vmem>>
        %dma_start3A_325 = tpu.memref_squeeze %dma_start3A_324 : memref<1x128xi32, #tpu.memory_space<vmem>> -> memref<128xi32, #tpu.memory_space<vmem>>
        %dma_start3A_326 = arith.constant 0 : i32
        %dma_start3A_327 = arith.constant 0 : i32
        %dma_start3A_328 = tpu.memref_slice %arg12[%dma_start3A_326, %dma_start3A_327] : memref<10240x128xf32, #tpu.memory_space<vmem_shared>> -> memref<10240x128xf32, #tpu.memory_space<vmem_shared>>
        tpu.enqueue_indirect_dma source(%arg10 : memref<128x128xf32, #tpu.memory_space<vmem>>) target(%dma_start3A_328 : memref<10240x128xf32, #tpu.memory_space<vmem_shared>>) offsets(%dma_start3A_325 : memref<128xi32, #tpu.memory_space<vmem>>) semaphore(%run_scoped3A_323 : memref<!tpu.dma_semaphore, #tpu.memory_space<semaphore_mem>>) {add = true}
        %dma_wait3A_329 = arith.constant 0 : i32
        %dma_wait3A_330 = tpu.memref_slice %arg9[%run_scoped3A_250, %dma_wait3A_329] : memref<16x128xi32, #tpu.memory_space<vmem>> -> memref<1x128xi32, #tpu.memory_space<vmem>>
        %dma_wait3A_331 = tpu.memref_squeeze %dma_wait3A_330 : memref<1x128xi32, #tpu.memory_space<vmem>> -> memref<128xi32, #tpu.memory_space<vmem>>
        %dma_wait3A_332 = arith.constant 0 : i32
        %dma_wait3A_333 = arith.constant 0 : i32
        %dma_wait3A_334 = tpu.memref_slice %arg12[%dma_wait3A_332, %dma_wait3A_333] : memref<10240x128xf32, #tpu.memory_space<vmem_shared>> -> memref<10240x128xf32, #tpu.memory_space<vmem_shared>>
        tpu.wait_indirect_dma semaphore(%run_scoped3A_323 : memref<!tpu.dma_semaphore, #tpu.memory_space<semaphore_mem>>) src(%arg10 : memref<128x128xf32, #tpu.memory_space<vmem>>) dst(%dma_wait3A_334 : memref<10240x128xf32, #tpu.memory_space<vmem_shared>>)
        tpu.yield
      }) : () -> ()
      %eq3A_251 = arith.constant 0 : i32
      %eq3A_252 = arith.cmpi eq, %arg0, %eq3A_251 : i32
      %convert_element_type3A_253 = arith.extui %eq3A_252 : i1 to i32
      %cond3A_254 = arith.constant 0 : i32
      %cond3A_255 = arith.cmpi ne, %convert_element_type3A_253, %cond3A_254 : i32
      scf.if %cond3A_255 {
        %dma_start3A = arith.constant 12 : i32
        %dma_start3A_323 = arith.constant 0 : i32
        %dma_start3A_324 = tpu.memref_slice %arg8[%dma_start3A, %dma_start3A_323] : memref<16x128xi32, #tpu.memory_space<vmem>> -> memref<1x128xi32, #tpu.memory_space<vmem>>
        %dma_start3A_325 = tpu.memref_squeeze %dma_start3A_324 : memref<1x128xi32, #tpu.memory_space<vmem>> -> memref<128xi32, #tpu.memory_space<vmem>>
        %dma_start3A_326 = arith.constant 0 : i32
        %dma_start3A_327 = arith.constant 0 : i32
        %dma_start3A_328 = tpu.memref_slice %arg2[%dma_start3A_326, %dma_start3A_327] : memref<10000x128xf32, #tpu.memory_space<hbm>> -> memref<10000x128xf32, #tpu.memory_space<hbm>>
        tpu.enqueue_indirect_dma source(%dma_start3A_328 : memref<10000x128xf32, #tpu.memory_space<hbm>>) target(%arg10 : memref<128x128xf32, #tpu.memory_space<vmem>>) offsets(%dma_start3A_325 : memref<128xi32, #tpu.memory_space<vmem>>) semaphore(%arg13 : memref<!tpu.dma_semaphore, #tpu.memory_space<semaphore_mem>>)
      } else {
      }
      %eq3A_256 = arith.constant 1 : i32
      %eq3A_257 = arith.cmpi eq, %arg0, %eq3A_256 : i32
      %convert_element_type3A_258 = arith.extui %eq3A_257 : i1 to i32
      %cond3A_259 = arith.constant 0 : i32
      %cond3A_260 = arith.cmpi ne, %convert_element_type3A_258, %cond3A_259 : i32
      scf.if %cond3A_260 {
        %dma_start3A = arith.constant 12 : i32
        %dma_start3A_323 = arith.constant 0 : i32
        %dma_start3A_324 = tpu.memref_slice %arg8[%dma_start3A, %dma_start3A_323] : memref<16x128xi32, #tpu.memory_space<vmem>> -> memref<1x128xi32, #tpu.memory_space<vmem>>
        %dma_start3A_325 = tpu.memref_squeeze %dma_start3A_324 : memref<1x128xi32, #tpu.memory_space<vmem>> -> memref<128xi32, #tpu.memory_space<vmem>>
        %dma_start3A_326 = arith.constant 0 : i32
        %dma_start3A_327 = arith.constant 0 : i32
        %dma_start3A_328 = tpu.memref_slice %arg3[%dma_start3A_326, %dma_start3A_327] : memref<10000x128xf32, #tpu.memory_space<hbm>> -> memref<10000x128xf32, #tpu.memory_space<hbm>>
        tpu.enqueue_indirect_dma source(%dma_start3A_328 : memref<10000x128xf32, #tpu.memory_space<hbm>>) target(%arg10 : memref<128x128xf32, #tpu.memory_space<vmem>>) offsets(%dma_start3A_325 : memref<128xi32, #tpu.memory_space<vmem>>) semaphore(%arg13 : memref<!tpu.dma_semaphore, #tpu.memory_space<semaphore_mem>>)
      } else {
      }
      %dma_wait3A_261 = arith.constant 0 : i32
      %dma_wait3A_262 = arith.constant 0 : i32
      %dma_wait3A_263 = tpu.memref_slice %arg8[%dma_wait3A_261, %dma_wait3A_262] : memref<16x128xi32, #tpu.memory_space<vmem>> -> memref<1x128xi32, #tpu.memory_space<vmem>>
      %dma_wait3A_264 = tpu.memref_squeeze %dma_wait3A_263 : memref<1x128xi32, #tpu.memory_space<vmem>> -> memref<128xi32, #tpu.memory_space<vmem>>
      %dma_wait3A_265 = arith.constant 0 : i32
      %dma_wait3A_266 = arith.constant 0 : i32
      %dma_wait3A_267 = tpu.memref_slice %arg2[%dma_wait3A_265, %dma_wait3A_266] : memref<10000x128xf32, #tpu.memory_space<hbm>> -> memref<10000x128xf32, #tpu.memory_space<hbm>>
      tpu.wait_indirect_dma semaphore(%arg13 : memref<!tpu.dma_semaphore, #tpu.memory_space<semaphore_mem>>) src(%dma_wait3A_267 : memref<10000x128xf32, #tpu.memory_space<hbm>>) dst(%arg10 : memref<128x128xf32, #tpu.memory_space<vmem>>)
      %run_scoped3A_268 = arith.constant 12 : i32
      "tpu.region"() ({
        %run_scoped3A_323 = tpu.sem_alloc : memref<!tpu.dma_semaphore, #tpu.memory_space<semaphore_mem>>
        %dma_start3A = arith.constant 0 : i32
        %dma_start3A_324 = tpu.memref_slice %arg9[%run_scoped3A_268, %dma_start3A] : memref<16x128xi32, #tpu.memory_space<vmem>> -> memref<1x128xi32, #tpu.memory_space<vmem>>
        %dma_start3A_325 = tpu.memref_squeeze %dma_start3A_324 : memref<1x128xi32, #tpu.memory_space<vmem>> -> memref<128xi32, #tpu.memory_space<vmem>>
        %dma_start3A_326 = arith.constant 0 : i32
        %dma_start3A_327 = arith.constant 0 : i32
        %dma_start3A_328 = tpu.memref_slice %arg12[%dma_start3A_326, %dma_start3A_327] : memref<10240x128xf32, #tpu.memory_space<vmem_shared>> -> memref<10240x128xf32, #tpu.memory_space<vmem_shared>>
        tpu.enqueue_indirect_dma source(%arg10 : memref<128x128xf32, #tpu.memory_space<vmem>>) target(%dma_start3A_328 : memref<10240x128xf32, #tpu.memory_space<vmem_shared>>) offsets(%dma_start3A_325 : memref<128xi32, #tpu.memory_space<vmem>>) semaphore(%run_scoped3A_323 : memref<!tpu.dma_semaphore, #tpu.memory_space<semaphore_mem>>) {add = true}
        %dma_wait3A_329 = arith.constant 0 : i32
        %dma_wait3A_330 = tpu.memref_slice %arg9[%run_scoped3A_268, %dma_wait3A_329] : memref<16x128xi32, #tpu.memory_space<vmem>> -> memref<1x128xi32, #tpu.memory_space<vmem>>
        %dma_wait3A_331 = tpu.memref_squeeze %dma_wait3A_330 : memref<1x128xi32, #tpu.memory_space<vmem>> -> memref<128xi32, #tpu.memory_space<vmem>>
        %dma_wait3A_332 = arith.constant 0 : i32
        %dma_wait3A_333 = arith.constant 0 : i32
        %dma_wait3A_334 = tpu.memref_slice %arg12[%dma_wait3A_332, %dma_wait3A_333] : memref<10240x128xf32, #tpu.memory_space<vmem_shared>> -> memref<10240x128xf32, #tpu.memory_space<vmem_shared>>
        tpu.wait_indirect_dma semaphore(%run_scoped3A_323 : memref<!tpu.dma_semaphore, #tpu.memory_space<semaphore_mem>>) src(%arg10 : memref<128x128xf32, #tpu.memory_space<vmem>>) dst(%dma_wait3A_334 : memref<10240x128xf32, #tpu.memory_space<vmem_shared>>)
        tpu.yield
      }) : () -> ()
      %eq3A_269 = arith.constant 0 : i32
      %eq3A_270 = arith.cmpi eq, %arg0, %eq3A_269 : i32
      %convert_element_type3A_271 = arith.extui %eq3A_270 : i1 to i32
      %cond3A_272 = arith.constant 0 : i32
      %cond3A_273 = arith.cmpi ne, %convert_element_type3A_271, %cond3A_272 : i32
      scf.if %cond3A_273 {
        %dma_start3A = arith.constant 13 : i32
        %dma_start3A_323 = arith.constant 0 : i32
        %dma_start3A_324 = tpu.memref_slice %arg8[%dma_start3A, %dma_start3A_323] : memref<16x128xi32, #tpu.memory_space<vmem>> -> memref<1x128xi32, #tpu.memory_space<vmem>>
        %dma_start3A_325 = tpu.memref_squeeze %dma_start3A_324 : memref<1x128xi32, #tpu.memory_space<vmem>> -> memref<128xi32, #tpu.memory_space<vmem>>
        %dma_start3A_326 = arith.constant 0 : i32
        %dma_start3A_327 = arith.constant 0 : i32
        %dma_start3A_328 = tpu.memref_slice %arg2[%dma_start3A_326, %dma_start3A_327] : memref<10000x128xf32, #tpu.memory_space<hbm>> -> memref<10000x128xf32, #tpu.memory_space<hbm>>
        tpu.enqueue_indirect_dma source(%dma_start3A_328 : memref<10000x128xf32, #tpu.memory_space<hbm>>) target(%arg10 : memref<128x128xf32, #tpu.memory_space<vmem>>) offsets(%dma_start3A_325 : memref<128xi32, #tpu.memory_space<vmem>>) semaphore(%arg13 : memref<!tpu.dma_semaphore, #tpu.memory_space<semaphore_mem>>)
      } else {
      }
      %eq3A_274 = arith.constant 1 : i32
      %eq3A_275 = arith.cmpi eq, %arg0, %eq3A_274 : i32
      %convert_element_type3A_276 = arith.extui %eq3A_275 : i1 to i32
      %cond3A_277 = arith.constant 0 : i32
      %cond3A_278 = arith.cmpi ne, %convert_element_type3A_276, %cond3A_277 : i32
      scf.if %cond3A_278 {
        %dma_start3A = arith.constant 13 : i32
        %dma_start3A_323 = arith.constant 0 : i32
        %dma_start3A_324 = tpu.memref_slice %arg8[%dma_start3A, %dma_start3A_323] : memref<16x128xi32, #tpu.memory_space<vmem>> -> memref<1x128xi32, #tpu.memory_space<vmem>>
        %dma_start3A_325 = tpu.memref_squeeze %dma_start3A_324 : memref<1x128xi32, #tpu.memory_space<vmem>> -> memref<128xi32, #tpu.memory_space<vmem>>
        %dma_start3A_326 = arith.constant 0 : i32
        %dma_start3A_327 = arith.constant 0 : i32
        %dma_start3A_328 = tpu.memref_slice %arg3[%dma_start3A_326, %dma_start3A_327] : memref<10000x128xf32, #tpu.memory_space<hbm>> -> memref<10000x128xf32, #tpu.memory_space<hbm>>
        tpu.enqueue_indirect_dma source(%dma_start3A_328 : memref<10000x128xf32, #tpu.memory_space<hbm>>) target(%arg10 : memref<128x128xf32, #tpu.memory_space<vmem>>) offsets(%dma_start3A_325 : memref<128xi32, #tpu.memory_space<vmem>>) semaphore(%arg13 : memref<!tpu.dma_semaphore, #tpu.memory_space<semaphore_mem>>)
      } else {
      }
      %dma_wait3A_279 = arith.constant 0 : i32
      %dma_wait3A_280 = arith.constant 0 : i32
      %dma_wait3A_281 = tpu.memref_slice %arg8[%dma_wait3A_279, %dma_wait3A_280] : memref<16x128xi32, #tpu.memory_space<vmem>> -> memref<1x128xi32, #tpu.memory_space<vmem>>
      %dma_wait3A_282 = tpu.memref_squeeze %dma_wait3A_281 : memref<1x128xi32, #tpu.memory_space<vmem>> -> memref<128xi32, #tpu.memory_space<vmem>>
      %dma_wait3A_283 = arith.constant 0 : i32
      %dma_wait3A_284 = arith.constant 0 : i32
      %dma_wait3A_285 = tpu.memref_slice %arg2[%dma_wait3A_283, %dma_wait3A_284] : memref<10000x128xf32, #tpu.memory_space<hbm>> -> memref<10000x128xf32, #tpu.memory_space<hbm>>
      tpu.wait_indirect_dma semaphore(%arg13 : memref<!tpu.dma_semaphore, #tpu.memory_space<semaphore_mem>>) src(%dma_wait3A_285 : memref<10000x128xf32, #tpu.memory_space<hbm>>) dst(%arg10 : memref<128x128xf32, #tpu.memory_space<vmem>>)
      %run_scoped3A_286 = arith.constant 13 : i32
      "tpu.region"() ({
        %run_scoped3A_323 = tpu.sem_alloc : memref<!tpu.dma_semaphore, #tpu.memory_space<semaphore_mem>>
        %dma_start3A = arith.constant 0 : i32
        %dma_start3A_324 = tpu.memref_slice %arg9[%run_scoped3A_286, %dma_start3A] : memref<16x128xi32, #tpu.memory_space<vmem>> -> memref<1x128xi32, #tpu.memory_space<vmem>>
        %dma_start3A_325 = tpu.memref_squeeze %dma_start3A_324 : memref<1x128xi32, #tpu.memory_space<vmem>> -> memref<128xi32, #tpu.memory_space<vmem>>
        %dma_start3A_326 = arith.constant 0 : i32
        %dma_start3A_327 = arith.constant 0 : i32
        %dma_start3A_328 = tpu.memref_slice %arg12[%dma_start3A_326, %dma_start3A_327] : memref<10240x128xf32, #tpu.memory_space<vmem_shared>> -> memref<10240x128xf32, #tpu.memory_space<vmem_shared>>
        tpu.enqueue_indirect_dma source(%arg10 : memref<128x128xf32, #tpu.memory_space<vmem>>) target(%dma_start3A_328 : memref<10240x128xf32, #tpu.memory_space<vmem_shared>>) offsets(%dma_start3A_325 : memref<128xi32, #tpu.memory_space<vmem>>) semaphore(%run_scoped3A_323 : memref<!tpu.dma_semaphore, #tpu.memory_space<semaphore_mem>>) {add = true}
        %dma_wait3A_329 = arith.constant 0 : i32
        %dma_wait3A_330 = tpu.memref_slice %arg9[%run_scoped3A_286, %dma_wait3A_329] : memref<16x128xi32, #tpu.memory_space<vmem>> -> memref<1x128xi32, #tpu.memory_space<vmem>>
        %dma_wait3A_331 = tpu.memref_squeeze %dma_wait3A_330 : memref<1x128xi32, #tpu.memory_space<vmem>> -> memref<128xi32, #tpu.memory_space<vmem>>
        %dma_wait3A_332 = arith.constant 0 : i32
        %dma_wait3A_333 = arith.constant 0 : i32
        %dma_wait3A_334 = tpu.memref_slice %arg12[%dma_wait3A_332, %dma_wait3A_333] : memref<10240x128xf32, #tpu.memory_space<vmem_shared>> -> memref<10240x128xf32, #tpu.memory_space<vmem_shared>>
        tpu.wait_indirect_dma semaphore(%run_scoped3A_323 : memref<!tpu.dma_semaphore, #tpu.memory_space<semaphore_mem>>) src(%arg10 : memref<128x128xf32, #tpu.memory_space<vmem>>) dst(%dma_wait3A_334 : memref<10240x128xf32, #tpu.memory_space<vmem_shared>>)
        tpu.yield
      }) : () -> ()
      %eq3A_287 = arith.constant 0 : i32
      %eq3A_288 = arith.cmpi eq, %arg0, %eq3A_287 : i32
      %convert_element_type3A_289 = arith.extui %eq3A_288 : i1 to i32
      %cond3A_290 = arith.constant 0 : i32
      %cond3A_291 = arith.cmpi ne, %convert_element_type3A_289, %cond3A_290 : i32
      scf.if %cond3A_291 {
        %dma_start3A = arith.constant 14 : i32
        %dma_start3A_323 = arith.constant 0 : i32
        %dma_start3A_324 = tpu.memref_slice %arg8[%dma_start3A, %dma_start3A_323] : memref<16x128xi32, #tpu.memory_space<vmem>> -> memref<1x128xi32, #tpu.memory_space<vmem>>
        %dma_start3A_325 = tpu.memref_squeeze %dma_start3A_324 : memref<1x128xi32, #tpu.memory_space<vmem>> -> memref<128xi32, #tpu.memory_space<vmem>>
        %dma_start3A_326 = arith.constant 0 : i32
        %dma_start3A_327 = arith.constant 0 : i32
        %dma_start3A_328 = tpu.memref_slice %arg2[%dma_start3A_326, %dma_start3A_327] : memref<10000x128xf32, #tpu.memory_space<hbm>> -> memref<10000x128xf32, #tpu.memory_space<hbm>>
        tpu.enqueue_indirect_dma source(%dma_start3A_328 : memref<10000x128xf32, #tpu.memory_space<hbm>>) target(%arg10 : memref<128x128xf32, #tpu.memory_space<vmem>>) offsets(%dma_start3A_325 : memref<128xi32, #tpu.memory_space<vmem>>) semaphore(%arg13 : memref<!tpu.dma_semaphore, #tpu.memory_space<semaphore_mem>>)
      } else {
      }
      %eq3A_292 = arith.constant 1 : i32
      %eq3A_293 = arith.cmpi eq, %arg0, %eq3A_292 : i32
      %convert_element_type3A_294 = arith.extui %eq3A_293 : i1 to i32
      %cond3A_295 = arith.constant 0 : i32
      %cond3A_296 = arith.cmpi ne, %convert_element_type3A_294, %cond3A_295 : i32
      scf.if %cond3A_296 {
        %dma_start3A = arith.constant 14 : i32
        %dma_start3A_323 = arith.constant 0 : i32
        %dma_start3A_324 = tpu.memref_slice %arg8[%dma_start3A, %dma_start3A_323] : memref<16x128xi32, #tpu.memory_space<vmem>> -> memref<1x128xi32, #tpu.memory_space<vmem>>
        %dma_start3A_325 = tpu.memref_squeeze %dma_start3A_324 : memref<1x128xi32, #tpu.memory_space<vmem>> -> memref<128xi32, #tpu.memory_space<vmem>>
        %dma_start3A_326 = arith.constant 0 : i32
        %dma_start3A_327 = arith.constant 0 : i32
        %dma_start3A_328 = tpu.memref_slice %arg3[%dma_start3A_326, %dma_start3A_327] : memref<10000x128xf32, #tpu.memory_space<hbm>> -> memref<10000x128xf32, #tpu.memory_space<hbm>>
        tpu.enqueue_indirect_dma source(%dma_start3A_328 : memref<10000x128xf32, #tpu.memory_space<hbm>>) target(%arg10 : memref<128x128xf32, #tpu.memory_space<vmem>>) offsets(%dma_start3A_325 : memref<128xi32, #tpu.memory_space<vmem>>) semaphore(%arg13 : memref<!tpu.dma_semaphore, #tpu.memory_space<semaphore_mem>>)
      } else {
      }
      %dma_wait3A_297 = arith.constant 0 : i32
      %dma_wait3A_298 = arith.constant 0 : i32
      %dma_wait3A_299 = tpu.memref_slice %arg8[%dma_wait3A_297, %dma_wait3A_298] : memref<16x128xi32, #tpu.memory_space<vmem>> -> memref<1x128xi32, #tpu.memory_space<vmem>>
      %dma_wait3A_300 = tpu.memref_squeeze %dma_wait3A_299 : memref<1x128xi32, #tpu.memory_space<vmem>> -> memref<128xi32, #tpu.memory_space<vmem>>
      %dma_wait3A_301 = arith.constant 0 : i32
      %dma_wait3A_302 = arith.constant 0 : i32
      %dma_wait3A_303 = tpu.memref_slice %arg2[%dma_wait3A_301, %dma_wait3A_302] : memref<10000x128xf32, #tpu.memory_space<hbm>> -> memref<10000x128xf32, #tpu.memory_space<hbm>>
      tpu.wait_indirect_dma semaphore(%arg13 : memref<!tpu.dma_semaphore, #tpu.memory_space<semaphore_mem>>) src(%dma_wait3A_303 : memref<10000x128xf32, #tpu.memory_space<hbm>>) dst(%arg10 : memref<128x128xf32, #tpu.memory_space<vmem>>)
      %run_scoped3A_304 = arith.constant 14 : i32
      "tpu.region"() ({
        %run_scoped3A_323 = tpu.sem_alloc : memref<!tpu.dma_semaphore, #tpu.memory_space<semaphore_mem>>
        %dma_start3A = arith.constant 0 : i32
        %dma_start3A_324 = tpu.memref_slice %arg9[%run_scoped3A_304, %dma_start3A] : memref<16x128xi32, #tpu.memory_space<vmem>> -> memref<1x128xi32, #tpu.memory_space<vmem>>
        %dma_start3A_325 = tpu.memref_squeeze %dma_start3A_324 : memref<1x128xi32, #tpu.memory_space<vmem>> -> memref<128xi32, #tpu.memory_space<vmem>>
        %dma_start3A_326 = arith.constant 0 : i32
        %dma_start3A_327 = arith.constant 0 : i32
        %dma_start3A_328 = tpu.memref_slice %arg12[%dma_start3A_326, %dma_start3A_327] : memref<10240x128xf32, #tpu.memory_space<vmem_shared>> -> memref<10240x128xf32, #tpu.memory_space<vmem_shared>>
        tpu.enqueue_indirect_dma source(%arg10 : memref<128x128xf32, #tpu.memory_space<vmem>>) target(%dma_start3A_328 : memref<10240x128xf32, #tpu.memory_space<vmem_shared>>) offsets(%dma_start3A_325 : memref<128xi32, #tpu.memory_space<vmem>>) semaphore(%run_scoped3A_323 : memref<!tpu.dma_semaphore, #tpu.memory_space<semaphore_mem>>) {add = true}
        %dma_wait3A_329 = arith.constant 0 : i32
        %dma_wait3A_330 = tpu.memref_slice %arg9[%run_scoped3A_304, %dma_wait3A_329] : memref<16x128xi32, #tpu.memory_space<vmem>> -> memref<1x128xi32, #tpu.memory_space<vmem>>
        %dma_wait3A_331 = tpu.memref_squeeze %dma_wait3A_330 : memref<1x128xi32, #tpu.memory_space<vmem>> -> memref<128xi32, #tpu.memory_space<vmem>>
        %dma_wait3A_332 = arith.constant 0 : i32
        %dma_wait3A_333 = arith.constant 0 : i32
        %dma_wait3A_334 = tpu.memref_slice %arg12[%dma_wait3A_332, %dma_wait3A_333] : memref<10240x128xf32, #tpu.memory_space<vmem_shared>> -> memref<10240x128xf32, #tpu.memory_space<vmem_shared>>
        tpu.wait_indirect_dma semaphore(%run_scoped3A_323 : memref<!tpu.dma_semaphore, #tpu.memory_space<semaphore_mem>>) src(%arg10 : memref<128x128xf32, #tpu.memory_space<vmem>>) dst(%dma_wait3A_334 : memref<10240x128xf32, #tpu.memory_space<vmem_shared>>)
        tpu.yield
      }) : () -> ()
      %eq3A_305 = arith.constant 0 : i32
      %eq3A_306 = arith.cmpi eq, %arg0, %eq3A_305 : i32
      %convert_element_type3A_307 = arith.extui %eq3A_306 : i1 to i32
      %cond3A_308 = arith.constant 0 : i32
      %cond3A_309 = arith.cmpi ne, %convert_element_type3A_307, %cond3A_308 : i32
      scf.if %cond3A_309 {
        %dma_start3A = arith.constant 15 : i32
        %dma_start3A_323 = arith.constant 0 : i32
        %dma_start3A_324 = tpu.memref_slice %arg8[%dma_start3A, %dma_start3A_323] : memref<16x128xi32, #tpu.memory_space<vmem>> -> memref<1x128xi32, #tpu.memory_space<vmem>>
        %dma_start3A_325 = tpu.memref_squeeze %dma_start3A_324 : memref<1x128xi32, #tpu.memory_space<vmem>> -> memref<128xi32, #tpu.memory_space<vmem>>
        %dma_start3A_326 = arith.constant 0 : i32
        %dma_start3A_327 = arith.constant 0 : i32
        %dma_start3A_328 = tpu.memref_slice %arg2[%dma_start3A_326, %dma_start3A_327] : memref<10000x128xf32, #tpu.memory_space<hbm>> -> memref<10000x128xf32, #tpu.memory_space<hbm>>
        tpu.enqueue_indirect_dma source(%dma_start3A_328 : memref<10000x128xf32, #tpu.memory_space<hbm>>) target(%arg10 : memref<128x128xf32, #tpu.memory_space<vmem>>) offsets(%dma_start3A_325 : memref<128xi32, #tpu.memory_space<vmem>>) semaphore(%arg13 : memref<!tpu.dma_semaphore, #tpu.memory_space<semaphore_mem>>)
      } else {
      }
      %eq3A_310 = arith.constant 1 : i32
      %eq3A_311 = arith.cmpi eq, %arg0, %eq3A_310 : i32
      %convert_element_type3A_312 = arith.extui %eq3A_311 : i1 to i32
      %cond3A_313 = arith.constant 0 : i32
      %cond3A_314 = arith.cmpi ne, %convert_element_type3A_312, %cond3A_313 : i32
      scf.if %cond3A_314 {
        %dma_start3A = arith.constant 15 : i32
        %dma_start3A_323 = arith.constant 0 : i32
        %dma_start3A_324 = tpu.memref_slice %arg8[%dma_start3A, %dma_start3A_323] : memref<16x128xi32, #tpu.memory_space<vmem>> -> memref<1x128xi32, #tpu.memory_space<vmem>>
        %dma_start3A_325 = tpu.memref_squeeze %dma_start3A_324 : memref<1x128xi32, #tpu.memory_space<vmem>> -> memref<128xi32, #tpu.memory_space<vmem>>
        %dma_start3A_326 = arith.constant 0 : i32
        %dma_start3A_327 = arith.constant 0 : i32
        %dma_start3A_328 = tpu.memref_slice %arg3[%dma_start3A_326, %dma_start3A_327] : memref<10000x128xf32, #tpu.memory_space<hbm>> -> memref<10000x128xf32, #tpu.memory_space<hbm>>
        tpu.enqueue_indirect_dma source(%dma_start3A_328 : memref<10000x128xf32, #tpu.memory_space<hbm>>) target(%arg10 : memref<128x128xf32, #tpu.memory_space<vmem>>) offsets(%dma_start3A_325 : memref<128xi32, #tpu.memory_space<vmem>>) semaphore(%arg13 : memref<!tpu.dma_semaphore, #tpu.memory_space<semaphore_mem>>)
      } else {
      }
      %dma_wait3A_315 = arith.constant 0 : i32
      %dma_wait3A_316 = arith.constant 0 : i32
      %dma_wait3A_317 = tpu.memref_slice %arg8[%dma_wait3A_315, %dma_wait3A_316] : memref<16x128xi32, #tpu.memory_space<vmem>> -> memref<1x128xi32, #tpu.memory_space<vmem>>
      %dma_wait3A_318 = tpu.memref_squeeze %dma_wait3A_317 : memref<1x128xi32, #tpu.memory_space<vmem>> -> memref<128xi32, #tpu.memory_space<vmem>>
      %dma_wait3A_319 = arith.constant 0 : i32
      %dma_wait3A_320 = arith.constant 0 : i32
      %dma_wait3A_321 = tpu.memref_slice %arg2[%dma_wait3A_319, %dma_wait3A_320] : memref<10000x128xf32, #tpu.memory_space<hbm>> -> memref<10000x128xf32, #tpu.memory_space<hbm>>
      tpu.wait_indirect_dma semaphore(%arg13 : memref<!tpu.dma_semaphore, #tpu.memory_space<semaphore_mem>>) src(%dma_wait3A_321 : memref<10000x128xf32, #tpu.memory_space<hbm>>) dst(%arg10 : memref<128x128xf32, #tpu.memory_space<vmem>>)
      %run_scoped3A_322 = arith.constant 15 : i32
      "tpu.region"() ({
        %run_scoped3A_323 = tpu.sem_alloc : memref<!tpu.dma_semaphore, #tpu.memory_space<semaphore_mem>>
        %dma_start3A = arith.constant 0 : i32
        %dma_start3A_324 = tpu.memref_slice %arg9[%run_scoped3A_322, %dma_start3A] : memref<16x128xi32, #tpu.memory_space<vmem>> -> memref<1x128xi32, #tpu.memory_space<vmem>>
        %dma_start3A_325 = tpu.memref_squeeze %dma_start3A_324 : memref<1x128xi32, #tpu.memory_space<vmem>> -> memref<128xi32, #tpu.memory_space<vmem>>
        %dma_start3A_326 = arith.constant 0 : i32
        %dma_start3A_327 = arith.constant 0 : i32
        %dma_start3A_328 = tpu.memref_slice %arg12[%dma_start3A_326, %dma_start3A_327] : memref<10240x128xf32, #tpu.memory_space<vmem_shared>> -> memref<10240x128xf32, #tpu.memory_space<vmem_shared>>
        tpu.enqueue_indirect_dma source(%arg10 : memref<128x128xf32, #tpu.memory_space<vmem>>) target(%dma_start3A_328 : memref<10240x128xf32, #tpu.memory_space<vmem_shared>>) offsets(%dma_start3A_325 : memref<128xi32, #tpu.memory_space<vmem>>) semaphore(%run_scoped3A_323 : memref<!tpu.dma_semaphore, #tpu.memory_space<semaphore_mem>>) {add = true}
        %dma_wait3A_329 = arith.constant 0 : i32
        %dma_wait3A_330 = tpu.memref_slice %arg9[%run_scoped3A_322, %dma_wait3A_329] : memref<16x128xi32, #tpu.memory_space<vmem>> -> memref<1x128xi32, #tpu.memory_space<vmem>>
        %dma_wait3A_331 = tpu.memref_squeeze %dma_wait3A_330 : memref<1x128xi32, #tpu.memory_space<vmem>> -> memref<128xi32, #tpu.memory_space<vmem>>
        %dma_wait3A_332 = arith.constant 0 : i32
        %dma_wait3A_333 = arith.constant 0 : i32
        %dma_wait3A_334 = tpu.memref_slice %arg12[%dma_wait3A_332, %dma_wait3A_333] : memref<10240x128xf32, #tpu.memory_space<vmem_shared>> -> memref<10240x128xf32, #tpu.memory_space<vmem_shared>>
        tpu.wait_indirect_dma semaphore(%run_scoped3A_323 : memref<!tpu.dma_semaphore, #tpu.memory_space<semaphore_mem>>) src(%arg10 : memref<128x128xf32, #tpu.memory_space<vmem>>) dst(%dma_wait3A_334 : memref<10240x128xf32, #tpu.memory_space<vmem_shared>>)
        tpu.yield
      }) : () -> ()
    }
    %scan3A_18 = arith.constant 10 : i32
    %barrier3A_19 = arith.constant 0 : index
    tpu.barrier barrier_id(%barrier3A_19)
    %eq3A = arith.constant 0 : i32
    %eq3A_20 = arith.cmpi eq, %arg0, %eq3A : i32
    %convert_element_type3A = arith.extui %eq3A_20 : i1 to i32
    %cond3A = arith.constant 0 : i32
    %cond3A_21 = arith.cmpi ne, %convert_element_type3A, %cond3A : i32
    scf.if %cond3A_21 {
      %mul3A_27 = arith.constant 640 : i32
      %mul3A_28 = arith.muli %arg1, %mul3A_27 : i32
      %mul3A_29 = arith.constant 640 : i32
      %mul3A_30 = arith.muli %arg1, %mul3A_29 : i32
      "tpu.region"() ({
        %run_scoped3A = tpu.sem_alloc : memref<!tpu.dma_semaphore, #tpu.memory_space<semaphore_mem>>
        %dma_start3A = arith.constant 0 : i32
        %dma_start3A_31 = tpu.memref_slice %arg6[%mul3A_30, %dma_start3A] : memref<10240x128xf32, #tpu.memory_space<hbm>> -> memref<640x128xf32, #tpu.memory_space<hbm>>
        %dma_start3A_32 = arith.constant 0 : i32
        %dma_start3A_33 = tpu.memref_slice %arg12[%mul3A_28, %dma_start3A_32] : memref<10240x128xf32, #tpu.memory_space<vmem_shared>> -> memref<640x128xf32, #tpu.memory_space<vmem_shared>>
        tpu.enqueue_dma source(%dma_start3A_33 : memref<640x128xf32, #tpu.memory_space<vmem_shared>>) target(%dma_start3A_31 : memref<640x128xf32, #tpu.memory_space<hbm>>) target_semaphore(%run_scoped3A : memref<!tpu.dma_semaphore, #tpu.memory_space<semaphore_mem>>)
        %dma_wait3A = arith.constant 0 : i32
        %dma_wait3A_34 = tpu.memref_slice %arg6[%mul3A_30, %dma_wait3A] : memref<10240x128xf32, #tpu.memory_space<hbm>> -> memref<640x128xf32, #tpu.memory_space<hbm>>
        %dma_wait3A_35 = arith.constant 0 : i32
        %dma_wait3A_36 = tpu.memref_slice %arg12[%mul3A_28, %dma_wait3A_35] : memref<10240x128xf32, #tpu.memory_space<vmem_shared>> -> memref<640x128xf32, #tpu.memory_space<vmem_shared>>
        tpu.wait_dma2 semaphore(%run_scoped3A : memref<!tpu.dma_semaphore, #tpu.memory_space<semaphore_mem>>) src(%dma_wait3A_36 : memref<640x128xf32, #tpu.memory_space<vmem_shared>>) dst(%dma_wait3A_34 : memref<640x128xf32, #tpu.memory_space<hbm>>)
        tpu.yield
      }) : () -> ()
    } else {
    }
    %eq3A_22 = arith.constant 1 : i32
    %eq3A_23 = arith.cmpi eq, %arg0, %eq3A_22 : i32
    %convert_element_type3A_24 = arith.extui %eq3A_23 : i1 to i32
    %cond3A_25 = arith.constant 0 : i32
    %cond3A_26 = arith.cmpi ne, %convert_element_type3A_24, %cond3A_25 : i32
    scf.if %cond3A_26 {
      %mul3A_27 = arith.constant 640 : i32
      %mul3A_28 = arith.muli %arg1, %mul3A_27 : i32
      %mul3A_29 = arith.constant 640 : i32
      %mul3A_30 = arith.muli %arg1, %mul3A_29 : i32
      "tpu.region"() ({
        %run_scoped3A = tpu.sem_alloc : memref<!tpu.dma_semaphore, #tpu.memory_space<semaphore_mem>>
        %dma_start3A = arith.constant 0 : i32
        %dma_start3A_31 = tpu.memref_slice %arg7[%mul3A_30, %dma_start3A] : memref<10240x128xf32, #tpu.memory_space<hbm>> -> memref<640x128xf32, #tpu.memory_space<hbm>>
        %dma_start3A_32 = arith.constant 0 : i32
        %dma_start3A_33 = tpu.memref_slice %arg12[%mul3A_28, %dma_start3A_32] : memref<10240x128xf32, #tpu.memory_space<vmem_shared>> -> memref<640x128xf32, #tpu.memory_space<vmem_shared>>
        tpu.enqueue_dma source(%dma_start3A_33 : memref<640x128xf32, #tpu.memory_space<vmem_shared>>) target(%dma_start3A_31 : memref<640x128xf32, #tpu.memory_space<hbm>>) target_semaphore(%run_scoped3A : memref<!tpu.dma_semaphore, #tpu.memory_space<semaphore_mem>>)
        %dma_wait3A = arith.constant 0 : i32
        %dma_wait3A_34 = tpu.memref_slice %arg7[%mul3A_30, %dma_wait3A] : memref<10240x128xf32, #tpu.memory_space<hbm>> -> memref<640x128xf32, #tpu.memory_space<hbm>>
        %dma_wait3A_35 = arith.constant 0 : i32
        %dma_wait3A_36 = tpu.memref_slice %arg12[%mul3A_28, %dma_wait3A_35] : memref<10240x128xf32, #tpu.memory_space<vmem_shared>> -> memref<640x128xf32, #tpu.memory_space<vmem_shared>>
        tpu.wait_dma2 semaphore(%run_scoped3A : memref<!tpu.dma_semaphore, #tpu.memory_space<semaphore_mem>>) src(%dma_wait3A_36 : memref<640x128xf32, #tpu.memory_space<vmem_shared>>) dst(%dma_wait3A_34 : memref<640x128xf32, #tpu.memory_space<hbm>>)
        tpu.yield
      }) : () -> ()
    } else {
    }
    return
  }
}

module attributes {stable_mosaic.version = 14 : i64} {
  func.func @_encoder_body(%arg0: i32, %arg1: memref<1000x128xf32, #tpu.memory_space<vmem>>, %arg2: memref<128x256xf32, #tpu.memory_space<vmem>>, %arg3: memref<1x256xf32, #tpu.memory_space<vmem>>, %arg4: memref<256x256xf32, #tpu.memory_space<vmem>>, %arg5: memref<1x256xf32, #tpu.memory_space<vmem>>, %arg6: memref<1000x256xf32, #tpu.memory_space<vmem>>) attributes {dimension_semantics = [#tpu.dimension_semantics<arbitrary>], iteration_bounds = array<i64: 10>, scalar_prefetch = 0 : i64, scratch_operands = 0 : i64, tpu.core_type = #tpu.core_type<tc>, window_params = [{transform_indices = @transform_0, window_bounds = array<i64: 1000, 128>}, {pipeline_mode = #tpu.pipeline_mode<synchronous>, transform_indices = @transform_1, window_bounds = array<i64: 128, 256>}, {pipeline_mode = #tpu.pipeline_mode<synchronous>, transform_indices = @transform_2, window_bounds = array<i64: 1, 256>}, {pipeline_mode = #tpu.pipeline_mode<synchronous>, transform_indices = @transform_3, window_bounds = array<i64: 256, 256>}, {pipeline_mode = #tpu.pipeline_mode<synchronous>, transform_indices = @transform_4, window_bounds = array<i64: 1, 256>}, {transform_indices = @transform_5, window_bounds = array<i64: 1000, 256>}]} {
    %get3A = arith.constant 0 : index
    %get3A_0 = arith.constant 0 : index
    %get3A_1 = vector.load %arg1[%get3A, %get3A_0] : memref<1000x128xf32, #tpu.memory_space<vmem>>, vector<1000x128xf32>
    %get3A_2 = arith.constant 0 : index
    %get3A_3 = arith.constant 0 : index
    %get3A_4 = vector.load %arg2[%get3A_2, %get3A_3] : memref<128x256xf32, #tpu.memory_space<vmem>>, vector<128x256xf32>
    %dot_general3A = arith.constant dense<0.000000e+00> : vector<1000x256xf32>
    %dot_general3A_5 = tpu.matmul %get3A_1, %get3A_4, %dot_general3A {dimension_numbers = #tpu.dot_dimension_numbers<[1], [0], [0], [1], [0, 0, 1, 1], [], []>, precision = #tpu.contract_precision<fp32>, transpose_lhs_hint = false} : vector<1000x128xf32>, vector<128x256xf32>, vector<1000x256xf32> -> vector<1000x256xf32>
    %get3A_6 = arith.constant 0 : index
    %get3A_7 = arith.constant 0 : index
    %get3A_8 = vector.load %arg3[%get3A_6, %get3A_7] : memref<1x256xf32, #tpu.memory_space<vmem>>, vector<1x256xf32>
    %add3A = vector.broadcast %get3A_8 : vector<1x256xf32> to vector<1000x256xf32>
    %add3A_9 = arith.addf %dot_general3A_5, %add3A : vector<1000x256xf32>
    %max3A = arith.constant 0.000000e+00 : f32
    %max3A_10 = vector.broadcast %max3A : f32 to vector<1000x256xf32>
    %max3A_11 = arith.maximumf %add3A_9, %max3A_10 : vector<1000x256xf32>
    %get3A_12 = arith.constant 0 : index
    %get3A_13 = arith.constant 0 : index
    %get3A_14 = vector.load %arg4[%get3A_12, %get3A_13] : memref<256x256xf32, #tpu.memory_space<vmem>>, vector<256x256xf32>
    %dot_general3A_15 = arith.constant dense<0.000000e+00> : vector<1000x256xf32>
    %dot_general3A_16 = tpu.matmul %max3A_11, %get3A_14, %dot_general3A_15 {dimension_numbers = #tpu.dot_dimension_numbers<[1], [0], [0], [1], [0, 0, 1, 1], [], []>, precision = #tpu.contract_precision<fp32>, transpose_lhs_hint = false} : vector<1000x256xf32>, vector<256x256xf32>, vector<1000x256xf32> -> vector<1000x256xf32>
    %get3A_17 = arith.constant 0 : index
    %get3A_18 = arith.constant 0 : index
    %get3A_19 = vector.load %arg5[%get3A_17, %get3A_18] : memref<1x256xf32, #tpu.memory_space<vmem>>, vector<1x256xf32>
    %add3A_20 = vector.broadcast %get3A_19 : vector<1x256xf32> to vector<1000x256xf32>
    %add3A_21 = arith.addf %dot_general3A_16, %add3A_20 : vector<1000x256xf32>
    %swap3A = arith.constant 0 : index
    %swap3A_22 = arith.constant 0 : index
    %swap3A_23 = vector.load %arg6[%swap3A, %swap3A_22] : memref<1000x256xf32, #tpu.memory_space<vmem>>, vector<1000x256xf32>
    tpu.vector_store %arg6[%swap3A, %swap3A_22], %add3A_21 {strides = array<i32>} : memref<1000x256xf32, #tpu.memory_space<vmem>>, vector<1000x256xf32>,
    return
  }
  func.func @transform_0(%arg0: i32) -> (i32, i32) {
    %c0_i32 = arith.constant 0 : i32
    %c0_i32_0 = arith.constant 0 : i32
    return %arg0, %c0_i32 : i32, i32
  }
  func.func @transform_1(%arg0: i32) -> (i32, i32) {
    %c0_i32 = arith.constant 0 : i32
    %c0_i32_0 = arith.constant 0 : i32
    %c0_i32_1 = arith.constant 0 : i32
    return %c0_i32, %c0_i32_0 : i32, i32
  }
  func.func @transform_2(%arg0: i32) -> (i32, i32) {
    %c0_i32 = arith.constant 0 : i32
    %c0_i32_0 = arith.constant 0 : i32
    %c0_i32_1 = arith.constant 0 : i32
    return %c0_i32, %c0_i32_0 : i32, i32
  }
  func.func @transform_3(%arg0: i32) -> (i32, i32) {
    %c0_i32 = arith.constant 0 : i32
    %c0_i32_0 = arith.constant 0 : i32
    %c0_i32_1 = arith.constant 0 : i32
    return %c0_i32, %c0_i32_0 : i32, i32
  }
  func.func @transform_4(%arg0: i32) -> (i32, i32) {
    %c0_i32 = arith.constant 0 : i32
    %c0_i32_0 = arith.constant 0 : i32
    %c0_i32_1 = arith.constant 0 : i32
    return %c0_i32, %c0_i32_0 : i32, i32
  }
  func.func @transform_5(%arg0: i32) -> (i32, i32) {
    %c0_i32 = arith.constant 0 : i32
    %c0_i32_0 = arith.constant 0 : i32
    return %arg0, %c0_i32 : i32, i32
  }
}

module attributes {stable_mosaic.version = 14 : i64} {
  func.func @_prescale_body(%arg0: i32, %arg1: memref<1000x256xf32, #tpu.memory_space<vmem>>, %arg2: memref<1000x16xf32, #tpu.memory_space<vmem>>, %arg3: memref<1000x16xf32, #tpu.memory_space<vmem>>, %arg4: memref<1000x128xf32, #tpu.memory_space<vmem>>, %arg5: memref<1000x128xf32, #tpu.memory_space<vmem>>) attributes {dimension_semantics = [#tpu.dimension_semantics<arbitrary>], iteration_bounds = array<i64: 10>, scalar_prefetch = 0 : i64, scratch_operands = 0 : i64, tpu.core_type = #tpu.core_type<tc>, window_params = [{transform_indices = @transform_0, window_bounds = array<i64: 1000, 256>}, {transform_indices = @transform_1, window_bounds = array<i64: 1000, 16>}, {transform_indices = @transform_2, window_bounds = array<i64: 1000, 16>}, {transform_indices = @transform_3, window_bounds = array<i64: 1000, 128>}, {transform_indices = @transform_4, window_bounds = array<i64: 1000, 128>}]} {
    %get3A = arith.constant 0 : index
    %get3A_0 = arith.constant 0 : index
    %get3A_1 = vector.load %arg2[%get3A, %get3A_0] : memref<1000x16xf32, #tpu.memory_space<vmem>>, vector<1000x16xf32>
    %slice3A = vector.extract_strided_slice %get3A_1 {offsets = [0, 0], sizes = [1000, 1], strides = [1, 1]} : vector<1000x16xf32> to vector<1000x1xf32>
    %add3A = arith.constant 1.000000e+00 : f32
    %add3A_2 = vector.broadcast %add3A : f32 to vector<1000x1xf32>
    %add3A_3 = arith.addf %add3A_2, %slice3A : vector<1000x1xf32>
    %get3A_4 = arith.constant 0 : index
    %get3A_5 = arith.constant 0 : index
    %get3A_6 = vector.load %arg3[%get3A_4, %get3A_5] : memref<1000x16xf32, #tpu.memory_space<vmem>>, vector<1000x16xf32>
    %slice3A_7 = vector.extract_strided_slice %get3A_6 {offsets = [0, 0], sizes = [1000, 1], strides = [1, 1]} : vector<1000x16xf32> to vector<1000x1xf32>
    %add3A_8 = arith.addf %add3A_3, %slice3A_7 : vector<1000x1xf32>
    %rsqrt3A = math.rsqrt %add3A_8 : vector<1000x1xf32>
    %get3A_9 = arith.constant 0 : index
    %get3A_10 = arith.constant 0 : index
    %get3A_11 = vector.load %arg1[%get3A_9, %get3A_10] : memref<1000x256xf32, #tpu.memory_space<vmem>>, vector<1000x256xf32>
    %mul3A = vector.broadcast %rsqrt3A : vector<1000x1xf32> to vector<1000x256xf32>
    %mul3A_12 = arith.mulf %mul3A, %get3A_11 : vector<1000x256xf32>
    %slice3A_13 = vector.extract_strided_slice %mul3A_12 {offsets = [0, 0], sizes = [1000, 128], strides = [1, 1]} : vector<1000x256xf32> to vector<1000x128xf32>
    %swap3A = arith.constant 0 : index
    %swap3A_14 = arith.constant 0 : index
    %swap3A_15 = vector.load %arg4[%swap3A, %swap3A_14] : memref<1000x128xf32, #tpu.memory_space<vmem>>, vector<1000x128xf32>
    tpu.vector_store %arg4[%swap3A, %swap3A_14], %slice3A_13 {strides = array<i32>} : memref<1000x128xf32, #tpu.memory_space<vmem>>, vector<1000x128xf32>,
    %slice3A_16 = vector.extract_strided_slice %mul3A_12 {offsets = [0, 128], sizes = [1000, 128], strides = [1, 1]} : vector<1000x256xf32> to vector<1000x128xf32>
    %swap3A_17 = arith.constant 0 : index
    %swap3A_18 = arith.constant 0 : index
    %swap3A_19 = vector.load %arg5[%swap3A_17, %swap3A_18] : memref<1000x128xf32, #tpu.memory_space<vmem>>, vector<1000x128xf32>
    tpu.vector_store %arg5[%swap3A_17, %swap3A_18], %slice3A_16 {strides = array<i32>} : memref<1000x128xf32, #tpu.memory_space<vmem>>, vector<1000x128xf32>,
    return
  }
  func.func @transform_0(%arg0: i32) -> (i32, i32) {
    %c0_i32 = arith.constant 0 : i32
    %c0_i32_0 = arith.constant 0 : i32
    return %arg0, %c0_i32 : i32, i32
  }
  func.func @transform_1(%arg0: i32) -> (i32, i32) {
    %c0_i32 = arith.constant 0 : i32
    %c0_i32_0 = arith.constant 0 : i32
    return %arg0, %c0_i32 : i32, i32
  }
  func.func @transform_2(%arg0: i32) -> (i32, i32) {
    %c0_i32 = arith.constant 0 : i32
    %c0_i32_0 = arith.constant 0 : i32
    return %arg0, %c0_i32 : i32, i32
  }
  func.func @transform_3(%arg0: i32) -> (i32, i32) {
    %c0_i32 = arith.constant 0 : i32
    %c0_i32_0 = arith.constant 0 : i32
    return %arg0, %c0_i32 : i32, i32
  }
  func.func @transform_4(%arg0: i32) -> (i32, i32) {
    %c0_i32 = arith.constant 0 : i32
    %c0_i32_0 = arith.constant 0 : i32
    return %arg0, %c0_i32 : i32, i32
  }
}

module attributes {stable_mosaic.version = 14 : i64} {
  func.func @_conv_mid_body(%arg0: i32, %arg1: memref<1000x128xf32, #tpu.memory_space<vmem>>, %arg2: memref<1000x128xf32, #tpu.memory_space<vmem>>, %arg3: memref<1000x256xf32, #tpu.memory_space<vmem>>, %arg4: memref<1000x16xf32, #tpu.memory_space<vmem>>, %arg5: memref<1000x16xf32, #tpu.memory_space<vmem>>, %arg6: memref<256x256xf32, #tpu.memory_space<vmem>>, %arg7: memref<1x256xf32, #tpu.memory_space<vmem>>, %arg8: memref<1000x256xf32, #tpu.memory_space<vmem>>, %arg9: memref<1000x128xf32, #tpu.memory_space<vmem>>, %arg10: memref<1000x128xf32, #tpu.memory_space<vmem>>) attributes {dimension_semantics = [#tpu.dimension_semantics<arbitrary>], iteration_bounds = array<i64: 10>, scalar_prefetch = 0 : i64, scratch_operands = 0 : i64, tpu.core_type = #tpu.core_type<tc>, window_params = [{transform_indices = @transform_0, window_bounds = array<i64: 1000, 128>}, {transform_indices = @transform_1, window_bounds = array<i64: 1000, 128>}, {transform_indices = @transform_2, window_bounds = array<i64: 1000, 256>}, {transform_indices = @transform_3, window_bounds = array<i64: 1000, 16>}, {transform_indices = @transform_4, window_bounds = array<i64: 1000, 16>}, {pipeline_mode = #tpu.pipeline_mode<synchronous>, transform_indices = @transform_5, window_bounds = array<i64: 256, 256>}, {pipeline_mode = #tpu.pipeline_mode<synchronous>, transform_indices = @transform_6, window_bounds = array<i64: 1, 256>}, {transform_indices = @transform_7, window_bounds = array<i64: 1000, 256>}, {transform_indices = @transform_8, window_bounds = array<i64: 1000, 128>}, {transform_indices = @transform_9, window_bounds = array<i64: 1000, 128>}]} {
    %get3A = arith.constant 0 : index
    %get3A_0 = arith.constant 0 : index
    %get3A_1 = vector.load %arg4[%get3A, %get3A_0] : memref<1000x16xf32, #tpu.memory_space<vmem>>, vector<1000x16xf32>
    %slice3A = vector.extract_strided_slice %get3A_1 {offsets = [0, 0], sizes = [1000, 1], strides = [1, 1]} : vector<1000x16xf32> to vector<1000x1xf32>
    %add3A = arith.constant 1.000000e+00 : f32
    %add3A_2 = vector.broadcast %add3A : f32 to vector<1000x1xf32>
    %add3A_3 = arith.addf %add3A_2, %slice3A : vector<1000x1xf32>
    %get3A_4 = arith.constant 0 : index
    %get3A_5 = arith.constant 0 : index
    %get3A_6 = vector.load %arg5[%get3A_4, %get3A_5] : memref<1000x16xf32, #tpu.memory_space<vmem>>, vector<1000x16xf32>
    %slice3A_7 = vector.extract_strided_slice %get3A_6 {offsets = [0, 0], sizes = [1000, 1], strides = [1, 1]} : vector<1000x16xf32> to vector<1000x1xf32>
    %add3A_8 = arith.addf %add3A_3, %slice3A_7 : vector<1000x1xf32>
    %rsqrt3A = math.rsqrt %add3A_8 : vector<1000x1xf32>
    %get3A_9 = arith.constant 0 : index
    %get3A_10 = arith.constant 0 : index
    %get3A_11 = vector.load %arg1[%get3A_9, %get3A_10] : memref<1000x128xf32, #tpu.memory_space<vmem>>, vector<1000x128xf32>
    %get3A_12 = arith.constant 0 : index
    %get3A_13 = arith.constant 0 : index
    %get3A_14 = vector.load %arg2[%get3A_12, %get3A_13] : memref<1000x128xf32, #tpu.memory_space<vmem>>, vector<1000x128xf32>
    %concatenate3A = tpu.concatenate %get3A_11, %get3A_14 in 1 : vector<1000x128xf32>, vector<1000x128xf32> -> vector<1000x256xf32>
    %mul3A = vector.broadcast %rsqrt3A : vector<1000x1xf32> to vector<1000x256xf32>
    %mul3A_15 = arith.mulf %mul3A, %concatenate3A : vector<1000x256xf32>
    %mul3A_16 = arith.mulf %rsqrt3A, %rsqrt3A : vector<1000x1xf32>
    %get3A_17 = arith.constant 0 : index
    %get3A_18 = arith.constant 0 : index
    %get3A_19 = vector.load %arg3[%get3A_17, %get3A_18] : memref<1000x256xf32, #tpu.memory_space<vmem>>, vector<1000x256xf32>
    %mul3A_20 = vector.broadcast %mul3A_16 : vector<1000x1xf32> to vector<1000x256xf32>
    %mul3A_21 = arith.mulf %mul3A_20, %get3A_19 : vector<1000x256xf32>
    %add3A_22 = arith.addf %mul3A_15, %mul3A_21 : vector<1000x256xf32>
    %get3A_23 = arith.constant 0 : index
    %get3A_24 = arith.constant 0 : index
    %get3A_25 = vector.load %arg6[%get3A_23, %get3A_24] : memref<256x256xf32, #tpu.memory_space<vmem>>, vector<256x256xf32>
    %dot_general3A = arith.constant dense<0.000000e+00> : vector<1000x256xf32>
    %dot_general3A_26 = tpu.matmul %add3A_22, %get3A_25, %dot_general3A {dimension_numbers = #tpu.dot_dimension_numbers<[1], [0], [0], [1], [0, 0, 1, 1], [], []>, precision = #tpu.contract_precision<fp32>, transpose_lhs_hint = false} : vector<1000x256xf32>, vector<256x256xf32>, vector<1000x256xf32> -> vector<1000x256xf32>
    %get3A_27 = arith.constant 0 : index
    %get3A_28 = arith.constant 0 : index
    %get3A_29 = vector.load %arg7[%get3A_27, %get3A_28] : memref<1x256xf32, #tpu.memory_space<vmem>>, vector<1x256xf32>
    %add3A_30 = vector.broadcast %get3A_29 : vector<1x256xf32> to vector<1000x256xf32>
    %add3A_31 = arith.addf %dot_general3A_26, %add3A_30 : vector<1000x256xf32>
    %get3A_32 = arith.constant 0 : index
    %get3A_33 = arith.constant 0 : index
    %get3A_34 = vector.load %arg3[%get3A_32, %get3A_33] : memref<1000x256xf32, #tpu.memory_space<vmem>>, vector<1000x256xf32>
    %max3A = arith.constant 0.000000e+00 : f32
    %max3A_35 = vector.broadcast %max3A : f32 to vector<1000x256xf32>
    %max3A_36 = arith.maximumf %add3A_31, %max3A_35 : vector<1000x256xf32>
    %add3A_37 = arith.addf %get3A_34, %max3A_36 : vector<1000x256xf32>
    %swap3A = arith.constant 0 : index
    %swap3A_38 = arith.constant 0 : index
    %swap3A_39 = vector.load %arg8[%swap3A, %swap3A_38] : memref<1000x256xf32, #tpu.memory_space<vmem>>, vector<1000x256xf32>
    tpu.vector_store %arg8[%swap3A, %swap3A_38], %add3A_37 {strides = array<i32>} : memref<1000x256xf32, #tpu.memory_space<vmem>>, vector<1000x256xf32>,
    %mul3A_40 = vector.broadcast %rsqrt3A : vector<1000x1xf32> to vector<1000x256xf32>
    %mul3A_41 = arith.mulf %mul3A_40, %add3A_37 : vector<1000x256xf32>
    %slice3A_42 = vector.extract_strided_slice %mul3A_41 {offsets = [0, 0], sizes = [1000, 128], strides = [1, 1]} : vector<1000x256xf32> to vector<1000x128xf32>
    %swap3A_43 = arith.constant 0 : index
    %swap3A_44 = arith.constant 0 : index
    %swap3A_45 = vector.load %arg9[%swap3A_43, %swap3A_44] : memref<1000x128xf32, #tpu.memory_space<vmem>>, vector<1000x128xf32>
    tpu.vector_store %arg9[%swap3A_43, %swap3A_44], %slice3A_42 {strides = array<i32>} : memref<1000x128xf32, #tpu.memory_space<vmem>>, vector<1000x128xf32>,
    %slice3A_46 = vector.extract_strided_slice %mul3A_41 {offsets = [0, 128], sizes = [1000, 128], strides = [1, 1]} : vector<1000x256xf32> to vector<1000x128xf32>
    %swap3A_47 = arith.constant 0 : index
    %swap3A_48 = arith.constant 0 : index
    %swap3A_49 = vector.load %arg10[%swap3A_47, %swap3A_48] : memref<1000x128xf32, #tpu.memory_space<vmem>>, vector<1000x128xf32>
    tpu.vector_store %arg10[%swap3A_47, %swap3A_48], %slice3A_46 {strides = array<i32>} : memref<1000x128xf32, #tpu.memory_space<vmem>>, vector<1000x128xf32>,
    return
  }
  func.func @transform_0(%arg0: i32) -> (i32, i32) {
    %c0_i32 = arith.constant 0 : i32
    %c0_i32_0 = arith.constant 0 : i32
    return %arg0, %c0_i32 : i32, i32
  }
  func.func @transform_1(%arg0: i32) -> (i32, i32) {
    %c0_i32 = arith.constant 0 : i32
    %c0_i32_0 = arith.constant 0 : i32
    return %arg0, %c0_i32 : i32, i32
  }
  func.func @transform_2(%arg0: i32) -> (i32, i32) {
    %c0_i32 = arith.constant 0 : i32
    %c0_i32_0 = arith.constant 0 : i32
    return %arg0, %c0_i32 : i32, i32
  }
  func.func @transform_3(%arg0: i32) -> (i32, i32) {
    %c0_i32 = arith.constant 0 : i32
    %c0_i32_0 = arith.constant 0 : i32
    return %arg0, %c0_i32 : i32, i32
  }
  func.func @transform_4(%arg0: i32) -> (i32, i32) {
    %c0_i32 = arith.constant 0 : i32
    %c0_i32_0 = arith.constant 0 : i32
    return %arg0, %c0_i32 : i32, i32
  }
  func.func @transform_5(%arg0: i32) -> (i32, i32) {
    %c0_i32 = arith.constant 0 : i32
    %c0_i32_0 = arith.constant 0 : i32
    %c0_i32_1 = arith.constant 0 : i32
    return %c0_i32, %c0_i32_0 : i32, i32
  }
  func.func @transform_6(%arg0: i32) -> (i32, i32) {
    %c0_i32 = arith.constant 0 : i32
    %c0_i32_0 = arith.constant 0 : i32
    %c0_i32_1 = arith.constant 0 : i32
    return %c0_i32, %c0_i32_0 : i32, i32
  }
  func.func @transform_7(%arg0: i32) -> (i32, i32) {
    %c0_i32 = arith.constant 0 : i32
    %c0_i32_0 = arith.constant 0 : i32
    return %arg0, %c0_i32 : i32, i32
  }
  func.func @transform_8(%arg0: i32) -> (i32, i32) {
    %c0_i32 = arith.constant 0 : i32
    %c0_i32_0 = arith.constant 0 : i32
    return %arg0, %c0_i32 : i32, i32
  }
  func.func @transform_9(%arg0: i32) -> (i32, i32) {
    %c0_i32 = arith.constant 0 : i32
    %c0_i32_0 = arith.constant 0 : i32
    return %arg0, %c0_i32 : i32, i32
  }
}

module attributes {stable_mosaic.version = 14 : i64} {
  func.func @_conv_last_body(%arg0: i32, %arg1: memref<1000x128xf32, #tpu.memory_space<vmem>>, %arg2: memref<1000x128xf32, #tpu.memory_space<vmem>>, %arg3: memref<1000x256xf32, #tpu.memory_space<vmem>>, %arg4: memref<1000x16xf32, #tpu.memory_space<vmem>>, %arg5: memref<1000x16xf32, #tpu.memory_space<vmem>>, %arg6: memref<256x256xf32, #tpu.memory_space<vmem>>, %arg7: memref<1x256xf32, #tpu.memory_space<vmem>>, %arg8: memref<256x256xf32, #tpu.memory_space<vmem>>, %arg9: memref<1x256xf32, #tpu.memory_space<vmem>>, %arg10: memref<256x128xf32, #tpu.memory_space<vmem>>, %arg11: memref<1x128xf32, #tpu.memory_space<vmem>>, %arg12: memref<1000x128xf32, #tpu.memory_space<vmem>>) attributes {dimension_semantics = [#tpu.dimension_semantics<arbitrary>], iteration_bounds = array<i64: 10>, scalar_prefetch = 0 : i64, scratch_operands = 0 : i64, tpu.core_type = #tpu.core_type<tc>, window_params = [{transform_indices = @transform_0, window_bounds = array<i64: 1000, 128>}, {transform_indices = @transform_1, window_bounds = array<i64: 1000, 128>}, {transform_indices = @transform_2, window_bounds = array<i64: 1000, 256>}, {transform_indices = @transform_3, window_bounds = array<i64: 1000, 16>}, {transform_indices = @transform_4, window_bounds = array<i64: 1000, 16>}, {pipeline_mode = #tpu.pipeline_mode<synchronous>, transform_indices = @transform_5, window_bounds = array<i64: 256, 256>}, {pipeline_mode = #tpu.pipeline_mode<synchronous>, transform_indices = @transform_6, window_bounds = array<i64: 1, 256>}, {pipeline_mode = #tpu.pipeline_mode<synchronous>, transform_indices = @transform_7, window_bounds = array<i64: 256, 256>}, {pipeline_mode = #tpu.pipeline_mode<synchronous>, transform_indices = @transform_8, window_bounds = array<i64: 1, 256>}, {pipeline_mode = #tpu.pipeline_mode<synchronous>, transform_indices = @transform_9, window_bounds = array<i64: 256, 128>}, {pipeline_mode = #tpu.pipeline_mode<synchronous>, transform_indices = @transform_10, window_bounds = array<i64: 1, 128>}, {transform_indices = @transform_11, window_bounds = array<i64: 1000, 128>}]} {
    %get3A = arith.constant 0 : index
    %get3A_0 = arith.constant 0 : index
    %get3A_1 = vector.load %arg4[%get3A, %get3A_0] : memref<1000x16xf32, #tpu.memory_space<vmem>>, vector<1000x16xf32>
    %slice3A = vector.extract_strided_slice %get3A_1 {offsets = [0, 0], sizes = [1000, 1], strides = [1, 1]} : vector<1000x16xf32> to vector<1000x1xf32>
    %add3A = arith.constant 1.000000e+00 : f32
    %add3A_2 = vector.broadcast %add3A : f32 to vector<1000x1xf32>
    %add3A_3 = arith.addf %add3A_2, %slice3A : vector<1000x1xf32>
    %get3A_4 = arith.constant 0 : index
    %get3A_5 = arith.constant 0 : index
    %get3A_6 = vector.load %arg5[%get3A_4, %get3A_5] : memref<1000x16xf32, #tpu.memory_space<vmem>>, vector<1000x16xf32>
    %slice3A_7 = vector.extract_strided_slice %get3A_6 {offsets = [0, 0], sizes = [1000, 1], strides = [1, 1]} : vector<1000x16xf32> to vector<1000x1xf32>
    %add3A_8 = arith.addf %add3A_3, %slice3A_7 : vector<1000x1xf32>
    %rsqrt3A = math.rsqrt %add3A_8 : vector<1000x1xf32>
    %get3A_9 = arith.constant 0 : index
    %get3A_10 = arith.constant 0 : index
    %get3A_11 = vector.load %arg1[%get3A_9, %get3A_10] : memref<1000x128xf32, #tpu.memory_space<vmem>>, vector<1000x128xf32>
    %get3A_12 = arith.constant 0 : index
    %get3A_13 = arith.constant 0 : index
    %get3A_14 = vector.load %arg2[%get3A_12, %get3A_13] : memref<1000x128xf32, #tpu.memory_space<vmem>>, vector<1000x128xf32>
    %concatenate3A = tpu.concatenate %get3A_11, %get3A_14 in 1 : vector<1000x128xf32>, vector<1000x128xf32> -> vector<1000x256xf32>
    %mul3A = vector.broadcast %rsqrt3A : vector<1000x1xf32> to vector<1000x256xf32>
    %mul3A_15 = arith.mulf %mul3A, %concatenate3A : vector<1000x256xf32>
    %mul3A_16 = arith.mulf %rsqrt3A, %rsqrt3A : vector<1000x1xf32>
    %get3A_17 = arith.constant 0 : index
    %get3A_18 = arith.constant 0 : index
    %get3A_19 = vector.load %arg3[%get3A_17, %get3A_18] : memref<1000x256xf32, #tpu.memory_space<vmem>>, vector<1000x256xf32>
    %mul3A_20 = vector.broadcast %mul3A_16 : vector<1000x1xf32> to vector<1000x256xf32>
    %mul3A_21 = arith.mulf %mul3A_20, %get3A_19 : vector<1000x256xf32>
    %add3A_22 = arith.addf %mul3A_15, %mul3A_21 : vector<1000x256xf32>
    %get3A_23 = arith.constant 0 : index
    %get3A_24 = arith.constant 0 : index
    %get3A_25 = vector.load %arg6[%get3A_23, %get3A_24] : memref<256x256xf32, #tpu.memory_space<vmem>>, vector<256x256xf32>
    %dot_general3A = arith.constant dense<0.000000e+00> : vector<1000x256xf32>
    %dot_general3A_26 = tpu.matmul %add3A_22, %get3A_25, %dot_general3A {dimension_numbers = #tpu.dot_dimension_numbers<[1], [0], [0], [1], [0, 0, 1, 1], [], []>, precision = #tpu.contract_precision<fp32>, transpose_lhs_hint = false} : vector<1000x256xf32>, vector<256x256xf32>, vector<1000x256xf32> -> vector<1000x256xf32>
    %get3A_27 = arith.constant 0 : index
    %get3A_28 = arith.constant 0 : index
    %get3A_29 = vector.load %arg7[%get3A_27, %get3A_28] : memref<1x256xf32, #tpu.memory_space<vmem>>, vector<1x256xf32>
    %add3A_30 = vector.broadcast %get3A_29 : vector<1x256xf32> to vector<1000x256xf32>
    %add3A_31 = arith.addf %dot_general3A_26, %add3A_30 : vector<1000x256xf32>
    %get3A_32 = arith.constant 0 : index
    %get3A_33 = arith.constant 0 : index
    %get3A_34 = vector.load %arg3[%get3A_32, %get3A_33] : memref<1000x256xf32, #tpu.memory_space<vmem>>, vector<1000x256xf32>
    %max3A = arith.constant 0.000000e+00 : f32
    %max3A_35 = vector.broadcast %max3A : f32 to vector<1000x256xf32>
    %max3A_36 = arith.maximumf %add3A_31, %max3A_35 : vector<1000x256xf32>
    %add3A_37 = arith.addf %get3A_34, %max3A_36 : vector<1000x256xf32>
    %get3A_38 = arith.constant 0 : index
    %get3A_39 = arith.constant 0 : index
    %get3A_40 = vector.load %arg8[%get3A_38, %get3A_39] : memref<256x256xf32, #tpu.memory_space<vmem>>, vector<256x256xf32>
    %dot_general3A_41 = arith.constant dense<0.000000e+00> : vector<1000x256xf32>
    %dot_general3A_42 = tpu.matmul %add3A_37, %get3A_40, %dot_general3A_41 {dimension_numbers = #tpu.dot_dimension_numbers<[1], [0], [0], [1], [0, 0, 1, 1], [], []>, precision = #tpu.contract_precision<fp32>, transpose_lhs_hint = false} : vector<1000x256xf32>, vector<256x256xf32>, vector<1000x256xf32> -> vector<1000x256xf32>
    %get3A_43 = arith.constant 0 : index
    %get3A_44 = arith.constant 0 : index
    %get3A_45 = vector.load %arg9[%get3A_43, %get3A_44] : memref<1x256xf32, #tpu.memory_space<vmem>>, vector<1x256xf32>
    %add3A_46 = vector.broadcast %get3A_45 : vector<1x256xf32> to vector<1000x256xf32>
    %add3A_47 = arith.addf %dot_general3A_42, %add3A_46 : vector<1000x256xf32>
    %max3A_48 = arith.constant 0.000000e+00 : f32
    %max3A_49 = vector.broadcast %max3A_48 : f32 to vector<1000x256xf32>
    %max3A_50 = arith.maximumf %add3A_47, %max3A_49 : vector<1000x256xf32>
    %get3A_51 = arith.constant 0 : index
    %get3A_52 = arith.constant 0 : index
    %get3A_53 = vector.load %arg10[%get3A_51, %get3A_52] : memref<256x128xf32, #tpu.memory_space<vmem>>, vector<256x128xf32>
    %dot_general3A_54 = arith.constant dense<0.000000e+00> : vector<1000x128xf32>
    %dot_general3A_55 = tpu.matmul %max3A_50, %get3A_53, %dot_general3A_54 {dimension_numbers = #tpu.dot_dimension_numbers<[1], [0], [0], [1], [0, 0, 1, 1], [], []>, precision = #tpu.contract_precision<fp32>, transpose_lhs_hint = false} : vector<1000x256xf32>, vector<256x128xf32>, vector<1000x128xf32> -> vector<1000x128xf32>
    %get3A_56 = arith.constant 0 : index
    %get3A_57 = arith.constant 0 : index
    %get3A_58 = vector.load %arg11[%get3A_56, %get3A_57] : memref<1x128xf32, #tpu.memory_space<vmem>>, vector<1x128xf32>
    %add3A_59 = vector.broadcast %get3A_58 : vector<1x128xf32> to vector<1000x128xf32>
    %add3A_60 = arith.addf %dot_general3A_55, %add3A_59 : vector<1000x128xf32>
    %swap3A = arith.constant 0 : index
    %swap3A_61 = arith.constant 0 : index
    %swap3A_62 = vector.load %arg12[%swap3A, %swap3A_61] : memref<1000x128xf32, #tpu.memory_space<vmem>>, vector<1000x128xf32>
    tpu.vector_store %arg12[%swap3A, %swap3A_61], %add3A_60 {strides = array<i32>} : memref<1000x128xf32, #tpu.memory_space<vmem>>, vector<1000x128xf32>,
    return
  }
  func.func @transform_0(%arg0: i32) -> (i32, i32) {
    %c0_i32 = arith.constant 0 : i32
    %c0_i32_0 = arith.constant 0 : i32
    return %arg0, %c0_i32 : i32, i32
  }
  func.func @transform_1(%arg0: i32) -> (i32, i32) {
    %c0_i32 = arith.constant 0 : i32
    %c0_i32_0 = arith.constant 0 : i32
    return %arg0, %c0_i32 : i32, i32
  }
  func.func @transform_2(%arg0: i32) -> (i32, i32) {
    %c0_i32 = arith.constant 0 : i32
    %c0_i32_0 = arith.constant 0 : i32
    return %arg0, %c0_i32 : i32, i32
  }
  func.func @transform_3(%arg0: i32) -> (i32, i32) {
    %c0_i32 = arith.constant 0 : i32
    %c0_i32_0 = arith.constant 0 : i32
    return %arg0, %c0_i32 : i32, i32
  }
  func.func @transform_4(%arg0: i32) -> (i32, i32) {
    %c0_i32 = arith.constant 0 : i32
    %c0_i32_0 = arith.constant 0 : i32
    return %arg0, %c0_i32 : i32, i32
  }
  func.func @transform_5(%arg0: i32) -> (i32, i32) {
    %c0_i32 = arith.constant 0 : i32
    %c0_i32_0 = arith.constant 0 : i32
    %c0_i32_1 = arith.constant 0 : i32
    return %c0_i32, %c0_i32_0 : i32, i32
  }
  func.func @transform_6(%arg0: i32) -> (i32, i32) {
    %c0_i32 = arith.constant 0 : i32
    %c0_i32_0 = arith.constant 0 : i32
    %c0_i32_1 = arith.constant 0 : i32
    return %c0_i32, %c0_i32_0 : i32, i32
  }
  func.func @transform_7(%arg0: i32) -> (i32, i32) {
    %c0_i32 = arith.constant 0 : i32
    %c0_i32_0 = arith.constant 0 : i32
    %c0_i32_1 = arith.constant 0 : i32
    return %c0_i32, %c0_i32_0 : i32, i32
  }
  func.func @transform_8(%arg0: i32) -> (i32, i32) {
    %c0_i32 = arith.constant 0 : i32
    %c0_i32_0 = arith.constant 0 : i32
    %c0_i32_1 = arith.constant 0 : i32
    return %c0_i32, %c0_i32_0 : i32, i32
  }
  func.func @transform_9(%arg0: i32) -> (i32, i32) {
    %c0_i32 = arith.constant 0 : i32
    %c0_i32_0 = arith.constant 0 : i32
    %c0_i32_1 = arith.constant 0 : i32
    return %c0_i32, %c0_i32_0 : i32, i32
  }
  func.func @transform_10(%arg0: i32) -> (i32, i32) {
    %c0_i32 = arith.constant 0 : i32
    %c0_i32_0 = arith.constant 0 : i32
    %c0_i32_1 = arith.constant 0 : i32
    return %c0_i32, %c0_i32_0 : i32, i32
  }
  func.func @transform_11(%arg0: i32) -> (i32, i32) {
    %c0_i32 = arith.constant 0 : i32
    %c0_i32_0 = arith.constant 0 : i32
    return %arg0, %c0_i32 : i32, i32
  }
}

</mosaic_0001>

<sc_bundles>
// kernel: kernel.11.cloned.1.call-start
scs
__scs_entry_jumppad:
0x0: {  	(pc) =	sbr.rel $0x88, $3  }
0x1: {  	(tag) =	ssettag $0x0;
	lr =	simm.s32 $0x1  }
0x2: {  	[smem:$0x3F95] =	sst lr;
	_ =	strace $0xD0000000  }
0x3: {  	_ = 	snop  }
0x4: {  	_ = 	snop  }
0x5: {  	_ = 	snop  }
0x6: {  	_ = 	snop  }
0x7: {  	_ = 	snop  }
__scs_overlays_trampoline_lowered:
0x8: {  	[smem:$0x3FA4] =	sst s0  }
0x9: {  	[smem:$0x3FA5] =	sst s1  }
0xa: {  	[smem:$0x3FA6] =	sst s2  }
0xb: {  	[smem:$0x3FA7] =	sst s3  }
0xc: {  	[smem:$0x3FA8] =	sst s4  }
0xd: {  	[smem:$0x3FA9] =	sst s5  }
0xe: {  	[smem:$0x3FAA] =	sst s6  }
0xf: {  	[smem:$0x3FAB] =	sst s7  }
0x10: {  	[smem:$0x3FAC] =	sst s8  }
0x11: {  	[smem:$0x3FAD] =	sst s9;
	s0 =	simm.s32 @!p0 $0x0  }
0x12: {  	s1 =	sld [smem:$0x3F93];
	s0 =	simm.s32 @p0 $0x1  }
0x13: {  	[smem:$0x3FAE] =	sst s0;
	s0 =	simm.s32 @!p1 $0x0  }
0x14: {  	s2 =	sld [smem:$0x3F92];
	s0 =	simm.s32 @p1 $0x1  }
0x15: {  	[smem:$0x3FAF] =	sst s0;
	s0 =	simm.s32 @!p2 $0x0  }
0x16: {  	s3 =	sld [smem:$0x3FDB];
	s0 =	simm.s32 @p2 $0x1  }
0x17: {  	s4 =	simm.s32 $0x1BF5;
	[smem:$0x3FB1] =	sst s0  }
0x18: {  	s0 =	sld [smem:$0x3F94];
	_ =	swait.ge [sflag:s4], $0x0  }
0x19: {  	s7 =	sld [smem:$0x3F95]  }
0x1a: {  	s8 =	sadd.s32 $0xFFFFE003, lr  }
0x1b: {  	s9 =	sadd.s32 $0xFFFFFEF7, lr;
	s5 =	simm.s32 $0xFFFFFFFF;
	p2 =	slt.u32 s8, $0xFFFFF086  }
0x1c: {  	p1 =	slt.u32 s9, $0xF7A;
	s5 =	simm.s32 @!p2 $0x0  }
0x1d: {  	s5 =	simm.s32 @p1 $0x1;
	p0 =	seq.s32 s7, s2  }
0x1e: {  	s7 =	smul.u32 @!p0 $0xF7A, s2;
	p2 =	seq.s32 @!p0 s5, $0x0  }
0x1f: {  	s9 =	smul.u32 $0xF7A, s1;
	s8 =	simm.s32 @!p0 $0x1BF5;
	p2 =	por !p2, p0  }
0x20: {  	[sflag:s8] =	ssyncset.s32 @!p0 $0xFFFFF086;
	s6 =	sadd.s32 @!p0 s3, s7;
	s7 =	simm.s32 @!p0 $0x108  }
0x21: {  	s3 =	sadd.s32 s3, s9;
	s6 =	sadd.s32 @!p0 $0x88, s6;
	s7 =	simm.s32 @p2 $0x1082  }
0x22: {  	[simem:s7], [sflag:s8] =	dma.local @!p0 [hbm:s6], $0xF7A  }
0x23: {  	s9 =	sor.u32 $0xD0000000, s2;
	s6 =	simm.s32 $0x108;
	_ =	swait.ge @!p0 [sflag:s8], $0x0  }
0x24: {  	s3 =	sadd.s32 $0x88, s3;
	s6 =	simm.s32 @!p1 $0x1082;
	[sflag:s4] =	ssyncset.s32 $0xFFFFF086  }
0x25: {  	[simem:s6], [sflag:s4] =	dma.local [hbm:s3], $0xF7A  }
0x26: {  	[smem:$0x3F95] =	sst s1;
	(tag) =	ssettag s2;
	_ =	strace s9  }
0x27: {  	s1 =	sld [smem:$0x3FA5]  }
0x28: {  	s2 =	sld [smem:$0x3FA6]  }
0x29: {  	s4 =	sld [smem:$0x3FA8]  }
0x2a: {  	p0 =	seq.s32 s5, $0x0;
	s5 =	sld [smem:$0x3FA9]  }
0x2b: {  	s6 =	sld [smem:$0x3FAA]  }
0x2c: {  	s7 =	sld [smem:$0x3FAB]  }
0x2d: {  	s3 =	simm.s32 $0x108;
	s8 =	sld [smem:$0x3FAC]  }
0x2e: {  	s3 =	simm.s32 @!p0 $0x1082;
	s9 =	sld [smem:$0x3FAD]  }
0x2f: {  	lr =	sadd.s32 s0, s3;
	s0 =	sld [smem:$0x3FA4]  }
0x30: {  	s3 =	sld [smem:$0x3FA7]  }
0x31: {  	[smem:$0x3FB0] =	sst s10  }
0x32: {  	s10 =	sld [smem:$0x3FAE];
	_ =	sdelay $0x3  }
0x33: {  	p0 =	seq.s32 s10, $0x1;
	s10 =	sld [smem:$0x3FB0];
	_ =	sdelay $0x3  }
0x34: {  	[smem:$0x3FB0] =	sst s10  }
0x35: {  	s10 =	sld [smem:$0x3FAF];
	_ =	sdelay $0x3  }
0x36: {  	p1 =	seq.s32 s10, $0x1;
	s10 =	sld [smem:$0x3FB0];
	_ =	sdelay $0x3  }
0x37: {  	[smem:$0x3FB0] =	sst s10  }
0x38: {  	s10 =	sld [smem:$0x3FB1]  }
0x39: {  	_ = 	snop;
	(pc) =	sbr.ind lr, $3  }
0x3a: {  	_ = 	snop  }
0x3b: {  	_ = 	snop  }
0x3c: {  	p2 =	seq.s32 s10, $0x1;
	s10 =	sld [smem:$0x3FB0]  }
0x3d: {  	_ =	shalt  }
0x3e: {  	_ =	shalt  }
0x3f: {  	_ =	shalt  }
0x40: {  	_ =	shalt  }
0x41: {  	_ =	shalt  }
0x42: {  	_ =	shalt  }
0x43: {  	_ =	shalt  }
0x44: {  	_ =	shalt  }
0x45: {  	_ =	shalt  }
0x46: {  	_ =	shalt  }
0x47: {  	_ =	shalt  }
0x48: {  	_ =	shalt  }
0x49: {  	_ =	shalt  }
0x4a: {  	_ =	shalt  }
0x4b: {  	_ =	shalt  }
0x4c: {  	_ =	shalt  }
0x4d: {  	_ =	shalt  }
0x4e: {  	_ =	shalt  }
0x4f: {  	_ =	shalt  }
0x50: {  	_ =	shalt  }
0x51: {  	_ =	shalt  }
0x52: {  	_ =	shalt  }
0x53: {  	_ =	shalt  }
0x54: {  	_ =	shalt  }
0x55: {  	_ =	shalt  }
0x56: {  	_ =	shalt  }
0x57: {  	_ =	shalt  }
0x58: {  	_ =	shalt  }
0x59: {  	_ =	shalt  }
0x5a: {  	_ =	shalt  }
0x5b: {  	_ =	shalt  }
0x5c: {  	_ =	shalt  }
0x5d: {  	_ =	shalt  }
0x5e: {  	_ =	shalt  }
0x5f: {  	_ =	shalt  }
0x60: {  	_ =	shalt  }
0x61: {  	_ =	shalt  }
0x62: {  	_ =	shalt  }
0x63: {  	_ =	shalt  }
0x64: {  	_ =	shalt  }
0x65: {  	_ =	shalt  }
0x66: {  	_ =	shalt  }
0x67: {  	_ =	shalt  }
0x68: {  	_ =	shalt  }
0x69: {  	_ =	shalt  }
0x6a: {  	_ =	shalt  }
0x6b: {  	_ =	shalt  }
0x6c: {  	_ =	shalt  }
0x6d: {  	_ =	shalt  }
0x6e: {  	_ =	shalt  }
0x6f: {  	_ =	shalt  }
0x70: {  	_ =	shalt  }
0x71: {  	_ =	shalt  }
0x72: {  	_ =	shalt  }
0x73: {  	_ =	shalt  }
0x74: {  	_ =	shalt  }
0x75: {  	_ =	shalt  }
0x76: {  	_ =	shalt  }
0x77: {  	_ =	shalt  }
0x78: {  	_ =	shalt  }
0x79: {  	_ =	shalt  }
0x7a: {  	_ =	shalt  }
0x7b: {  	_ =	shalt  }
0x7c: {  	_ =	shalt  }
0x7d: {  	_ =	shalt  }
0x7e: {  	_ =	shalt  }
0x7f: {  	_ =	shalt  }
0x80: {  	_ =	shalt  }
0x81: {  	_ =	shalt  }
0x82: {  	_ =	shalt  }
0x83: {  	_ =	shalt  }
0x84: {  	_ =	shalt  }
0x85: {  	_ =	shalt  }
0x86: {  	_ =	shalt  }
0x87: {  	_ =	shalt  }
.Lfunc_end0:
.L_simem_size_0:
called_computation_lowered:
.L_overlay_start_0:
0x88: {  	s2 =	sld [smem:$0x3FD9]  }
0x89: {  	s3 =	sld [smem:$0x3FFE];
	_ =	sdelay $0x1  }
0x8a: {  	s1 =	srdreg.scid  }
0x8b: {  	s0 =	sand.u32 $0x1, s1  }
0x8c: {  	s16 =	sshll.u32 s0, $0xA;
	s2 =	sadd.s32 s3, s2  }
0x8d: {  	s2 =	sadd.s32 s2, s16  }
0x8e: {  	[smem:$0x3FBC] =	sst s2  }
0x8f: {  	_ = 	snop  }
0x90: {  	(tm) =	ssettm $0x1  }
0x91: {  	s17 =	sld [smem:$0x3FFB];
	_ =	sdelay $0x3  }
0x92: {  	_ =	strace s17  }
0x93: {  	s2 =	sld [smem:$0x3FFC];
	_ =	sdelay $0x3  }
0x94: {  	_ =	strace s2  }
0x95: {  	s2 =	sld [smem:$0x3FFD];
	_ =	sdelay $0x3  }
0x96: {  	_ =	strace s2  }
0x97: {  	_ =	strace $0x8FFFFFFF  }
0x98: {  	s18 =	sld [smem:$0x3FDB];
	_ =	sdelay $0x1  }
0x99: {  	s19 =	simm.s32 $_scs_section_size  }
0x9a: {  	s4 =	simm.s32 $_size__tile_overlayer_lowered;
	s5 =	simm.s32 $_tile_overlayer_lowered  }
0x9b: {  	s22 =	simm.s32 $0x1BFF;
	s21 =	sshll.u32 s5, $0x1;
	s2 =	sadd.s32 s19, s18  }
0x9c: {  	s6 =	simm.s32 $0x0;
	s20 =	sshll.u32 s4, $0x1;
	s4 =	sadd.s32 s21, s2  }
0x9d: {  	[timem:s6], [sflag:s22] =	dma.local [hbm:s4], s20  }
0x9e: {  	_ =	swait.ge [sflag:s22], s20  }
0x9f: {  	s3 =	ssub.s32 $0x0, s20;
	[sflag:s22] =	ssyncset.done $0x0  }
0xa0: {  	[sflag:s22] =	ssyncadd.s32 s3;
	_ =	sdelay $0x1  }
0xa1: {  	s23 =	simm.s32 $0x1B8B  }
0xa2: {  	_ =	swait.ge [sflag:s23], $0x1  }
0xa3: {  	[sflag:s23] =	ssyncset.done $0x0  }
0xa4: {  	s25 =	simm.s32 $0x1B8E;
	s24 =	sld [smem:$0x3FFE];
	[sflag:s23] =	ssyncadd.s32 $0xFFFFFFFF  }
0xa5: {  	s26 =	simm.s32 $execute0_lowered;
	[smem:$0x3FD2] =	sst s25  }
0xa6: {  	s4 =	sshll.u32 s26, $0x1;
	_ =	strace $0x80000046;
	[dreg:$0x1] =	wrdreg $0xFFFFFFFF  }
0xa7: {  	s28 =	simm.s32 $_size_execute0_lowered;
	s2 =	sadd.s32 s2, s4;
	[dreg:$0x0] =	wrdreg $0x0  }
0xa8: {  	s4 =	sshll.u32 s28, $0x1;
	[dreg:$0x2] =	wrdreg s2  }
0xa9: {  	[dreg:$0x3] =	wrdreg s4  }
0xaa: {  	[dreg:$0x4] =	wrdreg $0xC0  }
0xab: {  	_ =	task [dreg:s6], $0x5FFFF  }
0xac: {  	[dreg:$0x1] =	wrdreg $0xFFFFFFFF  }
0xad: {  	[dreg:$0x0] =	wrdreg $0x60  }
0xae: {  	[dreg:$0x2] =	wrdreg s24  }
0xaf: {  	[dreg:$0x3] =	wrdreg $0x68000  }
0xb0: {  	[dreg:$0x4] =	wrdreg $0x9  }
0xb1: {  	_ =	task.clear_ibuf [dreg:s6], $0x5FFFF;
	_ =	strace $0x90000046  }
0xb2: {  	s29 =	simm.s32 $0x9;
	_ =	strace $0x80000048  }
0xb3: {  	_ =	swait.ge [sflag:s29], $0x1  }
0xb4: {  	[sflag:s29] =	ssyncadd.s32 $0xFFFFFFFF  }
0xb5: {  	_ =	strace $0x90000048  }
0xb6: {  	_ =	sfence  }
0xb7: {  	s30 =	sld [smem:$0x0];
	_ =	sdelay $0x2  }
0xb8: {  	s31 =	sshll.u32 s1, $0xD;
	s1 =	sshrl.u32 s1, $0x2  }
0xb9: {  	s3 =	sand.u32 $0x4000, s31;
	s1 =	sadd.s32 s1, s30  }
0xba: {  	s0 =	sor.u32 s3, s0;
	s1 =	sshll.u32 s1, $0x11  }
0xbb: {  	s0 =	sor.u32 s1, s0  }
0xbc: {  	s0 =	sadd.s32 $0x8F2B, s0  }
0xbd: {  	[sflag:s0] =	ssyncadd.remote.s32 $0x1  }
0xbe: {  	_ =	sfence.sel $0xFFFF  }
0xbf: {  	[dreg:$0x0] =	wrdreg $0xFFFFFFFF;
	(pc) =	sbr.abs _section_cstart, $3  }
0xc0: {  	[dreg:$0x1] =	wrdreg $0xFFFFFFFF  }
0xc1: {  	_ =	task.clear_ibuf [dreg:s6], $0x2FFFF;
	_ =	strace $0x9FFFFFFF  }
0xc2: {  	(tm) =	ssettm $0x7FFFFFFF  }
0xc3: {  	_ =	shalt  }
tec
execute0_lowered:
.L_overlay_start_1:
0x0: {  	(tag) =	ssettag $0x1  }
0x1: {  	s9 =	rddreg [dreg:$0x0];
	s0 =	srdreg.scid  }
0x2: {  	s2 =	rddreg [dreg:$0x1];
	s1 =	stileid.u32  }
0x3: {  	s3 =	simm.s32 $0x0;
	s12 =	simm.s32 $0x42800;
	s14 =	simm.s32 $0x80  }
0x4: {  	s6 =	sand.u32 $0x1, s0;
	s0 =	rddreg [dreg:$0x2];
	s5 =	smul.u32 $0x50000, s1  }
0x5: {  	[smem:$0x7FF] =	sst s3;
	s13 =	smul.u32 $0x2800, s1;
	s4 =	sshll.u32 s6, $0x4  }
0x6: {  	s15 =	sshll.u32 s1, $0x6;
	s7 =	ssub.s32 $0x2, s6;
	s4 =	sor.u32 s1, s4  }
0x7: {  	_ =	strace $0x80000047;
	p0 =	seq.s32 s6, $0x1;
	s4 =	smul.u32 $0x500, s4  }
0x8: {  	s15 =	sor.u32 $0x1C01, s15;
	s8 =	sshrl.u32 s7, $0x1;
	s5 =	sshrl.u32 s5, $0x2  }
0x9: {  	s12 =	simm.s32 @!p0 $0x1A800;
	s10 =	sadd.s32 s4, s9;
	s4 =	sadd.s32 s5, s2  }
0xa: {  	s11 =	ssub.s32 s7, s8;
	s12 =	sadd.s32 s12, s9;
	s5 =	sadd.s32 $0x4000, s4  }
0xb: {  	s6 =	sadd.s32 $0x8000, s4;
	s7 =	sadd.s32 $0xC000, s4;
	s8 =	sadd.s32 $0x10000, s4  }
0xc: {  	s9 =	sadd.s32 $0x10800, s10;
	s10 =	smax.u32 s11, $0x1;
	s11 =	sadd.s32 s12, s13  }
0xd: {  	v0 =	vimm.f32 $0.0e+00;
	v1 =	vimm.f32 $1.000000000e+00;
	s12 =	simm.s32 $0x2800;
	s13 =	simm.s32 $0x1;
	s16 =	sshrl.u32 s4, $0x3  }
.LBB2_1:
0xe: {  	s17 =	simm.s32 $0x200;
	s18 =	simm.s32 $0x0  }
.LBB2_2:
0xf: {  	p0 =	sne.s32 s17, $0xFE00;
	[tilespmem:s18+$0x2800] =	vst v0;
	s18 =	smov.u32 s17;
	s17 =	sadd.s32 $0x200, s17  }
.Ltmp0:
0x10: {  	(pc) =	sbr.rel @p0 .LBB2_2-.Ltmp0, $2  }
0x11: {  	_ =	sdelay $0x2  }
0x12: {  	s18 =	sshra.s32 s18, $0x2  }
0x13: {  	[tilespmem:s18+$0x2800] =	vst v0  }
0x14: {  	[spmem:s4] =	stream.linear.scatter [tilespmem:s12], [sflag:$0x1], $0x4000, $0x38;
	[tilespmem:$0x9000] =	vst v63  }
0x15: {  	_ =	swait.ge [sflag:s13], $0x4000  }
0x16: {  	[sflag:s13] =	ssyncset.done $0x0  }
0x17: {  	[sflag:s13] =	ssyncadd.s32 $0xFFFFC000  }
0x18: {  	[spmem:s5] =	stream.linear.scatter [tilespmem:s12], [sflag:$0x1], $0x4000, $0x38;
	[tilespmem:$0x9000] =	vst v63  }
0x19: {  	_ =	swait.ge [sflag:s13], $0x4000  }
0x1a: {  	[sflag:s13] =	ssyncset.done $0x0  }
0x1b: {  	[sflag:s13] =	ssyncadd.s32 $0xFFFFC000  }
0x1c: {  	[spmem:s6] =	stream.linear.scatter [tilespmem:s12], [sflag:$0x1], $0x4000, $0x38;
	[tilespmem:$0x9000] =	vst v63  }
0x1d: {  	_ =	swait.ge [sflag:s13], $0x4000  }
0x1e: {  	[sflag:s13] =	ssyncset.done $0x0  }
0x1f: {  	[sflag:s13] =	ssyncadd.s32 $0xFFFFC000  }
0x20: {  	[spmem:s7] =	stream.linear.scatter [tilespmem:s12], [sflag:$0x1], $0x4000, $0x38;
	[tilespmem:$0x9000] =	vst v63  }
0x21: {  	_ =	swait.ge [sflag:s13], $0x4000  }
0x22: {  	[sflag:s13] =	ssyncset.done $0x0  }
0x23: {  	[sflag:s13] =	ssyncadd.s32 $0xFFFFC000  }
0x24: {  	[spmem:s8] =	stream.linear.scatter [tilespmem:s12], [sflag:$0x1], $0x4000, $0x38;
	[tilespmem:$0x9000] =	vst v63  }
0x25: {  	_ =	swait.ge [sflag:s13], $0x4000  }
0x26: {  	[sflag:s13] =	ssyncset.done $0x0  }
0x27: {  	s17 =	simm.s32 $0x200;
	s18 =	simm.s32 $0x0;
	[sflag:s13] =	ssyncadd.s32 $0xFFFFC000  }
.LBB2_4:
0x28: {  	p0 =	sne.s32 s17, $0xFE00;
	[tilespmem:s18+$0x2800] =	vst v1;
	s18 =	smov.u32 s17;
	s17 =	sadd.s32 $0x200, s17  }
.Ltmp1:
0x29: {  	(pc) =	sbr.rel @p0 .LBB2_4-.Ltmp1, $2  }
0x2a: {  	_ =	sdelay $0x2  }
0x2b: {  	s18 =	sshra.s32 s18, $0x2  }
0x2c: {  	[tilespmem:s18+$0x2800] =	vst v1  }
0x2d: {  	s17 =	simm.s32 $0x0;
	[bflag:$0x0] =	sbarrier.arrive $0xFFFF  }
0x2e: {  	[tilespmem:s17], [sflag:$0x1] =	stream.linear.gather [hbm4b:s9+s17], $0x2800, $0x38;
	[tilespmem:$0x9000] =	vst v63  }
0x2f: {  	_ =	swait.ge [sflag:s13], $0x2800  }
0x30: {  	[sflag:s13] =	ssyncset.done $0x0  }
0x31: {  	s31 =	simm.s32 $0x0;
	[sflag:s13] =	ssyncadd.s32 $0xFFFFD800  }
0x32: {  	[spmem:s2] =	stream.indirect.scatter.add.f32 [tilespmem:s12], [sflag:$0x1], $0x10, s31, s14, $0xb8;
	[tilespmem:$0x9000] =	vst v63  }
0x33: {  	_ =	swait.ge [sflag:s13], $0x800  }
0x34: {  	s17 =	simm.s32 $0x200;
	[sflag:s13] =	ssyncset.done $0x0  }
.LBB2_6:
0x35: {  	s18 =	sshra.s32 s17, $0x2;
	[sflag:s13] =	ssyncadd.s32 $0xFFFFF800;
	p0 =	sne.s32 s17, $0x9E00  }
0x36: {  	[spmem:s2] =	stream.indirect.scatter.add.f32 [tilespmem:s12], [sflag:$0x1], $0x10, s18, s14, $0xb8;
	[tilespmem:$0x9000] =	vst v63  }
.Ltmp2:
0x37: {  	_ = 	snop;
	(pc) =	sbr.rel @p0 .LBB2_6-.Ltmp2, $4  }
0x38: {  	_ = 	snop  }
0x39: {  	s17 =	sadd.s32 $0x200, s17  }
0x3a: {  	_ =	swait.ge [sflag:s13], $0x800  }
0x3b: {  	[sflag:s13] =	ssyncset.done $0x0  }
0x3c: {  	s3 =	sadd.s32 $0x1, s3  }
0x3d: {  	[sflag:s13] =	ssyncadd.s32 $0xFFFFF800;
	p0 =	sne.s32 s3, s10  }
.Ltmp3:
0x3e: {  	[bflag:$0x0] =	sbarrier.arrive $0xFFFF;
	(pc) =	sbr.rel @p0 .LBB2_1-.Ltmp3, $4  }
0x3f: {  	[hbm:s11], [sflag:s15] =	dma.local [spmem:s16], $0x2800  }
0x40: {  	_ =	swait.ge [sflag:s13], $0x2800  }
0x41: {  	[sflag:s13] =	ssyncset.done $0x0  }
0x42: {  	[sflag:s13] =	ssyncadd.s32 $0xFFFFD800  }
0x43: {  	_ =	sfence.sel $0x180000  }
0x44: {  	[bflag:$0x0] =	sbarrier.arrive $0xFFFF  }
0x45: {  	p0 =	sne.s32 s1, $0x0;
	_ =	strace $0x90000047  }
0x46: {  	s0 =	sadd.s32 @!p0 $0x100000, s0;
	[bflag:$0x2] =	sbarrier.arrive $0xFFFF  }
0x47: {  	[sflag:s0] =	ssyncadd.tile.s32 @!p0 $0x1;
	_ =	shalt  }
.Lfunc_end2:
_tile_overlayer_lowered:
.L_overlay_start_2:
0x48: {  	(tag) =	ssettag $0x2  }
0x49: {  	s0 =	rddreg [dreg:$0x0];
	s2 =	stileid.u32  }
0x4a: {  	s1 =	rddreg [dreg:$0x1];
	p0 =	sne.s32 s2, $0x0  }
0x4b: {  	s3 =	rddreg [dreg:$0x2];
	[bflag:$0x3] =	sbarrier.arrive $0xFFFF;
	s2 =	simm.s32 @!p0 $0x1C01  }
0x4c: {  	[timem:s3], [sflag:s2] =	dma.local @!p0 [hbm:s0], s1  }
0x4d: {  	s0 =	simm.s32 @!p0 $0x1  }
0x4e: {  	_ =	swait.ge @!p0 [sflag:s0], s1  }
0x4f: {  	s1 =	ssub.s32 @!p0 $0x0, s1;
	[sflag:s0] =	ssyncset.done @!p0 $0x0  }
0x50: {  	[sflag:s0] =	ssyncadd.s32 @!p0 s1  }
0x51: {  	[bflag:$0x3] =	sbarrier.arrive $0xFFFF  }
0x52: {  	_ =	shalt  }

// kernel: kernel.14.cloned.1.call-start
scs
__scs_entry_jumppad:
0x0: {  	(pc) =	sbr.rel $0x88, $3  }
0x1: {  	(tag) =	ssettag $0x0;
	lr =	simm.s32 $0x1  }
0x2: {  	[smem:$0x3F95] =	sst lr;
	_ =	strace $0xD0000000  }
0x3: {  	_ = 	snop  }
0x4: {  	_ = 	snop  }
0x5: {  	_ = 	snop  }
0x6: {  	_ = 	snop  }
0x7: {  	_ = 	snop  }
__scs_overlays_trampoline_lowered:
0x8: {  	[smem:$0x3FA4] =	sst s0  }
0x9: {  	[smem:$0x3FA5] =	sst s1  }
0xa: {  	[smem:$0x3FA6] =	sst s2  }
0xb: {  	[smem:$0x3FA7] =	sst s3  }
0xc: {  	[smem:$0x3FA8] =	sst s4  }
0xd: {  	[smem:$0x3FA9] =	sst s5  }
0xe: {  	[smem:$0x3FAA] =	sst s6  }
0xf: {  	[smem:$0x3FAB] =	sst s7  }
0x10: {  	[smem:$0x3FAC] =	sst s8  }
0x11: {  	[smem:$0x3FAD] =	sst s9;
	s0 =	simm.s32 @!p0 $0x0  }
0x12: {  	s1 =	sld [smem:$0x3F93];
	s0 =	simm.s32 @p0 $0x1  }
0x13: {  	[smem:$0x3FAE] =	sst s0;
	s0 =	simm.s32 @!p1 $0x0  }
0x14: {  	s2 =	sld [smem:$0x3F92];
	s0 =	simm.s32 @p1 $0x1  }
0x15: {  	[smem:$0x3FAF] =	sst s0;
	s0 =	simm.s32 @!p2 $0x0  }
0x16: {  	s3 =	sld [smem:$0x3FDB];
	s0 =	simm.s32 @p2 $0x1  }
0x17: {  	s4 =	simm.s32 $0x1BF5;
	[smem:$0x3FB1] =	sst s0  }
0x18: {  	s0 =	sld [smem:$0x3F94];
	_ =	swait.ge [sflag:s4], $0x0  }
0x19: {  	s7 =	sld [smem:$0x3F95]  }
0x1a: {  	s8 =	sadd.s32 $0xFFFFE003, lr  }
0x1b: {  	s9 =	sadd.s32 $0xFFFFFEF7, lr;
	s5 =	simm.s32 $0xFFFFFFFF;
	p2 =	slt.u32 s8, $0xFFFFF086  }
0x1c: {  	p1 =	slt.u32 s9, $0xF7A;
	s5 =	simm.s32 @!p2 $0x0  }
0x1d: {  	s5 =	simm.s32 @p1 $0x1;
	p0 =	seq.s32 s7, s2  }
0x1e: {  	s7 =	smul.u32 @!p0 $0xF7A, s2;
	p2 =	seq.s32 @!p0 s5, $0x0  }
0x1f: {  	s9 =	smul.u32 $0xF7A, s1;
	s8 =	simm.s32 @!p0 $0x1BF5;
	p2 =	por !p2, p0  }
0x20: {  	[sflag:s8] =	ssyncset.s32 @!p0 $0xFFFFF086;
	s6 =	sadd.s32 @!p0 s3, s7;
	s7 =	simm.s32 @!p0 $0x108  }
0x21: {  	s3 =	sadd.s32 s3, s9;
	s6 =	sadd.s32 @!p0 $0x88, s6;
	s7 =	simm.s32 @p2 $0x1082  }
0x22: {  	[simem:s7], [sflag:s8] =	dma.local @!p0 [hbm:s6], $0xF7A  }
0x23: {  	s9 =	sor.u32 $0xD0000000, s2;
	s6 =	simm.s32 $0x108;
	_ =	swait.ge @!p0 [sflag:s8], $0x0  }
0x24: {  	s3 =	sadd.s32 $0x88, s3;
	s6 =	simm.s32 @!p1 $0x1082;
	[sflag:s4] =	ssyncset.s32 $0xFFFFF086  }
0x25: {  	[simem:s6], [sflag:s4] =	dma.local [hbm:s3], $0xF7A  }
0x26: {  	[smem:$0x3F95] =	sst s1;
	(tag) =	ssettag s2;
	_ =	strace s9  }
0x27: {  	s1 =	sld [smem:$0x3FA5]  }
0x28: {  	s2 =	sld [smem:$0x3FA6]  }
0x29: {  	s4 =	sld [smem:$0x3FA8]  }
0x2a: {  	p0 =	seq.s32 s5, $0x0;
	s5 =	sld [smem:$0x3FA9]  }
0x2b: {  	s6 =	sld [smem:$0x3FAA]  }
0x2c: {  	s7 =	sld [smem:$0x3FAB]  }
0x2d: {  	s3 =	simm.s32 $0x108;
	s8 =	sld [smem:$0x3FAC]  }
0x2e: {  	s3 =	simm.s32 @!p0 $0x1082;
	s9 =	sld [smem:$0x3FAD]  }
0x2f: {  	lr =	sadd.s32 s0, s3;
	s0 =	sld [smem:$0x3FA4]  }
0x30: {  	s3 =	sld [smem:$0x3FA7]  }
0x31: {  	[smem:$0x3FB0] =	sst s10  }
0x32: {  	s10 =	sld [smem:$0x3FAE];
	_ =	sdelay $0x3  }
0x33: {  	p0 =	seq.s32 s10, $0x1;
	s10 =	sld [smem:$0x3FB0];
	_ =	sdelay $0x3  }
0x34: {  	[smem:$0x3FB0] =	sst s10  }
0x35: {  	s10 =	sld [smem:$0x3FAF];
	_ =	sdelay $0x3  }
0x36: {  	p1 =	seq.s32 s10, $0x1;
	s10 =	sld [smem:$0x3FB0];
	_ =	sdelay $0x3  }
0x37: {  	[smem:$0x3FB0] =	sst s10  }
0x38: {  	s10 =	sld [smem:$0x3FB1]  }
0x39: {  	_ = 	snop;
	(pc) =	sbr.ind lr, $3  }
0x3a: {  	_ = 	snop  }
0x3b: {  	_ = 	snop  }
0x3c: {  	p2 =	seq.s32 s10, $0x1;
	s10 =	sld [smem:$0x3FB0]  }
0x3d: {  	_ =	shalt  }
0x3e: {  	_ =	shalt  }
0x3f: {  	_ =	shalt  }
0x40: {  	_ =	shalt  }
0x41: {  	_ =	shalt  }
0x42: {  	_ =	shalt  }
0x43: {  	_ =	shalt  }
0x44: {  	_ =	shalt  }
0x45: {  	_ =	shalt  }
0x46: {  	_ =	shalt  }
0x47: {  	_ =	shalt  }
0x48: {  	_ =	shalt  }
0x49: {  	_ =	shalt  }
0x4a: {  	_ =	shalt  }
0x4b: {  	_ =	shalt  }
0x4c: {  	_ =	shalt  }
0x4d: {  	_ =	shalt  }
0x4e: {  	_ =	shalt  }
0x4f: {  	_ =	shalt  }
0x50: {  	_ =	shalt  }
0x51: {  	_ =	shalt  }
0x52: {  	_ =	shalt  }
0x53: {  	_ =	shalt  }
0x54: {  	_ =	shalt  }
0x55: {  	_ =	shalt  }
0x56: {  	_ =	shalt  }
0x57: {  	_ =	shalt  }
0x58: {  	_ =	shalt  }
0x59: {  	_ =	shalt  }
0x5a: {  	_ =	shalt  }
0x5b: {  	_ =	shalt  }
0x5c: {  	_ =	shalt  }
0x5d: {  	_ =	shalt  }
0x5e: {  	_ =	shalt  }
0x5f: {  	_ =	shalt  }
0x60: {  	_ =	shalt  }
0x61: {  	_ =	shalt  }
0x62: {  	_ =	shalt  }
0x63: {  	_ =	shalt  }
0x64: {  	_ =	shalt  }
0x65: {  	_ =	shalt  }
0x66: {  	_ =	shalt  }
0x67: {  	_ =	shalt  }
0x68: {  	_ =	shalt  }
0x69: {  	_ =	shalt  }
0x6a: {  	_ =	shalt  }
0x6b: {  	_ =	shalt  }
0x6c: {  	_ =	shalt  }
0x6d: {  	_ =	shalt  }
0x6e: {  	_ =	shalt  }
0x6f: {  	_ =	shalt  }
0x70: {  	_ =	shalt  }
0x71: {  	_ =	shalt  }
0x72: {  	_ =	shalt  }
0x73: {  	_ =	shalt  }
0x74: {  	_ =	shalt  }
0x75: {  	_ =	shalt  }
0x76: {  	_ =	shalt  }
0x77: {  	_ =	shalt  }
0x78: {  	_ =	shalt  }
0x79: {  	_ =	shalt  }
0x7a: {  	_ =	shalt  }
0x7b: {  	_ =	shalt  }
0x7c: {  	_ =	shalt  }
0x7d: {  	_ =	shalt  }
0x7e: {  	_ =	shalt  }
0x7f: {  	_ =	shalt  }
0x80: {  	_ =	shalt  }
0x81: {  	_ =	shalt  }
0x82: {  	_ =	shalt  }
0x83: {  	_ =	shalt  }
0x84: {  	_ =	shalt  }
0x85: {  	_ =	shalt  }
0x86: {  	_ =	shalt  }
0x87: {  	_ =	shalt  }
.Lfunc_end0:
.L_simem_size_0:
called_computation.1_lowered:
.L_overlay_start_0:
0x88: {  	s2 =	sld [smem:$0x3FD9]  }
0x89: {  	s3 =	sld [smem:$0x3FFE];
	_ =	sdelay $0x1  }
0x8a: {  	s1 =	srdreg.scid  }
0x8b: {  	s0 =	sand.u32 $0x1, s1  }
0x8c: {  	s17 =	sshll.u32 s0, $0xA;
	s2 =	sadd.s32 s3, s2  }
0x8d: {  	s2 =	sadd.s32 s2, s17  }
0x8e: {  	[smem:$0x3FBC] =	sst s2  }
0x8f: {  	_ = 	snop  }
0x90: {  	s2 =	sld [smem:$0x3FD0];
	(tm) =	ssettm $0x1  }
0x91: {  	s18 =	sld [smem:$0x3FFB];
	_ =	sdelay $0x3  }
0x92: {  	_ =	strace s18  }
0x93: {  	s3 =	sld [smem:$0x3FFC];
	_ =	sdelay $0x3  }
0x94: {  	_ =	strace s3  }
0x95: {  	s3 =	sld [smem:$0x3FFD];
	_ =	sdelay $0x3  }
0x96: {  	_ =	strace s3  }
0x97: {  	_ =	strace $0x8FFFFFFF  }
0x98: {  	s19 =	sld [smem:$0x3FDB];
	_ =	sdelay $0x1  }
0x99: {  	s4 =	simm.s32 $_scs_section_size  }
0x9a: {  	s5 =	simm.s32 $_size__tile_overlayer_lowered;
	s6 =	simm.s32 $_tile_overlayer_lowered  }
0x9b: {  	s22 =	simm.s32 $0x1BFF;
	s21 =	sshll.u32 s6, $0x1;
	s3 =	sadd.s32 s4, s19  }
0x9c: {  	s7 =	simm.s32 $0x0;
	s20 =	sshll.u32 s5, $0x1;
	s5 =	sadd.s32 s21, s3  }
0x9d: {  	[timem:s7], [sflag:s22] =	dma.local [hbm:s5], s20  }
0x9e: {  	_ =	swait.ge [sflag:s22], s20  }
0x9f: {  	s4 =	ssub.s32 $0x0, s20;
	[sflag:s22] =	ssyncset.done $0x0  }
0xa0: {  	[sflag:s22] =	ssyncadd.s32 s4;
	_ =	sdelay $0x1  }
0xa1: {  	s23 =	simm.s32 $0x1B8B  }
0xa2: {  	_ =	swait.ge [sflag:s23], $0x1  }
0xa3: {  	[sflag:s23] =	ssyncset.done $0x0  }
0xa4: {  	s25 =	simm.s32 $0x1B8E;
	s24 =	sld [smem:$0x3FFE];
	[sflag:s23] =	ssyncadd.s32 $0xFFFFFFFF  }
0xa5: {  	s26 =	simm.s32 $execute0_lowered;
	[smem:$0x3FD2] =	sst s25  }
0xa6: {  	s5 =	sshll.u32 s26, $0x1;
	_ =	strace $0x80000049;
	[dreg:$0x1] =	wrdreg $0xFFFFFFFF  }
0xa7: {  	s28 =	simm.s32 $_size_execute0_lowered;
	s3 =	sadd.s32 s3, s5;
	[dreg:$0x0] =	wrdreg $0x0  }
0xa8: {  	s5 =	sshll.u32 s28, $0x1;
	[dreg:$0x2] =	wrdreg s3  }
0xa9: {  	[dreg:$0x3] =	wrdreg s5  }
0xaa: {  	[dreg:$0x4] =	wrdreg $0xC0  }
0xab: {  	_ =	task [dreg:s7], $0x5FFFF  }
0xac: {  	[dreg:$0x1] =	wrdreg $0xFFFFFFFF  }
0xad: {  	[dreg:$0x0] =	wrdreg $0x60  }
0xae: {  	[dreg:$0x2] =	wrdreg s2  }
0xaf: {  	[dreg:$0x3] =	wrdreg s24  }
0xb0: {  	[dreg:$0x4] =	wrdreg $0x50000  }
0xb1: {  	[dreg:$0x5] =	wrdreg $0x9  }
0xb2: {  	_ =	task.clear_ibuf [dreg:s7], $0x6FFFF;
	_ =	strace $0x90000049  }
0xb3: {  	s29 =	simm.s32 $0x9;
	_ =	strace $0x8000004B  }
0xb4: {  	_ =	swait.ge [sflag:s29], $0x1  }
0xb5: {  	[sflag:s29] =	ssyncadd.s32 $0xFFFFFFFF  }
0xb6: {  	_ =	strace $0x9000004B  }
0xb7: {  	_ =	sfence  }
0xb8: {  	s30 =	sld [smem:$0x0];
	_ =	sdelay $0x2  }
0xb9: {  	s31 =	sshll.u32 s1, $0xD;
	s1 =	sshrl.u32 s1, $0x2  }
0xba: {  	s3 =	sand.u32 $0x4000, s31;
	s1 =	sadd.s32 s1, s30  }
0xbb: {  	s0 =	sor.u32 s3, s0;
	s1 =	sshll.u32 s1, $0x11  }
0xbc: {  	s0 =	sor.u32 s1, s0  }
0xbd: {  	s0 =	sadd.s32 $0x8F2B, s0  }
0xbe: {  	[sflag:s0] =	ssyncadd.remote.s32 $0x1  }
0xbf: {  	_ =	sfence.sel $0xFFFF  }
0xc0: {  	[dreg:$0x0] =	wrdreg $0xFFFFFFFF;
	(pc) =	sbr.abs _section_cstart, $3  }
0xc1: {  	[dreg:$0x1] =	wrdreg $0xFFFFFFFF  }
0xc2: {  	_ =	task.clear_ibuf [dreg:s7], $0x2FFFF;
	_ =	strace $0x9FFFFFFF  }
0xc3: {  	(tm) =	ssettm $0x7FFFFFFF  }
tec
execute0_lowered:
.L_overlay_start_1:
0x0: {  	(tag) =	ssettag $0x1  }
0x1: {  	s0 =	rddreg [dreg:$0x0]  }
0x2: {  	s1 =	rddreg [dreg:$0x1]  }
0x3: {  	s2 =	rddreg [dreg:$0x2]  }
0x4: {  	s3 =	simm.s32 $0x0;
	s10 =	stileid.u32;
	s4 =	srdreg.scid  }
0x5: {  	s17 =	simm.s32 $0x880;
	s18 =	simm.s32 $0x100;
	s19 =	simm.s32 $0x900  }
0x6: {  	s20 =	simm.s32 $0x180;
	s21 =	simm.s32 $0x980;
	[smem:$0x7FF] =	sst s3  }
0x7: {  	s22 =	simm.s32 $0x200;
	_ =	strace $0x8000004A;
	[dreg:$0x6] =	wrdreg s17  }
0x8: {  	s23 =	simm.s32 $0xA00;
	s24 =	simm.s32 $0x280;
	[dreg:$0x7] =	wrdreg s18  }
0x9: {  	s25 =	simm.s32 $0xA80;
	s26 =	simm.s32 $0x300;
	[dreg:$0x8] =	wrdreg s19  }
0xa: {  	s28 =	simm.s32 $0xD80;
	s29 =	simm.s32 $0x600;
	[dreg:$0x9] =	wrdreg s20  }
0xb: {  	s30 =	simm.s32 $0xE00;
	s5 =	smul.u32 $0x50000, s10;
	[dreg:$0xa] =	wrdreg s21  }
0xc: {  	s31 =	simm.s32 $0x680;
	s6 =	smul.u32 $0xA00, s10;
	[dreg:$0xb] =	wrdreg s22  }
0xd: {  	s7 =	sand.u32 $0x1, s4;
	s4 =	sadd.s32 $0xB8A00, s1;
	[dreg:$0xc] =	wrdreg s23  }
0xe: {  	s14 =	smul.u32 $0x2800, s10;
	s8 =	ssub.s32 $0x2, s7;
	[dreg:$0xd] =	wrdreg s24  }
0xf: {  	p0 =	seq.s32 s7, $0x0;
	p1 =	seq.s32 s7, $0x1;
	[dreg:$0xe] =	wrdreg s25  }
0x10: {  	[dreg:$0xf] =	wrdreg s26;
	s17 =	simm.s32 $0xB00;
	s18 =	simm.s32 $0x380  }
0x11: {  	s19 =	simm.s32 $0xB80;
	s20 =	simm.s32 $0x400;
	s21 =	simm.s32 $0xC00  }
0x12: {  	s22 =	simm.s32 $0x480;
	s23 =	simm.s32 $0xC80;
	s24 =	simm.s32 $0x500  }
0x13: {  	s25 =	simm.s32 $0xD00;
	s26 =	simm.s32 $0x580;
	s5 =	sshrl.u32 s5, $0x2  }
0x14: {  	s7 =	simm.s32 $0x780;
	s6 =	sadd.s32 s6, s1;
	s5 =	sadd.s32 s5, s2  }
0x15: {  	s9 =	sshrl.u32 s8, $0x1;
	s15 =	sadd.s32 $0x10800, s6;
	[dreg:$0x10] =	wrdreg s5  }
0x16: {  	s4 =	smov.u32 @p0 s0;
	s6 =	sadd.s32 $0x6800, s6;
	[dreg:$0x4] =	wrdreg s15  }
0x17: {  	s0 =	simm.s32 $0xE80;
	s11 =	sadd.s32 $0x4000, s5;
	[dreg:$0x5] =	wrdreg s6  }
0x18: {  	s8 =	ssub.s32 s8, s9;
	s12 =	sadd.s32 $0x8000, s5;
	[dreg:$0x11] =	wrdreg s11  }
0x19: {  	s9 =	simm.s32 $0x0;
	s13 =	sadd.s32 $0xC000, s5;
	[dreg:$0x12] =	wrdreg s12  }
0x1a: {  	s5 =	sadd.s32 $0x10000, s5;
	s16 =	smax.u32 s8, $0x1;
	[dreg:$0x13] =	wrdreg s13  }
0x1b: {  	s6 =	simm.s32 $0x107C00;
	s15 =	simm.s32 $0x80;
	[dreg:$0x14] =	wrdreg s5  }
0x1c: {  	s8 =	simm.s32 $0xF80;
	[dreg:$0x15] =	wrdreg s16;
	s6 =	simm.s32 @!p1 $0xDFC00  }
0x1d: {  	s12 =	simm.s32 $0x1000;
	s13 =	simm.s32 $0x2;
	s1 =	sadd.s32 s6, s1  }
0x1e: {  	s16 =	simm.s32 $0x1;
	s6 =	simm.s32 $0xF00;
	s1 =	sadd.s32 s1, s14  }
0x1f: {  	v0 =	vimm.f32 $0.0e+00;
	s14 =	simm.s32 $0x800;
	[dreg:$0x16] =	wrdreg s1;
	s1 =	simm.s32 $0x700  }
.LBB2_1:
0x20: {  	s10 =	simm.s32 $0x0;
	s11 =	simm.s32 $0x200  }
.LBB2_2:
0x21: {  	p0 =	sne.s32 s11, $0xFE00;
	[tilespmem:s10+$0x1070] =	vst v0  }
0x22: {  	[tilespmem:s10+$0x1000] =	vst v0  }
0x23: {  	[tilespmem:s10+$0x1010] =	vst v0  }
.Ltmp0:
0x24: {  	[tilespmem:s10+$0x1020] =	vst v0;
	(pc) =	sbr.rel @p0 .LBB2_2-.Ltmp0, $4  }
0x25: {  	[tilespmem:s10+$0x1030] =	vst v0  }
0x26: {  	[tilespmem:s10+$0x1040] =	vst v0  }
0x27: {  	[tilespmem:s10+$0x1050] =	vst v0  }
0x28: {  	[tilespmem:s10+$0x1060] =	vst v0;
	s10 =	sshra.s32 s11, $0x2;
	s11 =	sadd.s32 $0x200, s11  }
0x29: {  	[tilespmem:s10+$0x1070] =	vst v0  }
0x2a: {  	[tilespmem:s10+$0x1000] =	vst v0  }
0x2b: {  	[tilespmem:s10+$0x1010] =	vst v0  }
0x2c: {  	[tilespmem:s10+$0x1020] =	vst v0  }
0x2d: {  	[tilespmem:s10+$0x1030] =	vst v0  }
0x2e: {  	[tilespmem:s10+$0x1040] =	vst v0  }
0x2f: {  	[tilespmem:s10+$0x1050] =	vst v0  }
0x30: {  	[tilespmem:s10+$0x1060] =	vst v0;
	s5 =	rddreg [dreg:$0x10]  }
0x31: {  	[spmem:s5] =	stream.linear.scatter [tilespmem:s12], [sflag:$0x2], $0x4000, $0x38;
	[tilespmem:$0x19000] =	vst v63  }
0x32: {  	_ =	swait.ge [sflag:s13], $0x4000  }
0x33: {  	[sflag:s13] =	ssyncset.done $0x0  }
0x34: {  	s10 =	rddreg [dreg:$0x11];
	[sflag:s13] =	ssyncadd.s32 $0xFFFFC000  }
0x35: {  	[spmem:s10] =	stream.linear.scatter [tilespmem:s12], [sflag:$0x2], $0x4000, $0x38;
	[tilespmem:$0x19000] =	vst v63  }
0x36: {  	_ =	swait.ge [sflag:s13], $0x4000  }
0x37: {  	[sflag:s13] =	ssyncset.done $0x0  }
0x38: {  	s11 =	rddreg [dreg:$0x12];
	[sflag:s13] =	ssyncadd.s32 $0xFFFFC000  }
0x39: {  	[spmem:s11] =	stream.linear.scatter [tilespmem:s12], [sflag:$0x2], $0x4000, $0x38;
	[tilespmem:$0x19000] =	vst v63  }
0x3a: {  	_ =	swait.ge [sflag:s13], $0x4000  }
0x3b: {  	[sflag:s13] =	ssyncset.done $0x0  }
0x3c: {  	s10 =	rddreg [dreg:$0x13];
	[sflag:s13] =	ssyncadd.s32 $0xFFFFC000  }
0x3d: {  	[spmem:s10] =	stream.linear.scatter [tilespmem:s12], [sflag:$0x2], $0x4000, $0x38;
	[tilespmem:$0x19000] =	vst v63  }
0x3e: {  	_ =	swait.ge [sflag:s13], $0x4000  }
0x3f: {  	[sflag:s13] =	ssyncset.done $0x0  }
0x40: {  	s11 =	rddreg [dreg:$0x14];
	[sflag:s13] =	ssyncadd.s32 $0xFFFFC000  }
0x41: {  	[spmem:s11] =	stream.linear.scatter [tilespmem:s12], [sflag:$0x2], $0x4000, $0x38;
	[tilespmem:$0x19000] =	vst v63  }
0x42: {  	_ =	swait.ge [sflag:s13], $0x4000  }
0x43: {  	[sflag:s13] =	ssyncset.done $0x0  }
0x44: {  	[sflag:s13] =	ssyncadd.s32 $0xFFFFC000  }
0x45: {  	[bflag:$0x0] =	sbarrier.arrive $0xFFFF  }
0x46: {  	s5 =	rddreg [dreg:$0x5]  }
0x47: {  	s10 =	sadd.s32 $0x0, s5  }
0x48: {  	[tilespmem:s3], [sflag:$0x2] =	stream.linear.gather [hbm4b:s10+s3], $0x800, $0x38;
	[tilespmem:$0x19000] =	vst v63  }
0x49: {  	_ =	swait.ge [sflag:s13], $0x800  }
0x4a: {  	s11 =	rddreg [dreg:$0x4];
	[sflag:s13] =	ssyncset.done $0x0  }
0x4b: {  	[sflag:s13] =	ssyncadd.s32 $0xFFFFF800;
	s10 =	sadd.s32 $0x0, s11  }
0x4c: {  	[tilespmem:s14], [sflag:$0x2] =	stream.linear.gather [hbm4b:s10+s3], $0x800, $0x38;
	[tilespmem:$0x19000] =	vst v63  }
0x4d: {  	_ =	swait.ge [sflag:s13], $0x800  }
0x4e: {  	[sflag:s13] =	ssyncset.done $0x0  }
0x4f: {  	[sflag:s13] =	ssyncadd.s32 $0xFFFFF800  }
0x50: {  	[tilespmem:s12], [sflag:$0x1] =	stream.indirect.gather [hbm4b:s4+s15], $0x80, s3, s15, $0xb8;
	[tilespmem:$0x19000] =	vst v63  }
0x51: {  	_ =	swait.ge [sflag:s16], $0x4000  }
0x52: {  	[sflag:s16] =	ssyncset.done $0x0  }
0x53: {  	[sflag:s16] =	ssyncadd.s32 $0xFFFFC000  }
0x54: {  	[spmem:s2] =	stream.indirect.scatter.add.f32 [tilespmem:s12], [sflag:$0x2], $0x80, s14, s15, $0xb8;
	[tilespmem:$0x19000] =	vst v63  }
0x55: {  	_ =	swait.ge [sflag:s13], $0x4000  }
0x56: {  	[sflag:s13] =	ssyncset.done $0x0  }
0x57: {  	[sflag:s13] =	ssyncadd.s32 $0xFFFFC000  }
0x58: {  	[tilespmem:s12], [sflag:$0x1] =	stream.indirect.gather [hbm4b:s4+s15], $0x80, s15, s15, $0xb8;
	[tilespmem:$0x19000] =	vst v63  }
0x59: {  	_ =	swait.ge [sflag:s16], $0x4000  }
0x5a: {  	[sflag:s16] =	ssyncset.done $0x0  }
0x5b: {  	s5 =	rddreg [dreg:$0x6];
	[sflag:s16] =	ssyncadd.s32 $0xFFFFC000  }
0x5c: {  	[spmem:s2] =	stream.indirect.scatter.add.f32 [tilespmem:s12], [sflag:$0x2], $0x80, s5, s15, $0xb8;
	[tilespmem:$0x19000] =	vst v63  }
0x5d: {  	_ =	swait.ge [sflag:s13], $0x4000  }
0x5e: {  	[sflag:s13] =	ssyncset.done $0x0  }
0x5f: {  	s11 =	rddreg [dreg:$0x7];
	[sflag:s13] =	ssyncadd.s32 $0xFFFFC000  }
0x60: {  	[tilespmem:s12], [sflag:$0x1] =	stream.indirect.gather [hbm4b:s4+s15], $0x80, s11, s15, $0xb8;
	[tilespmem:$0x19000] =	vst v63  }
0x61: {  	_ =	swait.ge [sflag:s16], $0x4000  }
0x62: {  	[sflag:s16] =	ssyncset.done $0x0  }
0x63: {  	s5 =	rddreg [dreg:$0x8];
	[sflag:s16] =	ssyncadd.s32 $0xFFFFC000  }
0x64: {  	[spmem:s2] =	stream.indirect.scatter.add.f32 [tilespmem:s12], [sflag:$0x2], $0x80, s5, s15, $0xb8;
	[tilespmem:$0x19000] =	vst v63  }
0x65: {  	_ =	swait.ge [sflag:s13], $0x4000  }
0x66: {  	[sflag:s13] =	ssyncset.done $0x0  }
0x67: {  	s11 =	rddreg [dreg:$0x9];
	[sflag:s13] =	ssyncadd.s32 $0xFFFFC000  }
0x68: {  	[tilespmem:s12], [sflag:$0x1] =	stream.indirect.gather [hbm4b:s4+s15], $0x80, s11, s15, $0xb8;
	[tilespmem:$0x19000] =	vst v63  }
0x69: {  	_ =	swait.ge [sflag:s16], $0x4000  }
0x6a: {  	[sflag:s16] =	ssyncset.done $0x0  }
0x6b: {  	s5 =	rddreg [dreg:$0xa];
	[sflag:s16] =	ssyncadd.s32 $0xFFFFC000  }
0x6c: {  	[spmem:s2] =	stream.indirect.scatter.add.f32 [tilespmem:s12], [sflag:$0x2], $0x80, s5, s15, $0xb8;
	[tilespmem:$0x19000] =	vst v63  }
0x6d: {  	_ =	swait.ge [sflag:s13], $0x4000  }
0x6e: {  	[sflag:s13] =	ssyncset.done $0x0  }
0x6f: {  	s11 =	rddreg [dreg:$0xb];
	[sflag:s13] =	ssyncadd.s32 $0xFFFFC000  }
0x70: {  	[tilespmem:s12], [sflag:$0x1] =	stream.indirect.gather [hbm4b:s4+s15], $0x80, s11, s15, $0xb8;
	[tilespmem:$0x19000] =	vst v63  }
0x71: {  	_ =	swait.ge [sflag:s16], $0x4000  }
0x72: {  	[sflag:s16] =	ssyncset.done $0x0  }
0x73: {  	s5 =	rddreg [dreg:$0xc];
	[sflag:s16] =	ssyncadd.s32 $0xFFFFC000  }
0x74: {  	[spmem:s2] =	stream.indirect.scatter.add.f32 [tilespmem:s12], [sflag:$0x2], $0x80, s5, s15, $0xb8;
	[tilespmem:$0x19000] =	vst v63  }
0x75: {  	_ =	swait.ge [sflag:s13], $0x4000  }
0x76: {  	[sflag:s13] =	ssyncset.done $0x0  }
0x77: {  	s11 =	rddreg [dreg:$0xd];
	[sflag:s13] =	ssyncadd.s32 $0xFFFFC000  }
0x78: {  	[tilespmem:s12], [sflag:$0x1] =	stream.indirect.gather [hbm4b:s4+s15], $0x80, s11, s15, $0xb8;
	[tilespmem:$0x19000] =	vst v63  }
0x79: {  	_ =	swait.ge [sflag:s16], $0x4000  }
0x7a: {  	[sflag:s16] =	ssyncset.done $0x0  }
0x7b: {  	s5 =	rddreg [dreg:$0xe];
	[sflag:s16] =	ssyncadd.s32 $0xFFFFC000  }
0x7c: {  	[spmem:s2] =	stream.indirect.scatter.add.f32 [tilespmem:s12], [sflag:$0x2], $0x80, s5, s15, $0xb8;
	[tilespmem:$0x19000] =	vst v63  }
0x7d: {  	_ =	swait.ge [sflag:s13], $0x4000  }
0x7e: {  	[sflag:s13] =	ssyncset.done $0x0  }
0x7f: {  	s11 =	rddreg [dreg:$0xf];
	[sflag:s13] =	ssyncadd.s32 $0xFFFFC000  }
0x80: {  	[tilespmem:s12], [sflag:$0x1] =	stream.indirect.gather [hbm4b:s4+s15], $0x80, s11, s15, $0xb8;
	[tilespmem:$0x19000] =	vst v63  }
0x81: {  	_ =	swait.ge [sflag:s16], $0x4000  }
0x82: {  	[sflag:s16] =	ssyncset.done $0x0  }
0x83: {  	[sflag:s16] =	ssyncadd.s32 $0xFFFFC000  }
0x84: {  	[spmem:s2] =	stream.indirect.scatter.add.f32 [tilespmem:s12], [sflag:$0x2], $0x80, s17, s15, $0xb8;
	[tilespmem:$0x19000] =	vst v63  }
0x85: {  	_ =	swait.ge [sflag:s13], $0x4000  }
0x86: {  	[sflag:s13] =	ssyncset.done $0x0  }
0x87: {  	[sflag:s13] =	ssyncadd.s32 $0xFFFFC000  }
0x88: {  	[tilespmem:s12], [sflag:$0x1] =	stream.indirect.gather [hbm4b:s4+s15], $0x80, s18, s15, $0xb8;
	[tilespmem:$0x19000] =	vst v63  }
0x89: {  	_ =	swait.ge [sflag:s16], $0x4000  }
0x8a: {  	[sflag:s16] =	ssyncset.done $0x0  }
0x8b: {  	[sflag:s16] =	ssyncadd.s32 $0xFFFFC000  }
0x8c: {  	[spmem:s2] =	stream.indirect.scatter.add.f32 [tilespmem:s12], [sflag:$0x2], $0x80, s19, s15, $0xb8;
	[tilespmem:$0x19000] =	vst v63  }
0x8d: {  	_ =	swait.ge [sflag:s13], $0x4000  }
0x8e: {  	[sflag:s13] =	ssyncset.done $0x0  }
0x8f: {  	[sflag:s13] =	ssyncadd.s32 $0xFFFFC000  }
0x90: {  	[tilespmem:s12], [sflag:$0x1] =	stream.indirect.gather [hbm4b:s4+s15], $0x80, s20, s15, $0xb8;
	[tilespmem:$0x19000] =	vst v63  }
0x91: {  	_ =	swait.ge [sflag:s16], $0x4000  }
0x92: {  	[sflag:s16] =	ssyncset.done $0x0  }
0x93: {  	[sflag:s16] =	ssyncadd.s32 $0xFFFFC000  }
0x94: {  	[spmem:s2] =	stream.indirect.scatter.add.f32 [tilespmem:s12], [sflag:$0x2], $0x80, s21, s15, $0xb8;
	[tilespmem:$0x19000] =	vst v63  }
0x95: {  	_ =	swait.ge [sflag:s13], $0x4000  }
0x96: {  	[sflag:s13] =	ssyncset.done $0x0  }
0x97: {  	[sflag:s13] =	ssyncadd.s32 $0xFFFFC000  }
0x98: {  	[tilespmem:s12], [sflag:$0x1] =	stream.indirect.gather [hbm4b:s4+s15], $0x80, s22, s15, $0xb8;
	[tilespmem:$0x19000] =	vst v63  }
0x99: {  	_ =	swait.ge [sflag:s16], $0x4000  }
0x9a: {  	[sflag:s16] =	ssyncset.done $0x0  }
0x9b: {  	[sflag:s16] =	ssyncadd.s32 $0xFFFFC000  }
0x9c: {  	[spmem:s2] =	stream.indirect.scatter.add.f32 [tilespmem:s12], [sflag:$0x2], $0x80, s23, s15, $0xb8;
	[tilespmem:$0x19000] =	vst v63  }
0x9d: {  	_ =	swait.ge [sflag:s13], $0x4000  }
0x9e: {  	[sflag:s13] =	ssyncset.done $0x0  }
0x9f: {  	[sflag:s13] =	ssyncadd.s32 $0xFFFFC000  }
0xa0: {  	[tilespmem:s12], [sflag:$0x1] =	stream.indirect.gather [hbm4b:s4+s15], $0x80, s24, s15, $0xb8;
	[tilespmem:$0x19000] =	vst v63  }
0xa1: {  	_ =	swait.ge [sflag:s16], $0x4000  }
0xa2: {  	[sflag:s16] =	ssyncset.done $0x0  }
0xa3: {  	[sflag:s16] =	ssyncadd.s32 $0xFFFFC000  }
0xa4: {  	[spmem:s2] =	stream.indirect.scatter.add.f32 [tilespmem:s12], [sflag:$0x2], $0x80, s25, s15, $0xb8;
	[tilespmem:$0x19000] =	vst v63  }
0xa5: {  	_ =	swait.ge [sflag:s13], $0x4000  }
0xa6: {  	[sflag:s13] =	ssyncset.done $0x0  }
0xa7: {  	[sflag:s13] =	ssyncadd.s32 $0xFFFFC000  }
0xa8: {  	[tilespmem:s12], [sflag:$0x1] =	stream.indirect.gather [hbm4b:s4+s15], $0x80, s26, s15, $0xb8;
	[tilespmem:$0x19000] =	vst v63  }
0xa9: {  	_ =	swait.ge [sflag:s16], $0x4000  }
0xaa: {  	[sflag:s16] =	ssyncset.done $0x0  }
0xab: {  	[sflag:s16] =	ssyncadd.s32 $0xFFFFC000  }
0xac: {  	[spmem:s2] =	stream.indirect.scatter.add.f32 [tilespmem:s12], [sflag:$0x2], $0x80, s28, s15, $0xb8;
	[tilespmem:$0x19000] =	vst v63  }
0xad: {  	_ =	swait.ge [sflag:s13], $0x4000  }
0xae: {  	[sflag:s13] =	ssyncset.done $0x0  }
0xaf: {  	[sflag:s13] =	ssyncadd.s32 $0xFFFFC000  }
0xb0: {  	[tilespmem:s12], [sflag:$0x1] =	stream.indirect.gather [hbm4b:s4+s15], $0x80, s29, s15, $0xb8;
	[tilespmem:$0x19000] =	vst v63  }
0xb1: {  	_ =	swait.ge [sflag:s16], $0x4000  }
0xb2: {  	[sflag:s16] =	ssyncset.done $0x0  }
0xb3: {  	[sflag:s16] =	ssyncadd.s32 $0xFFFFC000  }
0xb4: {  	[spmem:s2] =	stream.indirect.scatter.add.f32 [tilespmem:s12], [sflag:$0x2], $0x80, s30, s15, $0xb8;
	[tilespmem:$0x19000] =	vst v63  }
0xb5: {  	_ =	swait.ge [sflag:s13], $0x4000  }
0xb6: {  	[sflag:s13] =	ssyncset.done $0x0  }
0xb7: {  	[sflag:s13] =	ssyncadd.s32 $0xFFFFC000  }
0xb8: {  	[tilespmem:s12], [sflag:$0x1] =	stream.indirect.gather [hbm4b:s4+s15], $0x80, s31, s15, $0xb8;
	[tilespmem:$0x19000] =	vst v63  }
0xb9: {  	_ =	swait.ge [sflag:s16], $0x4000  }
0xba: {  	[sflag:s16] =	ssyncset.done $0x0  }
0xbb: {  	[sflag:s16] =	ssyncadd.s32 $0xFFFFC000  }
0xbc: {  	[spmem:s2] =	stream.indirect.scatter.add.f32 [tilespmem:s12], [sflag:$0x2], $0x80, s0, s15, $0xb8;
	[tilespmem:$0x19000] =	vst v63  }
0xbd: {  	_ =	swait.ge [sflag:s13], $0x4000  }
0xbe: {  	[sflag:s13] =	ssyncset.done $0x0  }
0xbf: {  	[sflag:s13] =	ssyncadd.s32 $0xFFFFC000  }
0xc0: {  	[tilespmem:s12], [sflag:$0x1] =	stream.indirect.gather [hbm4b:s4+s15], $0x80, s1, s15, $0xb8;
	[tilespmem:$0x19000] =	vst v63  }
0xc1: {  	_ =	swait.ge [sflag:s16], $0x4000  }
0xc2: {  	[sflag:s16] =	ssyncset.done $0x0  }
0xc3: {  	[sflag:s16] =	ssyncadd.s32 $0xFFFFC000  }
0xc4: {  	[spmem:s2] =	stream.indirect.scatter.add.f32 [tilespmem:s12], [sflag:$0x2], $0x80, s6, s15, $0xb8;
	[tilespmem:$0x19000] =	vst v63  }
0xc5: {  	_ =	swait.ge [sflag:s13], $0x4000  }
0xc6: {  	[sflag:s13] =	ssyncset.done $0x0  }
0xc7: {  	[sflag:s13] =	ssyncadd.s32 $0xFFFFC000  }
0xc8: {  	[tilespmem:s12], [sflag:$0x1] =	stream.indirect.gather [hbm4b:s4+s15], $0x80, s7, s15, $0xb8;
	[tilespmem:$0x19000] =	vst v63  }
0xc9: {  	_ =	swait.ge [sflag:s16], $0x4000  }
0xca: {  	[sflag:s16] =	ssyncset.done $0x0  }
0xcb: {  	[sflag:s16] =	ssyncadd.s32 $0xFFFFC000  }
0xcc: {  	[spmem:s2] =	stream.indirect.scatter.add.f32 [tilespmem:s12], [sflag:$0x2], $0x80, s8, s15, $0xb8;
	[tilespmem:$0x19000] =	vst v63  }
0xcd: {  	s10 =	simm.s32 $0x100;
	_ =	swait.ge [sflag:s13], $0x4000  }
.LBB2_4:
0xce: {  	s11 =	rddreg [dreg:$0x5];
	s5 =	smov.u32 s10;
	[sflag:s13] =	ssyncset.done $0x0  }
0xcf: {  	s11 =	sadd.s32 s5, s11;
	[sflag:s13] =	ssyncadd.s32 $0xFFFFC000  }
0xd0: {  	[tilespmem:s3], [sflag:$0x2] =	stream.linear.gather [hbm4b:s11+s3], $0x800, $0x38;
	[tilespmem:$0x19000] =	vst v63  }
0xd1: {  	_ =	swait.ge [sflag:s13], $0x800  }
0xd2: {  	s11 =	rddreg [dreg:$0x4];
	[sflag:s13] =	ssyncset.done $0x0  }
0xd3: {  	[sflag:s13] =	ssyncadd.s32 $0xFFFFF800;
	s5 =	sadd.s32 s5, s11  }
0xd4: {  	[tilespmem:s14], [sflag:$0x2] =	stream.linear.gather [hbm4b:s5+s3], $0x800, $0x38;
	[tilespmem:$0x19000] =	vst v63  }
0xd5: {  	_ =	swait.ge [sflag:s13], $0x800  }
0xd6: {  	[sflag:s13] =	ssyncset.done $0x0  }
0xd7: {  	[sflag:s13] =	ssyncadd.s32 $0xFFFFF800  }
0xd8: {  	[tilespmem:s12], [sflag:$0x1] =	stream.indirect.gather [hbm4b:s4+s15], $0x80, s3, s15, $0xb8;
	[tilespmem:$0x19000] =	vst v63  }
0xd9: {  	_ =	swait.ge [sflag:s16], $0x4000  }
0xda: {  	[sflag:s16] =	ssyncset.done $0x0  }
0xdb: {  	[sflag:s16] =	ssyncadd.s32 $0xFFFFC000  }
0xdc: {  	[spmem:s2] =	stream.indirect.scatter.add.f32 [tilespmem:s12], [sflag:$0x2], $0x80, s14, s15, $0xb8;
	[tilespmem:$0x19000] =	vst v63  }
0xdd: {  	_ =	swait.ge [sflag:s13], $0x4000  }
0xde: {  	[sflag:s13] =	ssyncset.done $0x0  }
0xdf: {  	[sflag:s13] =	ssyncadd.s32 $0xFFFFC000  }
0xe0: {  	[tilespmem:s12], [sflag:$0x1] =	stream.indirect.gather [hbm4b:s4+s15], $0x80, s15, s15, $0xb8;
	[tilespmem:$0x19000] =	vst v63  }
0xe1: {  	_ =	swait.ge [sflag:s16], $0x4000  }
0xe2: {  	[sflag:s16] =	ssyncset.done $0x0  }
0xe3: {  	s11 =	rddreg [dreg:$0x6];
	[sflag:s16] =	ssyncadd.s32 $0xFFFFC000  }
0xe4: {  	[spmem:s2] =	stream.indirect.scatter.add.f32 [tilespmem:s12], [sflag:$0x2], $0x80, s11, s15, $0xb8;
	[tilespmem:$0x19000] =	vst v63  }
0xe5: {  	_ =	swait.ge [sflag:s13], $0x4000  }
0xe6: {  	[sflag:s13] =	ssyncset.done $0x0  }
0xe7: {  	s11 =	rddreg [dreg:$0x7];
	[sflag:s13] =	ssyncadd.s32 $0xFFFFC000  }
0xe8: {  	[tilespmem:s12], [sflag:$0x1] =	stream.indirect.gather [hbm4b:s4+s15], $0x80, s11, s15, $0xb8;
	[tilespmem:$0x19000] =	vst v63  }
0xe9: {  	_ =	swait.ge [sflag:s16], $0x4000  }
0xea: {  	[sflag:s16] =	ssyncset.done $0x0  }
0xeb: {  	s11 =	rddreg [dreg:$0x8];
	[sflag:s16] =	ssyncadd.s32 $0xFFFFC000  }
0xec: {  	[spmem:s2] =	stream.indirect.scatter.add.f32 [tilespmem:s12], [sflag:$0x2], $0x80, s11, s15, $0xb8;
	[tilespmem:$0x19000] =	vst v63  }
0xed: {  	_ =	swait.ge [sflag:s13], $0x4000  }
0xee: {  	[sflag:s13] =	ssyncset.done $0x0  }
0xef: {  	s11 =	rddreg [dreg:$0x9];
	[sflag:s13] =	ssyncadd.s32 $0xFFFFC000  }
0xf0: {  	[tilespmem:s12], [sflag:$0x1] =	stream.indirect.gather [hbm4b:s4+s15], $0x80, s11, s15, $0xb8;
	[tilespmem:$0x19000] =	vst v63  }
0xf1: {  	_ =	swait.ge [sflag:s16], $0x4000  }
0xf2: {  	[sflag:s16] =	ssyncset.done $0x0  }
0xf3: {  	s11 =	rddreg [dreg:$0xa];
	[sflag:s16] =	ssyncadd.s32 $0xFFFFC000  }
0xf4: {  	[spmem:s2] =	stream.indirect.scatter.add.f32 [tilespmem:s12], [sflag:$0x2], $0x80, s11, s15, $0xb8;
	[tilespmem:$0x19000] =	vst v63  }
0xf5: {  	_ =	swait.ge [sflag:s13], $0x4000  }
0xf6: {  	[sflag:s13] =	ssyncset.done $0x0  }
0xf7: {  	s11 =	rddreg [dreg:$0xb];
	[sflag:s13] =	ssyncadd.s32 $0xFFFFC000  }
0xf8: {  	[tilespmem:s12], [sflag:$0x1] =	stream.indirect.gather [hbm4b:s4+s15], $0x80, s11, s15, $0xb8;
	[tilespmem:$0x19000] =	vst v63  }
0xf9: {  	_ =	swait.ge [sflag:s16], $0x4000  }
0xfa: {  	[sflag:s16] =	ssyncset.done $0x0  }
0xfb: {  	s11 =	rddreg [dreg:$0xc];
	[sflag:s16] =	ssyncadd.s32 $0xFFFFC000  }
0xfc: {  	[spmem:s2] =	stream.indirect.scatter.add.f32 [tilespmem:s12], [sflag:$0x2], $0x80, s11, s15, $0xb8;
	[tilespmem:$0x19000] =	vst v63  }
0xfd: {  	_ =	swait.ge [sflag:s13], $0x4000  }
0xfe: {  	[sflag:s13] =	ssyncset.done $0x0  }
0xff: {  	s11 =	rddreg [dreg:$0xd];
	[sflag:s13] =	ssyncadd.s32 $0xFFFFC000  }
0x100: {  	[tilespmem:s12], [sflag:$0x1] =	stream.indirect.gather [hbm4b:s4+s15], $0x80, s11, s15, $0xb8;
	[tilespmem:$0x19000] =	vst v63  }
0x101: {  	_ =	swait.ge [sflag:s16], $0x4000  }
0x102: {  	[sflag:s16] =	ssyncset.done $0x0  }
0x103: {  	s11 =	rddreg [dreg:$0xe];
	[sflag:s16] =	ssyncadd.s32 $0xFFFFC000  }
0x104: {  	[spmem:s2] =	stream.indirect.scatter.add.f32 [tilespmem:s12], [sflag:$0x2], $0x80, s11, s15, $0xb8;
	[tilespmem:$0x19000] =	vst v63  }
0x105: {  	_ =	swait.ge [sflag:s13], $0x4000  }
0x106: {  	[sflag:s13] =	ssyncset.done $0x0  }
0x107: {  	s11 =	rddreg [dreg:$0xf];
	[sflag:s13] =	ssyncadd.s32 $0xFFFFC000  }
0x108: {  	[tilespmem:s12], [sflag:$0x1] =	stream.indirect.gather [hbm4b:s4+s15], $0x80, s11, s15, $0xb8;
	[tilespmem:$0x19000] =	vst v63  }
0x109: {  	_ =	swait.ge [sflag:s16], $0x4000  }
0x10a: {  	[sflag:s16] =	ssyncset.done $0x0  }
0x10b: {  	[sflag:s16] =	ssyncadd.s32 $0xFFFFC000  }
0x10c: {  	[spmem:s2] =	stream.indirect.scatter.add.f32 [tilespmem:s12], [sflag:$0x2], $0x80, s17, s15, $0xb8;
	[tilespmem:$0x19000] =	vst v63  }
0x10d: {  	_ =	swait.ge [sflag:s13], $0x4000  }
0x10e: {  	[sflag:s13] =	ssyncset.done $0x0  }
0x10f: {  	[sflag:s13] =	ssyncadd.s32 $0xFFFFC000  }
0x110: {  	[tilespmem:s12], [sflag:$0x1] =	stream.indirect.gather [hbm4b:s4+s15], $0x80, s18, s15, $0xb8;
	[tilespmem:$0x19000] =	vst v63  }
0x111: {  	_ =	swait.ge [sflag:s16], $0x4000  }
0x112: {  	[sflag:s16] =	ssyncset.done $0x0  }
0x113: {  	[sflag:s16] =	ssyncadd.s32 $0xFFFFC000  }
0x114: {  	[spmem:s2] =	stream.indirect.scatter.add.f32 [tilespmem:s12], [sflag:$0x2], $0x80, s19, s15, $0xb8;
	[tilespmem:$0x19000] =	vst v63  }
0x115: {  	_ =	swait.ge [sflag:s13], $0x4000  }
0x116: {  	[sflag:s13] =	ssyncset.done $0x0  }
0x117: {  	[sflag:s13] =	ssyncadd.s32 $0xFFFFC000  }
0x118: {  	[tilespmem:s12], [sflag:$0x1] =	stream.indirect.gather [hbm4b:s4+s15], $0x80, s20, s15, $0xb8;
	[tilespmem:$0x19000] =	vst v63  }
0x119: {  	_ =	swait.ge [sflag:s16], $0x4000  }
0x11a: {  	[sflag:s16] =	ssyncset.done $0x0  }
0x11b: {  	[sflag:s16] =	ssyncadd.s32 $0xFFFFC000  }
0x11c: {  	[spmem:s2] =	stream.indirect.scatter.add.f32 [tilespmem:s12], [sflag:$0x2], $0x80, s21, s15, $0xb8;
	[tilespmem:$0x19000] =	vst v63  }
0x11d: {  	_ =	swait.ge [sflag:s13], $0x4000  }
0x11e: {  	[sflag:s13] =	ssyncset.done $0x0  }
0x11f: {  	[sflag:s13] =	ssyncadd.s32 $0xFFFFC000  }
0x120: {  	[tilespmem:s12], [sflag:$0x1] =	stream.indirect.gather [hbm4b:s4+s15], $0x80, s22, s15, $0xb8;
	[tilespmem:$0x19000] =	vst v63  }
0x121: {  	_ =	swait.ge [sflag:s16], $0x4000  }
0x122: {  	[sflag:s16] =	ssyncset.done $0x0  }
0x123: {  	[sflag:s16] =	ssyncadd.s32 $0xFFFFC000  }
0x124: {  	[spmem:s2] =	stream.indirect.scatter.add.f32 [tilespmem:s12], [sflag:$0x2], $0x80, s23, s15, $0xb8;
	[tilespmem:$0x19000] =	vst v63  }
0x125: {  	_ =	swait.ge [sflag:s13], $0x4000  }
0x126: {  	[sflag:s13] =	ssyncset.done $0x0  }
0x127: {  	[sflag:s13] =	ssyncadd.s32 $0xFFFFC000  }
0x128: {  	[tilespmem:s12], [sflag:$0x1] =	stream.indirect.gather [hbm4b:s4+s15], $0x80, s24, s15, $0xb8;
	[tilespmem:$0x19000] =	vst v63  }
0x129: {  	_ =	swait.ge [sflag:s16], $0x4000  }
0x12a: {  	[sflag:s16] =	ssyncset.done $0x0  }
0x12b: {  	[sflag:s16] =	ssyncadd.s32 $0xFFFFC000  }
0x12c: {  	[spmem:s2] =	stream.indirect.scatter.add.f32 [tilespmem:s12], [sflag:$0x2], $0x80, s25, s15, $0xb8;
	[tilespmem:$0x19000] =	vst v63  }
0x12d: {  	_ =	swait.ge [sflag:s13], $0x4000  }
0x12e: {  	[sflag:s13] =	ssyncset.done $0x0  }
0x12f: {  	[sflag:s13] =	ssyncadd.s32 $0xFFFFC000  }
0x130: {  	[tilespmem:s12], [sflag:$0x1] =	stream.indirect.gather [hbm4b:s4+s15], $0x80, s26, s15, $0xb8;
	[tilespmem:$0x19000] =	vst v63  }
0x131: {  	_ =	swait.ge [sflag:s16], $0x4000  }
0x132: {  	[sflag:s16] =	ssyncset.done $0x0  }
0x133: {  	[sflag:s16] =	ssyncadd.s32 $0xFFFFC000  }
0x134: {  	[spmem:s2] =	stream.indirect.scatter.add.f32 [tilespmem:s12], [sflag:$0x2], $0x80, s28, s15, $0xb8;
	[tilespmem:$0x19000] =	vst v63  }
0x135: {  	_ =	swait.ge [sflag:s13], $0x4000  }
0x136: {  	[sflag:s13] =	ssyncset.done $0x0  }
0x137: {  	[sflag:s13] =	ssyncadd.s32 $0xFFFFC000  }
0x138: {  	[tilespmem:s12], [sflag:$0x1] =	stream.indirect.gather [hbm4b:s4+s15], $0x80, s29, s15, $0xb8;
	[tilespmem:$0x19000] =	vst v63  }
0x139: {  	_ =	swait.ge [sflag:s16], $0x4000  }
0x13a: {  	[sflag:s16] =	ssyncset.done $0x0  }
0x13b: {  	[sflag:s16] =	ssyncadd.s32 $0xFFFFC000  }
0x13c: {  	[spmem:s2] =	stream.indirect.scatter.add.f32 [tilespmem:s12], [sflag:$0x2], $0x80, s30, s15, $0xb8;
	[tilespmem:$0x19000] =	vst v63  }
0x13d: {  	_ =	swait.ge [sflag:s13], $0x4000  }
0x13e: {  	[sflag:s13] =	ssyncset.done $0x0  }
0x13f: {  	[sflag:s13] =	ssyncadd.s32 $0xFFFFC000  }
0x140: {  	[tilespmem:s12], [sflag:$0x1] =	stream.indirect.gather [hbm4b:s4+s15], $0x80, s31, s15, $0xb8;
	[tilespmem:$0x19000] =	vst v63  }
0x141: {  	_ =	swait.ge [sflag:s16], $0x4000  }
0x142: {  	[sflag:s16] =	ssyncset.done $0x0  }
0x143: {  	[sflag:s16] =	ssyncadd.s32 $0xFFFFC000  }
0x144: {  	[spmem:s2] =	stream.indirect.scatter.add.f32 [tilespmem:s12], [sflag:$0x2], $0x80, s0, s15, $0xb8;
	[tilespmem:$0x19000] =	vst v63  }
0x145: {  	_ =	swait.ge [sflag:s13], $0x4000  }
0x146: {  	[sflag:s13] =	ssyncset.done $0x0  }
0x147: {  	[sflag:s13] =	ssyncadd.s32 $0xFFFFC000  }
0x148: {  	[tilespmem:s12], [sflag:$0x1] =	stream.indirect.gather [hbm4b:s4+s15], $0x80, s1, s15, $0xb8;
	[tilespmem:$0x19000] =	vst v63  }
0x149: {  	_ =	swait.ge [sflag:s16], $0x4000  }
0x14a: {  	[sflag:s16] =	ssyncset.done $0x0  }
0x14b: {  	[sflag:s16] =	ssyncadd.s32 $0xFFFFC000  }
0x14c: {  	[spmem:s2] =	stream.indirect.scatter.add.f32 [tilespmem:s12], [sflag:$0x2], $0x80, s6, s15, $0xb8;
	[tilespmem:$0x19000] =	vst v63  }
0x14d: {  	_ =	swait.ge [sflag:s13], $0x4000  }
0x14e: {  	[sflag:s13] =	ssyncset.done $0x0  }
0x14f: {  	p0 =	sne.s32 s10, $0x900;
	[sflag:s13] =	ssyncadd.s32 $0xFFFFC000  }
0x150: {  	[tilespmem:s12], [sflag:$0x1] =	stream.indirect.gather [hbm4b:s4+s15], $0x80, s7, s15, $0xb8;
	[tilespmem:$0x19000] =	vst v63  }
.Ltmp1:
0x151: {  	_ =	swait.ge [sflag:s16], $0x4000;
	(pc) =	sbr.rel @p0 .LBB2_4-.Ltmp1, $4  }
0x152: {  	[sflag:s16] =	ssyncset.done $0x0  }
0x153: {  	[sflag:s16] =	ssyncadd.s32 $0xFFFFC000  }
0x154: {  	[spmem:s2] =	stream.indirect.scatter.add.f32 [tilespmem:s12], [sflag:$0x2], $0x80, s8, s15, $0xb8;
	[tilespmem:$0x19000] =	vst v63  }
0x155: {  	s10 =	sadd.s32 $0x100, s10;
	_ =	swait.ge [sflag:s13], $0x4000  }
0x156: {  	[sflag:s13] =	ssyncset.done $0x0  }
0x157: {  	[sflag:s13] =	ssyncadd.s32 $0xFFFFC000  }
0x158: {  	s5 =	stileid.u32;
	[bflag:$0x0] =	sbarrier.arrive $0xFFFF  }
0x159: {  	s5 =	sshll.u32 s5, $0x6;
	s10 =	rddreg [dreg:$0x10]  }
0x15a: {  	s5 =	sor.u32 $0x1C02, s5;
	s11 =	rddreg [dreg:$0x16];
	s10 =	sshrl.u32 s10, $0x3  }
0x15b: {  	[hbm:s11], [sflag:s5] =	dma.local [spmem:s10], $0x2800  }
0x15c: {  	_ =	swait.ge [sflag:s13], $0x2800  }
0x15d: {  	s9 =	sadd.s32 $0x1, s9;
	s11 =	rddreg [dreg:$0x15]  }
0x15e: {  	p0 =	sne.s32 s9, s11  }
.Ltmp2:
0x15f: {  	_ = 	snop;
	(pc) =	sbr.rel @p0 .LBB2_1-.Ltmp2, $3  }
0x160: {  	_ =	sdelay $0x1  }
0x161: {  	[sflag:s13] =	ssyncset.done $0x0  }
0x162: {  	[sflag:s13] =	ssyncadd.s32 $0xFFFFD800  }
0x163: {  	_ =	sfence.sel $0x180000  }
0x164: {  	[bflag:$0x0] =	sbarrier.arrive $0xFFFF  }
0x165: {  	_ =	strace $0x9000004A  }
0x166: {  	s0 =	stileid.u32;
	[bflag:$0x2] =	sbarrier.arrive $0xFFFF  }
0x167: {  	p0 =	sne.s32 s0, $0x0;
	s0 =	rddreg [dreg:$0x3]  }
0x168: {  	s0 =	sadd.s32 @!p0 $0x100000, s0  }
0x169: {  	[sflag:s0] =	ssyncadd.tile.s32 @!p0 $0x1;
	_ =	shalt  }
.Lfunc_end2:
_tile_overlayer_lowered:
.L_overlay_start_2:
0x16a: {  	(tag) =	ssettag $0x2  }
0x16b: {  	s0 =	rddreg [dreg:$0x0];
	s2 =	stileid.u32  }
0x16c: {  	s1 =	rddreg [dreg:$0x1];
	p0 =	sne.s32 s2, $0x0  }
0x16d: {  	s3 =	rddreg [dreg:$0x2];
	[bflag:$0x3] =	sbarrier.arrive $0xFFFF;
	s2 =	simm.s32 @!p0 $0x1C02  }
0x16e: {  	[timem:s3], [sflag:s2] =	dma.local @!p0 [hbm:s0], s1  }
0x16f: {  	s0 =	simm.s32 @!p0 $0x2  }
0x170: {  	_ =	swait.ge @!p0 [sflag:s0], s1  }
0x171: {  	s1 =	ssub.s32 @!p0 $0x0, s1;
	[sflag:s0] =	ssyncset.done @!p0 $0x0  }
0x172: {  	[sflag:s0] =	ssyncadd.s32 @!p0 s1  }
0x173: {  	[bflag:$0x3] =	sbarrier.arrive $0xFFFF  }
0x174: {  	_ =	shalt  }

// kernel: kernel.17.cloned.1.call-start
scs
__scs_entry_jumppad:
0x0: {  	(pc) =	sbr.rel $0x88, $3  }
0x1: {  	(tag) =	ssettag $0x0;
	lr =	simm.s32 $0x1  }
0x2: {  	[smem:$0x3F95] =	sst lr;
	_ =	strace $0xD0000000  }
0x3: {  	_ = 	snop  }
0x4: {  	_ = 	snop  }
0x5: {  	_ = 	snop  }
0x6: {  	_ = 	snop  }
0x7: {  	_ = 	snop  }
__scs_overlays_trampoline_lowered:
0x8: {  	[smem:$0x3FA4] =	sst s0  }
0x9: {  	[smem:$0x3FA5] =	sst s1  }
0xa: {  	[smem:$0x3FA6] =	sst s2  }
0xb: {  	[smem:$0x3FA7] =	sst s3  }
0xc: {  	[smem:$0x3FA8] =	sst s4  }
0xd: {  	[smem:$0x3FA9] =	sst s5  }
0xe: {  	[smem:$0x3FAA] =	sst s6  }
0xf: {  	[smem:$0x3FAB] =	sst s7  }
0x10: {  	[smem:$0x3FAC] =	sst s8  }
0x11: {  	[smem:$0x3FAD] =	sst s9;
	s0 =	simm.s32 @!p0 $0x0  }
0x12: {  	s1 =	sld [smem:$0x3F93];
	s0 =	simm.s32 @p0 $0x1  }
0x13: {  	[smem:$0x3FAE] =	sst s0;
	s0 =	simm.s32 @!p1 $0x0  }
0x14: {  	s2 =	sld [smem:$0x3F92];
	s0 =	simm.s32 @p1 $0x1  }
0x15: {  	[smem:$0x3FAF] =	sst s0;
	s0 =	simm.s32 @!p2 $0x0  }
0x16: {  	s3 =	sld [smem:$0x3FDB];
	s0 =	simm.s32 @p2 $0x1  }
0x17: {  	s4 =	simm.s32 $0x1BF5;
	[smem:$0x3FB1] =	sst s0  }
0x18: {  	s0 =	sld [smem:$0x3F94];
	_ =	swait.ge [sflag:s4], $0x0  }
0x19: {  	s7 =	sld [smem:$0x3F95]  }
0x1a: {  	s8 =	sadd.s32 $0xFFFFE003, lr  }
0x1b: {  	s9 =	sadd.s32 $0xFFFFFEF7, lr;
	s5 =	simm.s32 $0xFFFFFFFF;
	p2 =	slt.u32 s8, $0xFFFFF086  }
0x1c: {  	p1 =	slt.u32 s9, $0xF7A;
	s5 =	simm.s32 @!p2 $0x0  }
0x1d: {  	s5 =	simm.s32 @p1 $0x1;
	p0 =	seq.s32 s7, s2  }
0x1e: {  	s7 =	smul.u32 @!p0 $0xF7A, s2;
	p2 =	seq.s32 @!p0 s5, $0x0  }
0x1f: {  	s9 =	smul.u32 $0xF7A, s1;
	s8 =	simm.s32 @!p0 $0x1BF5;
	p2 =	por !p2, p0  }
0x20: {  	[sflag:s8] =	ssyncset.s32 @!p0 $0xFFFFF086;
	s6 =	sadd.s32 @!p0 s3, s7;
	s7 =	simm.s32 @!p0 $0x108  }
0x21: {  	s3 =	sadd.s32 s3, s9;
	s6 =	sadd.s32 @!p0 $0x88, s6;
	s7 =	simm.s32 @p2 $0x1082  }
0x22: {  	[simem:s7], [sflag:s8] =	dma.local @!p0 [hbm:s6], $0xF7A  }
0x23: {  	s9 =	sor.u32 $0xD0000000, s2;
	s6 =	simm.s32 $0x108;
	_ =	swait.ge @!p0 [sflag:s8], $0x0  }
0x24: {  	s3 =	sadd.s32 $0x88, s3;
	s6 =	simm.s32 @!p1 $0x1082;
	[sflag:s4] =	ssyncset.s32 $0xFFFFF086  }
0x25: {  	[simem:s6], [sflag:s4] =	dma.local [hbm:s3], $0xF7A  }
0x26: {  	[smem:$0x3F95] =	sst s1;
	(tag) =	ssettag s2;
	_ =	strace s9  }
0x27: {  	s1 =	sld [smem:$0x3FA5]  }
0x28: {  	s2 =	sld [smem:$0x3FA6]  }
0x29: {  	s4 =	sld [smem:$0x3FA8]  }
0x2a: {  	p0 =	seq.s32 s5, $0x0;
	s5 =	sld [smem:$0x3FA9]  }
0x2b: {  	s6 =	sld [smem:$0x3FAA]  }
0x2c: {  	s7 =	sld [smem:$0x3FAB]  }
0x2d: {  	s3 =	simm.s32 $0x108;
	s8 =	sld [smem:$0x3FAC]  }
0x2e: {  	s3 =	simm.s32 @!p0 $0x1082;
	s9 =	sld [smem:$0x3FAD]  }
0x2f: {  	lr =	sadd.s32 s0, s3;
	s0 =	sld [smem:$0x3FA4]  }
0x30: {  	s3 =	sld [smem:$0x3FA7]  }
0x31: {  	[smem:$0x3FB0] =	sst s10  }
0x32: {  	s10 =	sld [smem:$0x3FAE];
	_ =	sdelay $0x3  }
0x33: {  	p0 =	seq.s32 s10, $0x1;
	s10 =	sld [smem:$0x3FB0];
	_ =	sdelay $0x3  }
0x34: {  	[smem:$0x3FB0] =	sst s10  }
0x35: {  	s10 =	sld [smem:$0x3FAF];
	_ =	sdelay $0x3  }
0x36: {  	p1 =	seq.s32 s10, $0x1;
	s10 =	sld [smem:$0x3FB0];
	_ =	sdelay $0x3  }
0x37: {  	[smem:$0x3FB0] =	sst s10  }
0x38: {  	s10 =	sld [smem:$0x3FB1]  }
0x39: {  	_ = 	snop;
	(pc) =	sbr.ind lr, $3  }
0x3a: {  	_ = 	snop  }
0x3b: {  	_ = 	snop  }
0x3c: {  	p2 =	seq.s32 s10, $0x1;
	s10 =	sld [smem:$0x3FB0]  }
0x3d: {  	_ =	shalt  }
0x3e: {  	_ =	shalt  }
0x3f: {  	_ =	shalt  }
0x40: {  	_ =	shalt  }
0x41: {  	_ =	shalt  }
0x42: {  	_ =	shalt  }
0x43: {  	_ =	shalt  }
0x44: {  	_ =	shalt  }
0x45: {  	_ =	shalt  }
0x46: {  	_ =	shalt  }
0x47: {  	_ =	shalt  }
0x48: {  	_ =	shalt  }
0x49: {  	_ =	shalt  }
0x4a: {  	_ =	shalt  }
0x4b: {  	_ =	shalt  }
0x4c: {  	_ =	shalt  }
0x4d: {  	_ =	shalt  }
0x4e: {  	_ =	shalt  }
0x4f: {  	_ =	shalt  }
0x50: {  	_ =	shalt  }
0x51: {  	_ =	shalt  }
0x52: {  	_ =	shalt  }
0x53: {  	_ =	shalt  }
0x54: {  	_ =	shalt  }
0x55: {  	_ =	shalt  }
0x56: {  	_ =	shalt  }
0x57: {  	_ =	shalt  }
0x58: {  	_ =	shalt  }
0x59: {  	_ =	shalt  }
0x5a: {  	_ =	shalt  }
0x5b: {  	_ =	shalt  }
0x5c: {  	_ =	shalt  }
0x5d: {  	_ =	shalt  }
0x5e: {  	_ =	shalt  }
0x5f: {  	_ =	shalt  }
0x60: {  	_ =	shalt  }
0x61: {  	_ =	shalt  }
0x62: {  	_ =	shalt  }
0x63: {  	_ =	shalt  }
0x64: {  	_ =	shalt  }
0x65: {  	_ =	shalt  }
0x66: {  	_ =	shalt  }
0x67: {  	_ =	shalt  }
0x68: {  	_ =	shalt  }
0x69: {  	_ =	shalt  }
0x6a: {  	_ =	shalt  }
0x6b: {  	_ =	shalt  }
0x6c: {  	_ =	shalt  }
0x6d: {  	_ =	shalt  }
0x6e: {  	_ =	shalt  }
0x6f: {  	_ =	shalt  }
0x70: {  	_ =	shalt  }
0x71: {  	_ =	shalt  }
0x72: {  	_ =	shalt  }
0x73: {  	_ =	shalt  }
0x74: {  	_ =	shalt  }
0x75: {  	_ =	shalt  }
0x76: {  	_ =	shalt  }
0x77: {  	_ =	shalt  }
0x78: {  	_ =	shalt  }
0x79: {  	_ =	shalt  }
0x7a: {  	_ =	shalt  }
0x7b: {  	_ =	shalt  }
0x7c: {  	_ =	shalt  }
0x7d: {  	_ =	shalt  }
0x7e: {  	_ =	shalt  }
0x7f: {  	_ =	shalt  }
0x80: {  	_ =	shalt  }
0x81: {  	_ =	shalt  }
0x82: {  	_ =	shalt  }
0x83: {  	_ =	shalt  }
0x84: {  	_ =	shalt  }
0x85: {  	_ =	shalt  }
0x86: {  	_ =	shalt  }
0x87: {  	_ =	shalt  }
.Lfunc_end0:
.L_simem_size_0:
called_computation.2_lowered:
.L_overlay_start_0:
0x88: {  	s2 =	sld [smem:$0x3FD9]  }
0x89: {  	s3 =	sld [smem:$0x3FFE];
	_ =	sdelay $0x1  }
0x8a: {  	s1 =	srdreg.scid  }
0x8b: {  	s0 =	sand.u32 $0x1, s1  }
0x8c: {  	s17 =	sshll.u32 s0, $0xA;
	s2 =	sadd.s32 s3, s2  }
0x8d: {  	s2 =	sadd.s32 s2, s17  }
0x8e: {  	[smem:$0x3FBC] =	sst s2  }
0x8f: {  	_ = 	snop  }
0x90: {  	s2 =	sld [smem:$0x3FD0];
	(tm) =	ssettm $0x1  }
0x91: {  	s18 =	sld [smem:$0x3FFB];
	_ =	sdelay $0x3  }
0x92: {  	_ =	strace s18  }
0x93: {  	s3 =	sld [smem:$0x3FFC];
	_ =	sdelay $0x3  }
0x94: {  	_ =	strace s3  }
0x95: {  	s3 =	sld [smem:$0x3FFD];
	_ =	sdelay $0x3  }
0x96: {  	_ =	strace s3  }
0x97: {  	_ =	strace $0x8FFFFFFF  }
0x98: {  	s19 =	sld [smem:$0x3FDB];
	_ =	sdelay $0x1  }
0x99: {  	s4 =	simm.s32 $_scs_section_size  }
0x9a: {  	s5 =	simm.s32 $_size__tile_overlayer_lowered;
	s6 =	simm.s32 $_tile_overlayer_lowered  }
0x9b: {  	s22 =	simm.s32 $0x1BFF;
	s21 =	sshll.u32 s6, $0x1;
	s3 =	sadd.s32 s4, s19  }
0x9c: {  	s7 =	simm.s32 $0x0;
	s20 =	sshll.u32 s5, $0x1;
	s5 =	sadd.s32 s21, s3  }
0x9d: {  	[timem:s7], [sflag:s22] =	dma.local [hbm:s5], s20  }
0x9e: {  	_ =	swait.ge [sflag:s22], s20  }
0x9f: {  	s4 =	ssub.s32 $0x0, s20;
	[sflag:s22] =	ssyncset.done $0x0  }
0xa0: {  	[sflag:s22] =	ssyncadd.s32 s4;
	_ =	sdelay $0x1  }
0xa1: {  	s23 =	simm.s32 $0x1B8B  }
0xa2: {  	_ =	swait.ge [sflag:s23], $0x1  }
0xa3: {  	[sflag:s23] =	ssyncset.done $0x0  }
0xa4: {  	s25 =	simm.s32 $0x1B8E;
	s24 =	sld [smem:$0x3FFE];
	[sflag:s23] =	ssyncadd.s32 $0xFFFFFFFF  }
0xa5: {  	s26 =	simm.s32 $execute0_lowered;
	[smem:$0x3FD2] =	sst s25  }
0xa6: {  	s5 =	sshll.u32 s26, $0x1;
	_ =	strace $0x8000004C;
	[dreg:$0x1] =	wrdreg $0xFFFFFFFF  }
0xa7: {  	s28 =	simm.s32 $_size_execute0_lowered;
	s3 =	sadd.s32 s3, s5;
	[dreg:$0x0] =	wrdreg $0x0  }
0xa8: {  	s5 =	sshll.u32 s28, $0x1;
	[dreg:$0x2] =	wrdreg s3  }
0xa9: {  	[dreg:$0x3] =	wrdreg s5  }
0xaa: {  	[dreg:$0x4] =	wrdreg $0xC0  }
0xab: {  	_ =	task [dreg:s7], $0x5FFFF  }
0xac: {  	[dreg:$0x1] =	wrdreg $0xFFFFFFFF  }
0xad: {  	[dreg:$0x0] =	wrdreg $0x60  }
0xae: {  	[dreg:$0x2] =	wrdreg s2  }
0xaf: {  	[dreg:$0x3] =	wrdreg s24  }
0xb0: {  	[dreg:$0x4] =	wrdreg $0x50000  }
0xb1: {  	[dreg:$0x5] =	wrdreg $0x9  }
0xb2: {  	_ =	task.clear_ibuf [dreg:s7], $0x6FFFF;
	_ =	strace $0x9000004C  }
0xb3: {  	s29 =	simm.s32 $0x9;
	_ =	strace $0x8000004E  }
0xb4: {  	_ =	swait.ge [sflag:s29], $0x1  }
0xb5: {  	[sflag:s29] =	ssyncadd.s32 $0xFFFFFFFF  }
0xb6: {  	_ =	strace $0x9000004E  }
0xb7: {  	_ =	sfence  }
0xb8: {  	s30 =	sld [smem:$0x0];
	_ =	sdelay $0x2  }
0xb9: {  	s31 =	sshll.u32 s1, $0xD;
	s1 =	sshrl.u32 s1, $0x2  }
0xba: {  	s3 =	sand.u32 $0x4000, s31;
	s1 =	sadd.s32 s1, s30  }
0xbb: {  	s0 =	sor.u32 s3, s0;
	s1 =	sshll.u32 s1, $0x11  }
0xbc: {  	s0 =	sor.u32 s1, s0  }
0xbd: {  	s0 =	sadd.s32 $0x8F2B, s0  }
0xbe: {  	[sflag:s0] =	ssyncadd.remote.s32 $0x1  }
0xbf: {  	_ =	sfence.sel $0xFFFF  }
0xc0: {  	[dreg:$0x0] =	wrdreg $0xFFFFFFFF;
	(pc) =	sbr.abs _section_cstart, $3  }
0xc1: {  	[dreg:$0x1] =	wrdreg $0xFFFFFFFF  }
0xc2: {  	_ =	task.clear_ibuf [dreg:s7], $0x2FFFF;
	_ =	strace $0x9FFFFFFF  }
0xc3: {  	(tm) =	ssettm $0x7FFFFFFF  }
tec
execute0_lowered:
.L_overlay_start_1:
0x0: {  	(tag) =	ssettag $0x1  }
0x1: {  	s0 =	rddreg [dreg:$0x0]  }
0x2: {  	s1 =	rddreg [dreg:$0x1]  }
0x3: {  	s2 =	rddreg [dreg:$0x2]  }
0x4: {  	s3 =	simm.s32 $0x0;
	s10 =	stileid.u32;
	s4 =	srdreg.scid  }
0x5: {  	s17 =	simm.s32 $0x880;
	s18 =	simm.s32 $0x100;
	s19 =	simm.s32 $0x900  }
0x6: {  	s20 =	simm.s32 $0x180;
	s21 =	simm.s32 $0x980;
	[smem:$0x7FF] =	sst s3  }
0x7: {  	s22 =	simm.s32 $0x200;
	_ =	strace $0x8000004D;
	[dreg:$0x6] =	wrdreg s17  }
0x8: {  	s23 =	simm.s32 $0xA00;
	s24 =	simm.s32 $0x280;
	[dreg:$0x7] =	wrdreg s18  }
0x9: {  	s25 =	simm.s32 $0xA80;
	s26 =	simm.s32 $0x300;
	[dreg:$0x8] =	wrdreg s19  }
0xa: {  	s28 =	simm.s32 $0xD80;
	s29 =	simm.s32 $0x600;
	[dreg:$0x9] =	wrdreg s20  }
0xb: {  	s30 =	simm.s32 $0xE00;
	s5 =	smul.u32 $0x50000, s10;
	[dreg:$0xa] =	wrdreg s21  }
0xc: {  	s31 =	simm.s32 $0x680;
	s6 =	smul.u32 $0xA00, s10;
	[dreg:$0xb] =	wrdreg s22  }
0xd: {  	s7 =	sand.u32 $0x1, s4;
	s4 =	sadd.s32 $0x68C00, s1;
	[dreg:$0xc] =	wrdreg s23  }
0xe: {  	s14 =	smul.u32 $0x2800, s10;
	s8 =	ssub.s32 $0x2, s7;
	[dreg:$0xd] =	wrdreg s24  }
0xf: {  	p0 =	seq.s32 s7, $0x0;
	p1 =	seq.s32 s7, $0x1;
	[dreg:$0xe] =	wrdreg s25  }
0x10: {  	[dreg:$0xf] =	wrdreg s26;
	s17 =	simm.s32 $0xB00;
	s18 =	simm.s32 $0x380  }
0x11: {  	s19 =	simm.s32 $0xB80;
	s20 =	simm.s32 $0x400;
	s21 =	simm.s32 $0xC00  }
0x12: {  	s22 =	simm.s32 $0x480;
	s23 =	simm.s32 $0xC80;
	s24 =	simm.s32 $0x500  }
0x13: {  	s25 =	simm.s32 $0xD00;
	s26 =	simm.s32 $0x580;
	s5 =	sshrl.u32 s5, $0x2  }
0x14: {  	s7 =	simm.s32 $0x780;
	s6 =	sadd.s32 s6, s1;
	s5 =	sadd.s32 s5, s2  }
0x15: {  	s9 =	sshrl.u32 s8, $0x1;
	s15 =	sadd.s32 $0x10800, s6;
	[dreg:$0x10] =	wrdreg s5  }
0x16: {  	s4 =	smov.u32 @p0 s0;
	s6 =	sadd.s32 $0x6800, s6;
	[dreg:$0x4] =	wrdreg s15  }
0x17: {  	s0 =	simm.s32 $0xE80;
	s11 =	sadd.s32 $0x4000, s5;
	[dreg:$0x5] =	wrdreg s6  }
0x18: {  	s8 =	ssub.s32 s8, s9;
	s12 =	sadd.s32 $0x8000, s5;
	[dreg:$0x11] =	wrdreg s11  }
0x19: {  	s9 =	simm.s32 $0x0;
	s13 =	sadd.s32 $0xC000, s5;
	[dreg:$0x12] =	wrdreg s12  }
0x1a: {  	s5 =	sadd.s32 $0x10000, s5;
	s16 =	smax.u32 s8, $0x1;
	[dreg:$0x13] =	wrdreg s13  }
0x1b: {  	s6 =	simm.s32 $0x106C00;
	s15 =	simm.s32 $0x80;
	[dreg:$0x14] =	wrdreg s5  }
0x1c: {  	s8 =	simm.s32 $0xF80;
	[dreg:$0x15] =	wrdreg s16;
	s6 =	simm.s32 @!p1 $0x8FE00  }
0x1d: {  	s12 =	simm.s32 $0x1000;
	s13 =	simm.s32 $0x2;
	s1 =	sadd.s32 s6, s1  }
0x1e: {  	s16 =	simm.s32 $0x1;
	s6 =	simm.s32 $0xF00;
	s1 =	sadd.s32 s1, s14  }
0x1f: {  	v0 =	vimm.f32 $0.0e+00;
	s14 =	simm.s32 $0x800;
	[dreg:$0x16] =	wrdreg s1;
	s1 =	simm.s32 $0x700  }
.LBB2_1:
0x20: {  	s10 =	simm.s32 $0x0;
	s11 =	simm.s32 $0x200  }
.LBB2_2:
0x21: {  	p0 =	sne.s32 s11, $0xFE00;
	[tilespmem:s10+$0x1070] =	vst v0  }
0x22: {  	[tilespmem:s10+$0x1000] =	vst v0  }
0x23: {  	[tilespmem:s10+$0x1010] =	vst v0  }
.Ltmp0:
0x24: {  	[tilespmem:s10+$0x1020] =	vst v0;
	(pc) =	sbr.rel @p0 .LBB2_2-.Ltmp0, $4  }
0x25: {  	[tilespmem:s10+$0x1030] =	vst v0  }
0x26: {  	[tilespmem:s10+$0x1040] =	vst v0  }
0x27: {  	[tilespmem:s10+$0x1050] =	vst v0  }
0x28: {  	[tilespmem:s10+$0x1060] =	vst v0;
	s10 =	sshra.s32 s11, $0x2;
	s11 =	sadd.s32 $0x200, s11  }
0x29: {  	[tilespmem:s10+$0x1070] =	vst v0  }
0x2a: {  	[tilespmem:s10+$0x1000] =	vst v0  }
0x2b: {  	[tilespmem:s10+$0x1010] =	vst v0  }
0x2c: {  	[tilespmem:s10+$0x1020] =	vst v0  }
0x2d: {  	[tilespmem:s10+$0x1030] =	vst v0  }
0x2e: {  	[tilespmem:s10+$0x1040] =	vst v0  }
0x2f: {  	[tilespmem:s10+$0x1050] =	vst v0  }
0x30: {  	[tilespmem:s10+$0x1060] =	vst v0;
	s5 =	rddreg [dreg:$0x10]  }
0x31: {  	[spmem:s5] =	stream.linear.scatter [tilespmem:s12], [sflag:$0x2], $0x4000, $0x38;
	[tilespmem:$0x19000] =	vst v63  }
0x32: {  	_ =	swait.ge [sflag:s13], $0x4000  }
0x33: {  	[sflag:s13] =	ssyncset.done $0x0  }
0x34: {  	s10 =	rddreg [dreg:$0x11];
	[sflag:s13] =	ssyncadd.s32 $0xFFFFC000  }
0x35: {  	[spmem:s10] =	stream.linear.scatter [tilespmem:s12], [sflag:$0x2], $0x4000, $0x38;
	[tilespmem:$0x19000] =	vst v63  }
0x36: {  	_ =	swait.ge [sflag:s13], $0x4000  }
0x37: {  	[sflag:s13] =	ssyncset.done $0x0  }
0x38: {  	s11 =	rddreg [dreg:$0x12];
	[sflag:s13] =	ssyncadd.s32 $0xFFFFC000  }
0x39: {  	[spmem:s11] =	stream.linear.scatter [tilespmem:s12], [sflag:$0x2], $0x4000, $0x38;
	[tilespmem:$0x19000] =	vst v63  }
0x3a: {  	_ =	swait.ge [sflag:s13], $0x4000  }
0x3b: {  	[sflag:s13] =	ssyncset.done $0x0  }
0x3c: {  	s10 =	rddreg [dreg:$0x13];
	[sflag:s13] =	ssyncadd.s32 $0xFFFFC000  }
0x3d: {  	[spmem:s10] =	stream.linear.scatter [tilespmem:s12], [sflag:$0x2], $0x4000, $0x38;
	[tilespmem:$0x19000] =	vst v63  }
0x3e: {  	_ =	swait.ge [sflag:s13], $0x4000  }
0x3f: {  	[sflag:s13] =	ssyncset.done $0x0  }
0x40: {  	s11 =	rddreg [dreg:$0x14];
	[sflag:s13] =	ssyncadd.s32 $0xFFFFC000  }
0x41: {  	[spmem:s11] =	stream.linear.scatter [tilespmem:s12], [sflag:$0x2], $0x4000, $0x38;
	[tilespmem:$0x19000] =	vst v63  }
0x42: {  	_ =	swait.ge [sflag:s13], $0x4000  }
0x43: {  	[sflag:s13] =	ssyncset.done $0x0  }
0x44: {  	[sflag:s13] =	ssyncadd.s32 $0xFFFFC000  }
0x45: {  	[bflag:$0x0] =	sbarrier.arrive $0xFFFF  }
0x46: {  	s5 =	rddreg [dreg:$0x5]  }
0x47: {  	s10 =	sadd.s32 $0x0, s5  }
0x48: {  	[tilespmem:s3], [sflag:$0x2] =	stream.linear.gather [hbm4b:s10+s3], $0x800, $0x38;
	[tilespmem:$0x19000] =	vst v63  }
0x49: {  	_ =	swait.ge [sflag:s13], $0x800  }
0x4a: {  	s11 =	rddreg [dreg:$0x4];
	[sflag:s13] =	ssyncset.done $0x0  }
0x4b: {  	[sflag:s13] =	ssyncadd.s32 $0xFFFFF800;
	s10 =	sadd.s32 $0x0, s11  }
0x4c: {  	[tilespmem:s14], [sflag:$0x2] =	stream.linear.gather [hbm4b:s10+s3], $0x800, $0x38;
	[tilespmem:$0x19000] =	vst v63  }
0x4d: {  	_ =	swait.ge [sflag:s13], $0x800  }
0x4e: {  	[sflag:s13] =	ssyncset.done $0x0  }
0x4f: {  	[sflag:s13] =	ssyncadd.s32 $0xFFFFF800  }
0x50: {  	[tilespmem:s12], [sflag:$0x1] =	stream.indirect.gather [hbm4b:s4+s15], $0x80, s3, s15, $0xb8;
	[tilespmem:$0x19000] =	vst v63  }
0x51: {  	_ =	swait.ge [sflag:s16], $0x4000  }
0x52: {  	[sflag:s16] =	ssyncset.done $0x0  }
0x53: {  	[sflag:s16] =	ssyncadd.s32 $0xFFFFC000  }
0x54: {  	[spmem:s2] =	stream.indirect.scatter.add.f32 [tilespmem:s12], [sflag:$0x2], $0x80, s14, s15, $0xb8;
	[tilespmem:$0x19000] =	vst v63  }
0x55: {  	_ =	swait.ge [sflag:s13], $0x4000  }
0x56: {  	[sflag:s13] =	ssyncset.done $0x0  }
0x57: {  	[sflag:s13] =	ssyncadd.s32 $0xFFFFC000  }
0x58: {  	[tilespmem:s12], [sflag:$0x1] =	stream.indirect.gather [hbm4b:s4+s15], $0x80, s15, s15, $0xb8;
	[tilespmem:$0x19000] =	vst v63  }
0x59: {  	_ =	swait.ge [sflag:s16], $0x4000  }
0x5a: {  	[sflag:s16] =	ssyncset.done $0x0  }
0x5b: {  	s5 =	rddreg [dreg:$0x6];
	[sflag:s16] =	ssyncadd.s32 $0xFFFFC000  }
0x5c: {  	[spmem:s2] =	stream.indirect.scatter.add.f32 [tilespmem:s12], [sflag:$0x2], $0x80, s5, s15, $0xb8;
	[tilespmem:$0x19000] =	vst v63  }
0x5d: {  	_ =	swait.ge [sflag:s13], $0x4000  }
0x5e: {  	[sflag:s13] =	ssyncset.done $0x0  }
0x5f: {  	s11 =	rddreg [dreg:$0x7];
	[sflag:s13] =	ssyncadd.s32 $0xFFFFC000  }
0x60: {  	[tilespmem:s12], [sflag:$0x1] =	stream.indirect.gather [hbm4b:s4+s15], $0x80, s11, s15, $0xb8;
	[tilespmem:$0x19000] =	vst v63  }
0x61: {  	_ =	swait.ge [sflag:s16], $0x4000  }
0x62: {  	[sflag:s16] =	ssyncset.done $0x0  }
0x63: {  	s5 =	rddreg [dreg:$0x8];
	[sflag:s16] =	ssyncadd.s32 $0xFFFFC000  }
0x64: {  	[spmem:s2] =	stream.indirect.scatter.add.f32 [tilespmem:s12], [sflag:$0x2], $0x80, s5, s15, $0xb8;
	[tilespmem:$0x19000] =	vst v63  }
0x65: {  	_ =	swait.ge [sflag:s13], $0x4000  }
0x66: {  	[sflag:s13] =	ssyncset.done $0x0  }
0x67: {  	s11 =	rddreg [dreg:$0x9];
	[sflag:s13] =	ssyncadd.s32 $0xFFFFC000  }
0x68: {  	[tilespmem:s12], [sflag:$0x1] =	stream.indirect.gather [hbm4b:s4+s15], $0x80, s11, s15, $0xb8;
	[tilespmem:$0x19000] =	vst v63  }
0x69: {  	_ =	swait.ge [sflag:s16], $0x4000  }
0x6a: {  	[sflag:s16] =	ssyncset.done $0x0  }
0x6b: {  	s5 =	rddreg [dreg:$0xa];
	[sflag:s16] =	ssyncadd.s32 $0xFFFFC000  }
0x6c: {  	[spmem:s2] =	stream.indirect.scatter.add.f32 [tilespmem:s12], [sflag:$0x2], $0x80, s5, s15, $0xb8;
	[tilespmem:$0x19000] =	vst v63  }
0x6d: {  	_ =	swait.ge [sflag:s13], $0x4000  }
0x6e: {  	[sflag:s13] =	ssyncset.done $0x0  }
0x6f: {  	s11 =	rddreg [dreg:$0xb];
	[sflag:s13] =	ssyncadd.s32 $0xFFFFC000  }
0x70: {  	[tilespmem:s12], [sflag:$0x1] =	stream.indirect.gather [hbm4b:s4+s15], $0x80, s11, s15, $0xb8;
	[tilespmem:$0x19000] =	vst v63  }
0x71: {  	_ =	swait.ge [sflag:s16], $0x4000  }
0x72: {  	[sflag:s16] =	ssyncset.done $0x0  }
0x73: {  	s5 =	rddreg [dreg:$0xc];
	[sflag:s16] =	ssyncadd.s32 $0xFFFFC000  }
0x74: {  	[spmem:s2] =	stream.indirect.scatter.add.f32 [tilespmem:s12], [sflag:$0x2], $0x80, s5, s15, $0xb8;
	[tilespmem:$0x19000] =	vst v63  }
0x75: {  	_ =	swait.ge [sflag:s13], $0x4000  }
0x76: {  	[sflag:s13] =	ssyncset.done $0x0  }
0x77: {  	s11 =	rddreg [dreg:$0xd];
	[sflag:s13] =	ssyncadd.s32 $0xFFFFC000  }
0x78: {  	[tilespmem:s12], [sflag:$0x1] =	stream.indirect.gather [hbm4b:s4+s15], $0x80, s11, s15, $0xb8;
	[tilespmem:$0x19000] =	vst v63  }
0x79: {  	_ =	swait.ge [sflag:s16], $0x4000  }
0x7a: {  	[sflag:s16] =	ssyncset.done $0x0  }
0x7b: {  	s5 =	rddreg [dreg:$0xe];
	[sflag:s16] =	ssyncadd.s32 $0xFFFFC000  }
0x7c: {  	[spmem:s2] =	stream.indirect.scatter.add.f32 [tilespmem:s12], [sflag:$0x2], $0x80, s5, s15, $0xb8;
	[tilespmem:$0x19000] =	vst v63  }
0x7d: {  	_ =	swait.ge [sflag:s13], $0x4000  }
0x7e: {  	[sflag:s13] =	ssyncset.done $0x0  }
0x7f: {  	s11 =	rddreg [dreg:$0xf];
	[sflag:s13] =	ssyncadd.s32 $0xFFFFC000  }
0x80: {  	[tilespmem:s12], [sflag:$0x1] =	stream.indirect.gather [hbm4b:s4+s15], $0x80, s11, s15, $0xb8;
	[tilespmem:$0x19000] =	vst v63  }
0x81: {  	_ =	swait.ge [sflag:s16], $0x4000  }
0x82: {  	[sflag:s16] =	ssyncset.done $0x0  }
0x83: {  	[sflag:s16] =	ssyncadd.s32 $0xFFFFC000  }
0x84: {  	[spmem:s2] =	stream.indirect.scatter.add.f32 [tilespmem:s12], [sflag:$0x2], $0x80, s17, s15, $0xb8;
	[tilespmem:$0x19000] =	vst v63  }
0x85: {  	_ =	swait.ge [sflag:s13], $0x4000  }
0x86: {  	[sflag:s13] =	ssyncset.done $0x0  }
0x87: {  	[sflag:s13] =	ssyncadd.s32 $0xFFFFC000  }
0x88: {  	[tilespmem:s12], [sflag:$0x1] =	stream.indirect.gather [hbm4b:s4+s15], $0x80, s18, s15, $0xb8;
	[tilespmem:$0x19000] =	vst v63  }
0x89: {  	_ =	swait.ge [sflag:s16], $0x4000  }
0x8a: {  	[sflag:s16] =	ssyncset.done $0x0  }
0x8b: {  	[sflag:s16] =	ssyncadd.s32 $0xFFFFC000  }
0x8c: {  	[spmem:s2] =	stream.indirect.scatter.add.f32 [tilespmem:s12], [sflag:$0x2], $0x80, s19, s15, $0xb8;
	[tilespmem:$0x19000] =	vst v63  }
0x8d: {  	_ =	swait.ge [sflag:s13], $0x4000  }
0x8e: {  	[sflag:s13] =	ssyncset.done $0x0  }
0x8f: {  	[sflag:s13] =	ssyncadd.s32 $0xFFFFC000  }
0x90: {  	[tilespmem:s12], [sflag:$0x1] =	stream.indirect.gather [hbm4b:s4+s15], $0x80, s20, s15, $0xb8;
	[tilespmem:$0x19000] =	vst v63  }
0x91: {  	_ =	swait.ge [sflag:s16], $0x4000  }
0x92: {  	[sflag:s16] =	ssyncset.done $0x0  }
0x93: {  	[sflag:s16] =	ssyncadd.s32 $0xFFFFC000  }
0x94: {  	[spmem:s2] =	stream.indirect.scatter.add.f32 [tilespmem:s12], [sflag:$0x2], $0x80, s21, s15, $0xb8;
	[tilespmem:$0x19000] =	vst v63  }
0x95: {  	_ =	swait.ge [sflag:s13], $0x4000  }
0x96: {  	[sflag:s13] =	ssyncset.done $0x0  }
0x97: {  	[sflag:s13] =	ssyncadd.s32 $0xFFFFC000  }
0x98: {  	[tilespmem:s12], [sflag:$0x1] =	stream.indirect.gather [hbm4b:s4+s15], $0x80, s22, s15, $0xb8;
	[tilespmem:$0x19000] =	vst v63  }
0x99: {  	_ =	swait.ge [sflag:s16], $0x4000  }
0x9a: {  	[sflag:s16] =	ssyncset.done $0x0  }
0x9b: {  	[sflag:s16] =	ssyncadd.s32 $0xFFFFC000  }
0x9c: {  	[spmem:s2] =	stream.indirect.scatter.add.f32 [tilespmem:s12], [sflag:$0x2], $0x80, s23, s15, $0xb8;
	[tilespmem:$0x19000] =	vst v63  }
0x9d: {  	_ =	swait.ge [sflag:s13], $0x4000  }
0x9e: {  	[sflag:s13] =	ssyncset.done $0x0  }
0x9f: {  	[sflag:s13] =	ssyncadd.s32 $0xFFFFC000  }
0xa0: {  	[tilespmem:s12], [sflag:$0x1] =	stream.indirect.gather [hbm4b:s4+s15], $0x80, s24, s15, $0xb8;
	[tilespmem:$0x19000] =	vst v63  }
0xa1: {  	_ =	swait.ge [sflag:s16], $0x4000  }
0xa2: {  	[sflag:s16] =	ssyncset.done $0x0  }
0xa3: {  	[sflag:s16] =	ssyncadd.s32 $0xFFFFC000  }
0xa4: {  	[spmem:s2] =	stream.indirect.scatter.add.f32 [tilespmem:s12], [sflag:$0x2], $0x80, s25, s15, $0xb8;
	[tilespmem:$0x19000] =	vst v63  }
0xa5: {  	_ =	swait.ge [sflag:s13], $0x4000  }
0xa6: {  	[sflag:s13] =	ssyncset.done $0x0  }
0xa7: {  	[sflag:s13] =	ssyncadd.s32 $0xFFFFC000  }
0xa8: {  	[tilespmem:s12], [sflag:$0x1] =	stream.indirect.gather [hbm4b:s4+s15], $0x80, s26, s15, $0xb8;
	[tilespmem:$0x19000] =	vst v63  }
0xa9: {  	_ =	swait.ge [sflag:s16], $0x4000  }
0xaa: {  	[sflag:s16] =	ssyncset.done $0x0  }
0xab: {  	[sflag:s16] =	ssyncadd.s32 $0xFFFFC000  }
0xac: {  	[spmem:s2] =	stream.indirect.scatter.add.f32 [tilespmem:s12], [sflag:$0x2], $0x80, s28, s15, $0xb8;
	[tilespmem:$0x19000] =	vst v63  }
0xad: {  	_ =	swait.ge [sflag:s13], $0x4000  }
0xae: {  	[sflag:s13] =	ssyncset.done $0x0  }
0xaf: {  	[sflag:s13] =	ssyncadd.s32 $0xFFFFC000  }
0xb0: {  	[tilespmem:s12], [sflag:$0x1] =	stream.indirect.gather [hbm4b:s4+s15], $0x80, s29, s15, $0xb8;
	[tilespmem:$0x19000] =	vst v63  }
0xb1: {  	_ =	swait.ge [sflag:s16], $0x4000  }
0xb2: {  	[sflag:s16] =	ssyncset.done $0x0  }
0xb3: {  	[sflag:s16] =	ssyncadd.s32 $0xFFFFC000  }
0xb4: {  	[spmem:s2] =	stream.indirect.scatter.add.f32 [tilespmem:s12], [sflag:$0x2], $0x80, s30, s15, $0xb8;
	[tilespmem:$0x19000] =	vst v63  }
0xb5: {  	_ =	swait.ge [sflag:s13], $0x4000  }
0xb6: {  	[sflag:s13] =	ssyncset.done $0x0  }
0xb7: {  	[sflag:s13] =	ssyncadd.s32 $0xFFFFC000  }
0xb8: {  	[tilespmem:s12], [sflag:$0x1] =	stream.indirect.gather [hbm4b:s4+s15], $0x80, s31, s15, $0xb8;
	[tilespmem:$0x19000] =	vst v63  }
0xb9: {  	_ =	swait.ge [sflag:s16], $0x4000  }
0xba: {  	[sflag:s16] =	ssyncset.done $0x0  }
0xbb: {  	[sflag:s16] =	ssyncadd.s32 $0xFFFFC000  }
0xbc: {  	[spmem:s2] =	stream.indirect.scatter.add.f32 [tilespmem:s12], [sflag:$0x2], $0x80, s0, s15, $0xb8;
	[tilespmem:$0x19000] =	vst v63  }
0xbd: {  	_ =	swait.ge [sflag:s13], $0x4000  }
0xbe: {  	[sflag:s13] =	ssyncset.done $0x0  }
0xbf: {  	[sflag:s13] =	ssyncadd.s32 $0xFFFFC000  }
0xc0: {  	[tilespmem:s12], [sflag:$0x1] =	stream.indirect.gather [hbm4b:s4+s15], $0x80, s1, s15, $0xb8;
	[tilespmem:$0x19000] =	vst v63  }
0xc1: {  	_ =	swait.ge [sflag:s16], $0x4000  }
0xc2: {  	[sflag:s16] =	ssyncset.done $0x0  }
0xc3: {  	[sflag:s16] =	ssyncadd.s32 $0xFFFFC000  }
0xc4: {  	[spmem:s2] =	stream.indirect.scatter.add.f32 [tilespmem:s12], [sflag:$0x2], $0x80, s6, s15, $0xb8;
	[tilespmem:$0x19000] =	vst v63  }
0xc5: {  	_ =	swait.ge [sflag:s13], $0x4000  }
0xc6: {  	[sflag:s13] =	ssyncset.done $0x0  }
0xc7: {  	[sflag:s13] =	ssyncadd.s32 $0xFFFFC000  }
0xc8: {  	[tilespmem:s12], [sflag:$0x1] =	stream.indirect.gather [hbm4b:s4+s15], $0x80, s7, s15, $0xb8;
	[tilespmem:$0x19000] =	vst v63  }
0xc9: {  	_ =	swait.ge [sflag:s16], $0x4000  }
0xca: {  	[sflag:s16] =	ssyncset.done $0x0  }
0xcb: {  	[sflag:s16] =	ssyncadd.s32 $0xFFFFC000  }
0xcc: {  	[spmem:s2] =	stream.indirect.scatter.add.f32 [tilespmem:s12], [sflag:$0x2], $0x80, s8, s15, $0xb8;
	[tilespmem:$0x19000] =	vst v63  }
0xcd: {  	s10 =	simm.s32 $0x100;
	_ =	swait.ge [sflag:s13], $0x4000  }
.LBB2_4:
0xce: {  	s11 =	rddreg [dreg:$0x5];
	s5 =	smov.u32 s10;
	[sflag:s13] =	ssyncset.done $0x0  }
0xcf: {  	s11 =	sadd.s32 s5, s11;
	[sflag:s13] =	ssyncadd.s32 $0xFFFFC000  }
0xd0: {  	[tilespmem:s3], [sflag:$0x2] =	stream.linear.gather [hbm4b:s11+s3], $0x800, $0x38;
	[tilespmem:$0x19000] =	vst v63  }
0xd1: {  	_ =	swait.ge [sflag:s13], $0x800  }
0xd2: {  	s11 =	rddreg [dreg:$0x4];
	[sflag:s13] =	ssyncset.done $0x0  }
0xd3: {  	[sflag:s13] =	ssyncadd.s32 $0xFFFFF800;
	s5 =	sadd.s32 s5, s11  }
0xd4: {  	[tilespmem:s14], [sflag:$0x2] =	stream.linear.gather [hbm4b:s5+s3], $0x800, $0x38;
	[tilespmem:$0x19000] =	vst v63  }
0xd5: {  	_ =	swait.ge [sflag:s13], $0x800  }
0xd6: {  	[sflag:s13] =	ssyncset.done $0x0  }
0xd7: {  	[sflag:s13] =	ssyncadd.s32 $0xFFFFF800  }
0xd8: {  	[tilespmem:s12], [sflag:$0x1] =	stream.indirect.gather [hbm4b:s4+s15], $0x80, s3, s15, $0xb8;
	[tilespmem:$0x19000] =	vst v63  }
0xd9: {  	_ =	swait.ge [sflag:s16], $0x4000  }
0xda: {  	[sflag:s16] =	ssyncset.done $0x0  }
0xdb: {  	[sflag:s16] =	ssyncadd.s32 $0xFFFFC000  }
0xdc: {  	[spmem:s2] =	stream.indirect.scatter.add.f32 [tilespmem:s12], [sflag:$0x2], $0x80, s14, s15, $0xb8;
	[tilespmem:$0x19000] =	vst v63  }
0xdd: {  	_ =	swait.ge [sflag:s13], $0x4000  }
0xde: {  	[sflag:s13] =	ssyncset.done $0x0  }
0xdf: {  	[sflag:s13] =	ssyncadd.s32 $0xFFFFC000  }
0xe0: {  	[tilespmem:s12], [sflag:$0x1] =	stream.indirect.gather [hbm4b:s4+s15], $0x80, s15, s15, $0xb8;
	[tilespmem:$0x19000] =	vst v63  }
0xe1: {  	_ =	swait.ge [sflag:s16], $0x4000  }
0xe2: {  	[sflag:s16] =	ssyncset.done $0x0  }
0xe3: {  	s11 =	rddreg [dreg:$0x6];
	[sflag:s16] =	ssyncadd.s32 $0xFFFFC000  }
0xe4: {  	[spmem:s2] =	stream.indirect.scatter.add.f32 [tilespmem:s12], [sflag:$0x2], $0x80, s11, s15, $0xb8;
	[tilespmem:$0x19000] =	vst v63  }
0xe5: {  	_ =	swait.ge [sflag:s13], $0x4000  }
0xe6: {  	[sflag:s13] =	ssyncset.done $0x0  }
0xe7: {  	s11 =	rddreg [dreg:$0x7];
	[sflag:s13] =	ssyncadd.s32 $0xFFFFC000  }
0xe8: {  	[tilespmem:s12], [sflag:$0x1] =	stream.indirect.gather [hbm4b:s4+s15], $0x80, s11, s15, $0xb8;
	[tilespmem:$0x19000] =	vst v63  }
0xe9: {  	_ =	swait.ge [sflag:s16], $0x4000  }
0xea: {  	[sflag:s16] =	ssyncset.done $0x0  }
0xeb: {  	s11 =	rddreg [dreg:$0x8];
	[sflag:s16] =	ssyncadd.s32 $0xFFFFC000  }
0xec: {  	[spmem:s2] =	stream.indirect.scatter.add.f32 [tilespmem:s12], [sflag:$0x2], $0x80, s11, s15, $0xb8;
	[tilespmem:$0x19000] =	vst v63  }
0xed: {  	_ =	swait.ge [sflag:s13], $0x4000  }
0xee: {  	[sflag:s13] =	ssyncset.done $0x0  }
0xef: {  	s11 =	rddreg [dreg:$0x9];
	[sflag:s13] =	ssyncadd.s32 $0xFFFFC000  }
0xf0: {  	[tilespmem:s12], [sflag:$0x1] =	stream.indirect.gather [hbm4b:s4+s15], $0x80, s11, s15, $0xb8;
	[tilespmem:$0x19000] =	vst v63  }
0xf1: {  	_ =	swait.ge [sflag:s16], $0x4000  }
0xf2: {  	[sflag:s16] =	ssyncset.done $0x0  }
0xf3: {  	s11 =	rddreg [dreg:$0xa];
	[sflag:s16] =	ssyncadd.s32 $0xFFFFC000  }
0xf4: {  	[spmem:s2] =	stream.indirect.scatter.add.f32 [tilespmem:s12], [sflag:$0x2], $0x80, s11, s15, $0xb8;
	[tilespmem:$0x19000] =	vst v63  }
0xf5: {  	_ =	swait.ge [sflag:s13], $0x4000  }
0xf6: {  	[sflag:s13] =	ssyncset.done $0x0  }
0xf7: {  	s11 =	rddreg [dreg:$0xb];
	[sflag:s13] =	ssyncadd.s32 $0xFFFFC000  }
0xf8: {  	[tilespmem:s12], [sflag:$0x1] =	stream.indirect.gather [hbm4b:s4+s15], $0x80, s11, s15, $0xb8;
	[tilespmem:$0x19000] =	vst v63  }
0xf9: {  	_ =	swait.ge [sflag:s16], $0x4000  }
0xfa: {  	[sflag:s16] =	ssyncset.done $0x0  }
0xfb: {  	s11 =	rddreg [dreg:$0xc];
	[sflag:s16] =	ssyncadd.s32 $0xFFFFC000  }
0xfc: {  	[spmem:s2] =	stream.indirect.scatter.add.f32 [tilespmem:s12], [sflag:$0x2], $0x80, s11, s15, $0xb8;
	[tilespmem:$0x19000] =	vst v63  }
0xfd: {  	_ =	swait.ge [sflag:s13], $0x4000  }
0xfe: {  	[sflag:s13] =	ssyncset.done $0x0  }
0xff: {  	s11 =	rddreg [dreg:$0xd];
	[sflag:s13] =	ssyncadd.s32 $0xFFFFC000  }
0x100: {  	[tilespmem:s12], [sflag:$0x1] =	stream.indirect.gather [hbm4b:s4+s15], $0x80, s11, s15, $0xb8;
	[tilespmem:$0x19000] =	vst v63  }
0x101: {  	_ =	swait.ge [sflag:s16], $0x4000  }
0x102: {  	[sflag:s16] =	ssyncset.done $0x0  }
0x103: {  	s11 =	rddreg [dreg:$0xe];
	[sflag:s16] =	ssyncadd.s32 $0xFFFFC000  }
0x104: {  	[spmem:s2] =	stream.indirect.scatter.add.f32 [tilespmem:s12], [sflag:$0x2], $0x80, s11, s15, $0xb8;
	[tilespmem:$0x19000] =	vst v63  }
0x105: {  	_ =	swait.ge [sflag:s13], $0x4000  }
0x106: {  	[sflag:s13] =	ssyncset.done $0x0  }
0x107: {  	s11 =	rddreg [dreg:$0xf];
	[sflag:s13] =	ssyncadd.s32 $0xFFFFC000  }
0x108: {  	[tilespmem:s12], [sflag:$0x1] =	stream.indirect.gather [hbm4b:s4+s15], $0x80, s11, s15, $0xb8;
	[tilespmem:$0x19000] =	vst v63  }
0x109: {  	_ =	swait.ge [sflag:s16], $0x4000  }
0x10a: {  	[sflag:s16] =	ssyncset.done $0x0  }
0x10b: {  	[sflag:s16] =	ssyncadd.s32 $0xFFFFC000  }
0x10c: {  	[spmem:s2] =	stream.indirect.scatter.add.f32 [tilespmem:s12], [sflag:$0x2], $0x80, s17, s15, $0xb8;
	[tilespmem:$0x19000] =	vst v63  }
0x10d: {  	_ =	swait.ge [sflag:s13], $0x4000  }
0x10e: {  	[sflag:s13] =	ssyncset.done $0x0  }
0x10f: {  	[sflag:s13] =	ssyncadd.s32 $0xFFFFC000  }
0x110: {  	[tilespmem:s12], [sflag:$0x1] =	stream.indirect.gather [hbm4b:s4+s15], $0x80, s18, s15, $0xb8;
	[tilespmem:$0x19000] =	vst v63  }
0x111: {  	_ =	swait.ge [sflag:s16], $0x4000  }
0x112: {  	[sflag:s16] =	ssyncset.done $0x0  }
0x113: {  	[sflag:s16] =	ssyncadd.s32 $0xFFFFC000  }
0x114: {  	[spmem:s2] =	stream.indirect.scatter.add.f32 [tilespmem:s12], [sflag:$0x2], $0x80, s19, s15, $0xb8;
	[tilespmem:$0x19000] =	vst v63  }
0x115: {  	_ =	swait.ge [sflag:s13], $0x4000  }
0x116: {  	[sflag:s13] =	ssyncset.done $0x0  }
0x117: {  	[sflag:s13] =	ssyncadd.s32 $0xFFFFC000  }
0x118: {  	[tilespmem:s12], [sflag:$0x1] =	stream.indirect.gather [hbm4b:s4+s15], $0x80, s20, s15, $0xb8;
	[tilespmem:$0x19000] =	vst v63  }
0x119: {  	_ =	swait.ge [sflag:s16], $0x4000  }
0x11a: {  	[sflag:s16] =	ssyncset.done $0x0  }
0x11b: {  	[sflag:s16] =	ssyncadd.s32 $0xFFFFC000  }
0x11c: {  	[spmem:s2] =	stream.indirect.scatter.add.f32 [tilespmem:s12], [sflag:$0x2], $0x80, s21, s15, $0xb8;
	[tilespmem:$0x19000] =	vst v63  }
0x11d: {  	_ =	swait.ge [sflag:s13], $0x4000  }
0x11e: {  	[sflag:s13] =	ssyncset.done $0x0  }
0x11f: {  	[sflag:s13] =	ssyncadd.s32 $0xFFFFC000  }
0x120: {  	[tilespmem:s12], [sflag:$0x1] =	stream.indirect.gather [hbm4b:s4+s15], $0x80, s22, s15, $0xb8;
	[tilespmem:$0x19000] =	vst v63  }
0x121: {  	_ =	swait.ge [sflag:s16], $0x4000  }
0x122: {  	[sflag:s16] =	ssyncset.done $0x0  }
0x123: {  	[sflag:s16] =	ssyncadd.s32 $0xFFFFC000  }
0x124: {  	[spmem:s2] =	stream.indirect.scatter.add.f32 [tilespmem:s12], [sflag:$0x2], $0x80, s23, s15, $0xb8;
	[tilespmem:$0x19000] =	vst v63  }
0x125: {  	_ =	swait.ge [sflag:s13], $0x4000  }
0x126: {  	[sflag:s13] =	ssyncset.done $0x0  }
0x127: {  	[sflag:s13] =	ssyncadd.s32 $0xFFFFC000  }
0x128: {  	[tilespmem:s12], [sflag:$0x1] =	stream.indirect.gather [hbm4b:s4+s15], $0x80, s24, s15, $0xb8;
	[tilespmem:$0x19000] =	vst v63  }
0x129: {  	_ =	swait.ge [sflag:s16], $0x4000  }
0x12a: {  	[sflag:s16] =	ssyncset.done $0x0  }
0x12b: {  	[sflag:s16] =	ssyncadd.s32 $0xFFFFC000  }
0x12c: {  	[spmem:s2] =	stream.indirect.scatter.add.f32 [tilespmem:s12], [sflag:$0x2], $0x80, s25, s15, $0xb8;
	[tilespmem:$0x19000] =	vst v63  }
0x12d: {  	_ =	swait.ge [sflag:s13], $0x4000  }
0x12e: {  	[sflag:s13] =	ssyncset.done $0x0  }
0x12f: {  	[sflag:s13] =	ssyncadd.s32 $0xFFFFC000  }
0x130: {  	[tilespmem:s12], [sflag:$0x1] =	stream.indirect.gather [hbm4b:s4+s15], $0x80, s26, s15, $0xb8;
	[tilespmem:$0x19000] =	vst v63  }
0x131: {  	_ =	swait.ge [sflag:s16], $0x4000  }
0x132: {  	[sflag:s16] =	ssyncset.done $0x0  }
0x133: {  	[sflag:s16] =	ssyncadd.s32 $0xFFFFC000  }
0x134: {  	[spmem:s2] =	stream.indirect.scatter.add.f32 [tilespmem:s12], [sflag:$0x2], $0x80, s28, s15, $0xb8;
	[tilespmem:$0x19000] =	vst v63  }
0x135: {  	_ =	swait.ge [sflag:s13], $0x4000  }
0x136: {  	[sflag:s13] =	ssyncset.done $0x0  }
0x137: {  	[sflag:s13] =	ssyncadd.s32 $0xFFFFC000  }
0x138: {  	[tilespmem:s12], [sflag:$0x1] =	stream.indirect.gather [hbm4b:s4+s15], $0x80, s29, s15, $0xb8;
	[tilespmem:$0x19000] =	vst v63  }
0x139: {  	_ =	swait.ge [sflag:s16], $0x4000  }
0x13a: {  	[sflag:s16] =	ssyncset.done $0x0  }
0x13b: {  	[sflag:s16] =	ssyncadd.s32 $0xFFFFC000  }
0x13c: {  	[spmem:s2] =	stream.indirect.scatter.add.f32 [tilespmem:s12], [sflag:$0x2], $0x80, s30, s15, $0xb8;
	[tilespmem:$0x19000] =	vst v63  }
0x13d: {  	_ =	swait.ge [sflag:s13], $0x4000  }
0x13e: {  	[sflag:s13] =	ssyncset.done $0x0  }
0x13f: {  	[sflag:s13] =	ssyncadd.s32 $0xFFFFC000  }
0x140: {  	[tilespmem:s12], [sflag:$0x1] =	stream.indirect.gather [hbm4b:s4+s15], $0x80, s31, s15, $0xb8;
	[tilespmem:$0x19000] =	vst v63  }
0x141: {  	_ =	swait.ge [sflag:s16], $0x4000  }
0x142: {  	[sflag:s16] =	ssyncset.done $0x0  }
0x143: {  	[sflag:s16] =	ssyncadd.s32 $0xFFFFC000  }
0x144: {  	[spmem:s2] =	stream.indirect.scatter.add.f32 [tilespmem:s12], [sflag:$0x2], $0x80, s0, s15, $0xb8;
	[tilespmem:$0x19000] =	vst v63  }
0x145: {  	_ =	swait.ge [sflag:s13], $0x4000  }
0x146: {  	[sflag:s13] =	ssyncset.done $0x0  }
0x147: {  	[sflag:s13] =	ssyncadd.s32 $0xFFFFC000  }
0x148: {  	[tilespmem:s12], [sflag:$0x1] =	stream.indirect.gather [hbm4b:s4+s15], $0x80, s1, s15, $0xb8;
	[tilespmem:$0x19000] =	vst v63  }
0x149: {  	_ =	swait.ge [sflag:s16], $0x4000  }
0x14a: {  	[sflag:s16] =	ssyncset.done $0x0  }
0x14b: {  	[sflag:s16] =	ssyncadd.s32 $0xFFFFC000  }
0x14c: {  	[spmem:s2] =	stream.indirect.scatter.add.f32 [tilespmem:s12], [sflag:$0x2], $0x80, s6, s15, $0xb8;
	[tilespmem:$0x19000] =	vst v63  }
0x14d: {  	_ =	swait.ge [sflag:s13], $0x4000  }
0x14e: {  	[sflag:s13] =	ssyncset.done $0x0  }
0x14f: {  	p0 =	sne.s32 s10, $0x900;
	[sflag:s13] =	ssyncadd.s32 $0xFFFFC000  }
0x150: {  	[tilespmem:s12], [sflag:$0x1] =	stream.indirect.gather [hbm4b:s4+s15], $0x80, s7, s15, $0xb8;
	[tilespmem:$0x19000] =	vst v63  }
.Ltmp1:
0x151: {  	_ =	swait.ge [sflag:s16], $0x4000;
	(pc) =	sbr.rel @p0 .LBB2_4-.Ltmp1, $4  }
0x152: {  	[sflag:s16] =	ssyncset.done $0x0  }
0x153: {  	[sflag:s16] =	ssyncadd.s32 $0xFFFFC000  }
0x154: {  	[spmem:s2] =	stream.indirect.scatter.add.f32 [tilespmem:s12], [sflag:$0x2], $0x80, s8, s15, $0xb8;
	[tilespmem:$0x19000] =	vst v63  }
0x155: {  	s10 =	sadd.s32 $0x100, s10;
	_ =	swait.ge [sflag:s13], $0x4000  }
0x156: {  	[sflag:s13] =	ssyncset.done $0x0  }
0x157: {  	[sflag:s13] =	ssyncadd.s32 $0xFFFFC000  }
0x158: {  	s5 =	stileid.u32;
	[bflag:$0x0] =	sbarrier.arrive $0xFFFF  }
0x159: {  	s5 =	sshll.u32 s5, $0x6;
	s10 =	rddreg [dreg:$0x10]  }
0x15a: {  	s5 =	sor.u32 $0x1C02, s5;
	s11 =	rddreg [dreg:$0x16];
	s10 =	sshrl.u32 s10, $0x3  }
0x15b: {  	[hbm:s11], [sflag:s5] =	dma.local [spmem:s10], $0x2800  }
0x15c: {  	_ =	swait.ge [sflag:s13], $0x2800  }
0x15d: {  	s9 =	sadd.s32 $0x1, s9;
	s11 =	rddreg [dreg:$0x15]  }
0x15e: {  	p0 =	sne.s32 s9, s11  }
.Ltmp2:
0x15f: {  	_ = 	snop;
	(pc) =	sbr.rel @p0 .LBB2_1-.Ltmp2, $3  }
0x160: {  	_ =	sdelay $0x1  }
0x161: {  	[sflag:s13] =	ssyncset.done $0x0  }
0x162: {  	[sflag:s13] =	ssyncadd.s32 $0xFFFFD800  }
0x163: {  	_ =	sfence.sel $0x180000  }
0x164: {  	[bflag:$0x0] =	sbarrier.arrive $0xFFFF  }
0x165: {  	_ =	strace $0x9000004D  }
0x166: {  	s0 =	stileid.u32;
	[bflag:$0x2] =	sbarrier.arrive $0xFFFF  }
0x167: {  	p0 =	sne.s32 s0, $0x0;
	s0 =	rddreg [dreg:$0x3]  }
0x168: {  	s0 =	sadd.s32 @!p0 $0x100000, s0  }
0x169: {  	[sflag:s0] =	ssyncadd.tile.s32 @!p0 $0x1;
	_ =	shalt  }
.Lfunc_end2:
_tile_overlayer_lowered:
.L_overlay_start_2:
0x16a: {  	(tag) =	ssettag $0x2  }
0x16b: {  	s0 =	rddreg [dreg:$0x0];
	s2 =	stileid.u32  }
0x16c: {  	s1 =	rddreg [dreg:$0x1];
	p0 =	sne.s32 s2, $0x0  }
0x16d: {  	s3 =	rddreg [dreg:$0x2];
	[bflag:$0x3] =	sbarrier.arrive $0xFFFF;
	s2 =	simm.s32 @!p0 $0x1C02  }
0x16e: {  	[timem:s3], [sflag:s2] =	dma.local @!p0 [hbm:s0], s1  }
0x16f: {  	s0 =	simm.s32 @!p0 $0x2  }
0x170: {  	_ =	swait.ge @!p0 [sflag:s0], s1  }
0x171: {  	s1 =	ssub.s32 @!p0 $0x0, s1;
	[sflag:s0] =	ssyncset.done @!p0 $0x0  }
0x172: {  	[sflag:s0] =	ssyncadd.s32 @!p0 s1  }
0x173: {  	[bflag:$0x3] =	sbarrier.arrive $0xFFFF  }
0x174: {  	_ =	shalt  }

// kernel: kernel.20.cloned.1.call-start
scs
__scs_entry_jumppad:
0x0: {  	(pc) =	sbr.rel $0x88, $3  }
0x1: {  	(tag) =	ssettag $0x0;
	lr =	simm.s32 $0x1  }
0x2: {  	[smem:$0x3F95] =	sst lr;
	_ =	strace $0xD0000000  }
0x3: {  	_ = 	snop  }
0x4: {  	_ = 	snop  }
0x5: {  	_ = 	snop  }
0x6: {  	_ = 	snop  }
0x7: {  	_ = 	snop  }
__scs_overlays_trampoline_lowered:
0x8: {  	[smem:$0x3FA4] =	sst s0  }
0x9: {  	[smem:$0x3FA5] =	sst s1  }
0xa: {  	[smem:$0x3FA6] =	sst s2  }
0xb: {  	[smem:$0x3FA7] =	sst s3  }
0xc: {  	[smem:$0x3FA8] =	sst s4  }
0xd: {  	[smem:$0x3FA9] =	sst s5  }
0xe: {  	[smem:$0x3FAA] =	sst s6  }
0xf: {  	[smem:$0x3FAB] =	sst s7  }
0x10: {  	[smem:$0x3FAC] =	sst s8  }
0x11: {  	[smem:$0x3FAD] =	sst s9;
	s0 =	simm.s32 @!p0 $0x0  }
0x12: {  	s1 =	sld [smem:$0x3F93];
	s0 =	simm.s32 @p0 $0x1  }
0x13: {  	[smem:$0x3FAE] =	sst s0;
	s0 =	simm.s32 @!p1 $0x0  }
0x14: {  	s2 =	sld [smem:$0x3F92];
	s0 =	simm.s32 @p1 $0x1  }
0x15: {  	[smem:$0x3FAF] =	sst s0;
	s0 =	simm.s32 @!p2 $0x0  }
0x16: {  	s3 =	sld [smem:$0x3FDB];
	s0 =	simm.s32 @p2 $0x1  }
0x17: {  	s4 =	simm.s32 $0x1BF5;
	[smem:$0x3FB1] =	sst s0  }
0x18: {  	s0 =	sld [smem:$0x3F94];
	_ =	swait.ge [sflag:s4], $0x0  }
0x19: {  	s7 =	sld [smem:$0x3F95]  }
0x1a: {  	s8 =	sadd.s32 $0xFFFFE003, lr  }
0x1b: {  	s9 =	sadd.s32 $0xFFFFFEF7, lr;
	s5 =	simm.s32 $0xFFFFFFFF;
	p2 =	slt.u32 s8, $0xFFFFF086  }
0x1c: {  	p1 =	slt.u32 s9, $0xF7A;
	s5 =	simm.s32 @!p2 $0x0  }
0x1d: {  	s5 =	simm.s32 @p1 $0x1;
	p0 =	seq.s32 s7, s2  }
0x1e: {  	s7 =	smul.u32 @!p0 $0xF7A, s2;
	p2 =	seq.s32 @!p0 s5, $0x0  }
0x1f: {  	s9 =	smul.u32 $0xF7A, s1;
	s8 =	simm.s32 @!p0 $0x1BF5;
	p2 =	por !p2, p0  }
0x20: {  	[sflag:s8] =	ssyncset.s32 @!p0 $0xFFFFF086;
	s6 =	sadd.s32 @!p0 s3, s7;
	s7 =	simm.s32 @!p0 $0x108  }
0x21: {  	s3 =	sadd.s32 s3, s9;
	s6 =	sadd.s32 @!p0 $0x88, s6;
	s7 =	simm.s32 @p2 $0x1082  }
0x22: {  	[simem:s7], [sflag:s8] =	dma.local @!p0 [hbm:s6], $0xF7A  }
0x23: {  	s9 =	sor.u32 $0xD0000000, s2;
	s6 =	simm.s32 $0x108;
	_ =	swait.ge @!p0 [sflag:s8], $0x0  }
0x24: {  	s3 =	sadd.s32 $0x88, s3;
	s6 =	simm.s32 @!p1 $0x1082;
	[sflag:s4] =	ssyncset.s32 $0xFFFFF086  }
0x25: {  	[simem:s6], [sflag:s4] =	dma.local [hbm:s3], $0xF7A  }
0x26: {  	[smem:$0x3F95] =	sst s1;
	(tag) =	ssettag s2;
	_ =	strace s9  }
0x27: {  	s1 =	sld [smem:$0x3FA5]  }
0x28: {  	s2 =	sld [smem:$0x3FA6]  }
0x29: {  	s4 =	sld [smem:$0x3FA8]  }
0x2a: {  	p0 =	seq.s32 s5, $0x0;
	s5 =	sld [smem:$0x3FA9]  }
0x2b: {  	s6 =	sld [smem:$0x3FAA]  }
0x2c: {  	s7 =	sld [smem:$0x3FAB]  }
0x2d: {  	s3 =	simm.s32 $0x108;
	s8 =	sld [smem:$0x3FAC]  }
0x2e: {  	s3 =	simm.s32 @!p0 $0x1082;
	s9 =	sld [smem:$0x3FAD]  }
0x2f: {  	lr =	sadd.s32 s0, s3;
	s0 =	sld [smem:$0x3FA4]  }
0x30: {  	s3 =	sld [smem:$0x3FA7]  }
0x31: {  	[smem:$0x3FB0] =	sst s10  }
0x32: {  	s10 =	sld [smem:$0x3FAE];
	_ =	sdelay $0x3  }
0x33: {  	p0 =	seq.s32 s10, $0x1;
	s10 =	sld [smem:$0x3FB0];
	_ =	sdelay $0x3  }
0x34: {  	[smem:$0x3FB0] =	sst s10  }
0x35: {  	s10 =	sld [smem:$0x3FAF];
	_ =	sdelay $0x3  }
0x36: {  	p1 =	seq.s32 s10, $0x1;
	s10 =	sld [smem:$0x3FB0];
	_ =	sdelay $0x3  }
0x37: {  	[smem:$0x3FB0] =	sst s10  }
0x38: {  	s10 =	sld [smem:$0x3FB1]  }
0x39: {  	_ = 	snop;
	(pc) =	sbr.ind lr, $3  }
0x3a: {  	_ = 	snop  }
0x3b: {  	_ = 	snop  }
0x3c: {  	p2 =	seq.s32 s10, $0x1;
	s10 =	sld [smem:$0x3FB0]  }
0x3d: {  	_ =	shalt  }
0x3e: {  	_ =	shalt  }
0x3f: {  	_ =	shalt  }
0x40: {  	_ =	shalt  }
0x41: {  	_ =	shalt  }
0x42: {  	_ =	shalt  }
0x43: {  	_ =	shalt  }
0x44: {  	_ =	shalt  }
0x45: {  	_ =	shalt  }
0x46: {  	_ =	shalt  }
0x47: {  	_ =	shalt  }
0x48: {  	_ =	shalt  }
0x49: {  	_ =	shalt  }
0x4a: {  	_ =	shalt  }
0x4b: {  	_ =	shalt  }
0x4c: {  	_ =	shalt  }
0x4d: {  	_ =	shalt  }
0x4e: {  	_ =	shalt  }
0x4f: {  	_ =	shalt  }
0x50: {  	_ =	shalt  }
0x51: {  	_ =	shalt  }
0x52: {  	_ =	shalt  }
0x53: {  	_ =	shalt  }
0x54: {  	_ =	shalt  }
0x55: {  	_ =	shalt  }
0x56: {  	_ =	shalt  }
0x57: {  	_ =	shalt  }
0x58: {  	_ =	shalt  }
0x59: {  	_ =	shalt  }
0x5a: {  	_ =	shalt  }
0x5b: {  	_ =	shalt  }
0x5c: {  	_ =	shalt  }
0x5d: {  	_ =	shalt  }
0x5e: {  	_ =	shalt  }
0x5f: {  	_ =	shalt  }
0x60: {  	_ =	shalt  }
0x61: {  	_ =	shalt  }
0x62: {  	_ =	shalt  }
0x63: {  	_ =	shalt  }
0x64: {  	_ =	shalt  }
0x65: {  	_ =	shalt  }
0x66: {  	_ =	shalt  }
0x67: {  	_ =	shalt  }
0x68: {  	_ =	shalt  }
0x69: {  	_ =	shalt  }
0x6a: {  	_ =	shalt  }
0x6b: {  	_ =	shalt  }
0x6c: {  	_ =	shalt  }
0x6d: {  	_ =	shalt  }
0x6e: {  	_ =	shalt  }
0x6f: {  	_ =	shalt  }
0x70: {  	_ =	shalt  }
0x71: {  	_ =	shalt  }
0x72: {  	_ =	shalt  }
0x73: {  	_ =	shalt  }
0x74: {  	_ =	shalt  }
0x75: {  	_ =	shalt  }
0x76: {  	_ =	shalt  }
0x77: {  	_ =	shalt  }
0x78: {  	_ =	shalt  }
0x79: {  	_ =	shalt  }
0x7a: {  	_ =	shalt  }
0x7b: {  	_ =	shalt  }
0x7c: {  	_ =	shalt  }
0x7d: {  	_ =	shalt  }
0x7e: {  	_ =	shalt  }
0x7f: {  	_ =	shalt  }
0x80: {  	_ =	shalt  }
0x81: {  	_ =	shalt  }
0x82: {  	_ =	shalt  }
0x83: {  	_ =	shalt  }
0x84: {  	_ =	shalt  }
0x85: {  	_ =	shalt  }
0x86: {  	_ =	shalt  }
0x87: {  	_ =	shalt  }
.Lfunc_end0:
.L_simem_size_0:
called_computation.3_lowered:
.L_overlay_start_0:
0x88: {  	s2 =	sld [smem:$0x3FD9]  }
0x89: {  	s3 =	sld [smem:$0x3FFE];
	_ =	sdelay $0x1  }
0x8a: {  	s1 =	srdreg.scid  }
0x8b: {  	s0 =	sand.u32 $0x1, s1  }
0x8c: {  	s17 =	sshll.u32 s0, $0xA;
	s2 =	sadd.s32 s3, s2  }
0x8d: {  	s2 =	sadd.s32 s2, s17  }
0x8e: {  	[smem:$0x3FBC] =	sst s2  }
0x8f: {  	_ = 	snop  }
0x90: {  	s2 =	sld [smem:$0x3FD0];
	(tm) =	ssettm $0x1  }
0x91: {  	s18 =	sld [smem:$0x3FFB];
	_ =	sdelay $0x3  }
0x92: {  	_ =	strace s18  }
0x93: {  	s3 =	sld [smem:$0x3FFC];
	_ =	sdelay $0x3  }
0x94: {  	_ =	strace s3  }
0x95: {  	s3 =	sld [smem:$0x3FFD];
	_ =	sdelay $0x3  }
0x96: {  	_ =	strace s3  }
0x97: {  	_ =	strace $0x8FFFFFFF  }
0x98: {  	s19 =	sld [smem:$0x3FDB];
	_ =	sdelay $0x1  }
0x99: {  	s4 =	simm.s32 $_scs_section_size  }
0x9a: {  	s5 =	simm.s32 $_size__tile_overlayer_lowered;
	s6 =	simm.s32 $_tile_overlayer_lowered  }
0x9b: {  	s22 =	simm.s32 $0x1BFF;
	s21 =	sshll.u32 s6, $0x1;
	s3 =	sadd.s32 s4, s19  }
0x9c: {  	s7 =	simm.s32 $0x0;
	s20 =	sshll.u32 s5, $0x1;
	s5 =	sadd.s32 s21, s3  }
0x9d: {  	[timem:s7], [sflag:s22] =	dma.local [hbm:s5], s20  }
0x9e: {  	_ =	swait.ge [sflag:s22], s20  }
0x9f: {  	s4 =	ssub.s32 $0x0, s20;
	[sflag:s22] =	ssyncset.done $0x0  }
0xa0: {  	[sflag:s22] =	ssyncadd.s32 s4;
	_ =	sdelay $0x1  }
0xa1: {  	s23 =	simm.s32 $0x1B8B  }
0xa2: {  	_ =	swait.ge [sflag:s23], $0x1  }
0xa3: {  	[sflag:s23] =	ssyncset.done $0x0  }
0xa4: {  	s25 =	simm.s32 $0x1B8E;
	s24 =	sld [smem:$0x3FFE];
	[sflag:s23] =	ssyncadd.s32 $0xFFFFFFFF  }
0xa5: {  	s26 =	simm.s32 $execute0_lowered;
	[smem:$0x3FD2] =	sst s25  }
0xa6: {  	s5 =	sshll.u32 s26, $0x1;
	_ =	strace $0x8000004F;
	[dreg:$0x1] =	wrdreg $0xFFFFFFFF  }
0xa7: {  	s28 =	simm.s32 $_size_execute0_lowered;
	s3 =	sadd.s32 s3, s5;
	[dreg:$0x0] =	wrdreg $0x0  }
0xa8: {  	s5 =	sshll.u32 s28, $0x1;
	[dreg:$0x2] =	wrdreg s3  }
0xa9: {  	[dreg:$0x3] =	wrdreg s5  }
0xaa: {  	[dreg:$0x4] =	wrdreg $0xC0  }
0xab: {  	_ =	task [dreg:s7], $0x5FFFF  }
0xac: {  	[dreg:$0x1] =	wrdreg $0xFFFFFFFF  }
0xad: {  	[dreg:$0x0] =	wrdreg $0x60  }
0xae: {  	[dreg:$0x2] =	wrdreg s2  }
0xaf: {  	[dreg:$0x3] =	wrdreg s24  }
0xb0: {  	[dreg:$0x4] =	wrdreg $0x50000  }
0xb1: {  	[dreg:$0x5] =	wrdreg $0x9  }
0xb2: {  	_ =	task.clear_ibuf [dreg:s7], $0x6FFFF;
	_ =	strace $0x9000004F  }
0xb3: {  	s29 =	simm.s32 $0x9;
	_ =	strace $0x80000051  }
0xb4: {  	_ =	swait.ge [sflag:s29], $0x1  }
0xb5: {  	[sflag:s29] =	ssyncadd.s32 $0xFFFFFFFF  }
0xb6: {  	_ =	strace $0x90000051  }
0xb7: {  	_ =	sfence  }
0xb8: {  	s30 =	sld [smem:$0x0];
	_ =	sdelay $0x2  }
0xb9: {  	s31 =	sshll.u32 s1, $0xD;
	s1 =	sshrl.u32 s1, $0x2  }
0xba: {  	s3 =	sand.u32 $0x4000, s31;
	s1 =	sadd.s32 s1, s30  }
0xbb: {  	s0 =	sor.u32 s3, s0;
	s1 =	sshll.u32 s1, $0x11  }
0xbc: {  	s0 =	sor.u32 s1, s0  }
0xbd: {  	s0 =	sadd.s32 $0x8F2B, s0  }
0xbe: {  	[sflag:s0] =	ssyncadd.remote.s32 $0x1  }
0xbf: {  	_ =	sfence.sel $0xFFFF  }
0xc0: {  	[dreg:$0x0] =	wrdreg $0xFFFFFFFF;
	(pc) =	sbr.abs _section_cstart, $3  }
0xc1: {  	[dreg:$0x1] =	wrdreg $0xFFFFFFFF  }
0xc2: {  	_ =	task.clear_ibuf [dreg:s7], $0x2FFFF;
	_ =	strace $0x9FFFFFFF  }
0xc3: {  	(tm) =	ssettm $0x7FFFFFFF  }
tec
execute0_lowered:
.L_overlay_start_1:
0x0: {  	(tag) =	ssettag $0x1  }
0x1: {  	s0 =	rddreg [dreg:$0x0]  }
0x2: {  	s1 =	rddreg [dreg:$0x1]  }
0x3: {  	s2 =	rddreg [dreg:$0x2]  }
0x4: {  	s3 =	simm.s32 $0x0;
	s10 =	stileid.u32;
	s4 =	srdreg.scid  }
0x5: {  	s17 =	simm.s32 $0x880;
	s18 =	simm.s32 $0x100;
	s19 =	simm.s32 $0x900  }
0x6: {  	s20 =	simm.s32 $0x180;
	s21 =	simm.s32 $0x980;
	[smem:$0x7FF] =	sst s3  }
0x7: {  	s22 =	simm.s32 $0x200;
	_ =	strace $0x80000050;
	[dreg:$0x6] =	wrdreg s17  }
0x8: {  	s23 =	simm.s32 $0xA00;
	s24 =	simm.s32 $0x280;
	[dreg:$0x7] =	wrdreg s18  }
0x9: {  	s25 =	simm.s32 $0xA80;
	s26 =	simm.s32 $0x300;
	[dreg:$0x8] =	wrdreg s19  }
0xa: {  	s28 =	simm.s32 $0xD80;
	s29 =	simm.s32 $0x600;
	[dreg:$0x9] =	wrdreg s20  }
0xb: {  	s30 =	simm.s32 $0xE00;
	s5 =	smul.u32 $0x50000, s10;
	[dreg:$0xa] =	wrdreg s21  }
0xc: {  	s31 =	simm.s32 $0x680;
	s6 =	smul.u32 $0xA00, s10;
	[dreg:$0xb] =	wrdreg s22  }
0xd: {  	s7 =	sand.u32 $0x1, s4;
	s4 =	sadd.s32 $0xB6E00, s1;
	[dreg:$0xc] =	wrdreg s23  }
0xe: {  	s14 =	smul.u32 $0x2800, s10;
	s8 =	ssub.s32 $0x2, s7;
	[dreg:$0xd] =	wrdreg s24  }
0xf: {  	p0 =	seq.s32 s7, $0x0;
	p1 =	seq.s32 s7, $0x1;
	[dreg:$0xe] =	wrdreg s25  }
0x10: {  	[dreg:$0xf] =	wrdreg s26;
	s17 =	simm.s32 $0xB00;
	s18 =	simm.s32 $0x380  }
0x11: {  	s19 =	simm.s32 $0xB80;
	s20 =	simm.s32 $0x400;
	s21 =	simm.s32 $0xC00  }
0x12: {  	s22 =	simm.s32 $0x480;
	s23 =	simm.s32 $0xC80;
	s24 =	simm.s32 $0x500  }
0x13: {  	s25 =	simm.s32 $0xD00;
	s26 =	simm.s32 $0x580;
	s5 =	sshrl.u32 s5, $0x2  }
0x14: {  	s7 =	simm.s32 $0x780;
	s6 =	sadd.s32 s6, s1;
	s5 =	sadd.s32 s5, s2  }
0x15: {  	s9 =	sshrl.u32 s8, $0x1;
	s15 =	sadd.s32 $0x10800, s6;
	[dreg:$0x10] =	wrdreg s5  }
0x16: {  	s4 =	smov.u32 @p0 s0;
	s6 =	sadd.s32 $0x6800, s6;
	[dreg:$0x4] =	wrdreg s15  }
0x17: {  	s0 =	simm.s32 $0xE80;
	s11 =	sadd.s32 $0x4000, s5;
	[dreg:$0x5] =	wrdreg s6  }
0x18: {  	s8 =	ssub.s32 s8, s9;
	s12 =	sadd.s32 $0x8000, s5;
	[dreg:$0x11] =	wrdreg s11  }
0x19: {  	s9 =	simm.s32 $0x0;
	s13 =	sadd.s32 $0xC000, s5;
	[dreg:$0x12] =	wrdreg s12  }
0x1a: {  	s5 =	sadd.s32 $0x10000, s5;
	s16 =	smax.u32 s8, $0x1;
	[dreg:$0x13] =	wrdreg s13  }
0x1b: {  	s6 =	simm.s32 $0x106000;
	s15 =	simm.s32 $0x80;
	[dreg:$0x14] =	wrdreg s5  }
0x1c: {  	s8 =	simm.s32 $0xF80;
	[dreg:$0x15] =	wrdreg s16;
	s6 =	simm.s32 @!p1 $0xDE000  }
0x1d: {  	s12 =	simm.s32 $0x1000;
	s13 =	simm.s32 $0x2;
	s1 =	sadd.s32 s6, s1  }
0x1e: {  	s16 =	simm.s32 $0x1;
	s6 =	simm.s32 $0xF00;
	s1 =	sadd.s32 s1, s14  }
0x1f: {  	v0 =	vimm.f32 $0.0e+00;
	s14 =	simm.s32 $0x800;
	[dreg:$0x16] =	wrdreg s1;
	s1 =	simm.s32 $0x700  }
.LBB2_1:
0x20: {  	s10 =	simm.s32 $0x0;
	s11 =	simm.s32 $0x200  }
.LBB2_2:
0x21: {  	p0 =	sne.s32 s11, $0xFE00;
	[tilespmem:s10+$0x1070] =	vst v0  }
0x22: {  	[tilespmem:s10+$0x1000] =	vst v0  }
0x23: {  	[tilespmem:s10+$0x1010] =	vst v0  }
.Ltmp0:
0x24: {  	[tilespmem:s10+$0x1020] =	vst v0;
	(pc) =	sbr.rel @p0 .LBB2_2-.Ltmp0, $4  }
0x25: {  	[tilespmem:s10+$0x1030] =	vst v0  }
0x26: {  	[tilespmem:s10+$0x1040] =	vst v0  }
0x27: {  	[tilespmem:s10+$0x1050] =	vst v0  }
0x28: {  	[tilespmem:s10+$0x1060] =	vst v0;
	s10 =	sshra.s32 s11, $0x2;
	s11 =	sadd.s32 $0x200, s11  }
0x29: {  	[tilespmem:s10+$0x1070] =	vst v0  }
0x2a: {  	[tilespmem:s10+$0x1000] =	vst v0  }
0x2b: {  	[tilespmem:s10+$0x1010] =	vst v0  }
0x2c: {  	[tilespmem:s10+$0x1020] =	vst v0  }
0x2d: {  	[tilespmem:s10+$0x1030] =	vst v0  }
0x2e: {  	[tilespmem:s10+$0x1040] =	vst v0  }
0x2f: {  	[tilespmem:s10+$0x1050] =	vst v0  }
0x30: {  	[tilespmem:s10+$0x1060] =	vst v0;
	s5 =	rddreg [dreg:$0x10]  }
0x31: {  	[spmem:s5] =	stream.linear.scatter [tilespmem:s12], [sflag:$0x2], $0x4000, $0x38;
	[tilespmem:$0x19000] =	vst v63  }
0x32: {  	_ =	swait.ge [sflag:s13], $0x4000  }
0x33: {  	[sflag:s13] =	ssyncset.done $0x0  }
0x34: {  	s10 =	rddreg [dreg:$0x11];
	[sflag:s13] =	ssyncadd.s32 $0xFFFFC000  }
0x35: {  	[spmem:s10] =	stream.linear.scatter [tilespmem:s12], [sflag:$0x2], $0x4000, $0x38;
	[tilespmem:$0x19000] =	vst v63  }
0x36: {  	_ =	swait.ge [sflag:s13], $0x4000  }
0x37: {  	[sflag:s13] =	ssyncset.done $0x0  }
0x38: {  	s11 =	rddreg [dreg:$0x12];
	[sflag:s13] =	ssyncadd.s32 $0xFFFFC000  }
0x39: {  	[spmem:s11] =	stream.linear.scatter [tilespmem:s12], [sflag:$0x2], $0x4000, $0x38;
	[tilespmem:$0x19000] =	vst v63  }
0x3a: {  	_ =	swait.ge [sflag:s13], $0x4000  }
0x3b: {  	[sflag:s13] =	ssyncset.done $0x0  }
0x3c: {  	s10 =	rddreg [dreg:$0x13];
	[sflag:s13] =	ssyncadd.s32 $0xFFFFC000  }
0x3d: {  	[spmem:s10] =	stream.linear.scatter [tilespmem:s12], [sflag:$0x2], $0x4000, $0x38;
	[tilespmem:$0x19000] =	vst v63  }
0x3e: {  	_ =	swait.ge [sflag:s13], $0x4000  }
0x3f: {  	[sflag:s13] =	ssyncset.done $0x0  }
0x40: {  	s11 =	rddreg [dreg:$0x14];
	[sflag:s13] =	ssyncadd.s32 $0xFFFFC000  }
0x41: {  	[spmem:s11] =	stream.linear.scatter [tilespmem:s12], [sflag:$0x2], $0x4000, $0x38;
	[tilespmem:$0x19000] =	vst v63  }
0x42: {  	_ =	swait.ge [sflag:s13], $0x4000  }
0x43: {  	[sflag:s13] =	ssyncset.done $0x0  }
0x44: {  	[sflag:s13] =	ssyncadd.s32 $0xFFFFC000  }
0x45: {  	[bflag:$0x0] =	sbarrier.arrive $0xFFFF  }
0x46: {  	s5 =	rddreg [dreg:$0x5]  }
0x47: {  	s10 =	sadd.s32 $0x0, s5  }
0x48: {  	[tilespmem:s3], [sflag:$0x2] =	stream.linear.gather [hbm4b:s10+s3], $0x800, $0x38;
	[tilespmem:$0x19000] =	vst v63  }
0x49: {  	_ =	swait.ge [sflag:s13], $0x800  }
0x4a: {  	s11 =	rddreg [dreg:$0x4];
	[sflag:s13] =	ssyncset.done $0x0  }
0x4b: {  	[sflag:s13] =	ssyncadd.s32 $0xFFFFF800;
	s10 =	sadd.s32 $0x0, s11  }
0x4c: {  	[tilespmem:s14], [sflag:$0x2] =	stream.linear.gather [hbm4b:s10+s3], $0x800, $0x38;
	[tilespmem:$0x19000] =	vst v63  }
0x4d: {  	_ =	swait.ge [sflag:s13], $0x800  }
0x4e: {  	[sflag:s13] =	ssyncset.done $0x0  }
0x4f: {  	[sflag:s13] =	ssyncadd.s32 $0xFFFFF800  }
0x50: {  	[tilespmem:s12], [sflag:$0x1] =	stream.indirect.gather [hbm4b:s4+s15], $0x80, s3, s15, $0xb8;
	[tilespmem:$0x19000] =	vst v63  }
0x51: {  	_ =	swait.ge [sflag:s16], $0x4000  }
0x52: {  	[sflag:s16] =	ssyncset.done $0x0  }
0x53: {  	[sflag:s16] =	ssyncadd.s32 $0xFFFFC000  }
0x54: {  	[spmem:s2] =	stream.indirect.scatter.add.f32 [tilespmem:s12], [sflag:$0x2], $0x80, s14, s15, $0xb8;
	[tilespmem:$0x19000] =	vst v63  }
0x55: {  	_ =	swait.ge [sflag:s13], $0x4000  }
0x56: {  	[sflag:s13] =	ssyncset.done $0x0  }
0x57: {  	[sflag:s13] =	ssyncadd.s32 $0xFFFFC000  }
0x58: {  	[tilespmem:s12], [sflag:$0x1] =	stream.indirect.gather [hbm4b:s4+s15], $0x80, s15, s15, $0xb8;
	[tilespmem:$0x19000] =	vst v63  }
0x59: {  	_ =	swait.ge [sflag:s16], $0x4000  }
0x5a: {  	[sflag:s16] =	ssyncset.done $0x0  }
0x5b: {  	s5 =	rddreg [dreg:$0x6];
	[sflag:s16] =	ssyncadd.s32 $0xFFFFC000  }
0x5c: {  	[spmem:s2] =	stream.indirect.scatter.add.f32 [tilespmem:s12], [sflag:$0x2], $0x80, s5, s15, $0xb8;
	[tilespmem:$0x19000] =	vst v63  }
0x5d: {  	_ =	swait.ge [sflag:s13], $0x4000  }
0x5e: {  	[sflag:s13] =	ssyncset.done $0x0  }
0x5f: {  	s11 =	rddreg [dreg:$0x7];
	[sflag:s13] =	ssyncadd.s32 $0xFFFFC000  }
0x60: {  	[tilespmem:s12], [sflag:$0x1] =	stream.indirect.gather [hbm4b:s4+s15], $0x80, s11, s15, $0xb8;
	[tilespmem:$0x19000] =	vst v63  }
0x61: {  	_ =	swait.ge [sflag:s16], $0x4000  }
0x62: {  	[sflag:s16] =	ssyncset.done $0x0  }
0x63: {  	s5 =	rddreg [dreg:$0x8];
	[sflag:s16] =	ssyncadd.s32 $0xFFFFC000  }
0x64: {  	[spmem:s2] =	stream.indirect.scatter.add.f32 [tilespmem:s12], [sflag:$0x2], $0x80, s5, s15, $0xb8;
	[tilespmem:$0x19000] =	vst v63  }
0x65: {  	_ =	swait.ge [sflag:s13], $0x4000  }
0x66: {  	[sflag:s13] =	ssyncset.done $0x0  }
0x67: {  	s11 =	rddreg [dreg:$0x9];
	[sflag:s13] =	ssyncadd.s32 $0xFFFFC000  }
0x68: {  	[tilespmem:s12], [sflag:$0x1] =	stream.indirect.gather [hbm4b:s4+s15], $0x80, s11, s15, $0xb8;
	[tilespmem:$0x19000] =	vst v63  }
0x69: {  	_ =	swait.ge [sflag:s16], $0x4000  }
0x6a: {  	[sflag:s16] =	ssyncset.done $0x0  }
0x6b: {  	s5 =	rddreg [dreg:$0xa];
	[sflag:s16] =	ssyncadd.s32 $0xFFFFC000  }
0x6c: {  	[spmem:s2] =	stream.indirect.scatter.add.f32 [tilespmem:s12], [sflag:$0x2], $0x80, s5, s15, $0xb8;
	[tilespmem:$0x19000] =	vst v63  }
0x6d: {  	_ =	swait.ge [sflag:s13], $0x4000  }
0x6e: {  	[sflag:s13] =	ssyncset.done $0x0  }
0x6f: {  	s11 =	rddreg [dreg:$0xb];
	[sflag:s13] =	ssyncadd.s32 $0xFFFFC000  }
0x70: {  	[tilespmem:s12], [sflag:$0x1] =	stream.indirect.gather [hbm4b:s4+s15], $0x80, s11, s15, $0xb8;
	[tilespmem:$0x19000] =	vst v63  }
0x71: {  	_ =	swait.ge [sflag:s16], $0x4000  }
0x72: {  	[sflag:s16] =	ssyncset.done $0x0  }
0x73: {  	s5 =	rddreg [dreg:$0xc];
	[sflag:s16] =	ssyncadd.s32 $0xFFFFC000  }
0x74: {  	[spmem:s2] =	stream.indirect.scatter.add.f32 [tilespmem:s12], [sflag:$0x2], $0x80, s5, s15, $0xb8;
	[tilespmem:$0x19000] =	vst v63  }
0x75: {  	_ =	swait.ge [sflag:s13], $0x4000  }
0x76: {  	[sflag:s13] =	ssyncset.done $0x0  }
0x77: {  	s11 =	rddreg [dreg:$0xd];
	[sflag:s13] =	ssyncadd.s32 $0xFFFFC000  }
0x78: {  	[tilespmem:s12], [sflag:$0x1] =	stream.indirect.gather [hbm4b:s4+s15], $0x80, s11, s15, $0xb8;
	[tilespmem:$0x19000] =	vst v63  }
0x79: {  	_ =	swait.ge [sflag:s16], $0x4000  }
0x7a: {  	[sflag:s16] =	ssyncset.done $0x0  }
0x7b: {  	s5 =	rddreg [dreg:$0xe];
	[sflag:s16] =	ssyncadd.s32 $0xFFFFC000  }
0x7c: {  	[spmem:s2] =	stream.indirect.scatter.add.f32 [tilespmem:s12], [sflag:$0x2], $0x80, s5, s15, $0xb8;
	[tilespmem:$0x19000] =	vst v63  }
0x7d: {  	_ =	swait.ge [sflag:s13], $0x4000  }
0x7e: {  	[sflag:s13] =	ssyncset.done $0x0  }
0x7f: {  	s11 =	rddreg [dreg:$0xf];
	[sflag:s13] =	ssyncadd.s32 $0xFFFFC000  }
0x80: {  	[tilespmem:s12], [sflag:$0x1] =	stream.indirect.gather [hbm4b:s4+s15], $0x80, s11, s15, $0xb8;
	[tilespmem:$0x19000] =	vst v63  }
0x81: {  	_ =	swait.ge [sflag:s16], $0x4000  }
0x82: {  	[sflag:s16] =	ssyncset.done $0x0  }
0x83: {  	[sflag:s16] =	ssyncadd.s32 $0xFFFFC000  }
0x84: {  	[spmem:s2] =	stream.indirect.scatter.add.f32 [tilespmem:s12], [sflag:$0x2], $0x80, s17, s15, $0xb8;
	[tilespmem:$0x19000] =	vst v63  }
0x85: {  	_ =	swait.ge [sflag:s13], $0x4000  }
0x86: {  	[sflag:s13] =	ssyncset.done $0x0  }
0x87: {  	[sflag:s13] =	ssyncadd.s32 $0xFFFFC000  }
0x88: {  	[tilespmem:s12], [sflag:$0x1] =	stream.indirect.gather [hbm4b:s4+s15], $0x80, s18, s15, $0xb8;
	[tilespmem:$0x19000] =	vst v63  }
0x89: {  	_ =	swait.ge [sflag:s16], $0x4000  }
0x8a: {  	[sflag:s16] =	ssyncset.done $0x0  }
0x8b: {  	[sflag:s16] =	ssyncadd.s32 $0xFFFFC000  }
0x8c: {  	[spmem:s2] =	stream.indirect.scatter.add.f32 [tilespmem:s12], [sflag:$0x2], $0x80, s19, s15, $0xb8;
	[tilespmem:$0x19000] =	vst v63  }
0x8d: {  	_ =	swait.ge [sflag:s13], $0x4000  }
0x8e: {  	[sflag:s13] =	ssyncset.done $0x0  }
0x8f: {  	[sflag:s13] =	ssyncadd.s32 $0xFFFFC000  }
0x90: {  	[tilespmem:s12], [sflag:$0x1] =	stream.indirect.gather [hbm4b:s4+s15], $0x80, s20, s15, $0xb8;
	[tilespmem:$0x19000] =	vst v63  }
0x91: {  	_ =	swait.ge [sflag:s16], $0x4000  }
0x92: {  	[sflag:s16] =	ssyncset.done $0x0  }
0x93: {  	[sflag:s16] =	ssyncadd.s32 $0xFFFFC000  }
0x94: {  	[spmem:s2] =	stream.indirect.scatter.add.f32 [tilespmem:s12], [sflag:$0x2], $0x80, s21, s15, $0xb8;
	[tilespmem:$0x19000] =	vst v63  }
0x95: {  	_ =	swait.ge [sflag:s13], $0x4000  }
0x96: {  	[sflag:s13] =	ssyncset.done $0x0  }
0x97: {  	[sflag:s13] =	ssyncadd.s32 $0xFFFFC000  }
0x98: {  	[tilespmem:s12], [sflag:$0x1] =	stream.indirect.gather [hbm4b:s4+s15], $0x80, s22, s15, $0xb8;
	[tilespmem:$0x19000] =	vst v63  }
0x99: {  	_ =	swait.ge [sflag:s16], $0x4000  }
0x9a: {  	[sflag:s16] =	ssyncset.done $0x0  }
0x9b: {  	[sflag:s16] =	ssyncadd.s32 $0xFFFFC000  }
0x9c: {  	[spmem:s2] =	stream.indirect.scatter.add.f32 [tilespmem:s12], [sflag:$0x2], $0x80, s23, s15, $0xb8;
	[tilespmem:$0x19000] =	vst v63  }
0x9d: {  	_ =	swait.ge [sflag:s13], $0x4000  }
0x9e: {  	[sflag:s13] =	ssyncset.done $0x0  }
0x9f: {  	[sflag:s13] =	ssyncadd.s32 $0xFFFFC000  }
0xa0: {  	[tilespmem:s12], [sflag:$0x1] =	stream.indirect.gather [hbm4b:s4+s15], $0x80, s24, s15, $0xb8;
	[tilespmem:$0x19000] =	vst v63  }
0xa1: {  	_ =	swait.ge [sflag:s16], $0x4000  }
0xa2: {  	[sflag:s16] =	ssyncset.done $0x0  }
0xa3: {  	[sflag:s16] =	ssyncadd.s32 $0xFFFFC000  }
0xa4: {  	[spmem:s2] =	stream.indirect.scatter.add.f32 [tilespmem:s12], [sflag:$0x2], $0x80, s25, s15, $0xb8;
	[tilespmem:$0x19000] =	vst v63  }
0xa5: {  	_ =	swait.ge [sflag:s13], $0x4000  }
0xa6: {  	[sflag:s13] =	ssyncset.done $0x0  }
0xa7: {  	[sflag:s13] =	ssyncadd.s32 $0xFFFFC000  }
0xa8: {  	[tilespmem:s12], [sflag:$0x1] =	stream.indirect.gather [hbm4b:s4+s15], $0x80, s26, s15, $0xb8;
	[tilespmem:$0x19000] =	vst v63  }
0xa9: {  	_ =	swait.ge [sflag:s16], $0x4000  }
0xaa: {  	[sflag:s16] =	ssyncset.done $0x0  }
0xab: {  	[sflag:s16] =	ssyncadd.s32 $0xFFFFC000  }
0xac: {  	[spmem:s2] =	stream.indirect.scatter.add.f32 [tilespmem:s12], [sflag:$0x2], $0x80, s28, s15, $0xb8;
	[tilespmem:$0x19000] =	vst v63  }
0xad: {  	_ =	swait.ge [sflag:s13], $0x4000  }
0xae: {  	[sflag:s13] =	ssyncset.done $0x0  }
0xaf: {  	[sflag:s13] =	ssyncadd.s32 $0xFFFFC000  }
0xb0: {  	[tilespmem:s12], [sflag:$0x1] =	stream.indirect.gather [hbm4b:s4+s15], $0x80, s29, s15, $0xb8;
	[tilespmem:$0x19000] =	vst v63  }
0xb1: {  	_ =	swait.ge [sflag:s16], $0x4000  }
0xb2: {  	[sflag:s16] =	ssyncset.done $0x0  }
0xb3: {  	[sflag:s16] =	ssyncadd.s32 $0xFFFFC000  }
0xb4: {  	[spmem:s2] =	stream.indirect.scatter.add.f32 [tilespmem:s12], [sflag:$0x2], $0x80, s30, s15, $0xb8;
	[tilespmem:$0x19000] =	vst v63  }
0xb5: {  	_ =	swait.ge [sflag:s13], $0x4000  }
0xb6: {  	[sflag:s13] =	ssyncset.done $0x0  }
0xb7: {  	[sflag:s13] =	ssyncadd.s32 $0xFFFFC000  }
0xb8: {  	[tilespmem:s12], [sflag:$0x1] =	stream.indirect.gather [hbm4b:s4+s15], $0x80, s31, s15, $0xb8;
	[tilespmem:$0x19000] =	vst v63  }
0xb9: {  	_ =	swait.ge [sflag:s16], $0x4000  }
0xba: {  	[sflag:s16] =	ssyncset.done $0x0  }
0xbb: {  	[sflag:s16] =	ssyncadd.s32 $0xFFFFC000  }
0xbc: {  	[spmem:s2] =	stream.indirect.scatter.add.f32 [tilespmem:s12], [sflag:$0x2], $0x80, s0, s15, $0xb8;
	[tilespmem:$0x19000] =	vst v63  }
0xbd: {  	_ =	swait.ge [sflag:s13], $0x4000  }
0xbe: {  	[sflag:s13] =	ssyncset.done $0x0  }
0xbf: {  	[sflag:s13] =	ssyncadd.s32 $0xFFFFC000  }
0xc0: {  	[tilespmem:s12], [sflag:$0x1] =	stream.indirect.gather [hbm4b:s4+s15], $0x80, s1, s15, $0xb8;
	[tilespmem:$0x19000] =	vst v63  }
0xc1: {  	_ =	swait.ge [sflag:s16], $0x4000  }
0xc2: {  	[sflag:s16] =	ssyncset.done $0x0  }
0xc3: {  	[sflag:s16] =	ssyncadd.s32 $0xFFFFC000  }
0xc4: {  	[spmem:s2] =	stream.indirect.scatter.add.f32 [tilespmem:s12], [sflag:$0x2], $0x80, s6, s15, $0xb8;
	[tilespmem:$0x19000] =	vst v63  }
0xc5: {  	_ =	swait.ge [sflag:s13], $0x4000  }
0xc6: {  	[sflag:s13] =	ssyncset.done $0x0  }
0xc7: {  	[sflag:s13] =	ssyncadd.s32 $0xFFFFC000  }
0xc8: {  	[tilespmem:s12], [sflag:$0x1] =	stream.indirect.gather [hbm4b:s4+s15], $0x80, s7, s15, $0xb8;
	[tilespmem:$0x19000] =	vst v63  }
0xc9: {  	_ =	swait.ge [sflag:s16], $0x4000  }
0xca: {  	[sflag:s16] =	ssyncset.done $0x0  }
0xcb: {  	[sflag:s16] =	ssyncadd.s32 $0xFFFFC000  }
0xcc: {  	[spmem:s2] =	stream.indirect.scatter.add.f32 [tilespmem:s12], [sflag:$0x2], $0x80, s8, s15, $0xb8;
	[tilespmem:$0x19000] =	vst v63  }
0xcd: {  	s10 =	simm.s32 $0x100;
	_ =	swait.ge [sflag:s13], $0x4000  }
.LBB2_4:
0xce: {  	s11 =	rddreg [dreg:$0x5];
	s5 =	smov.u32 s10;
	[sflag:s13] =	ssyncset.done $0x0  }
0xcf: {  	s11 =	sadd.s32 s5, s11;
	[sflag:s13] =	ssyncadd.s32 $0xFFFFC000  }
0xd0: {  	[tilespmem:s3], [sflag:$0x2] =	stream.linear.gather [hbm4b:s11+s3], $0x800, $0x38;
	[tilespmem:$0x19000] =	vst v63  }
0xd1: {  	_ =	swait.ge [sflag:s13], $0x800  }
0xd2: {  	s11 =	rddreg [dreg:$0x4];
	[sflag:s13] =	ssyncset.done $0x0  }
0xd3: {  	[sflag:s13] =	ssyncadd.s32 $0xFFFFF800;
	s5 =	sadd.s32 s5, s11  }
0xd4: {  	[tilespmem:s14], [sflag:$0x2] =	stream.linear.gather [hbm4b:s5+s3], $0x800, $0x38;
	[tilespmem:$0x19000] =	vst v63  }
0xd5: {  	_ =	swait.ge [sflag:s13], $0x800  }
0xd6: {  	[sflag:s13] =	ssyncset.done $0x0  }
0xd7: {  	[sflag:s13] =	ssyncadd.s32 $0xFFFFF800  }
0xd8: {  	[tilespmem:s12], [sflag:$0x1] =	stream.indirect.gather [hbm4b:s4+s15], $0x80, s3, s15, $0xb8;
	[tilespmem:$0x19000] =	vst v63  }
0xd9: {  	_ =	swait.ge [sflag:s16], $0x4000  }
0xda: {  	[sflag:s16] =	ssyncset.done $0x0  }
0xdb: {  	[sflag:s16] =	ssyncadd.s32 $0xFFFFC000  }
0xdc: {  	[spmem:s2] =	stream.indirect.scatter.add.f32 [tilespmem:s12], [sflag:$0x2], $0x80, s14, s15, $0xb8;
	[tilespmem:$0x19000] =	vst v63  }
0xdd: {  	_ =	swait.ge [sflag:s13], $0x4000  }
0xde: {  	[sflag:s13] =	ssyncset.done $0x0  }
0xdf: {  	[sflag:s13] =	ssyncadd.s32 $0xFFFFC000  }
0xe0: {  	[tilespmem:s12], [sflag:$0x1] =	stream.indirect.gather [hbm4b:s4+s15], $0x80, s15, s15, $0xb8;
	[tilespmem:$0x19000] =	vst v63  }
0xe1: {  	_ =	swait.ge [sflag:s16], $0x4000  }
0xe2: {  	[sflag:s16] =	ssyncset.done $0x0  }
0xe3: {  	s11 =	rddreg [dreg:$0x6];
	[sflag:s16] =	ssyncadd.s32 $0xFFFFC000  }
0xe4: {  	[spmem:s2] =	stream.indirect.scatter.add.f32 [tilespmem:s12], [sflag:$0x2], $0x80, s11, s15, $0xb8;
	[tilespmem:$0x19000] =	vst v63  }
0xe5: {  	_ =	swait.ge [sflag:s13], $0x4000  }
0xe6: {  	[sflag:s13] =	ssyncset.done $0x0  }
0xe7: {  	s11 =	rddreg [dreg:$0x7];
	[sflag:s13] =	ssyncadd.s32 $0xFFFFC000  }
0xe8: {  	[tilespmem:s12], [sflag:$0x1] =	stream.indirect.gather [hbm4b:s4+s15], $0x80, s11, s15, $0xb8;
	[tilespmem:$0x19000] =	vst v63  }
0xe9: {  	_ =	swait.ge [sflag:s16], $0x4000  }
0xea: {  	[sflag:s16] =	ssyncset.done $0x0  }
0xeb: {  	s11 =	rddreg [dreg:$0x8];
	[sflag:s16] =	ssyncadd.s32 $0xFFFFC000  }
0xec: {  	[spmem:s2] =	stream.indirect.scatter.add.f32 [tilespmem:s12], [sflag:$0x2], $0x80, s11, s15, $0xb8;
	[tilespmem:$0x19000] =	vst v63  }
0xed: {  	_ =	swait.ge [sflag:s13], $0x4000  }
0xee: {  	[sflag:s13] =	ssyncset.done $0x0  }
0xef: {  	s11 =	rddreg [dreg:$0x9];
	[sflag:s13] =	ssyncadd.s32 $0xFFFFC000  }
0xf0: {  	[tilespmem:s12], [sflag:$0x1] =	stream.indirect.gather [hbm4b:s4+s15], $0x80, s11, s15, $0xb8;
	[tilespmem:$0x19000] =	vst v63  }
0xf1: {  	_ =	swait.ge [sflag:s16], $0x4000  }
0xf2: {  	[sflag:s16] =	ssyncset.done $0x0  }
0xf3: {  	s11 =	rddreg [dreg:$0xa];
	[sflag:s16] =	ssyncadd.s32 $0xFFFFC000  }
0xf4: {  	[spmem:s2] =	stream.indirect.scatter.add.f32 [tilespmem:s12], [sflag:$0x2], $0x80, s11, s15, $0xb8;
	[tilespmem:$0x19000] =	vst v63  }
0xf5: {  	_ =	swait.ge [sflag:s13], $0x4000  }
0xf6: {  	[sflag:s13] =	ssyncset.done $0x0  }
0xf7: {  	s11 =	rddreg [dreg:$0xb];
	[sflag:s13] =	ssyncadd.s32 $0xFFFFC000  }
0xf8: {  	[tilespmem:s12], [sflag:$0x1] =	stream.indirect.gather [hbm4b:s4+s15], $0x80, s11, s15, $0xb8;
	[tilespmem:$0x19000] =	vst v63  }
0xf9: {  	_ =	swait.ge [sflag:s16], $0x4000  }
0xfa: {  	[sflag:s16] =	ssyncset.done $0x0  }
0xfb: {  	s11 =	rddreg [dreg:$0xc];
	[sflag:s16] =	ssyncadd.s32 $0xFFFFC000  }
0xfc: {  	[spmem:s2] =	stream.indirect.scatter.add.f32 [tilespmem:s12], [sflag:$0x2], $0x80, s11, s15, $0xb8;
	[tilespmem:$0x19000] =	vst v63  }
0xfd: {  	_ =	swait.ge [sflag:s13], $0x4000  }
0xfe: {  	[sflag:s13] =	ssyncset.done $0x0  }
0xff: {  	s11 =	rddreg [dreg:$0xd];
	[sflag:s13] =	ssyncadd.s32 $0xFFFFC000  }
0x100: {  	[tilespmem:s12], [sflag:$0x1] =	stream.indirect.gather [hbm4b:s4+s15], $0x80, s11, s15, $0xb8;
	[tilespmem:$0x19000] =	vst v63  }
0x101: {  	_ =	swait.ge [sflag:s16], $0x4000  }
0x102: {  	[sflag:s16] =	ssyncset.done $0x0  }
0x103: {  	s11 =	rddreg [dreg:$0xe];
	[sflag:s16] =	ssyncadd.s32 $0xFFFFC000  }
0x104: {  	[spmem:s2] =	stream.indirect.scatter.add.f32 [tilespmem:s12], [sflag:$0x2], $0x80, s11, s15, $0xb8;
	[tilespmem:$0x19000] =	vst v63  }
0x105: {  	_ =	swait.ge [sflag:s13], $0x4000  }
0x106: {  	[sflag:s13] =	ssyncset.done $0x0  }
0x107: {  	s11 =	rddreg [dreg:$0xf];
	[sflag:s13] =	ssyncadd.s32 $0xFFFFC000  }
0x108: {  	[tilespmem:s12], [sflag:$0x1] =	stream.indirect.gather [hbm4b:s4+s15], $0x80, s11, s15, $0xb8;
	[tilespmem:$0x19000] =	vst v63  }
0x109: {  	_ =	swait.ge [sflag:s16], $0x4000  }
0x10a: {  	[sflag:s16] =	ssyncset.done $0x0  }
0x10b: {  	[sflag:s16] =	ssyncadd.s32 $0xFFFFC000  }
0x10c: {  	[spmem:s2] =	stream.indirect.scatter.add.f32 [tilespmem:s12], [sflag:$0x2], $0x80, s17, s15, $0xb8;
	[tilespmem:$0x19000] =	vst v63  }
0x10d: {  	_ =	swait.ge [sflag:s13], $0x4000  }
0x10e: {  	[sflag:s13] =	ssyncset.done $0x0  }
0x10f: {  	[sflag:s13] =	ssyncadd.s32 $0xFFFFC000  }
0x110: {  	[tilespmem:s12], [sflag:$0x1] =	stream.indirect.gather [hbm4b:s4+s15], $0x80, s18, s15, $0xb8;
	[tilespmem:$0x19000] =	vst v63  }
0x111: {  	_ =	swait.ge [sflag:s16], $0x4000  }
0x112: {  	[sflag:s16] =	ssyncset.done $0x0  }
0x113: {  	[sflag:s16] =	ssyncadd.s32 $0xFFFFC000  }
0x114: {  	[spmem:s2] =	stream.indirect.scatter.add.f32 [tilespmem:s12], [sflag:$0x2], $0x80, s19, s15, $0xb8;
	[tilespmem:$0x19000] =	vst v63  }
0x115: {  	_ =	swait.ge [sflag:s13], $0x4000  }
0x116: {  	[sflag:s13] =	ssyncset.done $0x0  }
0x117: {  	[sflag:s13] =	ssyncadd.s32 $0xFFFFC000  }
0x118: {  	[tilespmem:s12], [sflag:$0x1] =	stream.indirect.gather [hbm4b:s4+s15], $0x80, s20, s15, $0xb8;
	[tilespmem:$0x19000] =	vst v63  }
0x119: {  	_ =	swait.ge [sflag:s16], $0x4000  }
0x11a: {  	[sflag:s16] =	ssyncset.done $0x0  }
0x11b: {  	[sflag:s16] =	ssyncadd.s32 $0xFFFFC000  }
0x11c: {  	[spmem:s2] =	stream.indirect.scatter.add.f32 [tilespmem:s12], [sflag:$0x2], $0x80, s21, s15, $0xb8;
	[tilespmem:$0x19000] =	vst v63  }
0x11d: {  	_ =	swait.ge [sflag:s13], $0x4000  }
0x11e: {  	[sflag:s13] =	ssyncset.done $0x0  }
0x11f: {  	[sflag:s13] =	ssyncadd.s32 $0xFFFFC000  }
0x120: {  	[tilespmem:s12], [sflag:$0x1] =	stream.indirect.gather [hbm4b:s4+s15], $0x80, s22, s15, $0xb8;
	[tilespmem:$0x19000] =	vst v63  }
0x121: {  	_ =	swait.ge [sflag:s16], $0x4000  }
0x122: {  	[sflag:s16] =	ssyncset.done $0x0  }
0x123: {  	[sflag:s16] =	ssyncadd.s32 $0xFFFFC000  }
0x124: {  	[spmem:s2] =	stream.indirect.scatter.add.f32 [tilespmem:s12], [sflag:$0x2], $0x80, s23, s15, $0xb8;
	[tilespmem:$0x19000] =	vst v63  }
0x125: {  	_ =	swait.ge [sflag:s13], $0x4000  }
0x126: {  	[sflag:s13] =	ssyncset.done $0x0  }
0x127: {  	[sflag:s13] =	ssyncadd.s32 $0xFFFFC000  }
0x128: {  	[tilespmem:s12], [sflag:$0x1] =	stream.indirect.gather [hbm4b:s4+s15], $0x80, s24, s15, $0xb8;
	[tilespmem:$0x19000] =	vst v63  }
0x129: {  	_ =	swait.ge [sflag:s16], $0x4000  }
0x12a: {  	[sflag:s16] =	ssyncset.done $0x0  }
0x12b: {  	[sflag:s16] =	ssyncadd.s32 $0xFFFFC000  }
0x12c: {  	[spmem:s2] =	stream.indirect.scatter.add.f32 [tilespmem:s12], [sflag:$0x2], $0x80, s25, s15, $0xb8;
	[tilespmem:$0x19000] =	vst v63  }
0x12d: {  	_ =	swait.ge [sflag:s13], $0x4000  }
0x12e: {  	[sflag:s13] =	ssyncset.done $0x0  }
0x12f: {  	[sflag:s13] =	ssyncadd.s32 $0xFFFFC000  }
0x130: {  	[tilespmem:s12], [sflag:$0x1] =	stream.indirect.gather [hbm4b:s4+s15], $0x80, s26, s15, $0xb8;
	[tilespmem:$0x19000] =	vst v63  }
0x131: {  	_ =	swait.ge [sflag:s16], $0x4000  }
0x132: {  	[sflag:s16] =	ssyncset.done $0x0  }
0x133: {  	[sflag:s16] =	ssyncadd.s32 $0xFFFFC000  }
0x134: {  	[spmem:s2] =	stream.indirect.scatter.add.f32 [tilespmem:s12], [sflag:$0x2], $0x80, s28, s15, $0xb8;
	[tilespmem:$0x19000] =	vst v63  }
0x135: {  	_ =	swait.ge [sflag:s13], $0x4000  }
0x136: {  	[sflag:s13] =	ssyncset.done $0x0  }
0x137: {  	[sflag:s13] =	ssyncadd.s32 $0xFFFFC000  }
0x138: {  	[tilespmem:s12], [sflag:$0x1] =	stream.indirect.gather [hbm4b:s4+s15], $0x80, s29, s15, $0xb8;
	[tilespmem:$0x19000] =	vst v63  }
0x139: {  	_ =	swait.ge [sflag:s16], $0x4000  }
0x13a: {  	[sflag:s16] =	ssyncset.done $0x0  }
0x13b: {  	[sflag:s16] =	ssyncadd.s32 $0xFFFFC000  }
0x13c: {  	[spmem:s2] =	stream.indirect.scatter.add.f32 [tilespmem:s12], [sflag:$0x2], $0x80, s30, s15, $0xb8;
	[tilespmem:$0x19000] =	vst v63  }
0x13d: {  	_ =	swait.ge [sflag:s13], $0x4000  }
0x13e: {  	[sflag:s13] =	ssyncset.done $0x0  }
0x13f: {  	[sflag:s13] =	ssyncadd.s32 $0xFFFFC000  }
0x140: {  	[tilespmem:s12], [sflag:$0x1] =	stream.indirect.gather [hbm4b:s4+s15], $0x80, s31, s15, $0xb8;
	[tilespmem:$0x19000] =	vst v63  }
0x141: {  	_ =	swait.ge [sflag:s16], $0x4000  }
0x142: {  	[sflag:s16] =	ssyncset.done $0x0  }
0x143: {  	[sflag:s16] =	ssyncadd.s32 $0xFFFFC000  }
0x144: {  	[spmem:s2] =	stream.indirect.scatter.add.f32 [tilespmem:s12], [sflag:$0x2], $0x80, s0, s15, $0xb8;
	[tilespmem:$0x19000] =	vst v63  }
0x145: {  	_ =	swait.ge [sflag:s13], $0x4000  }
0x146: {  	[sflag:s13] =	ssyncset.done $0x0  }
0x147: {  	[sflag:s13] =	ssyncadd.s32 $0xFFFFC000  }
0x148: {  	[tilespmem:s12], [sflag:$0x1] =	stream.indirect.gather [hbm4b:s4+s15], $0x80, s1, s15, $0xb8;
	[tilespmem:$0x19000] =	vst v63  }
0x149: {  	_ =	swait.ge [sflag:s16], $0x4000  }
0x14a: {  	[sflag:s16] =	ssyncset.done $0x0  }
0x14b: {  	[sflag:s16] =	ssyncadd.s32 $0xFFFFC000  }
0x14c: {  	[spmem:s2] =	stream.indirect.scatter.add.f32 [tilespmem:s12], [sflag:$0x2], $0x80, s6, s15, $0xb8;
	[tilespmem:$0x19000] =	vst v63  }
0x14d: {  	_ =	swait.ge [sflag:s13], $0x4000  }
0x14e: {  	[sflag:s13] =	ssyncset.done $0x0  }
0x14f: {  	p0 =	sne.s32 s10, $0x900;
	[sflag:s13] =	ssyncadd.s32 $0xFFFFC000  }
0x150: {  	[tilespmem:s12], [sflag:$0x1] =	stream.indirect.gather [hbm4b:s4+s15], $0x80, s7, s15, $0xb8;
	[tilespmem:$0x19000] =	vst v63  }
.Ltmp1:
0x151: {  	_ =	swait.ge [sflag:s16], $0x4000;
	(pc) =	sbr.rel @p0 .LBB2_4-.Ltmp1, $4  }
0x152: {  	[sflag:s16] =	ssyncset.done $0x0  }
0x153: {  	[sflag:s16] =	ssyncadd.s32 $0xFFFFC000  }
0x154: {  	[spmem:s2] =	stream.indirect.scatter.add.f32 [tilespmem:s12], [sflag:$0x2], $0x80, s8, s15, $0xb8;
	[tilespmem:$0x19000] =	vst v63  }
0x155: {  	s10 =	sadd.s32 $0x100, s10;
	_ =	swait.ge [sflag:s13], $0x4000  }
0x156: {  	[sflag:s13] =	ssyncset.done $0x0  }
0x157: {  	[sflag:s13] =	ssyncadd.s32 $0xFFFFC000  }
0x158: {  	s5 =	stileid.u32;
	[bflag:$0x0] =	sbarrier.arrive $0xFFFF  }
0x159: {  	s5 =	sshll.u32 s5, $0x6;
	s10 =	rddreg [dreg:$0x10]  }
0x15a: {  	s5 =	sor.u32 $0x1C02, s5;
	s11 =	rddreg [dreg:$0x16];
	s10 =	sshrl.u32 s10, $0x3  }
0x15b: {  	[hbm:s11], [sflag:s5] =	dma.local [spmem:s10], $0x2800  }
0x15c: {  	_ =	swait.ge [sflag:s13], $0x2800  }
0x15d: {  	s9 =	sadd.s32 $0x1, s9;
	s11 =	rddreg [dreg:$0x15]  }
0x15e: {  	p0 =	sne.s32 s9, s11  }
.Ltmp2:
0x15f: {  	_ = 	snop;
	(pc) =	sbr.rel @p0 .LBB2_1-.Ltmp2, $3  }
0x160: {  	_ =	sdelay $0x1  }
0x161: {  	[sflag:s13] =	ssyncset.done $0x0  }
0x162: {  	[sflag:s13] =	ssyncadd.s32 $0xFFFFD800  }
0x163: {  	_ =	sfence.sel $0x180000  }
0x164: {  	[bflag:$0x0] =	sbarrier.arrive $0xFFFF  }
0x165: {  	_ =	strace $0x90000050  }
0x166: {  	s0 =	stileid.u32;
	[bflag:$0x2] =	sbarrier.arrive $0xFFFF  }
0x167: {  	p0 =	sne.s32 s0, $0x0;
	s0 =	rddreg [dreg:$0x3]  }
0x168: {  	s0 =	sadd.s32 @!p0 $0x100000, s0  }
0x169: {  	[sflag:s0] =	ssyncadd.tile.s32 @!p0 $0x1;
	_ =	shalt  }
.Lfunc_end2:
_tile_overlayer_lowered:
.L_overlay_start_2:
0x16a: {  	(tag) =	ssettag $0x2  }
0x16b: {  	s0 =	rddreg [dreg:$0x0];
	s2 =	stileid.u32  }
0x16c: {  	s1 =	rddreg [dreg:$0x1];
	p0 =	sne.s32 s2, $0x0  }
0x16d: {  	s3 =	rddreg [dreg:$0x2];
	[bflag:$0x3] =	sbarrier.arrive $0xFFFF;
	s2 =	simm.s32 @!p0 $0x1C02  }
0x16e: {  	[timem:s3], [sflag:s2] =	dma.local @!p0 [hbm:s0], s1  }
0x16f: {  	s0 =	simm.s32 @!p0 $0x2  }
0x170: {  	_ =	swait.ge @!p0 [sflag:s0], s1  }
0x171: {  	s1 =	ssub.s32 @!p0 $0x0, s1;
	[sflag:s0] =	ssyncset.done @!p0 $0x0  }
0x172: {  	[sflag:s0] =	ssyncadd.s32 @!p0 s1  }
0x173: {  	[bflag:$0x3] =	sbarrier.arrive $0xFFFF  }
0x174: {  	_ =	shalt  }

</sc_bundles>
